<compile_context>
chip_gen: v7x
topology: tpu7x:2x2x1
jax: 0.10.2.dev20260603
libtpu: 0.0.44.dev20260713+nightly
codegen_flags: <defaults>
</compile_context>

<pallas_src>
import functools

import jax
import jax.numpy as jnp
from jax import lax
from jax.experimental import pallas as pl
from jax.experimental.pallas import tpu as pltpu
from jax.experimental.pallas import tpu_sc as plsc

KTOP = 8
BT = 1024
NT = 2048
CH = 512
NCPT = NT // CH
NEG_INF = float("-inf")
BIG = 2**30

NCAND = KTOP * CH
NVREG = NCAND // 16
SLOTV = CH // 16


def _insert(V, I, cur, gidx, j8):
    pos = jnp.sum((V >= cur).astype(jnp.int32), axis=1, keepdims=True)
    Vs = jnp.concatenate([V[:, :1], V[:, : KTOP - 1]], axis=1)
    Is = jnp.concatenate([I[:, :1], I[:, : KTOP - 1]], axis=1)
    V = jnp.where(j8 < pos, V, jnp.where(j8 == pos, cur, Vs))
    I = jnp.where(j8 < pos, I, jnp.where(j8 == pos, gidx, Is))
    return V, I


def _mm_body(x_ref, w_ref, b_ref, logits_ref, cids_ref, cvals_scr, cids_scr,
             *, n_total, nn):
    j = pl.program_id(1)

    @pl.when(j == 0)
    def _init():
        cvals_scr[...] = jnp.full((BT, KTOP), NEG_INF, dtype=jnp.float32)
        cids_scr[...] = jnp.zeros((BT, KTOP), dtype=jnp.int32)

    tile = jnp.dot(x_ref[...], w_ref[...], preferred_element_type=jnp.float32)
    tile = tile + b_ref[...]
    logits_ref[...] = tile

    col = jax.lax.broadcasted_iota(jnp.int32, (BT, NT), 1)
    gcol = col + j * NT
    tile = jnp.where(gcol < n_total, tile, NEG_INF)

    j8 = jax.lax.broadcasted_iota(jnp.int32, (BT, KTOP), 1)
    V = cvals_scr[...]
    I = cids_scr[...]
    for c in range(NCPT):
        cm = jnp.max(tile[:, c * CH:(c + 1) * CH], axis=1, keepdims=True)
        cid = jnp.full((BT, 1), j * NCPT + c, dtype=jnp.int32)
        V, I = _insert(V, I, cm, cid, j8)
    cvals_scr[...] = V
    cids_scr[...] = I

    @pl.when(j == nn - 1)
    def _emit():
        ids = cids_scr[...]
        for it in range(KTOP):
            par = it % 2
            Ls = jnp.concatenate([ids[:, :1], ids[:, : KTOP - 1]], axis=1)
            Rs = jnp.concatenate([ids[:, 1:], ids[:, KTOP - 1:]], axis=1)
            lo = ((j8 >= par) & ((j8 - par) % 2 == 0) & (j8 < KTOP - 1))
            hi = ((j8 > par) & ((j8 - par) % 2 == 1))
            ids = jnp.where(lo, jnp.minimum(ids, Rs),
                            jnp.where(hi, jnp.maximum(ids, Ls), ids))
        cids_ref[...] = ids


def _phase1(x, W, b2, *, B, D, N):
    nb = B // BT
    nn = pl.cdiv(N, NT)
    return pl.pallas_call(
        functools.partial(_mm_body, n_total=N, nn=nn),
        grid=(nb, nn),
        in_specs=[
            pl.BlockSpec((BT, D), lambda i, j: (i, 0)),
            pl.BlockSpec((D, NT), lambda i, j: (0, j)),
            pl.BlockSpec((1, NT), lambda i, j: (0, j)),
        ],
        out_specs=[
            pl.BlockSpec((BT, NT), lambda i, j: (i, j)),
            pl.BlockSpec((BT, KTOP), lambda i, j: (i, 0)),
        ],
        out_shape=[
            jax.ShapeDtypeStruct((B, N), jnp.float32),
            jax.ShapeDtypeStruct((B, KTOP), jnp.int32),
        ],
        scratch_shapes=[
            pltpu.VMEM((BT, KTOP), jnp.float32),
            pltpu.VMEM((BT, KTOP), jnp.int32),
        ],
        compiler_params=pltpu.CompilerParams(
            dimension_semantics=("arbitrary", "arbitrary"),
        ),
    )(x, W, b2)




def _sc_topk(logits, cids, *, B, N, rows_per_sc):
    mesh = plsc.VectorSubcoreMesh(core_axis_name="c", subcore_axis_name="s")
    info = plsc.get_sparse_core_info()

    @functools.partial(
        pl.kernel,
        mesh=mesh,
        out_type=jax.ShapeDtypeStruct((B * KTOP,), jnp.int32),
        scratch_types=[
            pltpu.VMEM((16,), jnp.int32),
            pltpu.SMEM((16,), jnp.int32),
            pltpu.VMEM((NCAND,), jnp.float32),
            pltpu.VMEM((16,), jnp.int32),
            pltpu.SemaphoreType.DMA,
        ],
        compiler_params=pltpu.CompilerParams(needs_layout_passes=False),
    )
    def k(logits_hbm, cids_hbm, out_hbm, cid_v, cid_s, buf_v, res_v, sem):
        wid = lax.axis_index("s") * info.num_cores + lax.axis_index("c")
        lane = lax.broadcasted_iota(jnp.int32, (16,), 0)

        def row_body(r, _):
            row = wid * rows_per_sc + r
            pltpu.sync_copy(cids_hbm.at[pl.ds(row * KTOP, KTOP)],
                            cid_v.at[pl.ds(0, KTOP)])

            cidvec = cid_v[...]
            cps = []
            for j in range(KTOP):
                cj = cidvec[j]
                cp = pltpu.make_async_copy(
                    logits_hbm.at[row, pl.ds(cj * CH, CH)],
                    buf_v.at[pl.ds(j * CH, CH)], sem)
                cp.start()
                cps.append(cp)
            for cp in cps:
                cp.wait()

            def mask_body(i, _):
                j = i // SLOTV
                cj = plsc.load_gather(cid_v, [jnp.zeros((16,), jnp.int32) + j])
                g = cj * CH + (i - j * SLOTV) * 16 + lane
                val = buf_v[pl.ds(i * 16, 16)]
                buf_v[pl.ds(i * 16, 16)] = jnp.where(g < N, val, NEG_INF)
                return 0
            lax.fori_loop(0, NVREG, mask_body, 0, unroll=4)

            def red_slot(sbase):
                def rb(v, carry):
                    m, a = carry
                    i = sbase + v
                    val = buf_v[pl.ds(i * 16, 16)]
                    q = i * 16 + lane
                    upd = val > m
                    return jnp.where(upd, val, m), jnp.where(upd, q, a)
                return lax.fori_loop(
                    0, SLOTV, rb,
                    (jnp.full((16,), NEG_INF, jnp.float32),
                     jnp.zeros((16,), jnp.int32)), unroll=8)

            M = []
            A = []
            for j in range(KTOP):
                m, a = red_slot(j * SLOTV)
                M.append(m)
                A.append(a)

            res = jnp.zeros((16,), jnp.int32)
            for p in range(KTOP):
                comb = M[0]
                for j in range(1, KTOP):
                    comb = jnp.maximum(comb, M[j])
                mx = lax.reduce_max(comb, axes=(0,))
                qc = jnp.full((16,), BIG, jnp.int32)
                for j in range(KTOP):
                    qc = jnp.where(M[j] == mx, jnp.minimum(qc, A[j]), qc)
                qwin = lax.reduce_min(qc, axes=(0,))

                res = jnp.where(lane == p, qwin, res)

                slot = qwin // CH
                plsc.store_scatter(
                    buf_v, [jnp.zeros((16,), jnp.int32) + qwin],
                    jnp.full((16,), NEG_INF, jnp.float32),
                    mask=lane == 0)
                nm, na = red_slot(slot * SLOTV)
                for j in range(KTOP):
                    sel = jnp.full((16,), j, jnp.int32) == slot
                    M[j] = jnp.where(sel, nm, M[j])
                    A[j] = jnp.where(sel, na, A[j])

            slotv = res // CH
            cg = plsc.load_gather(cid_v, [slotv])
            gfin = cg * CH + (res - slotv * CH)
            res_v[...] = gfin
            pltpu.sync_copy(res_v.at[pl.ds(0, KTOP)],
                            out_hbm.at[pl.ds(row * KTOP, KTOP)])
            return 0

        lax.fori_loop(0, rows_per_sc, row_body, 0)

    return k(logits, cids.reshape(-1)).reshape(B, KTOP)


def kernel(mean_image_features, k, W, b):
    x = mean_image_features
    B, D = x.shape
    N = W.shape[1]
    b2 = b.reshape(1, N)

    logits, cids = _phase1(x, W, b2, B=B, D=D, N=N)

    info = plsc.get_sparse_core_info()
    nw = info.num_cores * info.num_subcores
    topk = _sc_topk(logits, cids, B=B, N=N, rows_per_sc=B // nw)

    topk = topk + jnp.asarray(k - KTOP, dtype=topk.dtype)
    return (logits, topk)

# --- scband reference (transcript-rebuilt; emitter-appended) ---
"""Pipeline reference for scband-attribute-detector-37744172598012 (READ-ONLY COPY).

The authoritative reference and input builder live on the scoring server;
editing this copy changes nothing except your own understanding.
"""

import jax, jax.numpy as jnp
import numpy as np

B = 1024
D = 128
NUM_ATTRIBUTES = 100000
K = 8


def setup_inputs(seed: int = 0) -> dict:
    key = jax.random.key(seed)
    k1, k2, k3 = jax.random.split(key, 3)
    mean_image_features = jax.random.normal(k1, (B, D), dtype=jnp.float32)
    # Xavier (glorot uniform) init for the dense kernel, zeros for bias
    limit = float(np.sqrt(6.0 / (D + NUM_ATTRIBUTES)))
    W = jax.random.uniform(k2, (D, NUM_ATTRIBUTES), dtype=jnp.float32, minval=-limit, maxval=limit)
    b = jnp.zeros((NUM_ATTRIBUTES,), dtype=jnp.float32)
    return {"mean_image_features": mean_image_features, "k": K, "W": W, "b": b}


def reference(mean_image_features, k, W, b):
    # logits = Dense(num_attributes)(mean_image_features)
    logits = jnp.dot(mean_image_features, W) + b
    # _, top_k_attributes = tf.nn.top_k(logits, k=k)
    _, top_k_attributes = jax.lax.top_k(logits, K)
    top_k_attributes = top_k_attributes + jnp.asarray(k - K, dtype=top_k_attributes.dtype)
    return (logits, top_k_attributes)

if __name__ == "__main__":
    import jax
    _d = setup_inputs()
    print(jax.jit(kernel)(*tuple(_d.values())))

</pallas_src>

<mosaic_0001>
#map = affine_map<(d0, d1) -> (0, 0)>
#map1 = affine_map<(d0, d1) -> (0)>
module attributes {stable_mosaic.version = 14 : i64} {
  func.func @k(%arg0: i32, %arg1: i32, %arg2: memref<1024x100000xf32, #tpu.memory_space<hbm>>, %arg3: memref<8192xi32, #tpu.memory_space<hbm>>, %arg4: memref<8192xi32, #tpu.memory_space<hbm>>, %arg5: memref<16xi32, #tpu.memory_space<vmem>>, %arg6: memref<16xi32, #tpu.memory_space<smem>>, %arg7: memref<4096xf32, #tpu.memory_space<vmem>>, %arg8: memref<16xi32, #tpu.memory_space<vmem>>, %arg9: memref<!tpu.dma_semaphore, #tpu.memory_space<semaphore_mem>>) attributes {dimension_semantics = [#tpu.dimension_semantics<core_parallel>, #tpu.dimension_semantics<subcore_parallel>], iteration_bounds = array<i64: 2, 16>, scalar_prefetch = 0 : i64, scratch_operands = 5 : i64, tpu.core_type = #tpu.core_type<sc_vector_subcore>, window_params = [{transform_indices = #map}, {transform_indices = #map1}, {transform_indices = #map1}]} {
    %mul3A = arith.constant 2 : i32
    %mul3A_0 = arith.muli %arg1, %mul3A : i32
    %add3A = arith.addi %mul3A_0, %arg0 : i32
    %iota3A = tpu.iota {dimensions = array<i32: 0>} : vector<16xi32>
    %scan3A = arith.constant 0 : i32
    %scan3A_1 = arith.constant 0 : i32
    %scan3A_2 = arith.constant 32 : i32
    %scan3A_3 = arith.addi %scan3A_1, %scan3A_2 : i32
    %scan3A_4 = arith.constant 1 : i32
    %scan3A_5 = scf.for %scan3A_7 = %scan3A_1 to %scan3A_3 step %scan3A_4 iter_args(%scan3A_8 = %scan3A) -> (i32)  : i32 {
      %mul3A_9 = arith.constant 32 : i32
      %mul3A_10 = arith.muli %add3A, %mul3A_9 : i32
      %add3A_11 = arith.addi %mul3A_10, %scan3A_7 : i32
      %mul3A_12 = arith.constant 8 : i32
      %mul3A_13 = arith.muli %add3A_11, %mul3A_12 : i32
      "tpu.region"() ({
        %run_scoped3A = tpu.sem_alloc : memref<!tpu.dma_semaphore, #tpu.memory_space<semaphore_mem>>
        %dma_start3A_1497 = arith.constant 0 : i32
        %dma_start3A_1498 = tpu.memref_slice %arg5[%dma_start3A_1497] : memref<16xi32, #tpu.memory_space<vmem>> -> memref<8xi32, #tpu.memory_space<vmem>>
        %dma_start3A_1499 = tpu.memref_slice %arg3[%mul3A_13] : memref<8192xi32, #tpu.memory_space<hbm>> -> memref<8xi32, #tpu.memory_space<hbm>>
        %dma_start3A_1500 = arith.constant 0 : i32
        %dma_start3A_1501 = tpu.memref_slice %arg5[%dma_start3A_1500] : memref<16xi32, #tpu.memory_space<vmem>> -> memref<8xi32, #tpu.memory_space<vmem>>
        %dma_start3A_1502 = tpu.memref_slice %arg3[%mul3A_13] : memref<8192xi32, #tpu.memory_space<hbm>> -> memref<8xi32, #tpu.memory_space<hbm>>
        tpu.enqueue_dma source(%dma_start3A_1502 : memref<8xi32, #tpu.memory_space<hbm>>) target(%dma_start3A_1501 : memref<8xi32, #tpu.memory_space<vmem>>) target_semaphore(%run_scoped3A : memref<!tpu.dma_semaphore, #tpu.memory_space<semaphore_mem>>)
        %dma_wait3A_1503 = arith.constant 0 : i32
        %dma_wait3A_1504 = tpu.memref_slice %arg5[%dma_wait3A_1503] : memref<16xi32, #tpu.memory_space<vmem>> -> memref<8xi32, #tpu.memory_space<vmem>>
        %dma_wait3A_1505 = tpu.memref_slice %arg3[%mul3A_13] : memref<8192xi32, #tpu.memory_space<hbm>> -> memref<8xi32, #tpu.memory_space<hbm>>
        %dma_wait3A_1506 = arith.constant 0 : i32
        %dma_wait3A_1507 = tpu.memref_slice %arg5[%dma_wait3A_1506] : memref<16xi32, #tpu.memory_space<vmem>> -> memref<8xi32, #tpu.memory_space<vmem>>
        %dma_wait3A_1508 = tpu.memref_slice %arg3[%mul3A_13] : memref<8192xi32, #tpu.memory_space<hbm>> -> memref<8xi32, #tpu.memory_space<hbm>>
        tpu.wait_dma2 semaphore(%run_scoped3A : memref<!tpu.dma_semaphore, #tpu.memory_space<semaphore_mem>>) src(%dma_wait3A_1508 : memref<8xi32, #tpu.memory_space<hbm>>) dst(%dma_wait3A_1507 : memref<8xi32, #tpu.memory_space<vmem>>)
        tpu.yield
      }) : () -> ()
      %get3A = arith.constant 0 : index
      %get3A_14 = tpu.vector_load %arg5[%get3A] {strides = array<i32>} : memref<16xi32, #tpu.memory_space<vmem>>, vector<16xi32>,
      %slice3A = vector.extract_strided_slice %get3A_14 {offsets = [0], sizes = [1], strides = [1]} : vector<16xi32> to vector<1xi32>
      %squeeze3A = vector.extract %slice3A[0] : i32 from vector<1xi32>
      %mul3A_15 = arith.constant 512 : i32
      %mul3A_16 = arith.muli %squeeze3A, %mul3A_15 : i32
      %dma_start3A = arith.constant 0 : i32
      %dma_start3A_17 = tpu.memref_slice %arg7[%dma_start3A] : memref<4096xf32, #tpu.memory_space<vmem>> -> memref<512xf32, #tpu.memory_space<vmem>>
      %dma_start3A_18 = tpu.memref_slice %arg2[%add3A_11, %mul3A_16] : memref<1024x100000xf32, #tpu.memory_space<hbm>> -> memref<1x512xf32, #tpu.memory_space<hbm>>
      %dma_start3A_19 = tpu.memref_squeeze %dma_start3A_18 : memref<1x512xf32, #tpu.memory_space<hbm>> -> memref<512xf32, #tpu.memory_space<hbm>>
      %dma_start3A_20 = arith.constant 0 : i32
      %dma_start3A_21 = tpu.memref_slice %arg7[%dma_start3A_20] : memref<4096xf32, #tpu.memory_space<vmem>> -> memref<512xf32, #tpu.memory_space<vmem>>
      %dma_start3A_22 = tpu.memref_slice %arg2[%add3A_11, %mul3A_16] : memref<1024x100000xf32, #tpu.memory_space<hbm>> -> memref<1x512xf32, #tpu.memory_space<hbm>>
      %dma_start3A_23 = tpu.memref_squeeze %dma_start3A_22 : memref<1x512xf32, #tpu.memory_space<hbm>> -> memref<512xf32, #tpu.memory_space<hbm>>
      tpu.enqueue_dma source(%dma_start3A_23 : memref<512xf32, #tpu.memory_space<hbm>>) target(%dma_start3A_21 : memref<512xf32, #tpu.memory_space<vmem>>) target_semaphore(%arg9 : memref<!tpu.dma_semaphore, #tpu.memory_space<semaphore_mem>>)
      %slice3A_24 = vector.extract_strided_slice %get3A_14 {offsets = [1], sizes = [1], strides = [1]} : vector<16xi32> to vector<1xi32>
      %squeeze3A_25 = vector.extract %slice3A_24[0] : i32 from vector<1xi32>
      %mul3A_26 = arith.constant 512 : i32
      %mul3A_27 = arith.muli %squeeze3A_25, %mul3A_26 : i32
      %dma_start3A_28 = arith.constant 512 : i32
      %dma_start3A_29 = tpu.memref_slice %arg7[%dma_start3A_28] : memref<4096xf32, #tpu.memory_space<vmem>> -> memref<512xf32, #tpu.memory_space<vmem>>
      %dma_start3A_30 = tpu.memref_slice %arg2[%add3A_11, %mul3A_27] : memref<1024x100000xf32, #tpu.memory_space<hbm>> -> memref<1x512xf32, #tpu.memory_space<hbm>>
      %dma_start3A_31 = tpu.memref_squeeze %dma_start3A_30 : memref<1x512xf32, #tpu.memory_space<hbm>> -> memref<512xf32, #tpu.memory_space<hbm>>
      %dma_start3A_32 = arith.constant 512 : i32
      %dma_start3A_33 = tpu.memref_slice %arg7[%dma_start3A_32] : memref<4096xf32, #tpu.memory_space<vmem>> -> memref<512xf32, #tpu.memory_space<vmem>>
      %dma_start3A_34 = tpu.memref_slice %arg2[%add3A_11, %mul3A_27] : memref<1024x100000xf32, #tpu.memory_space<hbm>> -> memref<1x512xf32, #tpu.memory_space<hbm>>
      %dma_start3A_35 = tpu.memref_squeeze %dma_start3A_34 : memref<1x512xf32, #tpu.memory_space<hbm>> -> memref<512xf32, #tpu.memory_space<hbm>>
      tpu.enqueue_dma source(%dma_start3A_35 : memref<512xf32, #tpu.memory_space<hbm>>) target(%dma_start3A_33 : memref<512xf32, #tpu.memory_space<vmem>>) target_semaphore(%arg9 : memref<!tpu.dma_semaphore, #tpu.memory_space<semaphore_mem>>)
      %slice3A_36 = vector.extract_strided_slice %get3A_14 {offsets = [2], sizes = [1], strides = [1]} : vector<16xi32> to vector<1xi32>
      %squeeze3A_37 = vector.extract %slice3A_36[0] : i32 from vector<1xi32>
      %mul3A_38 = arith.constant 512 : i32
      %mul3A_39 = arith.muli %squeeze3A_37, %mul3A_38 : i32
      %dma_start3A_40 = arith.constant 1024 : i32
      %dma_start3A_41 = tpu.memref_slice %arg7[%dma_start3A_40] : memref<4096xf32, #tpu.memory_space<vmem>> -> memref<512xf32, #tpu.memory_space<vmem>>
      %dma_start3A_42 = tpu.memref_slice %arg2[%add3A_11, %mul3A_39] : memref<1024x100000xf32, #tpu.memory_space<hbm>> -> memref<1x512xf32, #tpu.memory_space<hbm>>
      %dma_start3A_43 = tpu.memref_squeeze %dma_start3A_42 : memref<1x512xf32, #tpu.memory_space<hbm>> -> memref<512xf32, #tpu.memory_space<hbm>>
      %dma_start3A_44 = arith.constant 1024 : i32
      %dma_start3A_45 = tpu.memref_slice %arg7[%dma_start3A_44] : memref<4096xf32, #tpu.memory_space<vmem>> -> memref<512xf32, #tpu.memory_space<vmem>>
      %dma_start3A_46 = tpu.memref_slice %arg2[%add3A_11, %mul3A_39] : memref<1024x100000xf32, #tpu.memory_space<hbm>> -> memref<1x512xf32, #tpu.memory_space<hbm>>
      %dma_start3A_47 = tpu.memref_squeeze %dma_start3A_46 : memref<1x512xf32, #tpu.memory_space<hbm>> -> memref<512xf32, #tpu.memory_space<hbm>>
      tpu.enqueue_dma source(%dma_start3A_47 : memref<512xf32, #tpu.memory_space<hbm>>) target(%dma_start3A_45 : memref<512xf32, #tpu.memory_space<vmem>>) target_semaphore(%arg9 : memref<!tpu.dma_semaphore, #tpu.memory_space<semaphore_mem>>)
      %slice3A_48 = vector.extract_strided_slice %get3A_14 {offsets = [3], sizes = [1], strides = [1]} : vector<16xi32> to vector<1xi32>
      %squeeze3A_49 = vector.extract %slice3A_48[0] : i32 from vector<1xi32>
      %mul3A_50 = arith.constant 512 : i32
      %mul3A_51 = arith.muli %squeeze3A_49, %mul3A_50 : i32
      %dma_start3A_52 = arith.constant 1536 : i32
      %dma_start3A_53 = tpu.memref_slice %arg7[%dma_start3A_52] : memref<4096xf32, #tpu.memory_space<vmem>> -> memref<512xf32, #tpu.memory_space<vmem>>
      %dma_start3A_54 = tpu.memref_slice %arg2[%add3A_11, %mul3A_51] : memref<1024x100000xf32, #tpu.memory_space<hbm>> -> memref<1x512xf32, #tpu.memory_space<hbm>>
      %dma_start3A_55 = tpu.memref_squeeze %dma_start3A_54 : memref<1x512xf32, #tpu.memory_space<hbm>> -> memref<512xf32, #tpu.memory_space<hbm>>
      %dma_start3A_56 = arith.constant 1536 : i32
      %dma_start3A_57 = tpu.memref_slice %arg7[%dma_start3A_56] : memref<4096xf32, #tpu.memory_space<vmem>> -> memref<512xf32, #tpu.memory_space<vmem>>
      %dma_start3A_58 = tpu.memref_slice %arg2[%add3A_11, %mul3A_51] : memref<1024x100000xf32, #tpu.memory_space<hbm>> -> memref<1x512xf32, #tpu.memory_space<hbm>>
      %dma_start3A_59 = tpu.memref_squeeze %dma_start3A_58 : memref<1x512xf32, #tpu.memory_space<hbm>> -> memref<512xf32, #tpu.memory_space<hbm>>
      tpu.enqueue_dma source(%dma_start3A_59 : memref<512xf32, #tpu.memory_space<hbm>>) target(%dma_start3A_57 : memref<512xf32, #tpu.memory_space<vmem>>) target_semaphore(%arg9 : memref<!tpu.dma_semaphore, #tpu.memory_space<semaphore_mem>>)
      %slice3A_60 = vector.extract_strided_slice %get3A_14 {offsets = [4], sizes = [1], strides = [1]} : vector<16xi32> to vector<1xi32>
      %squeeze3A_61 = vector.extract %slice3A_60[0] : i32 from vector<1xi32>
      %mul3A_62 = arith.constant 512 : i32
      %mul3A_63 = arith.muli %squeeze3A_61, %mul3A_62 : i32
      %dma_start3A_64 = arith.constant 2048 : i32
      %dma_start3A_65 = tpu.memref_slice %arg7[%dma_start3A_64] : memref<4096xf32, #tpu.memory_space<vmem>> -> memref<512xf32, #tpu.memory_space<vmem>>
      %dma_start3A_66 = tpu.memref_slice %arg2[%add3A_11, %mul3A_63] : memref<1024x100000xf32, #tpu.memory_space<hbm>> -> memref<1x512xf32, #tpu.memory_space<hbm>>
      %dma_start3A_67 = tpu.memref_squeeze %dma_start3A_66 : memref<1x512xf32, #tpu.memory_space<hbm>> -> memref<512xf32, #tpu.memory_space<hbm>>
      %dma_start3A_68 = arith.constant 2048 : i32
      %dma_start3A_69 = tpu.memref_slice %arg7[%dma_start3A_68] : memref<4096xf32, #tpu.memory_space<vmem>> -> memref<512xf32, #tpu.memory_space<vmem>>
      %dma_start3A_70 = tpu.memref_slice %arg2[%add3A_11, %mul3A_63] : memref<1024x100000xf32, #tpu.memory_space<hbm>> -> memref<1x512xf32, #tpu.memory_space<hbm>>
      %dma_start3A_71 = tpu.memref_squeeze %dma_start3A_70 : memref<1x512xf32, #tpu.memory_space<hbm>> -> memref<512xf32, #tpu.memory_space<hbm>>
      tpu.enqueue_dma source(%dma_start3A_71 : memref<512xf32, #tpu.memory_space<hbm>>) target(%dma_start3A_69 : memref<512xf32, #tpu.memory_space<vmem>>) target_semaphore(%arg9 : memref<!tpu.dma_semaphore, #tpu.memory_space<semaphore_mem>>)
      %slice3A_72 = vector.extract_strided_slice %get3A_14 {offsets = [5], sizes = [1], strides = [1]} : vector<16xi32> to vector<1xi32>
      %squeeze3A_73 = vector.extract %slice3A_72[0] : i32 from vector<1xi32>
      %mul3A_74 = arith.constant 512 : i32
      %mul3A_75 = arith.muli %squeeze3A_73, %mul3A_74 : i32
      %dma_start3A_76 = arith.constant 2560 : i32
      %dma_start3A_77 = tpu.memref_slice %arg7[%dma_start3A_76] : memref<4096xf32, #tpu.memory_space<vmem>> -> memref<512xf32, #tpu.memory_space<vmem>>
      %dma_start3A_78 = tpu.memref_slice %arg2[%add3A_11, %mul3A_75] : memref<1024x100000xf32, #tpu.memory_space<hbm>> -> memref<1x512xf32, #tpu.memory_space<hbm>>
      %dma_start3A_79 = tpu.memref_squeeze %dma_start3A_78 : memref<1x512xf32, #tpu.memory_space<hbm>> -> memref<512xf32, #tpu.memory_space<hbm>>
      %dma_start3A_80 = arith.constant 2560 : i32
      %dma_start3A_81 = tpu.memref_slice %arg7[%dma_start3A_80] : memref<4096xf32, #tpu.memory_space<vmem>> -> memref<512xf32, #tpu.memory_space<vmem>>
      %dma_start3A_82 = tpu.memref_slice %arg2[%add3A_11, %mul3A_75] : memref<1024x100000xf32, #tpu.memory_space<hbm>> -> memref<1x512xf32, #tpu.memory_space<hbm>>
      %dma_start3A_83 = tpu.memref_squeeze %dma_start3A_82 : memref<1x512xf32, #tpu.memory_space<hbm>> -> memref<512xf32, #tpu.memory_space<hbm>>
      tpu.enqueue_dma source(%dma_start3A_83 : memref<512xf32, #tpu.memory_space<hbm>>) target(%dma_start3A_81 : memref<512xf32, #tpu.memory_space<vmem>>) target_semaphore(%arg9 : memref<!tpu.dma_semaphore, #tpu.memory_space<semaphore_mem>>)
      %slice3A_84 = vector.extract_strided_slice %get3A_14 {offsets = [6], sizes = [1], strides = [1]} : vector<16xi32> to vector<1xi32>
      %squeeze3A_85 = vector.extract %slice3A_84[0] : i32 from vector<1xi32>
      %mul3A_86 = arith.constant 512 : i32
      %mul3A_87 = arith.muli %squeeze3A_85, %mul3A_86 : i32
      %dma_start3A_88 = arith.constant 3072 : i32
      %dma_start3A_89 = tpu.memref_slice %arg7[%dma_start3A_88] : memref<4096xf32, #tpu.memory_space<vmem>> -> memref<512xf32, #tpu.memory_space<vmem>>
      %dma_start3A_90 = tpu.memref_slice %arg2[%add3A_11, %mul3A_87] : memref<1024x100000xf32, #tpu.memory_space<hbm>> -> memref<1x512xf32, #tpu.memory_space<hbm>>
      %dma_start3A_91 = tpu.memref_squeeze %dma_start3A_90 : memref<1x512xf32, #tpu.memory_space<hbm>> -> memref<512xf32, #tpu.memory_space<hbm>>
      %dma_start3A_92 = arith.constant 3072 : i32
      %dma_start3A_93 = tpu.memref_slice %arg7[%dma_start3A_92] : memref<4096xf32, #tpu.memory_space<vmem>> -> memref<512xf32, #tpu.memory_space<vmem>>
      %dma_start3A_94 = tpu.memref_slice %arg2[%add3A_11, %mul3A_87] : memref<1024x100000xf32, #tpu.memory_space<hbm>> -> memref<1x512xf32, #tpu.memory_space<hbm>>
      %dma_start3A_95 = tpu.memref_squeeze %dma_start3A_94 : memref<1x512xf32, #tpu.memory_space<hbm>> -> memref<512xf32, #tpu.memory_space<hbm>>
      tpu.enqueue_dma source(%dma_start3A_95 : memref<512xf32, #tpu.memory_space<hbm>>) target(%dma_start3A_93 : memref<512xf32, #tpu.memory_space<vmem>>) target_semaphore(%arg9 : memref<!tpu.dma_semaphore, #tpu.memory_space<semaphore_mem>>)
      %slice3A_96 = vector.extract_strided_slice %get3A_14 {offsets = [7], sizes = [1], strides = [1]} : vector<16xi32> to vector<1xi32>
      %squeeze3A_97 = vector.extract %slice3A_96[0] : i32 from vector<1xi32>
      %mul3A_98 = arith.constant 512 : i32
      %mul3A_99 = arith.muli %squeeze3A_97, %mul3A_98 : i32
      %dma_start3A_100 = arith.constant 3584 : i32
      %dma_start3A_101 = tpu.memref_slice %arg7[%dma_start3A_100] : memref<4096xf32, #tpu.memory_space<vmem>> -> memref<512xf32, #tpu.memory_space<vmem>>
      %dma_start3A_102 = tpu.memref_slice %arg2[%add3A_11, %mul3A_99] : memref<1024x100000xf32, #tpu.memory_space<hbm>> -> memref<1x512xf32, #tpu.memory_space<hbm>>
      %dma_start3A_103 = tpu.memref_squeeze %dma_start3A_102 : memref<1x512xf32, #tpu.memory_space<hbm>> -> memref<512xf32, #tpu.memory_space<hbm>>
      %dma_start3A_104 = arith.constant 3584 : i32
      %dma_start3A_105 = tpu.memref_slice %arg7[%dma_start3A_104] : memref<4096xf32, #tpu.memory_space<vmem>> -> memref<512xf32, #tpu.memory_space<vmem>>
      %dma_start3A_106 = tpu.memref_slice %arg2[%add3A_11, %mul3A_99] : memref<1024x100000xf32, #tpu.memory_space<hbm>> -> memref<1x512xf32, #tpu.memory_space<hbm>>
      %dma_start3A_107 = tpu.memref_squeeze %dma_start3A_106 : memref<1x512xf32, #tpu.memory_space<hbm>> -> memref<512xf32, #tpu.memory_space<hbm>>
      tpu.enqueue_dma source(%dma_start3A_107 : memref<512xf32, #tpu.memory_space<hbm>>) target(%dma_start3A_105 : memref<512xf32, #tpu.memory_space<vmem>>) target_semaphore(%arg9 : memref<!tpu.dma_semaphore, #tpu.memory_space<semaphore_mem>>)
      %dma_wait3A = arith.constant 0 : i32
      %dma_wait3A_108 = tpu.memref_slice %arg7[%dma_wait3A] : memref<4096xf32, #tpu.memory_space<vmem>> -> memref<512xf32, #tpu.memory_space<vmem>>
      %dma_wait3A_109 = tpu.memref_slice %arg2[%add3A_11, %mul3A_16] : memref<1024x100000xf32, #tpu.memory_space<hbm>> -> memref<1x512xf32, #tpu.memory_space<hbm>>
      %dma_wait3A_110 = tpu.memref_squeeze %dma_wait3A_109 : memref<1x512xf32, #tpu.memory_space<hbm>> -> memref<512xf32, #tpu.memory_space<hbm>>
      %dma_wait3A_111 = arith.constant 0 : i32
      %dma_wait3A_112 = tpu.memref_slice %arg7[%dma_wait3A_111] : memref<4096xf32, #tpu.memory_space<vmem>> -> memref<512xf32, #tpu.memory_space<vmem>>
      %dma_wait3A_113 = tpu.memref_slice %arg2[%add3A_11, %mul3A_16] : memref<1024x100000xf32, #tpu.memory_space<hbm>> -> memref<1x512xf32, #tpu.memory_space<hbm>>
      %dma_wait3A_114 = tpu.memref_squeeze %dma_wait3A_113 : memref<1x512xf32, #tpu.memory_space<hbm>> -> memref<512xf32, #tpu.memory_space<hbm>>
      tpu.wait_dma2 semaphore(%arg9 : memref<!tpu.dma_semaphore, #tpu.memory_space<semaphore_mem>>) src(%dma_wait3A_114 : memref<512xf32, #tpu.memory_space<hbm>>) dst(%dma_wait3A_112 : memref<512xf32, #tpu.memory_space<vmem>>)
      %dma_wait3A_115 = arith.constant 512 : i32
      %dma_wait3A_116 = tpu.memref_slice %arg7[%dma_wait3A_115] : memref<4096xf32, #tpu.memory_space<vmem>> -> memref<512xf32, #tpu.memory_space<vmem>>
      %dma_wait3A_117 = tpu.memref_slice %arg2[%add3A_11, %mul3A_27] : memref<1024x100000xf32, #tpu.memory_space<hbm>> -> memref<1x512xf32, #tpu.memory_space<hbm>>
      %dma_wait3A_118 = tpu.memref_squeeze %dma_wait3A_117 : memref<1x512xf32, #tpu.memory_space<hbm>> -> memref<512xf32, #tpu.memory_space<hbm>>
      %dma_wait3A_119 = arith.constant 512 : i32
      %dma_wait3A_120 = tpu.memref_slice %arg7[%dma_wait3A_119] : memref<4096xf32, #tpu.memory_space<vmem>> -> memref<512xf32, #tpu.memory_space<vmem>>
      %dma_wait3A_121 = tpu.memref_slice %arg2[%add3A_11, %mul3A_27] : memref<1024x100000xf32, #tpu.memory_space<hbm>> -> memref<1x512xf32, #tpu.memory_space<hbm>>
      %dma_wait3A_122 = tpu.memref_squeeze %dma_wait3A_121 : memref<1x512xf32, #tpu.memory_space<hbm>> -> memref<512xf32, #tpu.memory_space<hbm>>
      tpu.wait_dma2 semaphore(%arg9 : memref<!tpu.dma_semaphore, #tpu.memory_space<semaphore_mem>>) src(%dma_wait3A_122 : memref<512xf32, #tpu.memory_space<hbm>>) dst(%dma_wait3A_120 : memref<512xf32, #tpu.memory_space<vmem>>)
      %dma_wait3A_123 = arith.constant 1024 : i32
      %dma_wait3A_124 = tpu.memref_slice %arg7[%dma_wait3A_123] : memref<4096xf32, #tpu.memory_space<vmem>> -> memref<512xf32, #tpu.memory_space<vmem>>
      %dma_wait3A_125 = tpu.memref_slice %arg2[%add3A_11, %mul3A_39] : memref<1024x100000xf32, #tpu.memory_space<hbm>> -> memref<1x512xf32, #tpu.memory_space<hbm>>
      %dma_wait3A_126 = tpu.memref_squeeze %dma_wait3A_125 : memref<1x512xf32, #tpu.memory_space<hbm>> -> memref<512xf32, #tpu.memory_space<hbm>>
      %dma_wait3A_127 = arith.constant 1024 : i32
      %dma_wait3A_128 = tpu.memref_slice %arg7[%dma_wait3A_127] : memref<4096xf32, #tpu.memory_space<vmem>> -> memref<512xf32, #tpu.memory_space<vmem>>
      %dma_wait3A_129 = tpu.memref_slice %arg2[%add3A_11, %mul3A_39] : memref<1024x100000xf32, #tpu.memory_space<hbm>> -> memref<1x512xf32, #tpu.memory_space<hbm>>
      %dma_wait3A_130 = tpu.memref_squeeze %dma_wait3A_129 : memref<1x512xf32, #tpu.memory_space<hbm>> -> memref<512xf32, #tpu.memory_space<hbm>>
      tpu.wait_dma2 semaphore(%arg9 : memref<!tpu.dma_semaphore, #tpu.memory_space<semaphore_mem>>) src(%dma_wait3A_130 : memref<512xf32, #tpu.memory_space<hbm>>) dst(%dma_wait3A_128 : memref<512xf32, #tpu.memory_space<vmem>>)
      %dma_wait3A_131 = arith.constant 1536 : i32
      %dma_wait3A_132 = tpu.memref_slice %arg7[%dma_wait3A_131] : memref<4096xf32, #tpu.memory_space<vmem>> -> memref<512xf32, #tpu.memory_space<vmem>>
      %dma_wait3A_133 = tpu.memref_slice %arg2[%add3A_11, %mul3A_51] : memref<1024x100000xf32, #tpu.memory_space<hbm>> -> memref<1x512xf32, #tpu.memory_space<hbm>>
      %dma_wait3A_134 = tpu.memref_squeeze %dma_wait3A_133 : memref<1x512xf32, #tpu.memory_space<hbm>> -> memref<512xf32, #tpu.memory_space<hbm>>
      %dma_wait3A_135 = arith.constant 1536 : i32
      %dma_wait3A_136 = tpu.memref_slice %arg7[%dma_wait3A_135] : memref<4096xf32, #tpu.memory_space<vmem>> -> memref<512xf32, #tpu.memory_space<vmem>>
      %dma_wait3A_137 = tpu.memref_slice %arg2[%add3A_11, %mul3A_51] : memref<1024x100000xf32, #tpu.memory_space<hbm>> -> memref<1x512xf32, #tpu.memory_space<hbm>>
      %dma_wait3A_138 = tpu.memref_squeeze %dma_wait3A_137 : memref<1x512xf32, #tpu.memory_space<hbm>> -> memref<512xf32, #tpu.memory_space<hbm>>
      tpu.wait_dma2 semaphore(%arg9 : memref<!tpu.dma_semaphore, #tpu.memory_space<semaphore_mem>>) src(%dma_wait3A_138 : memref<512xf32, #tpu.memory_space<hbm>>) dst(%dma_wait3A_136 : memref<512xf32, #tpu.memory_space<vmem>>)
      %dma_wait3A_139 = arith.constant 2048 : i32
      %dma_wait3A_140 = tpu.memref_slice %arg7[%dma_wait3A_139] : memref<4096xf32, #tpu.memory_space<vmem>> -> memref<512xf32, #tpu.memory_space<vmem>>
      %dma_wait3A_141 = tpu.memref_slice %arg2[%add3A_11, %mul3A_63] : memref<1024x100000xf32, #tpu.memory_space<hbm>> -> memref<1x512xf32, #tpu.memory_space<hbm>>
      %dma_wait3A_142 = tpu.memref_squeeze %dma_wait3A_141 : memref<1x512xf32, #tpu.memory_space<hbm>> -> memref<512xf32, #tpu.memory_space<hbm>>
      %dma_wait3A_143 = arith.constant 2048 : i32
      %dma_wait3A_144 = tpu.memref_slice %arg7[%dma_wait3A_143] : memref<4096xf32, #tpu.memory_space<vmem>> -> memref<512xf32, #tpu.memory_space<vmem>>
      %dma_wait3A_145 = tpu.memref_slice %arg2[%add3A_11, %mul3A_63] : memref<1024x100000xf32, #tpu.memory_space<hbm>> -> memref<1x512xf32, #tpu.memory_space<hbm>>
      %dma_wait3A_146 = tpu.memref_squeeze %dma_wait3A_145 : memref<1x512xf32, #tpu.memory_space<hbm>> -> memref<512xf32, #tpu.memory_space<hbm>>
      tpu.wait_dma2 semaphore(%arg9 : memref<!tpu.dma_semaphore, #tpu.memory_space<semaphore_mem>>) src(%dma_wait3A_146 : memref<512xf32, #tpu.memory_space<hbm>>) dst(%dma_wait3A_144 : memref<512xf32, #tpu.memory_space<vmem>>)
      %dma_wait3A_147 = arith.constant 2560 : i32
      %dma_wait3A_148 = tpu.memref_slice %arg7[%dma_wait3A_147] : memref<4096xf32, #tpu.memory_space<vmem>> -> memref<512xf32, #tpu.memory_space<vmem>>
      %dma_wait3A_149 = tpu.memref_slice %arg2[%add3A_11, %mul3A_75] : memref<1024x100000xf32, #tpu.memory_space<hbm>> -> memref<1x512xf32, #tpu.memory_space<hbm>>
      %dma_wait3A_150 = tpu.memref_squeeze %dma_wait3A_149 : memref<1x512xf32, #tpu.memory_space<hbm>> -> memref<512xf32, #tpu.memory_space<hbm>>
      %dma_wait3A_151 = arith.constant 2560 : i32
      %dma_wait3A_152 = tpu.memref_slice %arg7[%dma_wait3A_151] : memref<4096xf32, #tpu.memory_space<vmem>> -> memref<512xf32, #tpu.memory_space<vmem>>
      %dma_wait3A_153 = tpu.memref_slice %arg2[%add3A_11, %mul3A_75] : memref<1024x100000xf32, #tpu.memory_space<hbm>> -> memref<1x512xf32, #tpu.memory_space<hbm>>
      %dma_wait3A_154 = tpu.memref_squeeze %dma_wait3A_153 : memref<1x512xf32, #tpu.memory_space<hbm>> -> memref<512xf32, #tpu.memory_space<hbm>>
      tpu.wait_dma2 semaphore(%arg9 : memref<!tpu.dma_semaphore, #tpu.memory_space<semaphore_mem>>) src(%dma_wait3A_154 : memref<512xf32, #tpu.memory_space<hbm>>) dst(%dma_wait3A_152 : memref<512xf32, #tpu.memory_space<vmem>>)
      %dma_wait3A_155 = arith.constant 3072 : i32
      %dma_wait3A_156 = tpu.memref_slice %arg7[%dma_wait3A_155] : memref<4096xf32, #tpu.memory_space<vmem>> -> memref<512xf32, #tpu.memory_space<vmem>>
      %dma_wait3A_157 = tpu.memref_slice %arg2[%add3A_11, %mul3A_87] : memref<1024x100000xf32, #tpu.memory_space<hbm>> -> memref<1x512xf32, #tpu.memory_space<hbm>>
      %dma_wait3A_158 = tpu.memref_squeeze %dma_wait3A_157 : memref<1x512xf32, #tpu.memory_space<hbm>> -> memref<512xf32, #tpu.memory_space<hbm>>
      %dma_wait3A_159 = arith.constant 3072 : i32
      %dma_wait3A_160 = tpu.memref_slice %arg7[%dma_wait3A_159] : memref<4096xf32, #tpu.memory_space<vmem>> -> memref<512xf32, #tpu.memory_space<vmem>>
      %dma_wait3A_161 = tpu.memref_slice %arg2[%add3A_11, %mul3A_87] : memref<1024x100000xf32, #tpu.memory_space<hbm>> -> memref<1x512xf32, #tpu.memory_space<hbm>>
      %dma_wait3A_162 = tpu.memref_squeeze %dma_wait3A_161 : memref<1x512xf32, #tpu.memory_space<hbm>> -> memref<512xf32, #tpu.memory_space<hbm>>
      tpu.wait_dma2 semaphore(%arg9 : memref<!tpu.dma_semaphore, #tpu.memory_space<semaphore_mem>>) src(%dma_wait3A_162 : memref<512xf32, #tpu.memory_space<hbm>>) dst(%dma_wait3A_160 : memref<512xf32, #tpu.memory_space<vmem>>)
      %dma_wait3A_163 = arith.constant 3584 : i32
      %dma_wait3A_164 = tpu.memref_slice %arg7[%dma_wait3A_163] : memref<4096xf32, #tpu.memory_space<vmem>> -> memref<512xf32, #tpu.memory_space<vmem>>
      %dma_wait3A_165 = tpu.memref_slice %arg2[%add3A_11, %mul3A_99] : memref<1024x100000xf32, #tpu.memory_space<hbm>> -> memref<1x512xf32, #tpu.memory_space<hbm>>
      %dma_wait3A_166 = tpu.memref_squeeze %dma_wait3A_165 : memref<1x512xf32, #tpu.memory_space<hbm>> -> memref<512xf32, #tpu.memory_space<hbm>>
      %dma_wait3A_167 = arith.constant 3584 : i32
      %dma_wait3A_168 = tpu.memref_slice %arg7[%dma_wait3A_167] : memref<4096xf32, #tpu.memory_space<vmem>> -> memref<512xf32, #tpu.memory_space<vmem>>
      %dma_wait3A_169 = tpu.memref_slice %arg2[%add3A_11, %mul3A_99] : memref<1024x100000xf32, #tpu.memory_space<hbm>> -> memref<1x512xf32, #tpu.memory_space<hbm>>
      %dma_wait3A_170 = tpu.memref_squeeze %dma_wait3A_169 : memref<1x512xf32, #tpu.memory_space<hbm>> -> memref<512xf32, #tpu.memory_space<hbm>>
      tpu.wait_dma2 semaphore(%arg9 : memref<!tpu.dma_semaphore, #tpu.memory_space<semaphore_mem>>) src(%dma_wait3A_170 : memref<512xf32, #tpu.memory_space<hbm>>) dst(%dma_wait3A_168 : memref<512xf32, #tpu.memory_space<vmem>>)
      %scan3A_171 = arith.constant 0 : i32
      %scan3A_172 = arith.constant 0 : i32
      %scan3A_173 = arith.constant 256 : i32
      %scan3A_174 = arith.addi %scan3A_172, %scan3A_173 : i32
      %scan3A_175 = arith.constant 4 : i32
      %scan3A_176 = scf.for %scan3A_1497 = %scan3A_172 to %scan3A_174 step %scan3A_175 iter_args(%scan3A_1498 = %scan3A_171) -> (i32)  : i32 {
        %jit3A_1499 = arith.constant 32 : i32
        %div3A_1500 = arith.divsi %scan3A_1497, %jit3A_1499 : i32
        %sign3A_1501 = arith.constant 0 : i32
        %sign3A_1502 = arith.cmpi sgt, %scan3A_1497, %sign3A_1501 : i32
        %sign3A_1503 = arith.extui %sign3A_1502 : i1 to i32
        %sign3A_1504 = arith.constant 0 : i32
        %sign3A_1505 = arith.cmpi slt, %scan3A_1497, %sign3A_1504 : i32
        %sign3A_1506 = arith.extui %sign3A_1505 : i1 to i32
        %sign3A_1507 = arith.subi %sign3A_1503, %sign3A_1506 : i32
        %sign3A_1508 = arith.constant 0 : i32
        %sign3A_1509 = arith.cmpi sgt, %jit3A_1499, %sign3A_1508 : i32
        %sign3A_1510 = arith.extui %sign3A_1509 : i1 to i32
        %sign3A_1511 = arith.constant 0 : i32
        %sign3A_1512 = arith.cmpi slt, %jit3A_1499, %sign3A_1511 : i32
        %sign3A_1513 = arith.extui %sign3A_1512 : i1 to i32
        %sign3A_1514 = arith.subi %sign3A_1510, %sign3A_1513 : i32
        %ne3A_1515 = arith.cmpi ne, %sign3A_1507, %sign3A_1514 : i32
        %rem3A_1516 = arith.remsi %scan3A_1497, %jit3A_1499 : i32
        %ne3A_1517 = arith.constant 0 : i32
        %ne3A_1518 = arith.cmpi ne, %rem3A_1516, %ne3A_1517 : i32
        %and3A_1519 = arith.andi %ne3A_1515, %ne3A_1518 : i1
        %sub3A_1520 = arith.constant 1 : i32
        %sub3A_1521 = arith.subi %div3A_1500, %sub3A_1520 : i32
        %select_n3A_1522 = arith.select %and3A_1519, %sub3A_1521, %div3A_1500 : i32
        %broadcast_in_dim3A_1523 = arith.constant 0 : i32
        %broadcast_in_dim3A_1524 = vector.broadcast %broadcast_in_dim3A_1523 : i32 to vector<16xi32>
        %add3A_1525 = vector.broadcast %select_n3A_1522 : i32 to vector<16xi32>
        %add3A_1526 = arith.addi %broadcast_in_dim3A_1524, %add3A_1525 : vector<16xi32>
        %gather3A_1527 = tpu.vector_load_idx %arg5[%add3A_1526] : memref<16xi32, #tpu.memory_space<vmem>>[vector<16xi32>], vector<16xi32>,
        %mul3A_1528 = arith.constant 512 : i32
        %mul3A_1529 = vector.broadcast %mul3A_1528 : i32 to vector<16xi32>
        %mul3A_1530 = arith.muli %gather3A_1527, %mul3A_1529 : vector<16xi32>
        %mul3A_1531 = arith.constant 32 : i32
        %mul3A_1532 = arith.muli %select_n3A_1522, %mul3A_1531 : i32
        %sub3A_1533 = arith.subi %scan3A_1497, %mul3A_1532 : i32
        %mul3A_1534 = arith.constant 16 : i32
        %mul3A_1535 = arith.muli %sub3A_1533, %mul3A_1534 : i32
        %add3A_1536 = vector.broadcast %mul3A_1535 : i32 to vector<16xi32>
        %add3A_1537 = arith.addi %mul3A_1530, %add3A_1536 : vector<16xi32>
        %add3A_1538 = arith.addi %add3A_1537, %iota3A : vector<16xi32>
        %mul3A_1539 = arith.constant 16 : i32
        %mul3A_1540 = arith.muli %scan3A_1497, %mul3A_1539 : i32
        %get3A_1541 = arith.index_cast %mul3A_1540 : i32 to index
        %get3A_1542 = tpu.vector_load %arg7[%get3A_1541] {strides = array<i32>} : memref<4096xf32, #tpu.memory_space<vmem>>, vector<16xf32>,
        %lt3A = arith.constant 100000 : i32
        %lt3A_1543 = vector.broadcast %lt3A : i32 to vector<16xi32>
        %lt3A_1544 = arith.cmpi slt, %add3A_1538, %lt3A_1543 : vector<16xi32>
        %jit3A_1545 = arith.constant 0xFF800000 : f32
        %broadcast_in_dim3A_1546 = vector.broadcast %jit3A_1545 : f32 to vector<16xf32>
        %select_n3A_1547 = arith.select %lt3A_1544, %get3A_1542, %broadcast_in_dim3A_1546 : vector<16xi1>, vector<16xf32>
        %mul3A_1548 = arith.constant 16 : i32
        %mul3A_1549 = arith.muli %scan3A_1497, %mul3A_1548 : i32
        %swap3A_1550 = arith.index_cast %mul3A_1549 : i32 to index
        %swap3A_1551 = tpu.vector_load %arg7[%swap3A_1550] {strides = array<i32>} : memref<4096xf32, #tpu.memory_space<vmem>>, vector<16xf32>,
        tpu.vector_store %arg7[%swap3A_1550], %select_n3A_1547 {strides = array<i32>} : memref<4096xf32, #tpu.memory_space<vmem>>, vector<16xf32>,
        %scan3A_1552 = arith.constant 0 : i32
        %scan3A_1553 = arith.constant 1 : i32
        %scan3A_1554 = arith.addi %scan3A_1497, %scan3A_1553 : i32
        %jit3A_1555 = arith.constant 32 : i32
        %div3A_1556 = arith.divsi %scan3A_1554, %jit3A_1555 : i32
        %sign3A_1557 = arith.constant 0 : i32
        %sign3A_1558 = arith.cmpi sgt, %scan3A_1554, %sign3A_1557 : i32
        %sign3A_1559 = arith.extui %sign3A_1558 : i1 to i32
        %sign3A_1560 = arith.constant 0 : i32
        %sign3A_1561 = arith.cmpi slt, %scan3A_1554, %sign3A_1560 : i32
        %sign3A_1562 = arith.extui %sign3A_1561 : i1 to i32
        %sign3A_1563 = arith.subi %sign3A_1559, %sign3A_1562 : i32
        %sign3A_1564 = arith.constant 0 : i32
        %sign3A_1565 = arith.cmpi sgt, %jit3A_1555, %sign3A_1564 : i32
        %sign3A_1566 = arith.extui %sign3A_1565 : i1 to i32
        %sign3A_1567 = arith.constant 0 : i32
        %sign3A_1568 = arith.cmpi slt, %jit3A_1555, %sign3A_1567 : i32
        %sign3A_1569 = arith.extui %sign3A_1568 : i1 to i32
        %sign3A_1570 = arith.subi %sign3A_1566, %sign3A_1569 : i32
        %ne3A_1571 = arith.cmpi ne, %sign3A_1563, %sign3A_1570 : i32
        %rem3A_1572 = arith.remsi %scan3A_1554, %jit3A_1555 : i32
        %ne3A_1573 = arith.constant 0 : i32
        %ne3A_1574 = arith.cmpi ne, %rem3A_1572, %ne3A_1573 : i32
        %and3A_1575 = arith.andi %ne3A_1571, %ne3A_1574 : i1
        %sub3A_1576 = arith.constant 1 : i32
        %sub3A_1577 = arith.subi %div3A_1556, %sub3A_1576 : i32
        %select_n3A_1578 = arith.select %and3A_1575, %sub3A_1577, %div3A_1556 : i32
        %broadcast_in_dim3A_1579 = arith.constant 0 : i32
        %broadcast_in_dim3A_1580 = vector.broadcast %broadcast_in_dim3A_1579 : i32 to vector<16xi32>
        %add3A_1581 = vector.broadcast %select_n3A_1578 : i32 to vector<16xi32>
        %add3A_1582 = arith.addi %broadcast_in_dim3A_1580, %add3A_1581 : vector<16xi32>
        %gather3A_1583 = tpu.vector_load_idx %arg5[%add3A_1582] : memref<16xi32, #tpu.memory_space<vmem>>[vector<16xi32>], vector<16xi32>,
        %mul3A_1584 = arith.constant 512 : i32
        %mul3A_1585 = vector.broadcast %mul3A_1584 : i32 to vector<16xi32>
        %mul3A_1586 = arith.muli %gather3A_1583, %mul3A_1585 : vector<16xi32>
        %mul3A_1587 = arith.constant 32 : i32
        %mul3A_1588 = arith.muli %select_n3A_1578, %mul3A_1587 : i32
        %sub3A_1589 = arith.subi %scan3A_1554, %mul3A_1588 : i32
        %mul3A_1590 = arith.constant 16 : i32
        %mul3A_1591 = arith.muli %sub3A_1589, %mul3A_1590 : i32
        %add3A_1592 = vector.broadcast %mul3A_1591 : i32 to vector<16xi32>
        %add3A_1593 = arith.addi %mul3A_1586, %add3A_1592 : vector<16xi32>
        %add3A_1594 = arith.addi %add3A_1593, %iota3A : vector<16xi32>
        %mul3A_1595 = arith.constant 16 : i32
        %mul3A_1596 = arith.muli %scan3A_1554, %mul3A_1595 : i32
        %get3A_1597 = arith.index_cast %mul3A_1596 : i32 to index
        %get3A_1598 = tpu.vector_load %arg7[%get3A_1597] {strides = array<i32>} : memref<4096xf32, #tpu.memory_space<vmem>>, vector<16xf32>,
        %lt3A_1599 = arith.constant 100000 : i32
        %lt3A_1600 = vector.broadcast %lt3A_1599 : i32 to vector<16xi32>
        %lt3A_1601 = arith.cmpi slt, %add3A_1594, %lt3A_1600 : vector<16xi32>
        %jit3A_1602 = arith.constant 0xFF800000 : f32
        %broadcast_in_dim3A_1603 = vector.broadcast %jit3A_1602 : f32 to vector<16xf32>
        %select_n3A_1604 = arith.select %lt3A_1601, %get3A_1598, %broadcast_in_dim3A_1603 : vector<16xi1>, vector<16xf32>
        %mul3A_1605 = arith.constant 16 : i32
        %mul3A_1606 = arith.muli %scan3A_1554, %mul3A_1605 : i32
        %swap3A_1607 = arith.index_cast %mul3A_1606 : i32 to index
        %swap3A_1608 = tpu.vector_load %arg7[%swap3A_1607] {strides = array<i32>} : memref<4096xf32, #tpu.memory_space<vmem>>, vector<16xf32>,
        tpu.vector_store %arg7[%swap3A_1607], %select_n3A_1604 {strides = array<i32>} : memref<4096xf32, #tpu.memory_space<vmem>>, vector<16xf32>,
        %scan3A_1609 = arith.constant 0 : i32
        %scan3A_1610 = arith.constant 2 : i32
        %scan3A_1611 = arith.addi %scan3A_1497, %scan3A_1610 : i32
        %jit3A_1612 = arith.constant 32 : i32
        %div3A_1613 = arith.divsi %scan3A_1611, %jit3A_1612 : i32
        %sign3A_1614 = arith.constant 0 : i32
        %sign3A_1615 = arith.cmpi sgt, %scan3A_1611, %sign3A_1614 : i32
        %sign3A_1616 = arith.extui %sign3A_1615 : i1 to i32
        %sign3A_1617 = arith.constant 0 : i32
        %sign3A_1618 = arith.cmpi slt, %scan3A_1611, %sign3A_1617 : i32
        %sign3A_1619 = arith.extui %sign3A_1618 : i1 to i32
        %sign3A_1620 = arith.subi %sign3A_1616, %sign3A_1619 : i32
        %sign3A_1621 = arith.constant 0 : i32
        %sign3A_1622 = arith.cmpi sgt, %jit3A_1612, %sign3A_1621 : i32
        %sign3A_1623 = arith.extui %sign3A_1622 : i1 to i32
        %sign3A_1624 = arith.constant 0 : i32
        %sign3A_1625 = arith.cmpi slt, %jit3A_1612, %sign3A_1624 : i32
        %sign3A_1626 = arith.extui %sign3A_1625 : i1 to i32
        %sign3A_1627 = arith.subi %sign3A_1623, %sign3A_1626 : i32
        %ne3A_1628 = arith.cmpi ne, %sign3A_1620, %sign3A_1627 : i32
        %rem3A_1629 = arith.remsi %scan3A_1611, %jit3A_1612 : i32
        %ne3A_1630 = arith.constant 0 : i32
        %ne3A_1631 = arith.cmpi ne, %rem3A_1629, %ne3A_1630 : i32
        %and3A_1632 = arith.andi %ne3A_1628, %ne3A_1631 : i1
        %sub3A_1633 = arith.constant 1 : i32
        %sub3A_1634 = arith.subi %div3A_1613, %sub3A_1633 : i32
        %select_n3A_1635 = arith.select %and3A_1632, %sub3A_1634, %div3A_1613 : i32
        %broadcast_in_dim3A_1636 = arith.constant 0 : i32
        %broadcast_in_dim3A_1637 = vector.broadcast %broadcast_in_dim3A_1636 : i32 to vector<16xi32>
        %add3A_1638 = vector.broadcast %select_n3A_1635 : i32 to vector<16xi32>
        %add3A_1639 = arith.addi %broadcast_in_dim3A_1637, %add3A_1638 : vector<16xi32>
        %gather3A_1640 = tpu.vector_load_idx %arg5[%add3A_1639] : memref<16xi32, #tpu.memory_space<vmem>>[vector<16xi32>], vector<16xi32>,
        %mul3A_1641 = arith.constant 512 : i32
        %mul3A_1642 = vector.broadcast %mul3A_1641 : i32 to vector<16xi32>
        %mul3A_1643 = arith.muli %gather3A_1640, %mul3A_1642 : vector<16xi32>
        %mul3A_1644 = arith.constant 32 : i32
        %mul3A_1645 = arith.muli %select_n3A_1635, %mul3A_1644 : i32
        %sub3A_1646 = arith.subi %scan3A_1611, %mul3A_1645 : i32
        %mul3A_1647 = arith.constant 16 : i32
        %mul3A_1648 = arith.muli %sub3A_1646, %mul3A_1647 : i32
        %add3A_1649 = vector.broadcast %mul3A_1648 : i32 to vector<16xi32>
        %add3A_1650 = arith.addi %mul3A_1643, %add3A_1649 : vector<16xi32>
        %add3A_1651 = arith.addi %add3A_1650, %iota3A : vector<16xi32>
        %mul3A_1652 = arith.constant 16 : i32
        %mul3A_1653 = arith.muli %scan3A_1611, %mul3A_1652 : i32
        %get3A_1654 = arith.index_cast %mul3A_1653 : i32 to index
        %get3A_1655 = tpu.vector_load %arg7[%get3A_1654] {strides = array<i32>} : memref<4096xf32, #tpu.memory_space<vmem>>, vector<16xf32>,
        %lt3A_1656 = arith.constant 100000 : i32
        %lt3A_1657 = vector.broadcast %lt3A_1656 : i32 to vector<16xi32>
        %lt3A_1658 = arith.cmpi slt, %add3A_1651, %lt3A_1657 : vector<16xi32>
        %jit3A_1659 = arith.constant 0xFF800000 : f32
        %broadcast_in_dim3A_1660 = vector.broadcast %jit3A_1659 : f32 to vector<16xf32>
        %select_n3A_1661 = arith.select %lt3A_1658, %get3A_1655, %broadcast_in_dim3A_1660 : vector<16xi1>, vector<16xf32>
        %mul3A_1662 = arith.constant 16 : i32
        %mul3A_1663 = arith.muli %scan3A_1611, %mul3A_1662 : i32
        %swap3A_1664 = arith.index_cast %mul3A_1663 : i32 to index
        %swap3A_1665 = tpu.vector_load %arg7[%swap3A_1664] {strides = array<i32>} : memref<4096xf32, #tpu.memory_space<vmem>>, vector<16xf32>,
        tpu.vector_store %arg7[%swap3A_1664], %select_n3A_1661 {strides = array<i32>} : memref<4096xf32, #tpu.memory_space<vmem>>, vector<16xf32>,
        %scan3A_1666 = arith.constant 0 : i32
        %scan3A_1667 = arith.constant 3 : i32
        %scan3A_1668 = arith.addi %scan3A_1497, %scan3A_1667 : i32
        %jit3A_1669 = arith.constant 32 : i32
        %div3A_1670 = arith.divsi %scan3A_1668, %jit3A_1669 : i32
        %sign3A_1671 = arith.constant 0 : i32
        %sign3A_1672 = arith.cmpi sgt, %scan3A_1668, %sign3A_1671 : i32
        %sign3A_1673 = arith.extui %sign3A_1672 : i1 to i32
        %sign3A_1674 = arith.constant 0 : i32
        %sign3A_1675 = arith.cmpi slt, %scan3A_1668, %sign3A_1674 : i32
        %sign3A_1676 = arith.extui %sign3A_1675 : i1 to i32
        %sign3A_1677 = arith.subi %sign3A_1673, %sign3A_1676 : i32
        %sign3A_1678 = arith.constant 0 : i32
        %sign3A_1679 = arith.cmpi sgt, %jit3A_1669, %sign3A_1678 : i32
        %sign3A_1680 = arith.extui %sign3A_1679 : i1 to i32
        %sign3A_1681 = arith.constant 0 : i32
        %sign3A_1682 = arith.cmpi slt, %jit3A_1669, %sign3A_1681 : i32
        %sign3A_1683 = arith.extui %sign3A_1682 : i1 to i32
        %sign3A_1684 = arith.subi %sign3A_1680, %sign3A_1683 : i32
        %ne3A_1685 = arith.cmpi ne, %sign3A_1677, %sign3A_1684 : i32
        %rem3A_1686 = arith.remsi %scan3A_1668, %jit3A_1669 : i32
        %ne3A_1687 = arith.constant 0 : i32
        %ne3A_1688 = arith.cmpi ne, %rem3A_1686, %ne3A_1687 : i32
        %and3A_1689 = arith.andi %ne3A_1685, %ne3A_1688 : i1
        %sub3A_1690 = arith.constant 1 : i32
        %sub3A_1691 = arith.subi %div3A_1670, %sub3A_1690 : i32
        %select_n3A_1692 = arith.select %and3A_1689, %sub3A_1691, %div3A_1670 : i32
        %broadcast_in_dim3A_1693 = arith.constant 0 : i32
        %broadcast_in_dim3A_1694 = vector.broadcast %broadcast_in_dim3A_1693 : i32 to vector<16xi32>
        %add3A_1695 = vector.broadcast %select_n3A_1692 : i32 to vector<16xi32>
        %add3A_1696 = arith.addi %broadcast_in_dim3A_1694, %add3A_1695 : vector<16xi32>
        %gather3A_1697 = tpu.vector_load_idx %arg5[%add3A_1696] : memref<16xi32, #tpu.memory_space<vmem>>[vector<16xi32>], vector<16xi32>,
        %mul3A_1698 = arith.constant 512 : i32
        %mul3A_1699 = vector.broadcast %mul3A_1698 : i32 to vector<16xi32>
        %mul3A_1700 = arith.muli %gather3A_1697, %mul3A_1699 : vector<16xi32>
        %mul3A_1701 = arith.constant 32 : i32
        %mul3A_1702 = arith.muli %select_n3A_1692, %mul3A_1701 : i32
        %sub3A_1703 = arith.subi %scan3A_1668, %mul3A_1702 : i32
        %mul3A_1704 = arith.constant 16 : i32
        %mul3A_1705 = arith.muli %sub3A_1703, %mul3A_1704 : i32
        %add3A_1706 = vector.broadcast %mul3A_1705 : i32 to vector<16xi32>
        %add3A_1707 = arith.addi %mul3A_1700, %add3A_1706 : vector<16xi32>
        %add3A_1708 = arith.addi %add3A_1707, %iota3A : vector<16xi32>
        %mul3A_1709 = arith.constant 16 : i32
        %mul3A_1710 = arith.muli %scan3A_1668, %mul3A_1709 : i32
        %get3A_1711 = arith.index_cast %mul3A_1710 : i32 to index
        %get3A_1712 = tpu.vector_load %arg7[%get3A_1711] {strides = array<i32>} : memref<4096xf32, #tpu.memory_space<vmem>>, vector<16xf32>,
        %lt3A_1713 = arith.constant 100000 : i32
        %lt3A_1714 = vector.broadcast %lt3A_1713 : i32 to vector<16xi32>
        %lt3A_1715 = arith.cmpi slt, %add3A_1708, %lt3A_1714 : vector<16xi32>
        %jit3A_1716 = arith.constant 0xFF800000 : f32
        %broadcast_in_dim3A_1717 = vector.broadcast %jit3A_1716 : f32 to vector<16xf32>
        %select_n3A_1718 = arith.select %lt3A_1715, %get3A_1712, %broadcast_in_dim3A_1717 : vector<16xi1>, vector<16xf32>
        %mul3A_1719 = arith.constant 16 : i32
        %mul3A_1720 = arith.muli %scan3A_1668, %mul3A_1719 : i32
        %swap3A_1721 = arith.index_cast %mul3A_1720 : i32 to index
        %swap3A_1722 = tpu.vector_load %arg7[%swap3A_1721] {strides = array<i32>} : memref<4096xf32, #tpu.memory_space<vmem>>, vector<16xf32>,
        tpu.vector_store %arg7[%swap3A_1721], %select_n3A_1718 {strides = array<i32>} : memref<4096xf32, #tpu.memory_space<vmem>>, vector<16xf32>,
        %scan3A_1723 = arith.constant 0 : i32
        scf.yield %scan3A_1723 : i32
      }
      %scan3A_177 = arith.constant 256 : i32
      %broadcast_in_dim3A = arith.constant 0xFF800000 : f32
      %broadcast_in_dim3A_178 = vector.broadcast %broadcast_in_dim3A : f32 to vector<16xf32>
      %broadcast_in_dim3A_179 = arith.constant 0 : i32
      %broadcast_in_dim3A_180 = vector.broadcast %broadcast_in_dim3A_179 : i32 to vector<16xi32>
      %scan3A_181 = arith.constant 0 : i32
      %scan3A_182 = arith.constant 32 : i32
      %scan3A_183 = arith.addi %scan3A_181, %scan3A_182 : i32
      %scan3A_184 = arith.constant 8 : i32
      %scan3A_185:2 = scf.for %scan3A_1497 = %scan3A_181 to %scan3A_183 step %scan3A_184 iter_args(%scan3A_1498 = %broadcast_in_dim3A_178, %scan3A_1499 = %broadcast_in_dim3A_180) -> (vector<16xf32>, vector<16xi32>)  : i32 {
        %add3A_1500 = arith.constant 0 : i32
        %add3A_1501 = arith.addi %add3A_1500, %scan3A_1497 : i32
        %mul3A_1502 = arith.constant 16 : i32
        %mul3A_1503 = arith.muli %add3A_1501, %mul3A_1502 : i32
        %get3A_1504 = arith.index_cast %mul3A_1503 : i32 to index
        %get3A_1505 = tpu.vector_load %arg7[%get3A_1504] {strides = array<i32>} : memref<4096xf32, #tpu.memory_space<vmem>>, vector<16xf32>,
        %mul3A_1506 = arith.constant 16 : i32
        %mul3A_1507 = arith.muli %add3A_1501, %mul3A_1506 : i32
        %add3A_1508 = vector.broadcast %mul3A_1507 : i32 to vector<16xi32>
        %add3A_1509 = arith.addi %add3A_1508, %iota3A : vector<16xi32>
        %gt3A = arith.cmpf ogt, %get3A_1505, %scan3A_1498 : vector<16xf32>
        %select_n3A_1510 = arith.select %gt3A, %get3A_1505, %scan3A_1498 : vector<16xi1>, vector<16xf32>
        %select_n3A_1511 = arith.select %gt3A, %add3A_1509, %scan3A_1499 : vector<16xi1>, vector<16xi32>
        %scan3A_1512 = arith.constant 1 : i32
        %scan3A_1513 = arith.addi %scan3A_1497, %scan3A_1512 : i32
        %add3A_1514 = arith.constant 0 : i32
        %add3A_1515 = arith.addi %add3A_1514, %scan3A_1513 : i32
        %mul3A_1516 = arith.constant 16 : i32
        %mul3A_1517 = arith.muli %add3A_1515, %mul3A_1516 : i32
        %get3A_1518 = arith.index_cast %mul3A_1517 : i32 to index
        %get3A_1519 = tpu.vector_load %arg7[%get3A_1518] {strides = array<i32>} : memref<4096xf32, #tpu.memory_space<vmem>>, vector<16xf32>,
        %mul3A_1520 = arith.constant 16 : i32
        %mul3A_1521 = arith.muli %add3A_1515, %mul3A_1520 : i32
        %add3A_1522 = vector.broadcast %mul3A_1521 : i32 to vector<16xi32>
        %add3A_1523 = arith.addi %add3A_1522, %iota3A : vector<16xi32>
        %gt3A_1524 = arith.cmpf ogt, %get3A_1519, %select_n3A_1510 : vector<16xf32>
        %select_n3A_1525 = arith.select %gt3A_1524, %get3A_1519, %select_n3A_1510 : vector<16xi1>, vector<16xf32>
        %select_n3A_1526 = arith.select %gt3A_1524, %add3A_1523, %select_n3A_1511 : vector<16xi1>, vector<16xi32>
        %scan3A_1527 = arith.constant 2 : i32
        %scan3A_1528 = arith.addi %scan3A_1497, %scan3A_1527 : i32
        %add3A_1529 = arith.constant 0 : i32
        %add3A_1530 = arith.addi %add3A_1529, %scan3A_1528 : i32
        %mul3A_1531 = arith.constant 16 : i32
        %mul3A_1532 = arith.muli %add3A_1530, %mul3A_1531 : i32
        %get3A_1533 = arith.index_cast %mul3A_1532 : i32 to index
        %get3A_1534 = tpu.vector_load %arg7[%get3A_1533] {strides = array<i32>} : memref<4096xf32, #tpu.memory_space<vmem>>, vector<16xf32>,
        %mul3A_1535 = arith.constant 16 : i32
        %mul3A_1536 = arith.muli %add3A_1530, %mul3A_1535 : i32
        %add3A_1537 = vector.broadcast %mul3A_1536 : i32 to vector<16xi32>
        %add3A_1538 = arith.addi %add3A_1537, %iota3A : vector<16xi32>
        %gt3A_1539 = arith.cmpf ogt, %get3A_1534, %select_n3A_1525 : vector<16xf32>
        %select_n3A_1540 = arith.select %gt3A_1539, %get3A_1534, %select_n3A_1525 : vector<16xi1>, vector<16xf32>
        %select_n3A_1541 = arith.select %gt3A_1539, %add3A_1538, %select_n3A_1526 : vector<16xi1>, vector<16xi32>
        %scan3A_1542 = arith.constant 3 : i32
        %scan3A_1543 = arith.addi %scan3A_1497, %scan3A_1542 : i32
        %add3A_1544 = arith.constant 0 : i32
        %add3A_1545 = arith.addi %add3A_1544, %scan3A_1543 : i32
        %mul3A_1546 = arith.constant 16 : i32
        %mul3A_1547 = arith.muli %add3A_1545, %mul3A_1546 : i32
        %get3A_1548 = arith.index_cast %mul3A_1547 : i32 to index
        %get3A_1549 = tpu.vector_load %arg7[%get3A_1548] {strides = array<i32>} : memref<4096xf32, #tpu.memory_space<vmem>>, vector<16xf32>,
        %mul3A_1550 = arith.constant 16 : i32
        %mul3A_1551 = arith.muli %add3A_1545, %mul3A_1550 : i32
        %add3A_1552 = vector.broadcast %mul3A_1551 : i32 to vector<16xi32>
        %add3A_1553 = arith.addi %add3A_1552, %iota3A : vector<16xi32>
        %gt3A_1554 = arith.cmpf ogt, %get3A_1549, %select_n3A_1540 : vector<16xf32>
        %select_n3A_1555 = arith.select %gt3A_1554, %get3A_1549, %select_n3A_1540 : vector<16xi1>, vector<16xf32>
        %select_n3A_1556 = arith.select %gt3A_1554, %add3A_1553, %select_n3A_1541 : vector<16xi1>, vector<16xi32>
        %scan3A_1557 = arith.constant 4 : i32
        %scan3A_1558 = arith.addi %scan3A_1497, %scan3A_1557 : i32
        %add3A_1559 = arith.constant 0 : i32
        %add3A_1560 = arith.addi %add3A_1559, %scan3A_1558 : i32
        %mul3A_1561 = arith.constant 16 : i32
        %mul3A_1562 = arith.muli %add3A_1560, %mul3A_1561 : i32
        %get3A_1563 = arith.index_cast %mul3A_1562 : i32 to index
        %get3A_1564 = tpu.vector_load %arg7[%get3A_1563] {strides = array<i32>} : memref<4096xf32, #tpu.memory_space<vmem>>, vector<16xf32>,
        %mul3A_1565 = arith.constant 16 : i32
        %mul3A_1566 = arith.muli %add3A_1560, %mul3A_1565 : i32
        %add3A_1567 = vector.broadcast %mul3A_1566 : i32 to vector<16xi32>
        %add3A_1568 = arith.addi %add3A_1567, %iota3A : vector<16xi32>
        %gt3A_1569 = arith.cmpf ogt, %get3A_1564, %select_n3A_1555 : vector<16xf32>
        %select_n3A_1570 = arith.select %gt3A_1569, %get3A_1564, %select_n3A_1555 : vector<16xi1>, vector<16xf32>
        %select_n3A_1571 = arith.select %gt3A_1569, %add3A_1568, %select_n3A_1556 : vector<16xi1>, vector<16xi32>
        %scan3A_1572 = arith.constant 5 : i32
        %scan3A_1573 = arith.addi %scan3A_1497, %scan3A_1572 : i32
        %add3A_1574 = arith.constant 0 : i32
        %add3A_1575 = arith.addi %add3A_1574, %scan3A_1573 : i32
        %mul3A_1576 = arith.constant 16 : i32
        %mul3A_1577 = arith.muli %add3A_1575, %mul3A_1576 : i32
        %get3A_1578 = arith.index_cast %mul3A_1577 : i32 to index
        %get3A_1579 = tpu.vector_load %arg7[%get3A_1578] {strides = array<i32>} : memref<4096xf32, #tpu.memory_space<vmem>>, vector<16xf32>,
        %mul3A_1580 = arith.constant 16 : i32
        %mul3A_1581 = arith.muli %add3A_1575, %mul3A_1580 : i32
        %add3A_1582 = vector.broadcast %mul3A_1581 : i32 to vector<16xi32>
        %add3A_1583 = arith.addi %add3A_1582, %iota3A : vector<16xi32>
        %gt3A_1584 = arith.cmpf ogt, %get3A_1579, %select_n3A_1570 : vector<16xf32>
        %select_n3A_1585 = arith.select %gt3A_1584, %get3A_1579, %select_n3A_1570 : vector<16xi1>, vector<16xf32>
        %select_n3A_1586 = arith.select %gt3A_1584, %add3A_1583, %select_n3A_1571 : vector<16xi1>, vector<16xi32>
        %scan3A_1587 = arith.constant 6 : i32
        %scan3A_1588 = arith.addi %scan3A_1497, %scan3A_1587 : i32
        %add3A_1589 = arith.constant 0 : i32
        %add3A_1590 = arith.addi %add3A_1589, %scan3A_1588 : i32
        %mul3A_1591 = arith.constant 16 : i32
        %mul3A_1592 = arith.muli %add3A_1590, %mul3A_1591 : i32
        %get3A_1593 = arith.index_cast %mul3A_1592 : i32 to index
        %get3A_1594 = tpu.vector_load %arg7[%get3A_1593] {strides = array<i32>} : memref<4096xf32, #tpu.memory_space<vmem>>, vector<16xf32>,
        %mul3A_1595 = arith.constant 16 : i32
        %mul3A_1596 = arith.muli %add3A_1590, %mul3A_1595 : i32
        %add3A_1597 = vector.broadcast %mul3A_1596 : i32 to vector<16xi32>
        %add3A_1598 = arith.addi %add3A_1597, %iota3A : vector<16xi32>
        %gt3A_1599 = arith.cmpf ogt, %get3A_1594, %select_n3A_1585 : vector<16xf32>
        %select_n3A_1600 = arith.select %gt3A_1599, %get3A_1594, %select_n3A_1585 : vector<16xi1>, vector<16xf32>
        %select_n3A_1601 = arith.select %gt3A_1599, %add3A_1598, %select_n3A_1586 : vector<16xi1>, vector<16xi32>
        %scan3A_1602 = arith.constant 7 : i32
        %scan3A_1603 = arith.addi %scan3A_1497, %scan3A_1602 : i32
        %add3A_1604 = arith.constant 0 : i32
        %add3A_1605 = arith.addi %add3A_1604, %scan3A_1603 : i32
        %mul3A_1606 = arith.constant 16 : i32
        %mul3A_1607 = arith.muli %add3A_1605, %mul3A_1606 : i32
        %get3A_1608 = arith.index_cast %mul3A_1607 : i32 to index
        %get3A_1609 = tpu.vector_load %arg7[%get3A_1608] {strides = array<i32>} : memref<4096xf32, #tpu.memory_space<vmem>>, vector<16xf32>,
        %mul3A_1610 = arith.constant 16 : i32
        %mul3A_1611 = arith.muli %add3A_1605, %mul3A_1610 : i32
        %add3A_1612 = vector.broadcast %mul3A_1611 : i32 to vector<16xi32>
        %add3A_1613 = arith.addi %add3A_1612, %iota3A : vector<16xi32>
        %gt3A_1614 = arith.cmpf ogt, %get3A_1609, %select_n3A_1600 : vector<16xf32>
        %select_n3A_1615 = arith.select %gt3A_1614, %get3A_1609, %select_n3A_1600 : vector<16xi1>, vector<16xf32>
        %select_n3A_1616 = arith.select %gt3A_1614, %add3A_1613, %select_n3A_1601 : vector<16xi1>, vector<16xi32>
        scf.yield %select_n3A_1615, %select_n3A_1616 : vector<16xf32>, vector<16xi32>
      }
      %scan3A_186 = arith.constant 32 : i32
      %broadcast_in_dim3A_187 = arith.constant 0xFF800000 : f32
      %broadcast_in_dim3A_188 = vector.broadcast %broadcast_in_dim3A_187 : f32 to vector<16xf32>
      %broadcast_in_dim3A_189 = arith.constant 0 : i32
      %broadcast_in_dim3A_190 = vector.broadcast %broadcast_in_dim3A_189 : i32 to vector<16xi32>
      %scan3A_191 = arith.constant 0 : i32
      %scan3A_192 = arith.constant 32 : i32
      %scan3A_193 = arith.addi %scan3A_191, %scan3A_192 : i32
      %scan3A_194 = arith.constant 8 : i32
      %scan3A_195:2 = scf.for %scan3A_1497 = %scan3A_191 to %scan3A_193 step %scan3A_194 iter_args(%scan3A_1498 = %broadcast_in_dim3A_188, %scan3A_1499 = %broadcast_in_dim3A_190) -> (vector<16xf32>, vector<16xi32>)  : i32 {
        %add3A_1500 = arith.constant 32 : i32
        %add3A_1501 = arith.addi %add3A_1500, %scan3A_1497 : i32
        %mul3A_1502 = arith.constant 16 : i32
        %mul3A_1503 = arith.muli %add3A_1501, %mul3A_1502 : i32
        %get3A_1504 = arith.index_cast %mul3A_1503 : i32 to index
        %get3A_1505 = tpu.vector_load %arg7[%get3A_1504] {strides = array<i32>} : memref<4096xf32, #tpu.memory_space<vmem>>, vector<16xf32>,
        %mul3A_1506 = arith.constant 16 : i32
        %mul3A_1507 = arith.muli %add3A_1501, %mul3A_1506 : i32
        %add3A_1508 = vector.broadcast %mul3A_1507 : i32 to vector<16xi32>
        %add3A_1509 = arith.addi %add3A_1508, %iota3A : vector<16xi32>
        %gt3A = arith.cmpf ogt, %get3A_1505, %scan3A_1498 : vector<16xf32>
        %select_n3A_1510 = arith.select %gt3A, %get3A_1505, %scan3A_1498 : vector<16xi1>, vector<16xf32>
        %select_n3A_1511 = arith.select %gt3A, %add3A_1509, %scan3A_1499 : vector<16xi1>, vector<16xi32>
        %scan3A_1512 = arith.constant 1 : i32
        %scan3A_1513 = arith.addi %scan3A_1497, %scan3A_1512 : i32
        %add3A_1514 = arith.constant 32 : i32
        %add3A_1515 = arith.addi %add3A_1514, %scan3A_1513 : i32
        %mul3A_1516 = arith.constant 16 : i32
        %mul3A_1517 = arith.muli %add3A_1515, %mul3A_1516 : i32
        %get3A_1518 = arith.index_cast %mul3A_1517 : i32 to index
        %get3A_1519 = tpu.vector_load %arg7[%get3A_1518] {strides = array<i32>} : memref<4096xf32, #tpu.memory_space<vmem>>, vector<16xf32>,
        %mul3A_1520 = arith.constant 16 : i32
        %mul3A_1521 = arith.muli %add3A_1515, %mul3A_1520 : i32
        %add3A_1522 = vector.broadcast %mul3A_1521 : i32 to vector<16xi32>
        %add3A_1523 = arith.addi %add3A_1522, %iota3A : vector<16xi32>
        %gt3A_1524 = arith.cmpf ogt, %get3A_1519, %select_n3A_1510 : vector<16xf32>
        %select_n3A_1525 = arith.select %gt3A_1524, %get3A_1519, %select_n3A_1510 : vector<16xi1>, vector<16xf32>
        %select_n3A_1526 = arith.select %gt3A_1524, %add3A_1523, %select_n3A_1511 : vector<16xi1>, vector<16xi32>
        %scan3A_1527 = arith.constant 2 : i32
        %scan3A_1528 = arith.addi %scan3A_1497, %scan3A_1527 : i32
        %add3A_1529 = arith.constant 32 : i32
        %add3A_1530 = arith.addi %add3A_1529, %scan3A_1528 : i32
        %mul3A_1531 = arith.constant 16 : i32
        %mul3A_1532 = arith.muli %add3A_1530, %mul3A_1531 : i32
        %get3A_1533 = arith.index_cast %mul3A_1532 : i32 to index
        %get3A_1534 = tpu.vector_load %arg7[%get3A_1533] {strides = array<i32>} : memref<4096xf32, #tpu.memory_space<vmem>>, vector<16xf32>,
        %mul3A_1535 = arith.constant 16 : i32
        %mul3A_1536 = arith.muli %add3A_1530, %mul3A_1535 : i32
        %add3A_1537 = vector.broadcast %mul3A_1536 : i32 to vector<16xi32>
        %add3A_1538 = arith.addi %add3A_1537, %iota3A : vector<16xi32>
        %gt3A_1539 = arith.cmpf ogt, %get3A_1534, %select_n3A_1525 : vector<16xf32>
        %select_n3A_1540 = arith.select %gt3A_1539, %get3A_1534, %select_n3A_1525 : vector<16xi1>, vector<16xf32>
        %select_n3A_1541 = arith.select %gt3A_1539, %add3A_1538, %select_n3A_1526 : vector<16xi1>, vector<16xi32>
        %scan3A_1542 = arith.constant 3 : i32
        %scan3A_1543 = arith.addi %scan3A_1497, %scan3A_1542 : i32
        %add3A_1544 = arith.constant 32 : i32
        %add3A_1545 = arith.addi %add3A_1544, %scan3A_1543 : i32
        %mul3A_1546 = arith.constant 16 : i32
        %mul3A_1547 = arith.muli %add3A_1545, %mul3A_1546 : i32
        %get3A_1548 = arith.index_cast %mul3A_1547 : i32 to index
        %get3A_1549 = tpu.vector_load %arg7[%get3A_1548] {strides = array<i32>} : memref<4096xf32, #tpu.memory_space<vmem>>, vector<16xf32>,
        %mul3A_1550 = arith.constant 16 : i32
        %mul3A_1551 = arith.muli %add3A_1545, %mul3A_1550 : i32
        %add3A_1552 = vector.broadcast %mul3A_1551 : i32 to vector<16xi32>
        %add3A_1553 = arith.addi %add3A_1552, %iota3A : vector<16xi32>
        %gt3A_1554 = arith.cmpf ogt, %get3A_1549, %select_n3A_1540 : vector<16xf32>
        %select_n3A_1555 = arith.select %gt3A_1554, %get3A_1549, %select_n3A_1540 : vector<16xi1>, vector<16xf32>
        %select_n3A_1556 = arith.select %gt3A_1554, %add3A_1553, %select_n3A_1541 : vector<16xi1>, vector<16xi32>
        %scan3A_1557 = arith.constant 4 : i32
        %scan3A_1558 = arith.addi %scan3A_1497, %scan3A_1557 : i32
        %add3A_1559 = arith.constant 32 : i32
        %add3A_1560 = arith.addi %add3A_1559, %scan3A_1558 : i32
        %mul3A_1561 = arith.constant 16 : i32
        %mul3A_1562 = arith.muli %add3A_1560, %mul3A_1561 : i32
        %get3A_1563 = arith.index_cast %mul3A_1562 : i32 to index
        %get3A_1564 = tpu.vector_load %arg7[%get3A_1563] {strides = array<i32>} : memref<4096xf32, #tpu.memory_space<vmem>>, vector<16xf32>,
        %mul3A_1565 = arith.constant 16 : i32
        %mul3A_1566 = arith.muli %add3A_1560, %mul3A_1565 : i32
        %add3A_1567 = vector.broadcast %mul3A_1566 : i32 to vector<16xi32>
        %add3A_1568 = arith.addi %add3A_1567, %iota3A : vector<16xi32>
        %gt3A_1569 = arith.cmpf ogt, %get3A_1564, %select_n3A_1555 : vector<16xf32>
        %select_n3A_1570 = arith.select %gt3A_1569, %get3A_1564, %select_n3A_1555 : vector<16xi1>, vector<16xf32>
        %select_n3A_1571 = arith.select %gt3A_1569, %add3A_1568, %select_n3A_1556 : vector<16xi1>, vector<16xi32>
        %scan3A_1572 = arith.constant 5 : i32
        %scan3A_1573 = arith.addi %scan3A_1497, %scan3A_1572 : i32
        %add3A_1574 = arith.constant 32 : i32
        %add3A_1575 = arith.addi %add3A_1574, %scan3A_1573 : i32
        %mul3A_1576 = arith.constant 16 : i32
        %mul3A_1577 = arith.muli %add3A_1575, %mul3A_1576 : i32
        %get3A_1578 = arith.index_cast %mul3A_1577 : i32 to index
        %get3A_1579 = tpu.vector_load %arg7[%get3A_1578] {strides = array<i32>} : memref<4096xf32, #tpu.memory_space<vmem>>, vector<16xf32>,
        %mul3A_1580 = arith.constant 16 : i32
        %mul3A_1581 = arith.muli %add3A_1575, %mul3A_1580 : i32
        %add3A_1582 = vector.broadcast %mul3A_1581 : i32 to vector<16xi32>
        %add3A_1583 = arith.addi %add3A_1582, %iota3A : vector<16xi32>
        %gt3A_1584 = arith.cmpf ogt, %get3A_1579, %select_n3A_1570 : vector<16xf32>
        %select_n3A_1585 = arith.select %gt3A_1584, %get3A_1579, %select_n3A_1570 : vector<16xi1>, vector<16xf32>
        %select_n3A_1586 = arith.select %gt3A_1584, %add3A_1583, %select_n3A_1571 : vector<16xi1>, vector<16xi32>
        %scan3A_1587 = arith.constant 6 : i32
        %scan3A_1588 = arith.addi %scan3A_1497, %scan3A_1587 : i32
        %add3A_1589 = arith.constant 32 : i32
        %add3A_1590 = arith.addi %add3A_1589, %scan3A_1588 : i32
        %mul3A_1591 = arith.constant 16 : i32
        %mul3A_1592 = arith.muli %add3A_1590, %mul3A_1591 : i32
        %get3A_1593 = arith.index_cast %mul3A_1592 : i32 to index
        %get3A_1594 = tpu.vector_load %arg7[%get3A_1593] {strides = array<i32>} : memref<4096xf32, #tpu.memory_space<vmem>>, vector<16xf32>,
        %mul3A_1595 = arith.constant 16 : i32
        %mul3A_1596 = arith.muli %add3A_1590, %mul3A_1595 : i32
        %add3A_1597 = vector.broadcast %mul3A_1596 : i32 to vector<16xi32>
        %add3A_1598 = arith.addi %add3A_1597, %iota3A : vector<16xi32>
        %gt3A_1599 = arith.cmpf ogt, %get3A_1594, %select_n3A_1585 : vector<16xf32>
        %select_n3A_1600 = arith.select %gt3A_1599, %get3A_1594, %select_n3A_1585 : vector<16xi1>, vector<16xf32>
        %select_n3A_1601 = arith.select %gt3A_1599, %add3A_1598, %select_n3A_1586 : vector<16xi1>, vector<16xi32>
        %scan3A_1602 = arith.constant 7 : i32
        %scan3A_1603 = arith.addi %scan3A_1497, %scan3A_1602 : i32
        %add3A_1604 = arith.constant 32 : i32
        %add3A_1605 = arith.addi %add3A_1604, %scan3A_1603 : i32
        %mul3A_1606 = arith.constant 16 : i32
        %mul3A_1607 = arith.muli %add3A_1605, %mul3A_1606 : i32
        %get3A_1608 = arith.index_cast %mul3A_1607 : i32 to index
        %get3A_1609 = tpu.vector_load %arg7[%get3A_1608] {strides = array<i32>} : memref<4096xf32, #tpu.memory_space<vmem>>, vector<16xf32>,
        %mul3A_1610 = arith.constant 16 : i32
        %mul3A_1611 = arith.muli %add3A_1605, %mul3A_1610 : i32
        %add3A_1612 = vector.broadcast %mul3A_1611 : i32 to vector<16xi32>
        %add3A_1613 = arith.addi %add3A_1612, %iota3A : vector<16xi32>
        %gt3A_1614 = arith.cmpf ogt, %get3A_1609, %select_n3A_1600 : vector<16xf32>
        %select_n3A_1615 = arith.select %gt3A_1614, %get3A_1609, %select_n3A_1600 : vector<16xi1>, vector<16xf32>
        %select_n3A_1616 = arith.select %gt3A_1614, %add3A_1613, %select_n3A_1601 : vector<16xi1>, vector<16xi32>
        scf.yield %select_n3A_1615, %select_n3A_1616 : vector<16xf32>, vector<16xi32>
      }
      %scan3A_196 = arith.constant 32 : i32
      %broadcast_in_dim3A_197 = arith.constant 0xFF800000 : f32
      %broadcast_in_dim3A_198 = vector.broadcast %broadcast_in_dim3A_197 : f32 to vector<16xf32>
      %broadcast_in_dim3A_199 = arith.constant 0 : i32
      %broadcast_in_dim3A_200 = vector.broadcast %broadcast_in_dim3A_199 : i32 to vector<16xi32>
      %scan3A_201 = arith.constant 0 : i32
      %scan3A_202 = arith.constant 32 : i32
      %scan3A_203 = arith.addi %scan3A_201, %scan3A_202 : i32
      %scan3A_204 = arith.constant 8 : i32
      %scan3A_205:2 = scf.for %scan3A_1497 = %scan3A_201 to %scan3A_203 step %scan3A_204 iter_args(%scan3A_1498 = %broadcast_in_dim3A_198, %scan3A_1499 = %broadcast_in_dim3A_200) -> (vector<16xf32>, vector<16xi32>)  : i32 {
        %add3A_1500 = arith.constant 64 : i32
        %add3A_1501 = arith.addi %add3A_1500, %scan3A_1497 : i32
        %mul3A_1502 = arith.constant 16 : i32
        %mul3A_1503 = arith.muli %add3A_1501, %mul3A_1502 : i32
        %get3A_1504 = arith.index_cast %mul3A_1503 : i32 to index
        %get3A_1505 = tpu.vector_load %arg7[%get3A_1504] {strides = array<i32>} : memref<4096xf32, #tpu.memory_space<vmem>>, vector<16xf32>,
        %mul3A_1506 = arith.constant 16 : i32
        %mul3A_1507 = arith.muli %add3A_1501, %mul3A_1506 : i32
        %add3A_1508 = vector.broadcast %mul3A_1507 : i32 to vector<16xi32>
        %add3A_1509 = arith.addi %add3A_1508, %iota3A : vector<16xi32>
        %gt3A = arith.cmpf ogt, %get3A_1505, %scan3A_1498 : vector<16xf32>
        %select_n3A_1510 = arith.select %gt3A, %get3A_1505, %scan3A_1498 : vector<16xi1>, vector<16xf32>
        %select_n3A_1511 = arith.select %gt3A, %add3A_1509, %scan3A_1499 : vector<16xi1>, vector<16xi32>
        %scan3A_1512 = arith.constant 1 : i32
        %scan3A_1513 = arith.addi %scan3A_1497, %scan3A_1512 : i32
        %add3A_1514 = arith.constant 64 : i32
        %add3A_1515 = arith.addi %add3A_1514, %scan3A_1513 : i32
        %mul3A_1516 = arith.constant 16 : i32
        %mul3A_1517 = arith.muli %add3A_1515, %mul3A_1516 : i32
        %get3A_1518 = arith.index_cast %mul3A_1517 : i32 to index
        %get3A_1519 = tpu.vector_load %arg7[%get3A_1518] {strides = array<i32>} : memref<4096xf32, #tpu.memory_space<vmem>>, vector<16xf32>,
        %mul3A_1520 = arith.constant 16 : i32
        %mul3A_1521 = arith.muli %add3A_1515, %mul3A_1520 : i32
        %add3A_1522 = vector.broadcast %mul3A_1521 : i32 to vector<16xi32>
        %add3A_1523 = arith.addi %add3A_1522, %iota3A : vector<16xi32>
        %gt3A_1524 = arith.cmpf ogt, %get3A_1519, %select_n3A_1510 : vector<16xf32>
        %select_n3A_1525 = arith.select %gt3A_1524, %get3A_1519, %select_n3A_1510 : vector<16xi1>, vector<16xf32>
        %select_n3A_1526 = arith.select %gt3A_1524, %add3A_1523, %select_n3A_1511 : vector<16xi1>, vector<16xi32>
        %scan3A_1527 = arith.constant 2 : i32
        %scan3A_1528 = arith.addi %scan3A_1497, %scan3A_1527 : i32
        %add3A_1529 = arith.constant 64 : i32
        %add3A_1530 = arith.addi %add3A_1529, %scan3A_1528 : i32
        %mul3A_1531 = arith.constant 16 : i32
        %mul3A_1532 = arith.muli %add3A_1530, %mul3A_1531 : i32
        %get3A_1533 = arith.index_cast %mul3A_1532 : i32 to index
        %get3A_1534 = tpu.vector_load %arg7[%get3A_1533] {strides = array<i32>} : memref<4096xf32, #tpu.memory_space<vmem>>, vector<16xf32>,
        %mul3A_1535 = arith.constant 16 : i32
        %mul3A_1536 = arith.muli %add3A_1530, %mul3A_1535 : i32
        %add3A_1537 = vector.broadcast %mul3A_1536 : i32 to vector<16xi32>
        %add3A_1538 = arith.addi %add3A_1537, %iota3A : vector<16xi32>
        %gt3A_1539 = arith.cmpf ogt, %get3A_1534, %select_n3A_1525 : vector<16xf32>
        %select_n3A_1540 = arith.select %gt3A_1539, %get3A_1534, %select_n3A_1525 : vector<16xi1>, vector<16xf32>
        %select_n3A_1541 = arith.select %gt3A_1539, %add3A_1538, %select_n3A_1526 : vector<16xi1>, vector<16xi32>
        %scan3A_1542 = arith.constant 3 : i32
        %scan3A_1543 = arith.addi %scan3A_1497, %scan3A_1542 : i32
        %add3A_1544 = arith.constant 64 : i32
        %add3A_1545 = arith.addi %add3A_1544, %scan3A_1543 : i32
        %mul3A_1546 = arith.constant 16 : i32
        %mul3A_1547 = arith.muli %add3A_1545, %mul3A_1546 : i32
        %get3A_1548 = arith.index_cast %mul3A_1547 : i32 to index
        %get3A_1549 = tpu.vector_load %arg7[%get3A_1548] {strides = array<i32>} : memref<4096xf32, #tpu.memory_space<vmem>>, vector<16xf32>,
        %mul3A_1550 = arith.constant 16 : i32
        %mul3A_1551 = arith.muli %add3A_1545, %mul3A_1550 : i32
        %add3A_1552 = vector.broadcast %mul3A_1551 : i32 to vector<16xi32>
        %add3A_1553 = arith.addi %add3A_1552, %iota3A : vector<16xi32>
        %gt3A_1554 = arith.cmpf ogt, %get3A_1549, %select_n3A_1540 : vector<16xf32>
        %select_n3A_1555 = arith.select %gt3A_1554, %get3A_1549, %select_n3A_1540 : vector<16xi1>, vector<16xf32>
        %select_n3A_1556 = arith.select %gt3A_1554, %add3A_1553, %select_n3A_1541 : vector<16xi1>, vector<16xi32>
        %scan3A_1557 = arith.constant 4 : i32
        %scan3A_1558 = arith.addi %scan3A_1497, %scan3A_1557 : i32
        %add3A_1559 = arith.constant 64 : i32
        %add3A_1560 = arith.addi %add3A_1559, %scan3A_1558 : i32
        %mul3A_1561 = arith.constant 16 : i32
        %mul3A_1562 = arith.muli %add3A_1560, %mul3A_1561 : i32
        %get3A_1563 = arith.index_cast %mul3A_1562 : i32 to index
        %get3A_1564 = tpu.vector_load %arg7[%get3A_1563] {strides = array<i32>} : memref<4096xf32, #tpu.memory_space<vmem>>, vector<16xf32>,
        %mul3A_1565 = arith.constant 16 : i32
        %mul3A_1566 = arith.muli %add3A_1560, %mul3A_1565 : i32
        %add3A_1567 = vector.broadcast %mul3A_1566 : i32 to vector<16xi32>
        %add3A_1568 = arith.addi %add3A_1567, %iota3A : vector<16xi32>
        %gt3A_1569 = arith.cmpf ogt, %get3A_1564, %select_n3A_1555 : vector<16xf32>
        %select_n3A_1570 = arith.select %gt3A_1569, %get3A_1564, %select_n3A_1555 : vector<16xi1>, vector<16xf32>
        %select_n3A_1571 = arith.select %gt3A_1569, %add3A_1568, %select_n3A_1556 : vector<16xi1>, vector<16xi32>
        %scan3A_1572 = arith.constant 5 : i32
        %scan3A_1573 = arith.addi %scan3A_1497, %scan3A_1572 : i32
        %add3A_1574 = arith.constant 64 : i32
        %add3A_1575 = arith.addi %add3A_1574, %scan3A_1573 : i32
        %mul3A_1576 = arith.constant 16 : i32
        %mul3A_1577 = arith.muli %add3A_1575, %mul3A_1576 : i32
        %get3A_1578 = arith.index_cast %mul3A_1577 : i32 to index
        %get3A_1579 = tpu.vector_load %arg7[%get3A_1578] {strides = array<i32>} : memref<4096xf32, #tpu.memory_space<vmem>>, vector<16xf32>,
        %mul3A_1580 = arith.constant 16 : i32
        %mul3A_1581 = arith.muli %add3A_1575, %mul3A_1580 : i32
        %add3A_1582 = vector.broadcast %mul3A_1581 : i32 to vector<16xi32>
        %add3A_1583 = arith.addi %add3A_1582, %iota3A : vector<16xi32>
        %gt3A_1584 = arith.cmpf ogt, %get3A_1579, %select_n3A_1570 : vector<16xf32>
        %select_n3A_1585 = arith.select %gt3A_1584, %get3A_1579, %select_n3A_1570 : vector<16xi1>, vector<16xf32>
        %select_n3A_1586 = arith.select %gt3A_1584, %add3A_1583, %select_n3A_1571 : vector<16xi1>, vector<16xi32>
        %scan3A_1587 = arith.constant 6 : i32
        %scan3A_1588 = arith.addi %scan3A_1497, %scan3A_1587 : i32
        %add3A_1589 = arith.constant 64 : i32
        %add3A_1590 = arith.addi %add3A_1589, %scan3A_1588 : i32
        %mul3A_1591 = arith.constant 16 : i32
        %mul3A_1592 = arith.muli %add3A_1590, %mul3A_1591 : i32
        %get3A_1593 = arith.index_cast %mul3A_1592 : i32 to index
        %get3A_1594 = tpu.vector_load %arg7[%get3A_1593] {strides = array<i32>} : memref<4096xf32, #tpu.memory_space<vmem>>, vector<16xf32>,
        %mul3A_1595 = arith.constant 16 : i32
        %mul3A_1596 = arith.muli %add3A_1590, %mul3A_1595 : i32
        %add3A_1597 = vector.broadcast %mul3A_1596 : i32 to vector<16xi32>
        %add3A_1598 = arith.addi %add3A_1597, %iota3A : vector<16xi32>
        %gt3A_1599 = arith.cmpf ogt, %get3A_1594, %select_n3A_1585 : vector<16xf32>
        %select_n3A_1600 = arith.select %gt3A_1599, %get3A_1594, %select_n3A_1585 : vector<16xi1>, vector<16xf32>
        %select_n3A_1601 = arith.select %gt3A_1599, %add3A_1598, %select_n3A_1586 : vector<16xi1>, vector<16xi32>
        %scan3A_1602 = arith.constant 7 : i32
        %scan3A_1603 = arith.addi %scan3A_1497, %scan3A_1602 : i32
        %add3A_1604 = arith.constant 64 : i32
        %add3A_1605 = arith.addi %add3A_1604, %scan3A_1603 : i32
        %mul3A_1606 = arith.constant 16 : i32
        %mul3A_1607 = arith.muli %add3A_1605, %mul3A_1606 : i32
        %get3A_1608 = arith.index_cast %mul3A_1607 : i32 to index
        %get3A_1609 = tpu.vector_load %arg7[%get3A_1608] {strides = array<i32>} : memref<4096xf32, #tpu.memory_space<vmem>>, vector<16xf32>,
        %mul3A_1610 = arith.constant 16 : i32
        %mul3A_1611 = arith.muli %add3A_1605, %mul3A_1610 : i32
        %add3A_1612 = vector.broadcast %mul3A_1611 : i32 to vector<16xi32>
        %add3A_1613 = arith.addi %add3A_1612, %iota3A : vector<16xi32>
        %gt3A_1614 = arith.cmpf ogt, %get3A_1609, %select_n3A_1600 : vector<16xf32>
        %select_n3A_1615 = arith.select %gt3A_1614, %get3A_1609, %select_n3A_1600 : vector<16xi1>, vector<16xf32>
        %select_n3A_1616 = arith.select %gt3A_1614, %add3A_1613, %select_n3A_1601 : vector<16xi1>, vector<16xi32>
        scf.yield %select_n3A_1615, %select_n3A_1616 : vector<16xf32>, vector<16xi32>
      }
      %scan3A_206 = arith.constant 32 : i32
      %broadcast_in_dim3A_207 = arith.constant 0xFF800000 : f32
      %broadcast_in_dim3A_208 = vector.broadcast %broadcast_in_dim3A_207 : f32 to vector<16xf32>
      %broadcast_in_dim3A_209 = arith.constant 0 : i32
      %broadcast_in_dim3A_210 = vector.broadcast %broadcast_in_dim3A_209 : i32 to vector<16xi32>
      %scan3A_211 = arith.constant 0 : i32
      %scan3A_212 = arith.constant 32 : i32
      %scan3A_213 = arith.addi %scan3A_211, %scan3A_212 : i32
      %scan3A_214 = arith.constant 8 : i32
      %scan3A_215:2 = scf.for %scan3A_1497 = %scan3A_211 to %scan3A_213 step %scan3A_214 iter_args(%scan3A_1498 = %broadcast_in_dim3A_208, %scan3A_1499 = %broadcast_in_dim3A_210) -> (vector<16xf32>, vector<16xi32>)  : i32 {
        %add3A_1500 = arith.constant 96 : i32
        %add3A_1501 = arith.addi %add3A_1500, %scan3A_1497 : i32
        %mul3A_1502 = arith.constant 16 : i32
        %mul3A_1503 = arith.muli %add3A_1501, %mul3A_1502 : i32
        %get3A_1504 = arith.index_cast %mul3A_1503 : i32 to index
        %get3A_1505 = tpu.vector_load %arg7[%get3A_1504] {strides = array<i32>} : memref<4096xf32, #tpu.memory_space<vmem>>, vector<16xf32>,
        %mul3A_1506 = arith.constant 16 : i32
        %mul3A_1507 = arith.muli %add3A_1501, %mul3A_1506 : i32
        %add3A_1508 = vector.broadcast %mul3A_1507 : i32 to vector<16xi32>
        %add3A_1509 = arith.addi %add3A_1508, %iota3A : vector<16xi32>
        %gt3A = arith.cmpf ogt, %get3A_1505, %scan3A_1498 : vector<16xf32>
        %select_n3A_1510 = arith.select %gt3A, %get3A_1505, %scan3A_1498 : vector<16xi1>, vector<16xf32>
        %select_n3A_1511 = arith.select %gt3A, %add3A_1509, %scan3A_1499 : vector<16xi1>, vector<16xi32>
        %scan3A_1512 = arith.constant 1 : i32
        %scan3A_1513 = arith.addi %scan3A_1497, %scan3A_1512 : i32
        %add3A_1514 = arith.constant 96 : i32
        %add3A_1515 = arith.addi %add3A_1514, %scan3A_1513 : i32
        %mul3A_1516 = arith.constant 16 : i32
        %mul3A_1517 = arith.muli %add3A_1515, %mul3A_1516 : i32
        %get3A_1518 = arith.index_cast %mul3A_1517 : i32 to index
        %get3A_1519 = tpu.vector_load %arg7[%get3A_1518] {strides = array<i32>} : memref<4096xf32, #tpu.memory_space<vmem>>, vector<16xf32>,
        %mul3A_1520 = arith.constant 16 : i32
        %mul3A_1521 = arith.muli %add3A_1515, %mul3A_1520 : i32
        %add3A_1522 = vector.broadcast %mul3A_1521 : i32 to vector<16xi32>
        %add3A_1523 = arith.addi %add3A_1522, %iota3A : vector<16xi32>
        %gt3A_1524 = arith.cmpf ogt, %get3A_1519, %select_n3A_1510 : vector<16xf32>
        %select_n3A_1525 = arith.select %gt3A_1524, %get3A_1519, %select_n3A_1510 : vector<16xi1>, vector<16xf32>
        %select_n3A_1526 = arith.select %gt3A_1524, %add3A_1523, %select_n3A_1511 : vector<16xi1>, vector<16xi32>
        %scan3A_1527 = arith.constant 2 : i32
        %scan3A_1528 = arith.addi %scan3A_1497, %scan3A_1527 : i32
        %add3A_1529 = arith.constant 96 : i32
        %add3A_1530 = arith.addi %add3A_1529, %scan3A_1528 : i32
        %mul3A_1531 = arith.constant 16 : i32
        %mul3A_1532 = arith.muli %add3A_1530, %mul3A_1531 : i32
        %get3A_1533 = arith.index_cast %mul3A_1532 : i32 to index
        %get3A_1534 = tpu.vector_load %arg7[%get3A_1533] {strides = array<i32>} : memref<4096xf32, #tpu.memory_space<vmem>>, vector<16xf32>,
        %mul3A_1535 = arith.constant 16 : i32
        %mul3A_1536 = arith.muli %add3A_1530, %mul3A_1535 : i32
        %add3A_1537 = vector.broadcast %mul3A_1536 : i32 to vector<16xi32>
        %add3A_1538 = arith.addi %add3A_1537, %iota3A : vector<16xi32>
        %gt3A_1539 = arith.cmpf ogt, %get3A_1534, %select_n3A_1525 : vector<16xf32>
        %select_n3A_1540 = arith.select %gt3A_1539, %get3A_1534, %select_n3A_1525 : vector<16xi1>, vector<16xf32>
        %select_n3A_1541 = arith.select %gt3A_1539, %add3A_1538, %select_n3A_1526 : vector<16xi1>, vector<16xi32>
        %scan3A_1542 = arith.constant 3 : i32
        %scan3A_1543 = arith.addi %scan3A_1497, %scan3A_1542 : i32
        %add3A_1544 = arith.constant 96 : i32
        %add3A_1545 = arith.addi %add3A_1544, %scan3A_1543 : i32
        %mul3A_1546 = arith.constant 16 : i32
        %mul3A_1547 = arith.muli %add3A_1545, %mul3A_1546 : i32
        %get3A_1548 = arith.index_cast %mul3A_1547 : i32 to index
        %get3A_1549 = tpu.vector_load %arg7[%get3A_1548] {strides = array<i32>} : memref<4096xf32, #tpu.memory_space<vmem>>, vector<16xf32>,
        %mul3A_1550 = arith.constant 16 : i32
        %mul3A_1551 = arith.muli %add3A_1545, %mul3A_1550 : i32
        %add3A_1552 = vector.broadcast %mul3A_1551 : i32 to vector<16xi32>
        %add3A_1553 = arith.addi %add3A_1552, %iota3A : vector<16xi32>
        %gt3A_1554 = arith.cmpf ogt, %get3A_1549, %select_n3A_1540 : vector<16xf32>
        %select_n3A_1555 = arith.select %gt3A_1554, %get3A_1549, %select_n3A_1540 : vector<16xi1>, vector<16xf32>
        %select_n3A_1556 = arith.select %gt3A_1554, %add3A_1553, %select_n3A_1541 : vector<16xi1>, vector<16xi32>
        %scan3A_1557 = arith.constant 4 : i32
        %scan3A_1558 = arith.addi %scan3A_1497, %scan3A_1557 : i32
        %add3A_1559 = arith.constant 96 : i32
        %add3A_1560 = arith.addi %add3A_1559, %scan3A_1558 : i32
        %mul3A_1561 = arith.constant 16 : i32
        %mul3A_1562 = arith.muli %add3A_1560, %mul3A_1561 : i32
        %get3A_1563 = arith.index_cast %mul3A_1562 : i32 to index
        %get3A_1564 = tpu.vector_load %arg7[%get3A_1563] {strides = array<i32>} : memref<4096xf32, #tpu.memory_space<vmem>>, vector<16xf32>,
        %mul3A_1565 = arith.constant 16 : i32
        %mul3A_1566 = arith.muli %add3A_1560, %mul3A_1565 : i32
        %add3A_1567 = vector.broadcast %mul3A_1566 : i32 to vector<16xi32>
        %add3A_1568 = arith.addi %add3A_1567, %iota3A : vector<16xi32>
        %gt3A_1569 = arith.cmpf ogt, %get3A_1564, %select_n3A_1555 : vector<16xf32>
        %select_n3A_1570 = arith.select %gt3A_1569, %get3A_1564, %select_n3A_1555 : vector<16xi1>, vector<16xf32>
        %select_n3A_1571 = arith.select %gt3A_1569, %add3A_1568, %select_n3A_1556 : vector<16xi1>, vector<16xi32>
        %scan3A_1572 = arith.constant 5 : i32
        %scan3A_1573 = arith.addi %scan3A_1497, %scan3A_1572 : i32
        %add3A_1574 = arith.constant 96 : i32
        %add3A_1575 = arith.addi %add3A_1574, %scan3A_1573 : i32
        %mul3A_1576 = arith.constant 16 : i32
        %mul3A_1577 = arith.muli %add3A_1575, %mul3A_1576 : i32
        %get3A_1578 = arith.index_cast %mul3A_1577 : i32 to index
        %get3A_1579 = tpu.vector_load %arg7[%get3A_1578] {strides = array<i32>} : memref<4096xf32, #tpu.memory_space<vmem>>, vector<16xf32>,
        %mul3A_1580 = arith.constant 16 : i32
        %mul3A_1581 = arith.muli %add3A_1575, %mul3A_1580 : i32
        %add3A_1582 = vector.broadcast %mul3A_1581 : i32 to vector<16xi32>
        %add3A_1583 = arith.addi %add3A_1582, %iota3A : vector<16xi32>
        %gt3A_1584 = arith.cmpf ogt, %get3A_1579, %select_n3A_1570 : vector<16xf32>
        %select_n3A_1585 = arith.select %gt3A_1584, %get3A_1579, %select_n3A_1570 : vector<16xi1>, vector<16xf32>
        %select_n3A_1586 = arith.select %gt3A_1584, %add3A_1583, %select_n3A_1571 : vector<16xi1>, vector<16xi32>
        %scan3A_1587 = arith.constant 6 : i32
        %scan3A_1588 = arith.addi %scan3A_1497, %scan3A_1587 : i32
        %add3A_1589 = arith.constant 96 : i32
        %add3A_1590 = arith.addi %add3A_1589, %scan3A_1588 : i32
        %mul3A_1591 = arith.constant 16 : i32
        %mul3A_1592 = arith.muli %add3A_1590, %mul3A_1591 : i32
        %get3A_1593 = arith.index_cast %mul3A_1592 : i32 to index
        %get3A_1594 = tpu.vector_load %arg7[%get3A_1593] {strides = array<i32>} : memref<4096xf32, #tpu.memory_space<vmem>>, vector<16xf32>,
        %mul3A_1595 = arith.constant 16 : i32
        %mul3A_1596 = arith.muli %add3A_1590, %mul3A_1595 : i32
        %add3A_1597 = vector.broadcast %mul3A_1596 : i32 to vector<16xi32>
        %add3A_1598 = arith.addi %add3A_1597, %iota3A : vector<16xi32>
        %gt3A_1599 = arith.cmpf ogt, %get3A_1594, %select_n3A_1585 : vector<16xf32>
        %select_n3A_1600 = arith.select %gt3A_1599, %get3A_1594, %select_n3A_1585 : vector<16xi1>, vector<16xf32>
        %select_n3A_1601 = arith.select %gt3A_1599, %add3A_1598, %select_n3A_1586 : vector<16xi1>, vector<16xi32>
        %scan3A_1602 = arith.constant 7 : i32
        %scan3A_1603 = arith.addi %scan3A_1497, %scan3A_1602 : i32
        %add3A_1604 = arith.constant 96 : i32
        %add3A_1605 = arith.addi %add3A_1604, %scan3A_1603 : i32
        %mul3A_1606 = arith.constant 16 : i32
        %mul3A_1607 = arith.muli %add3A_1605, %mul3A_1606 : i32
        %get3A_1608 = arith.index_cast %mul3A_1607 : i32 to index
        %get3A_1609 = tpu.vector_load %arg7[%get3A_1608] {strides = array<i32>} : memref<4096xf32, #tpu.memory_space<vmem>>, vector<16xf32>,
        %mul3A_1610 = arith.constant 16 : i32
        %mul3A_1611 = arith.muli %add3A_1605, %mul3A_1610 : i32
        %add3A_1612 = vector.broadcast %mul3A_1611 : i32 to vector<16xi32>
        %add3A_1613 = arith.addi %add3A_1612, %iota3A : vector<16xi32>
        %gt3A_1614 = arith.cmpf ogt, %get3A_1609, %select_n3A_1600 : vector<16xf32>
        %select_n3A_1615 = arith.select %gt3A_1614, %get3A_1609, %select_n3A_1600 : vector<16xi1>, vector<16xf32>
        %select_n3A_1616 = arith.select %gt3A_1614, %add3A_1613, %select_n3A_1601 : vector<16xi1>, vector<16xi32>
        scf.yield %select_n3A_1615, %select_n3A_1616 : vector<16xf32>, vector<16xi32>
      }
      %scan3A_216 = arith.constant 32 : i32
      %broadcast_in_dim3A_217 = arith.constant 0xFF800000 : f32
      %broadcast_in_dim3A_218 = vector.broadcast %broadcast_in_dim3A_217 : f32 to vector<16xf32>
      %broadcast_in_dim3A_219 = arith.constant 0 : i32
      %broadcast_in_dim3A_220 = vector.broadcast %broadcast_in_dim3A_219 : i32 to vector<16xi32>
      %scan3A_221 = arith.constant 0 : i32
      %scan3A_222 = arith.constant 32 : i32
      %scan3A_223 = arith.addi %scan3A_221, %scan3A_222 : i32
      %scan3A_224 = arith.constant 8 : i32
      %scan3A_225:2 = scf.for %scan3A_1497 = %scan3A_221 to %scan3A_223 step %scan3A_224 iter_args(%scan3A_1498 = %broadcast_in_dim3A_218, %scan3A_1499 = %broadcast_in_dim3A_220) -> (vector<16xf32>, vector<16xi32>)  : i32 {
        %add3A_1500 = arith.constant 128 : i32
        %add3A_1501 = arith.addi %add3A_1500, %scan3A_1497 : i32
        %mul3A_1502 = arith.constant 16 : i32
        %mul3A_1503 = arith.muli %add3A_1501, %mul3A_1502 : i32
        %get3A_1504 = arith.index_cast %mul3A_1503 : i32 to index
        %get3A_1505 = tpu.vector_load %arg7[%get3A_1504] {strides = array<i32>} : memref<4096xf32, #tpu.memory_space<vmem>>, vector<16xf32>,
        %mul3A_1506 = arith.constant 16 : i32
        %mul3A_1507 = arith.muli %add3A_1501, %mul3A_1506 : i32
        %add3A_1508 = vector.broadcast %mul3A_1507 : i32 to vector<16xi32>
        %add3A_1509 = arith.addi %add3A_1508, %iota3A : vector<16xi32>
        %gt3A = arith.cmpf ogt, %get3A_1505, %scan3A_1498 : vector<16xf32>
        %select_n3A_1510 = arith.select %gt3A, %get3A_1505, %scan3A_1498 : vector<16xi1>, vector<16xf32>
        %select_n3A_1511 = arith.select %gt3A, %add3A_1509, %scan3A_1499 : vector<16xi1>, vector<16xi32>
        %scan3A_1512 = arith.constant 1 : i32
        %scan3A_1513 = arith.addi %scan3A_1497, %scan3A_1512 : i32
        %add3A_1514 = arith.constant 128 : i32
        %add3A_1515 = arith.addi %add3A_1514, %scan3A_1513 : i32
        %mul3A_1516 = arith.constant 16 : i32
        %mul3A_1517 = arith.muli %add3A_1515, %mul3A_1516 : i32
        %get3A_1518 = arith.index_cast %mul3A_1517 : i32 to index
        %get3A_1519 = tpu.vector_load %arg7[%get3A_1518] {strides = array<i32>} : memref<4096xf32, #tpu.memory_space<vmem>>, vector<16xf32>,
        %mul3A_1520 = arith.constant 16 : i32
        %mul3A_1521 = arith.muli %add3A_1515, %mul3A_1520 : i32
        %add3A_1522 = vector.broadcast %mul3A_1521 : i32 to vector<16xi32>
        %add3A_1523 = arith.addi %add3A_1522, %iota3A : vector<16xi32>
        %gt3A_1524 = arith.cmpf ogt, %get3A_1519, %select_n3A_1510 : vector<16xf32>
        %select_n3A_1525 = arith.select %gt3A_1524, %get3A_1519, %select_n3A_1510 : vector<16xi1>, vector<16xf32>
        %select_n3A_1526 = arith.select %gt3A_1524, %add3A_1523, %select_n3A_1511 : vector<16xi1>, vector<16xi32>
        %scan3A_1527 = arith.constant 2 : i32
        %scan3A_1528 = arith.addi %scan3A_1497, %scan3A_1527 : i32
        %add3A_1529 = arith.constant 128 : i32
        %add3A_1530 = arith.addi %add3A_1529, %scan3A_1528 : i32
        %mul3A_1531 = arith.constant 16 : i32
        %mul3A_1532 = arith.muli %add3A_1530, %mul3A_1531 : i32
        %get3A_1533 = arith.index_cast %mul3A_1532 : i32 to index
        %get3A_1534 = tpu.vector_load %arg7[%get3A_1533] {strides = array<i32>} : memref<4096xf32, #tpu.memory_space<vmem>>, vector<16xf32>,
        %mul3A_1535 = arith.constant 16 : i32
        %mul3A_1536 = arith.muli %add3A_1530, %mul3A_1535 : i32
        %add3A_1537 = vector.broadcast %mul3A_1536 : i32 to vector<16xi32>
        %add3A_1538 = arith.addi %add3A_1537, %iota3A : vector<16xi32>
        %gt3A_1539 = arith.cmpf ogt, %get3A_1534, %select_n3A_1525 : vector<16xf32>
        %select_n3A_1540 = arith.select %gt3A_1539, %get3A_1534, %select_n3A_1525 : vector<16xi1>, vector<16xf32>
        %select_n3A_1541 = arith.select %gt3A_1539, %add3A_1538, %select_n3A_1526 : vector<16xi1>, vector<16xi32>
        %scan3A_1542 = arith.constant 3 : i32
        %scan3A_1543 = arith.addi %scan3A_1497, %scan3A_1542 : i32
        %add3A_1544 = arith.constant 128 : i32
        %add3A_1545 = arith.addi %add3A_1544, %scan3A_1543 : i32
        %mul3A_1546 = arith.constant 16 : i32
        %mul3A_1547 = arith.muli %add3A_1545, %mul3A_1546 : i32
        %get3A_1548 = arith.index_cast %mul3A_1547 : i32 to index
        %get3A_1549 = tpu.vector_load %arg7[%get3A_1548] {strides = array<i32>} : memref<4096xf32, #tpu.memory_space<vmem>>, vector<16xf32>,
        %mul3A_1550 = arith.constant 16 : i32
        %mul3A_1551 = arith.muli %add3A_1545, %mul3A_1550 : i32
        %add3A_1552 = vector.broadcast %mul3A_1551 : i32 to vector<16xi32>
        %add3A_1553 = arith.addi %add3A_1552, %iota3A : vector<16xi32>
        %gt3A_1554 = arith.cmpf ogt, %get3A_1549, %select_n3A_1540 : vector<16xf32>
        %select_n3A_1555 = arith.select %gt3A_1554, %get3A_1549, %select_n3A_1540 : vector<16xi1>, vector<16xf32>
        %select_n3A_1556 = arith.select %gt3A_1554, %add3A_1553, %select_n3A_1541 : vector<16xi1>, vector<16xi32>
        %scan3A_1557 = arith.constant 4 : i32
        %scan3A_1558 = arith.addi %scan3A_1497, %scan3A_1557 : i32
        %add3A_1559 = arith.constant 128 : i32
        %add3A_1560 = arith.addi %add3A_1559, %scan3A_1558 : i32
        %mul3A_1561 = arith.constant 16 : i32
        %mul3A_1562 = arith.muli %add3A_1560, %mul3A_1561 : i32
        %get3A_1563 = arith.index_cast %mul3A_1562 : i32 to index
        %get3A_1564 = tpu.vector_load %arg7[%get3A_1563] {strides = array<i32>} : memref<4096xf32, #tpu.memory_space<vmem>>, vector<16xf32>,
        %mul3A_1565 = arith.constant 16 : i32
        %mul3A_1566 = arith.muli %add3A_1560, %mul3A_1565 : i32
        %add3A_1567 = vector.broadcast %mul3A_1566 : i32 to vector<16xi32>
        %add3A_1568 = arith.addi %add3A_1567, %iota3A : vector<16xi32>
        %gt3A_1569 = arith.cmpf ogt, %get3A_1564, %select_n3A_1555 : vector<16xf32>
        %select_n3A_1570 = arith.select %gt3A_1569, %get3A_1564, %select_n3A_1555 : vector<16xi1>, vector<16xf32>
        %select_n3A_1571 = arith.select %gt3A_1569, %add3A_1568, %select_n3A_1556 : vector<16xi1>, vector<16xi32>
        %scan3A_1572 = arith.constant 5 : i32
        %scan3A_1573 = arith.addi %scan3A_1497, %scan3A_1572 : i32
        %add3A_1574 = arith.constant 128 : i32
        %add3A_1575 = arith.addi %add3A_1574, %scan3A_1573 : i32
        %mul3A_1576 = arith.constant 16 : i32
        %mul3A_1577 = arith.muli %add3A_1575, %mul3A_1576 : i32
        %get3A_1578 = arith.index_cast %mul3A_1577 : i32 to index
        %get3A_1579 = tpu.vector_load %arg7[%get3A_1578] {strides = array<i32>} : memref<4096xf32, #tpu.memory_space<vmem>>, vector<16xf32>,
        %mul3A_1580 = arith.constant 16 : i32
        %mul3A_1581 = arith.muli %add3A_1575, %mul3A_1580 : i32
        %add3A_1582 = vector.broadcast %mul3A_1581 : i32 to vector<16xi32>
        %add3A_1583 = arith.addi %add3A_1582, %iota3A : vector<16xi32>
        %gt3A_1584 = arith.cmpf ogt, %get3A_1579, %select_n3A_1570 : vector<16xf32>
        %select_n3A_1585 = arith.select %gt3A_1584, %get3A_1579, %select_n3A_1570 : vector<16xi1>, vector<16xf32>
        %select_n3A_1586 = arith.select %gt3A_1584, %add3A_1583, %select_n3A_1571 : vector<16xi1>, vector<16xi32>
        %scan3A_1587 = arith.constant 6 : i32
        %scan3A_1588 = arith.addi %scan3A_1497, %scan3A_1587 : i32
        %add3A_1589 = arith.constant 128 : i32
        %add3A_1590 = arith.addi %add3A_1589, %scan3A_1588 : i32
        %mul3A_1591 = arith.constant 16 : i32
        %mul3A_1592 = arith.muli %add3A_1590, %mul3A_1591 : i32
        %get3A_1593 = arith.index_cast %mul3A_1592 : i32 to index
        %get3A_1594 = tpu.vector_load %arg7[%get3A_1593] {strides = array<i32>} : memref<4096xf32, #tpu.memory_space<vmem>>, vector<16xf32>,
        %mul3A_1595 = arith.constant 16 : i32
        %mul3A_1596 = arith.muli %add3A_1590, %mul3A_1595 : i32
        %add3A_1597 = vector.broadcast %mul3A_1596 : i32 to vector<16xi32>
        %add3A_1598 = arith.addi %add3A_1597, %iota3A : vector<16xi32>
        %gt3A_1599 = arith.cmpf ogt, %get3A_1594, %select_n3A_1585 : vector<16xf32>
        %select_n3A_1600 = arith.select %gt3A_1599, %get3A_1594, %select_n3A_1585 : vector<16xi1>, vector<16xf32>
        %select_n3A_1601 = arith.select %gt3A_1599, %add3A_1598, %select_n3A_1586 : vector<16xi1>, vector<16xi32>
        %scan3A_1602 = arith.constant 7 : i32
        %scan3A_1603 = arith.addi %scan3A_1497, %scan3A_1602 : i32
        %add3A_1604 = arith.constant 128 : i32
        %add3A_1605 = arith.addi %add3A_1604, %scan3A_1603 : i32
        %mul3A_1606 = arith.constant 16 : i32
        %mul3A_1607 = arith.muli %add3A_1605, %mul3A_1606 : i32
        %get3A_1608 = arith.index_cast %mul3A_1607 : i32 to index
        %get3A_1609 = tpu.vector_load %arg7[%get3A_1608] {strides = array<i32>} : memref<4096xf32, #tpu.memory_space<vmem>>, vector<16xf32>,
        %mul3A_1610 = arith.constant 16 : i32
        %mul3A_1611 = arith.muli %add3A_1605, %mul3A_1610 : i32
        %add3A_1612 = vector.broadcast %mul3A_1611 : i32 to vector<16xi32>
        %add3A_1613 = arith.addi %add3A_1612, %iota3A : vector<16xi32>
        %gt3A_1614 = arith.cmpf ogt, %get3A_1609, %select_n3A_1600 : vector<16xf32>
        %select_n3A_1615 = arith.select %gt3A_1614, %get3A_1609, %select_n3A_1600 : vector<16xi1>, vector<16xf32>
        %select_n3A_1616 = arith.select %gt3A_1614, %add3A_1613, %select_n3A_1601 : vector<16xi1>, vector<16xi32>
        scf.yield %select_n3A_1615, %select_n3A_1616 : vector<16xf32>, vector<16xi32>
      }
      %scan3A_226 = arith.constant 32 : i32
      %broadcast_in_dim3A_227 = arith.constant 0xFF800000 : f32
      %broadcast_in_dim3A_228 = vector.broadcast %broadcast_in_dim3A_227 : f32 to vector<16xf32>
      %broadcast_in_dim3A_229 = arith.constant 0 : i32
      %broadcast_in_dim3A_230 = vector.broadcast %broadcast_in_dim3A_229 : i32 to vector<16xi32>
      %scan3A_231 = arith.constant 0 : i32
      %scan3A_232 = arith.constant 32 : i32
      %scan3A_233 = arith.addi %scan3A_231, %scan3A_232 : i32
      %scan3A_234 = arith.constant 8 : i32
      %scan3A_235:2 = scf.for %scan3A_1497 = %scan3A_231 to %scan3A_233 step %scan3A_234 iter_args(%scan3A_1498 = %broadcast_in_dim3A_228, %scan3A_1499 = %broadcast_in_dim3A_230) -> (vector<16xf32>, vector<16xi32>)  : i32 {
        %add3A_1500 = arith.constant 160 : i32
        %add3A_1501 = arith.addi %add3A_1500, %scan3A_1497 : i32
        %mul3A_1502 = arith.constant 16 : i32
        %mul3A_1503 = arith.muli %add3A_1501, %mul3A_1502 : i32
        %get3A_1504 = arith.index_cast %mul3A_1503 : i32 to index
        %get3A_1505 = tpu.vector_load %arg7[%get3A_1504] {strides = array<i32>} : memref<4096xf32, #tpu.memory_space<vmem>>, vector<16xf32>,
        %mul3A_1506 = arith.constant 16 : i32
        %mul3A_1507 = arith.muli %add3A_1501, %mul3A_1506 : i32
        %add3A_1508 = vector.broadcast %mul3A_1507 : i32 to vector<16xi32>
        %add3A_1509 = arith.addi %add3A_1508, %iota3A : vector<16xi32>
        %gt3A = arith.cmpf ogt, %get3A_1505, %scan3A_1498 : vector<16xf32>
        %select_n3A_1510 = arith.select %gt3A, %get3A_1505, %scan3A_1498 : vector<16xi1>, vector<16xf32>
        %select_n3A_1511 = arith.select %gt3A, %add3A_1509, %scan3A_1499 : vector<16xi1>, vector<16xi32>
        %scan3A_1512 = arith.constant 1 : i32
        %scan3A_1513 = arith.addi %scan3A_1497, %scan3A_1512 : i32
        %add3A_1514 = arith.constant 160 : i32
        %add3A_1515 = arith.addi %add3A_1514, %scan3A_1513 : i32
        %mul3A_1516 = arith.constant 16 : i32
        %mul3A_1517 = arith.muli %add3A_1515, %mul3A_1516 : i32
        %get3A_1518 = arith.index_cast %mul3A_1517 : i32 to index
        %get3A_1519 = tpu.vector_load %arg7[%get3A_1518] {strides = array<i32>} : memref<4096xf32, #tpu.memory_space<vmem>>, vector<16xf32>,
        %mul3A_1520 = arith.constant 16 : i32
        %mul3A_1521 = arith.muli %add3A_1515, %mul3A_1520 : i32
        %add3A_1522 = vector.broadcast %mul3A_1521 : i32 to vector<16xi32>
        %add3A_1523 = arith.addi %add3A_1522, %iota3A : vector<16xi32>
        %gt3A_1524 = arith.cmpf ogt, %get3A_1519, %select_n3A_1510 : vector<16xf32>
        %select_n3A_1525 = arith.select %gt3A_1524, %get3A_1519, %select_n3A_1510 : vector<16xi1>, vector<16xf32>
        %select_n3A_1526 = arith.select %gt3A_1524, %add3A_1523, %select_n3A_1511 : vector<16xi1>, vector<16xi32>
        %scan3A_1527 = arith.constant 2 : i32
        %scan3A_1528 = arith.addi %scan3A_1497, %scan3A_1527 : i32
        %add3A_1529 = arith.constant 160 : i32
        %add3A_1530 = arith.addi %add3A_1529, %scan3A_1528 : i32
        %mul3A_1531 = arith.constant 16 : i32
        %mul3A_1532 = arith.muli %add3A_1530, %mul3A_1531 : i32
        %get3A_1533 = arith.index_cast %mul3A_1532 : i32 to index
        %get3A_1534 = tpu.vector_load %arg7[%get3A_1533] {strides = array<i32>} : memref<4096xf32, #tpu.memory_space<vmem>>, vector<16xf32>,
        %mul3A_1535 = arith.constant 16 : i32
        %mul3A_1536 = arith.muli %add3A_1530, %mul3A_1535 : i32
        %add3A_1537 = vector.broadcast %mul3A_1536 : i32 to vector<16xi32>
        %add3A_1538 = arith.addi %add3A_1537, %iota3A : vector<16xi32>
        %gt3A_1539 = arith.cmpf ogt, %get3A_1534, %select_n3A_1525 : vector<16xf32>
        %select_n3A_1540 = arith.select %gt3A_1539, %get3A_1534, %select_n3A_1525 : vector<16xi1>, vector<16xf32>
        %select_n3A_1541 = arith.select %gt3A_1539, %add3A_1538, %select_n3A_1526 : vector<16xi1>, vector<16xi32>
        %scan3A_1542 = arith.constant 3 : i32
        %scan3A_1543 = arith.addi %scan3A_1497, %scan3A_1542 : i32
        %add3A_1544 = arith.constant 160 : i32
        %add3A_1545 = arith.addi %add3A_1544, %scan3A_1543 : i32
        %mul3A_1546 = arith.constant 16 : i32
        %mul3A_1547 = arith.muli %add3A_1545, %mul3A_1546 : i32
        %get3A_1548 = arith.index_cast %mul3A_1547 : i32 to index
        %get3A_1549 = tpu.vector_load %arg7[%get3A_1548] {strides = array<i32>} : memref<4096xf32, #tpu.memory_space<vmem>>, vector<16xf32>,
        %mul3A_1550 = arith.constant 16 : i32
        %mul3A_1551 = arith.muli %add3A_1545, %mul3A_1550 : i32
        %add3A_1552 = vector.broadcast %mul3A_1551 : i32 to vector<16xi32>
        %add3A_1553 = arith.addi %add3A_1552, %iota3A : vector<16xi32>
        %gt3A_1554 = arith.cmpf ogt, %get3A_1549, %select_n3A_1540 : vector<16xf32>
        %select_n3A_1555 = arith.select %gt3A_1554, %get3A_1549, %select_n3A_1540 : vector<16xi1>, vector<16xf32>
        %select_n3A_1556 = arith.select %gt3A_1554, %add3A_1553, %select_n3A_1541 : vector<16xi1>, vector<16xi32>
        %scan3A_1557 = arith.constant 4 : i32
        %scan3A_1558 = arith.addi %scan3A_1497, %scan3A_1557 : i32
        %add3A_1559 = arith.constant 160 : i32
        %add3A_1560 = arith.addi %add3A_1559, %scan3A_1558 : i32
        %mul3A_1561 = arith.constant 16 : i32
        %mul3A_1562 = arith.muli %add3A_1560, %mul3A_1561 : i32
        %get3A_1563 = arith.index_cast %mul3A_1562 : i32 to index
        %get3A_1564 = tpu.vector_load %arg7[%get3A_1563] {strides = array<i32>} : memref<4096xf32, #tpu.memory_space<vmem>>, vector<16xf32>,
        %mul3A_1565 = arith.constant 16 : i32
        %mul3A_1566 = arith.muli %add3A_1560, %mul3A_1565 : i32
        %add3A_1567 = vector.broadcast %mul3A_1566 : i32 to vector<16xi32>
        %add3A_1568 = arith.addi %add3A_1567, %iota3A : vector<16xi32>
        %gt3A_1569 = arith.cmpf ogt, %get3A_1564, %select_n3A_1555 : vector<16xf32>
        %select_n3A_1570 = arith.select %gt3A_1569, %get3A_1564, %select_n3A_1555 : vector<16xi1>, vector<16xf32>
        %select_n3A_1571 = arith.select %gt3A_1569, %add3A_1568, %select_n3A_1556 : vector<16xi1>, vector<16xi32>
        %scan3A_1572 = arith.constant 5 : i32
        %scan3A_1573 = arith.addi %scan3A_1497, %scan3A_1572 : i32
        %add3A_1574 = arith.constant 160 : i32
        %add3A_1575 = arith.addi %add3A_1574, %scan3A_1573 : i32
        %mul3A_1576 = arith.constant 16 : i32
        %mul3A_1577 = arith.muli %add3A_1575, %mul3A_1576 : i32
        %get3A_1578 = arith.index_cast %mul3A_1577 : i32 to index
        %get3A_1579 = tpu.vector_load %arg7[%get3A_1578] {strides = array<i32>} : memref<4096xf32, #tpu.memory_space<vmem>>, vector<16xf32>,
        %mul3A_1580 = arith.constant 16 : i32
        %mul3A_1581 = arith.muli %add3A_1575, %mul3A_1580 : i32
        %add3A_1582 = vector.broadcast %mul3A_1581 : i32 to vector<16xi32>
        %add3A_1583 = arith.addi %add3A_1582, %iota3A : vector<16xi32>
        %gt3A_1584 = arith.cmpf ogt, %get3A_1579, %select_n3A_1570 : vector<16xf32>
        %select_n3A_1585 = arith.select %gt3A_1584, %get3A_1579, %select_n3A_1570 : vector<16xi1>, vector<16xf32>
        %select_n3A_1586 = arith.select %gt3A_1584, %add3A_1583, %select_n3A_1571 : vector<16xi1>, vector<16xi32>
        %scan3A_1587 = arith.constant 6 : i32
        %scan3A_1588 = arith.addi %scan3A_1497, %scan3A_1587 : i32
        %add3A_1589 = arith.constant 160 : i32
        %add3A_1590 = arith.addi %add3A_1589, %scan3A_1588 : i32
        %mul3A_1591 = arith.constant 16 : i32
        %mul3A_1592 = arith.muli %add3A_1590, %mul3A_1591 : i32
        %get3A_1593 = arith.index_cast %mul3A_1592 : i32 to index
        %get3A_1594 = tpu.vector_load %arg7[%get3A_1593] {strides = array<i32>} : memref<4096xf32, #tpu.memory_space<vmem>>, vector<16xf32>,
        %mul3A_1595 = arith.constant 16 : i32
        %mul3A_1596 = arith.muli %add3A_1590, %mul3A_1595 : i32
        %add3A_1597 = vector.broadcast %mul3A_1596 : i32 to vector<16xi32>
        %add3A_1598 = arith.addi %add3A_1597, %iota3A : vector<16xi32>
        %gt3A_1599 = arith.cmpf ogt, %get3A_1594, %select_n3A_1585 : vector<16xf32>
        %select_n3A_1600 = arith.select %gt3A_1599, %get3A_1594, %select_n3A_1585 : vector<16xi1>, vector<16xf32>
        %select_n3A_1601 = arith.select %gt3A_1599, %add3A_1598, %select_n3A_1586 : vector<16xi1>, vector<16xi32>
        %scan3A_1602 = arith.constant 7 : i32
        %scan3A_1603 = arith.addi %scan3A_1497, %scan3A_1602 : i32
        %add3A_1604 = arith.constant 160 : i32
        %add3A_1605 = arith.addi %add3A_1604, %scan3A_1603 : i32
        %mul3A_1606 = arith.constant 16 : i32
        %mul3A_1607 = arith.muli %add3A_1605, %mul3A_1606 : i32
        %get3A_1608 = arith.index_cast %mul3A_1607 : i32 to index
        %get3A_1609 = tpu.vector_load %arg7[%get3A_1608] {strides = array<i32>} : memref<4096xf32, #tpu.memory_space<vmem>>, vector<16xf32>,
        %mul3A_1610 = arith.constant 16 : i32
        %mul3A_1611 = arith.muli %add3A_1605, %mul3A_1610 : i32
        %add3A_1612 = vector.broadcast %mul3A_1611 : i32 to vector<16xi32>
        %add3A_1613 = arith.addi %add3A_1612, %iota3A : vector<16xi32>
        %gt3A_1614 = arith.cmpf ogt, %get3A_1609, %select_n3A_1600 : vector<16xf32>
        %select_n3A_1615 = arith.select %gt3A_1614, %get3A_1609, %select_n3A_1600 : vector<16xi1>, vector<16xf32>
        %select_n3A_1616 = arith.select %gt3A_1614, %add3A_1613, %select_n3A_1601 : vector<16xi1>, vector<16xi32>
        scf.yield %select_n3A_1615, %select_n3A_1616 : vector<16xf32>, vector<16xi32>
      }
      %scan3A_236 = arith.constant 32 : i32
      %broadcast_in_dim3A_237 = arith.constant 0xFF800000 : f32
      %broadcast_in_dim3A_238 = vector.broadcast %broadcast_in_dim3A_237 : f32 to vector<16xf32>
      %broadcast_in_dim3A_239 = arith.constant 0 : i32
      %broadcast_in_dim3A_240 = vector.broadcast %broadcast_in_dim3A_239 : i32 to vector<16xi32>
      %scan3A_241 = arith.constant 0 : i32
      %scan3A_242 = arith.constant 32 : i32
      %scan3A_243 = arith.addi %scan3A_241, %scan3A_242 : i32
      %scan3A_244 = arith.constant 8 : i32
      %scan3A_245:2 = scf.for %scan3A_1497 = %scan3A_241 to %scan3A_243 step %scan3A_244 iter_args(%scan3A_1498 = %broadcast_in_dim3A_238, %scan3A_1499 = %broadcast_in_dim3A_240) -> (vector<16xf32>, vector<16xi32>)  : i32 {
        %add3A_1500 = arith.constant 192 : i32
        %add3A_1501 = arith.addi %add3A_1500, %scan3A_1497 : i32
        %mul3A_1502 = arith.constant 16 : i32
        %mul3A_1503 = arith.muli %add3A_1501, %mul3A_1502 : i32
        %get3A_1504 = arith.index_cast %mul3A_1503 : i32 to index
        %get3A_1505 = tpu.vector_load %arg7[%get3A_1504] {strides = array<i32>} : memref<4096xf32, #tpu.memory_space<vmem>>, vector<16xf32>,
        %mul3A_1506 = arith.constant 16 : i32
        %mul3A_1507 = arith.muli %add3A_1501, %mul3A_1506 : i32
        %add3A_1508 = vector.broadcast %mul3A_1507 : i32 to vector<16xi32>
        %add3A_1509 = arith.addi %add3A_1508, %iota3A : vector<16xi32>
        %gt3A = arith.cmpf ogt, %get3A_1505, %scan3A_1498 : vector<16xf32>
        %select_n3A_1510 = arith.select %gt3A, %get3A_1505, %scan3A_1498 : vector<16xi1>, vector<16xf32>
        %select_n3A_1511 = arith.select %gt3A, %add3A_1509, %scan3A_1499 : vector<16xi1>, vector<16xi32>
        %scan3A_1512 = arith.constant 1 : i32
        %scan3A_1513 = arith.addi %scan3A_1497, %scan3A_1512 : i32
        %add3A_1514 = arith.constant 192 : i32
        %add3A_1515 = arith.addi %add3A_1514, %scan3A_1513 : i32
        %mul3A_1516 = arith.constant 16 : i32
        %mul3A_1517 = arith.muli %add3A_1515, %mul3A_1516 : i32
        %get3A_1518 = arith.index_cast %mul3A_1517 : i32 to index
        %get3A_1519 = tpu.vector_load %arg7[%get3A_1518] {strides = array<i32>} : memref<4096xf32, #tpu.memory_space<vmem>>, vector<16xf32>,
        %mul3A_1520 = arith.constant 16 : i32
        %mul3A_1521 = arith.muli %add3A_1515, %mul3A_1520 : i32
        %add3A_1522 = vector.broadcast %mul3A_1521 : i32 to vector<16xi32>
        %add3A_1523 = arith.addi %add3A_1522, %iota3A : vector<16xi32>
        %gt3A_1524 = arith.cmpf ogt, %get3A_1519, %select_n3A_1510 : vector<16xf32>
        %select_n3A_1525 = arith.select %gt3A_1524, %get3A_1519, %select_n3A_1510 : vector<16xi1>, vector<16xf32>
        %select_n3A_1526 = arith.select %gt3A_1524, %add3A_1523, %select_n3A_1511 : vector<16xi1>, vector<16xi32>
        %scan3A_1527 = arith.constant 2 : i32
        %scan3A_1528 = arith.addi %scan3A_1497, %scan3A_1527 : i32
        %add3A_1529 = arith.constant 192 : i32
        %add3A_1530 = arith.addi %add3A_1529, %scan3A_1528 : i32
        %mul3A_1531 = arith.constant 16 : i32
        %mul3A_1532 = arith.muli %add3A_1530, %mul3A_1531 : i32
        %get3A_1533 = arith.index_cast %mul3A_1532 : i32 to index
        %get3A_1534 = tpu.vector_load %arg7[%get3A_1533] {strides = array<i32>} : memref<4096xf32, #tpu.memory_space<vmem>>, vector<16xf32>,
        %mul3A_1535 = arith.constant 16 : i32
        %mul3A_1536 = arith.muli %add3A_1530, %mul3A_1535 : i32
        %add3A_1537 = vector.broadcast %mul3A_1536 : i32 to vector<16xi32>
        %add3A_1538 = arith.addi %add3A_1537, %iota3A : vector<16xi32>
        %gt3A_1539 = arith.cmpf ogt, %get3A_1534, %select_n3A_1525 : vector<16xf32>
        %select_n3A_1540 = arith.select %gt3A_1539, %get3A_1534, %select_n3A_1525 : vector<16xi1>, vector<16xf32>
        %select_n3A_1541 = arith.select %gt3A_1539, %add3A_1538, %select_n3A_1526 : vector<16xi1>, vector<16xi32>
        %scan3A_1542 = arith.constant 3 : i32
        %scan3A_1543 = arith.addi %scan3A_1497, %scan3A_1542 : i32
        %add3A_1544 = arith.constant 192 : i32
        %add3A_1545 = arith.addi %add3A_1544, %scan3A_1543 : i32
        %mul3A_1546 = arith.constant 16 : i32
        %mul3A_1547 = arith.muli %add3A_1545, %mul3A_1546 : i32
        %get3A_1548 = arith.index_cast %mul3A_1547 : i32 to index
        %get3A_1549 = tpu.vector_load %arg7[%get3A_1548] {strides = array<i32>} : memref<4096xf32, #tpu.memory_space<vmem>>, vector<16xf32>,
        %mul3A_1550 = arith.constant 16 : i32
        %mul3A_1551 = arith.muli %add3A_1545, %mul3A_1550 : i32
        %add3A_1552 = vector.broadcast %mul3A_1551 : i32 to vector<16xi32>
        %add3A_1553 = arith.addi %add3A_1552, %iota3A : vector<16xi32>
        %gt3A_1554 = arith.cmpf ogt, %get3A_1549, %select_n3A_1540 : vector<16xf32>
        %select_n3A_1555 = arith.select %gt3A_1554, %get3A_1549, %select_n3A_1540 : vector<16xi1>, vector<16xf32>
        %select_n3A_1556 = arith.select %gt3A_1554, %add3A_1553, %select_n3A_1541 : vector<16xi1>, vector<16xi32>
        %scan3A_1557 = arith.constant 4 : i32
        %scan3A_1558 = arith.addi %scan3A_1497, %scan3A_1557 : i32
        %add3A_1559 = arith.constant 192 : i32
        %add3A_1560 = arith.addi %add3A_1559, %scan3A_1558 : i32
        %mul3A_1561 = arith.constant 16 : i32
        %mul3A_1562 = arith.muli %add3A_1560, %mul3A_1561 : i32
        %get3A_1563 = arith.index_cast %mul3A_1562 : i32 to index
        %get3A_1564 = tpu.vector_load %arg7[%get3A_1563] {strides = array<i32>} : memref<4096xf32, #tpu.memory_space<vmem>>, vector<16xf32>,
        %mul3A_1565 = arith.constant 16 : i32
        %mul3A_1566 = arith.muli %add3A_1560, %mul3A_1565 : i32
        %add3A_1567 = vector.broadcast %mul3A_1566 : i32 to vector<16xi32>
        %add3A_1568 = arith.addi %add3A_1567, %iota3A : vector<16xi32>
        %gt3A_1569 = arith.cmpf ogt, %get3A_1564, %select_n3A_1555 : vector<16xf32>
        %select_n3A_1570 = arith.select %gt3A_1569, %get3A_1564, %select_n3A_1555 : vector<16xi1>, vector<16xf32>
        %select_n3A_1571 = arith.select %gt3A_1569, %add3A_1568, %select_n3A_1556 : vector<16xi1>, vector<16xi32>
        %scan3A_1572 = arith.constant 5 : i32
        %scan3A_1573 = arith.addi %scan3A_1497, %scan3A_1572 : i32
        %add3A_1574 = arith.constant 192 : i32
        %add3A_1575 = arith.addi %add3A_1574, %scan3A_1573 : i32
        %mul3A_1576 = arith.constant 16 : i32
        %mul3A_1577 = arith.muli %add3A_1575, %mul3A_1576 : i32
        %get3A_1578 = arith.index_cast %mul3A_1577 : i32 to index
        %get3A_1579 = tpu.vector_load %arg7[%get3A_1578] {strides = array<i32>} : memref<4096xf32, #tpu.memory_space<vmem>>, vector<16xf32>,
        %mul3A_1580 = arith.constant 16 : i32
        %mul3A_1581 = arith.muli %add3A_1575, %mul3A_1580 : i32
        %add3A_1582 = vector.broadcast %mul3A_1581 : i32 to vector<16xi32>
        %add3A_1583 = arith.addi %add3A_1582, %iota3A : vector<16xi32>
        %gt3A_1584 = arith.cmpf ogt, %get3A_1579, %select_n3A_1570 : vector<16xf32>
        %select_n3A_1585 = arith.select %gt3A_1584, %get3A_1579, %select_n3A_1570 : vector<16xi1>, vector<16xf32>
        %select_n3A_1586 = arith.select %gt3A_1584, %add3A_1583, %select_n3A_1571 : vector<16xi1>, vector<16xi32>
        %scan3A_1587 = arith.constant 6 : i32
        %scan3A_1588 = arith.addi %scan3A_1497, %scan3A_1587 : i32
        %add3A_1589 = arith.constant 192 : i32
        %add3A_1590 = arith.addi %add3A_1589, %scan3A_1588 : i32
        %mul3A_1591 = arith.constant 16 : i32
        %mul3A_1592 = arith.muli %add3A_1590, %mul3A_1591 : i32
        %get3A_1593 = arith.index_cast %mul3A_1592 : i32 to index
        %get3A_1594 = tpu.vector_load %arg7[%get3A_1593] {strides = array<i32>} : memref<4096xf32, #tpu.memory_space<vmem>>, vector<16xf32>,
        %mul3A_1595 = arith.constant 16 : i32
        %mul3A_1596 = arith.muli %add3A_1590, %mul3A_1595 : i32
        %add3A_1597 = vector.broadcast %mul3A_1596 : i32 to vector<16xi32>
        %add3A_1598 = arith.addi %add3A_1597, %iota3A : vector<16xi32>
        %gt3A_1599 = arith.cmpf ogt, %get3A_1594, %select_n3A_1585 : vector<16xf32>
        %select_n3A_1600 = arith.select %gt3A_1599, %get3A_1594, %select_n3A_1585 : vector<16xi1>, vector<16xf32>
        %select_n3A_1601 = arith.select %gt3A_1599, %add3A_1598, %select_n3A_1586 : vector<16xi1>, vector<16xi32>
        %scan3A_1602 = arith.constant 7 : i32
        %scan3A_1603 = arith.addi %scan3A_1497, %scan3A_1602 : i32
        %add3A_1604 = arith.constant 192 : i32
        %add3A_1605 = arith.addi %add3A_1604, %scan3A_1603 : i32
        %mul3A_1606 = arith.constant 16 : i32
        %mul3A_1607 = arith.muli %add3A_1605, %mul3A_1606 : i32
        %get3A_1608 = arith.index_cast %mul3A_1607 : i32 to index
        %get3A_1609 = tpu.vector_load %arg7[%get3A_1608] {strides = array<i32>} : memref<4096xf32, #tpu.memory_space<vmem>>, vector<16xf32>,
        %mul3A_1610 = arith.constant 16 : i32
        %mul3A_1611 = arith.muli %add3A_1605, %mul3A_1610 : i32
        %add3A_1612 = vector.broadcast %mul3A_1611 : i32 to vector<16xi32>
        %add3A_1613 = arith.addi %add3A_1612, %iota3A : vector<16xi32>
        %gt3A_1614 = arith.cmpf ogt, %get3A_1609, %select_n3A_1600 : vector<16xf32>
        %select_n3A_1615 = arith.select %gt3A_1614, %get3A_1609, %select_n3A_1600 : vector<16xi1>, vector<16xf32>
        %select_n3A_1616 = arith.select %gt3A_1614, %add3A_1613, %select_n3A_1601 : vector<16xi1>, vector<16xi32>
        scf.yield %select_n3A_1615, %select_n3A_1616 : vector<16xf32>, vector<16xi32>
      }
      %scan3A_246 = arith.constant 32 : i32
      %broadcast_in_dim3A_247 = arith.constant 0xFF800000 : f32
      %broadcast_in_dim3A_248 = vector.broadcast %broadcast_in_dim3A_247 : f32 to vector<16xf32>
      %broadcast_in_dim3A_249 = arith.constant 0 : i32
      %broadcast_in_dim3A_250 = vector.broadcast %broadcast_in_dim3A_249 : i32 to vector<16xi32>
      %scan3A_251 = arith.constant 0 : i32
      %scan3A_252 = arith.constant 32 : i32
      %scan3A_253 = arith.addi %scan3A_251, %scan3A_252 : i32
      %scan3A_254 = arith.constant 8 : i32
      %scan3A_255:2 = scf.for %scan3A_1497 = %scan3A_251 to %scan3A_253 step %scan3A_254 iter_args(%scan3A_1498 = %broadcast_in_dim3A_248, %scan3A_1499 = %broadcast_in_dim3A_250) -> (vector<16xf32>, vector<16xi32>)  : i32 {
        %add3A_1500 = arith.constant 224 : i32
        %add3A_1501 = arith.addi %add3A_1500, %scan3A_1497 : i32
        %mul3A_1502 = arith.constant 16 : i32
        %mul3A_1503 = arith.muli %add3A_1501, %mul3A_1502 : i32
        %get3A_1504 = arith.index_cast %mul3A_1503 : i32 to index
        %get3A_1505 = tpu.vector_load %arg7[%get3A_1504] {strides = array<i32>} : memref<4096xf32, #tpu.memory_space<vmem>>, vector<16xf32>,
        %mul3A_1506 = arith.constant 16 : i32
        %mul3A_1507 = arith.muli %add3A_1501, %mul3A_1506 : i32
        %add3A_1508 = vector.broadcast %mul3A_1507 : i32 to vector<16xi32>
        %add3A_1509 = arith.addi %add3A_1508, %iota3A : vector<16xi32>
        %gt3A = arith.cmpf ogt, %get3A_1505, %scan3A_1498 : vector<16xf32>
        %select_n3A_1510 = arith.select %gt3A, %get3A_1505, %scan3A_1498 : vector<16xi1>, vector<16xf32>
        %select_n3A_1511 = arith.select %gt3A, %add3A_1509, %scan3A_1499 : vector<16xi1>, vector<16xi32>
        %scan3A_1512 = arith.constant 1 : i32
        %scan3A_1513 = arith.addi %scan3A_1497, %scan3A_1512 : i32
        %add3A_1514 = arith.constant 224 : i32
        %add3A_1515 = arith.addi %add3A_1514, %scan3A_1513 : i32
        %mul3A_1516 = arith.constant 16 : i32
        %mul3A_1517 = arith.muli %add3A_1515, %mul3A_1516 : i32
        %get3A_1518 = arith.index_cast %mul3A_1517 : i32 to index
        %get3A_1519 = tpu.vector_load %arg7[%get3A_1518] {strides = array<i32>} : memref<4096xf32, #tpu.memory_space<vmem>>, vector<16xf32>,
        %mul3A_1520 = arith.constant 16 : i32
        %mul3A_1521 = arith.muli %add3A_1515, %mul3A_1520 : i32
        %add3A_1522 = vector.broadcast %mul3A_1521 : i32 to vector<16xi32>
        %add3A_1523 = arith.addi %add3A_1522, %iota3A : vector<16xi32>
        %gt3A_1524 = arith.cmpf ogt, %get3A_1519, %select_n3A_1510 : vector<16xf32>
        %select_n3A_1525 = arith.select %gt3A_1524, %get3A_1519, %select_n3A_1510 : vector<16xi1>, vector<16xf32>
        %select_n3A_1526 = arith.select %gt3A_1524, %add3A_1523, %select_n3A_1511 : vector<16xi1>, vector<16xi32>
        %scan3A_1527 = arith.constant 2 : i32
        %scan3A_1528 = arith.addi %scan3A_1497, %scan3A_1527 : i32
        %add3A_1529 = arith.constant 224 : i32
        %add3A_1530 = arith.addi %add3A_1529, %scan3A_1528 : i32
        %mul3A_1531 = arith.constant 16 : i32
        %mul3A_1532 = arith.muli %add3A_1530, %mul3A_1531 : i32
        %get3A_1533 = arith.index_cast %mul3A_1532 : i32 to index
        %get3A_1534 = tpu.vector_load %arg7[%get3A_1533] {strides = array<i32>} : memref<4096xf32, #tpu.memory_space<vmem>>, vector<16xf32>,
        %mul3A_1535 = arith.constant 16 : i32
        %mul3A_1536 = arith.muli %add3A_1530, %mul3A_1535 : i32
        %add3A_1537 = vector.broadcast %mul3A_1536 : i32 to vector<16xi32>
        %add3A_1538 = arith.addi %add3A_1537, %iota3A : vector<16xi32>
        %gt3A_1539 = arith.cmpf ogt, %get3A_1534, %select_n3A_1525 : vector<16xf32>
        %select_n3A_1540 = arith.select %gt3A_1539, %get3A_1534, %select_n3A_1525 : vector<16xi1>, vector<16xf32>
        %select_n3A_1541 = arith.select %gt3A_1539, %add3A_1538, %select_n3A_1526 : vector<16xi1>, vector<16xi32>
        %scan3A_1542 = arith.constant 3 : i32
        %scan3A_1543 = arith.addi %scan3A_1497, %scan3A_1542 : i32
        %add3A_1544 = arith.constant 224 : i32
        %add3A_1545 = arith.addi %add3A_1544, %scan3A_1543 : i32
        %mul3A_1546 = arith.constant 16 : i32
        %mul3A_1547 = arith.muli %add3A_1545, %mul3A_1546 : i32
        %get3A_1548 = arith.index_cast %mul3A_1547 : i32 to index
        %get3A_1549 = tpu.vector_load %arg7[%get3A_1548] {strides = array<i32>} : memref<4096xf32, #tpu.memory_space<vmem>>, vector<16xf32>,
        %mul3A_1550 = arith.constant 16 : i32
        %mul3A_1551 = arith.muli %add3A_1545, %mul3A_1550 : i32
        %add3A_1552 = vector.broadcast %mul3A_1551 : i32 to vector<16xi32>
        %add3A_1553 = arith.addi %add3A_1552, %iota3A : vector<16xi32>
        %gt3A_1554 = arith.cmpf ogt, %get3A_1549, %select_n3A_1540 : vector<16xf32>
        %select_n3A_1555 = arith.select %gt3A_1554, %get3A_1549, %select_n3A_1540 : vector<16xi1>, vector<16xf32>
        %select_n3A_1556 = arith.select %gt3A_1554, %add3A_1553, %select_n3A_1541 : vector<16xi1>, vector<16xi32>
        %scan3A_1557 = arith.constant 4 : i32
        %scan3A_1558 = arith.addi %scan3A_1497, %scan3A_1557 : i32
        %add3A_1559 = arith.constant 224 : i32
        %add3A_1560 = arith.addi %add3A_1559, %scan3A_1558 : i32
        %mul3A_1561 = arith.constant 16 : i32
        %mul3A_1562 = arith.muli %add3A_1560, %mul3A_1561 : i32
        %get3A_1563 = arith.index_cast %mul3A_1562 : i32 to index
        %get3A_1564 = tpu.vector_load %arg7[%get3A_1563] {strides = array<i32>} : memref<4096xf32, #tpu.memory_space<vmem>>, vector<16xf32>,
        %mul3A_1565 = arith.constant 16 : i32
        %mul3A_1566 = arith.muli %add3A_1560, %mul3A_1565 : i32
        %add3A_1567 = vector.broadcast %mul3A_1566 : i32 to vector<16xi32>
        %add3A_1568 = arith.addi %add3A_1567, %iota3A : vector<16xi32>
        %gt3A_1569 = arith.cmpf ogt, %get3A_1564, %select_n3A_1555 : vector<16xf32>
        %select_n3A_1570 = arith.select %gt3A_1569, %get3A_1564, %select_n3A_1555 : vector<16xi1>, vector<16xf32>
        %select_n3A_1571 = arith.select %gt3A_1569, %add3A_1568, %select_n3A_1556 : vector<16xi1>, vector<16xi32>
        %scan3A_1572 = arith.constant 5 : i32
        %scan3A_1573 = arith.addi %scan3A_1497, %scan3A_1572 : i32
        %add3A_1574 = arith.constant 224 : i32
        %add3A_1575 = arith.addi %add3A_1574, %scan3A_1573 : i32
        %mul3A_1576 = arith.constant 16 : i32
        %mul3A_1577 = arith.muli %add3A_1575, %mul3A_1576 : i32
        %get3A_1578 = arith.index_cast %mul3A_1577 : i32 to index
        %get3A_1579 = tpu.vector_load %arg7[%get3A_1578] {strides = array<i32>} : memref<4096xf32, #tpu.memory_space<vmem>>, vector<16xf32>,
        %mul3A_1580 = arith.constant 16 : i32
        %mul3A_1581 = arith.muli %add3A_1575, %mul3A_1580 : i32
        %add3A_1582 = vector.broadcast %mul3A_1581 : i32 to vector<16xi32>
        %add3A_1583 = arith.addi %add3A_1582, %iota3A : vector<16xi32>
        %gt3A_1584 = arith.cmpf ogt, %get3A_1579, %select_n3A_1570 : vector<16xf32>
        %select_n3A_1585 = arith.select %gt3A_1584, %get3A_1579, %select_n3A_1570 : vector<16xi1>, vector<16xf32>
        %select_n3A_1586 = arith.select %gt3A_1584, %add3A_1583, %select_n3A_1571 : vector<16xi1>, vector<16xi32>
        %scan3A_1587 = arith.constant 6 : i32
        %scan3A_1588 = arith.addi %scan3A_1497, %scan3A_1587 : i32
        %add3A_1589 = arith.constant 224 : i32
        %add3A_1590 = arith.addi %add3A_1589, %scan3A_1588 : i32
        %mul3A_1591 = arith.constant 16 : i32
        %mul3A_1592 = arith.muli %add3A_1590, %mul3A_1591 : i32
        %get3A_1593 = arith.index_cast %mul3A_1592 : i32 to index
        %get3A_1594 = tpu.vector_load %arg7[%get3A_1593] {strides = array<i32>} : memref<4096xf32, #tpu.memory_space<vmem>>, vector<16xf32>,
        %mul3A_1595 = arith.constant 16 : i32
        %mul3A_1596 = arith.muli %add3A_1590, %mul3A_1595 : i32
        %add3A_1597 = vector.broadcast %mul3A_1596 : i32 to vector<16xi32>
        %add3A_1598 = arith.addi %add3A_1597, %iota3A : vector<16xi32>
        %gt3A_1599 = arith.cmpf ogt, %get3A_1594, %select_n3A_1585 : vector<16xf32>
        %select_n3A_1600 = arith.select %gt3A_1599, %get3A_1594, %select_n3A_1585 : vector<16xi1>, vector<16xf32>
        %select_n3A_1601 = arith.select %gt3A_1599, %add3A_1598, %select_n3A_1586 : vector<16xi1>, vector<16xi32>
        %scan3A_1602 = arith.constant 7 : i32
        %scan3A_1603 = arith.addi %scan3A_1497, %scan3A_1602 : i32
        %add3A_1604 = arith.constant 224 : i32
        %add3A_1605 = arith.addi %add3A_1604, %scan3A_1603 : i32
        %mul3A_1606 = arith.constant 16 : i32
        %mul3A_1607 = arith.muli %add3A_1605, %mul3A_1606 : i32
        %get3A_1608 = arith.index_cast %mul3A_1607 : i32 to index
        %get3A_1609 = tpu.vector_load %arg7[%get3A_1608] {strides = array<i32>} : memref<4096xf32, #tpu.memory_space<vmem>>, vector<16xf32>,
        %mul3A_1610 = arith.constant 16 : i32
        %mul3A_1611 = arith.muli %add3A_1605, %mul3A_1610 : i32
        %add3A_1612 = vector.broadcast %mul3A_1611 : i32 to vector<16xi32>
        %add3A_1613 = arith.addi %add3A_1612, %iota3A : vector<16xi32>
        %gt3A_1614 = arith.cmpf ogt, %get3A_1609, %select_n3A_1600 : vector<16xf32>
        %select_n3A_1615 = arith.select %gt3A_1614, %get3A_1609, %select_n3A_1600 : vector<16xi1>, vector<16xf32>
        %select_n3A_1616 = arith.select %gt3A_1614, %add3A_1613, %select_n3A_1601 : vector<16xi1>, vector<16xi32>
        scf.yield %select_n3A_1615, %select_n3A_1616 : vector<16xf32>, vector<16xi32>
      }
      %scan3A_256 = arith.constant 32 : i32
      %broadcast_in_dim3A_257 = arith.constant 0 : i32
      %broadcast_in_dim3A_258 = vector.broadcast %broadcast_in_dim3A_257 : i32 to vector<16xi32>
      %max3A = arith.maximumf %scan3A_185#0, %scan3A_195#0 : vector<16xf32>
      %max3A_259 = arith.maximumf %max3A, %scan3A_205#0 : vector<16xf32>
      %max3A_260 = arith.maximumf %max3A_259, %scan3A_215#0 : vector<16xf32>
      %max3A_261 = arith.maximumf %max3A_260, %scan3A_225#0 : vector<16xf32>
      %max3A_262 = arith.maximumf %max3A_261, %scan3A_235#0 : vector<16xf32>
      %max3A_263 = arith.maximumf %max3A_262, %scan3A_245#0 : vector<16xf32>
      %max3A_264 = arith.maximumf %max3A_263, %scan3A_255#0 : vector<16xf32>
      %reduce_max3A = arith.constant true
      %reduce_max3A_265 = vector.broadcast %reduce_max3A : i1 to vector<16xi1>
      %reduce_max3A_266 = tpu.scan <max>, %max3A_264 masked %reduce_max3A_265 : vector<16xf32>, vector<16xi1> -> vector<16xf32>
      %reduce_max3A_267 = vector.extract %reduce_max3A_266[15] : f32 from vector<16xf32>
      %broadcast_in_dim3A_268 = arith.constant 1073741824 : i32
      %broadcast_in_dim3A_269 = vector.broadcast %broadcast_in_dim3A_268 : i32 to vector<16xi32>
      %eq3A = vector.broadcast %reduce_max3A_267 : f32 to vector<16xf32>
      %eq3A_270 = arith.cmpf oeq, %scan3A_185#0, %eq3A : vector<16xf32>
      %min3A = arith.minsi %broadcast_in_dim3A_269, %scan3A_185#1 : vector<16xi32>
      %select_n3A = arith.select %eq3A_270, %min3A, %broadcast_in_dim3A_269 : vector<16xi1>, vector<16xi32>
      %eq3A_271 = vector.broadcast %reduce_max3A_267 : f32 to vector<16xf32>
      %eq3A_272 = arith.cmpf oeq, %scan3A_195#0, %eq3A_271 : vector<16xf32>
      %min3A_273 = arith.minsi %select_n3A, %scan3A_195#1 : vector<16xi32>
      %select_n3A_274 = arith.select %eq3A_272, %min3A_273, %select_n3A : vector<16xi1>, vector<16xi32>
      %eq3A_275 = vector.broadcast %reduce_max3A_267 : f32 to vector<16xf32>
      %eq3A_276 = arith.cmpf oeq, %scan3A_205#0, %eq3A_275 : vector<16xf32>
      %min3A_277 = arith.minsi %select_n3A_274, %scan3A_205#1 : vector<16xi32>
      %select_n3A_278 = arith.select %eq3A_276, %min3A_277, %select_n3A_274 : vector<16xi1>, vector<16xi32>
      %eq3A_279 = vector.broadcast %reduce_max3A_267 : f32 to vector<16xf32>
      %eq3A_280 = arith.cmpf oeq, %scan3A_215#0, %eq3A_279 : vector<16xf32>
      %min3A_281 = arith.minsi %select_n3A_278, %scan3A_215#1 : vector<16xi32>
      %select_n3A_282 = arith.select %eq3A_280, %min3A_281, %select_n3A_278 : vector<16xi1>, vector<16xi32>
      %eq3A_283 = vector.broadcast %reduce_max3A_267 : f32 to vector<16xf32>
      %eq3A_284 = arith.cmpf oeq, %scan3A_225#0, %eq3A_283 : vector<16xf32>
      %min3A_285 = arith.minsi %select_n3A_282, %scan3A_225#1 : vector<16xi32>
      %select_n3A_286 = arith.select %eq3A_284, %min3A_285, %select_n3A_282 : vector<16xi1>, vector<16xi32>
      %eq3A_287 = vector.broadcast %reduce_max3A_267 : f32 to vector<16xf32>
      %eq3A_288 = arith.cmpf oeq, %scan3A_235#0, %eq3A_287 : vector<16xf32>
      %min3A_289 = arith.minsi %select_n3A_286, %scan3A_235#1 : vector<16xi32>
      %select_n3A_290 = arith.select %eq3A_288, %min3A_289, %select_n3A_286 : vector<16xi1>, vector<16xi32>
      %eq3A_291 = vector.broadcast %reduce_max3A_267 : f32 to vector<16xf32>
      %eq3A_292 = arith.cmpf oeq, %scan3A_245#0, %eq3A_291 : vector<16xf32>
      %min3A_293 = arith.minsi %select_n3A_290, %scan3A_245#1 : vector<16xi32>
      %select_n3A_294 = arith.select %eq3A_292, %min3A_293, %select_n3A_290 : vector<16xi1>, vector<16xi32>
      %eq3A_295 = vector.broadcast %reduce_max3A_267 : f32 to vector<16xf32>
      %eq3A_296 = arith.cmpf oeq, %scan3A_255#0, %eq3A_295 : vector<16xf32>
      %min3A_297 = arith.minsi %select_n3A_294, %scan3A_255#1 : vector<16xi32>
      %select_n3A_298 = arith.select %eq3A_296, %min3A_297, %select_n3A_294 : vector<16xi1>, vector<16xi32>
      %reduce_min3A = arith.constant true
      %reduce_min3A_299 = vector.broadcast %reduce_min3A : i1 to vector<16xi1>
      %reduce_min3A_300 = arith.constant -2147483648 : i32
      %reduce_min3A_301 = vector.broadcast %reduce_min3A_300 : i32 to vector<16xi32>
      %reduce_min3A_302 = arith.xori %select_n3A_298, %reduce_min3A_301 : vector<16xi32>
      %reduce_min3A_303 = tpu.scan <min>, %reduce_min3A_302 masked %reduce_min3A_299 : vector<16xi32>, vector<16xi1> -> vector<16xi32>
      %reduce_min3A_304 = arith.xori %reduce_min3A_303, %reduce_min3A_301 : vector<16xi32>
      %reduce_min3A_305 = vector.extract %reduce_min3A_304[15] : i32 from vector<16xi32>
      %eq3A_306 = arith.constant 0 : i32
      %eq3A_307 = vector.broadcast %eq3A_306 : i32 to vector<16xi32>
      %eq3A_308 = arith.cmpi eq, %iota3A, %eq3A_307 : vector<16xi32>
      %broadcast_in_dim3A_309 = vector.broadcast %reduce_min3A_305 : i32 to vector<16xi32>
      %select_n3A_310 = arith.select %eq3A_308, %broadcast_in_dim3A_309, %broadcast_in_dim3A_258 : vector<16xi1>, vector<16xi32>
      %jit3A = arith.constant 512 : i32
      %div3A = arith.divsi %reduce_min3A_305, %jit3A : i32
      %sign3A = arith.constant 0 : i32
      %sign3A_311 = arith.cmpi sgt, %reduce_min3A_305, %sign3A : i32
      %sign3A_312 = arith.extui %sign3A_311 : i1 to i32
      %sign3A_313 = arith.constant 0 : i32
      %sign3A_314 = arith.cmpi slt, %reduce_min3A_305, %sign3A_313 : i32
      %sign3A_315 = arith.extui %sign3A_314 : i1 to i32
      %sign3A_316 = arith.subi %sign3A_312, %sign3A_315 : i32
      %sign3A_317 = arith.constant 0 : i32
      %sign3A_318 = arith.cmpi sgt, %jit3A, %sign3A_317 : i32
      %sign3A_319 = arith.extui %sign3A_318 : i1 to i32
      %sign3A_320 = arith.constant 0 : i32
      %sign3A_321 = arith.cmpi slt, %jit3A, %sign3A_320 : i32
      %sign3A_322 = arith.extui %sign3A_321 : i1 to i32
      %sign3A_323 = arith.subi %sign3A_319, %sign3A_322 : i32
      %ne3A = arith.cmpi ne, %sign3A_316, %sign3A_323 : i32
      %rem3A = arith.remsi %reduce_min3A_305, %jit3A : i32
      %ne3A_324 = arith.constant 0 : i32
      %ne3A_325 = arith.cmpi ne, %rem3A, %ne3A_324 : i32
      %and3A = arith.andi %ne3A, %ne3A_325 : i1
      %sub3A = arith.constant 1 : i32
      %sub3A_326 = arith.subi %div3A, %sub3A : i32
      %select_n3A_327 = arith.select %and3A, %sub3A_326, %div3A : i32
      %broadcast_in_dim3A_328 = arith.constant 0 : i32
      %broadcast_in_dim3A_329 = vector.broadcast %broadcast_in_dim3A_328 : i32 to vector<16xi32>
      %add3A_330 = vector.broadcast %reduce_min3A_305 : i32 to vector<16xi32>
      %add3A_331 = arith.addi %broadcast_in_dim3A_329, %add3A_330 : vector<16xi32>
      %broadcast_in_dim3A_332 = arith.constant 0xFF800000 : f32
      %broadcast_in_dim3A_333 = vector.broadcast %broadcast_in_dim3A_332 : f32 to vector<16xf32>
      %eq3A_334 = arith.constant 0 : i32
      %eq3A_335 = vector.broadcast %eq3A_334 : i32 to vector<16xi32>
      %eq3A_336 = arith.cmpi eq, %iota3A, %eq3A_335 : vector<16xi32>
      tpu.vector_store_idx %arg7[%add3A_331], %broadcast_in_dim3A_333 masked %eq3A_336 : memref<4096xf32, #tpu.memory_space<vmem>>[vector<16xi32>], vector<16xf32>, vector<16xi1>
      %mul3A_337 = arith.constant 32 : i32
      %mul3A_338 = arith.muli %select_n3A_327, %mul3A_337 : i32
      %broadcast_in_dim3A_339 = arith.constant 0xFF800000 : f32
      %broadcast_in_dim3A_340 = vector.broadcast %broadcast_in_dim3A_339 : f32 to vector<16xf32>
      %broadcast_in_dim3A_341 = arith.constant 0 : i32
      %broadcast_in_dim3A_342 = vector.broadcast %broadcast_in_dim3A_341 : i32 to vector<16xi32>
      %scan3A_343 = arith.constant 0 : i32
      %scan3A_344 = arith.constant 32 : i32
      %scan3A_345 = arith.addi %scan3A_343, %scan3A_344 : i32
      %scan3A_346 = arith.constant 8 : i32
      %scan3A_347:2 = scf.for %scan3A_1497 = %scan3A_343 to %scan3A_345 step %scan3A_346 iter_args(%scan3A_1498 = %broadcast_in_dim3A_340, %scan3A_1499 = %broadcast_in_dim3A_342) -> (vector<16xf32>, vector<16xi32>)  : i32 {
        %add3A_1500 = arith.addi %mul3A_338, %scan3A_1497 : i32
        %mul3A_1501 = arith.constant 16 : i32
        %mul3A_1502 = arith.muli %add3A_1500, %mul3A_1501 : i32
        %get3A_1503 = arith.index_cast %mul3A_1502 : i32 to index
        %get3A_1504 = tpu.vector_load %arg7[%get3A_1503] {strides = array<i32>} : memref<4096xf32, #tpu.memory_space<vmem>>, vector<16xf32>,
        %mul3A_1505 = arith.constant 16 : i32
        %mul3A_1506 = arith.muli %add3A_1500, %mul3A_1505 : i32
        %add3A_1507 = vector.broadcast %mul3A_1506 : i32 to vector<16xi32>
        %add3A_1508 = arith.addi %add3A_1507, %iota3A : vector<16xi32>
        %gt3A = arith.cmpf ogt, %get3A_1504, %scan3A_1498 : vector<16xf32>
        %select_n3A_1509 = arith.select %gt3A, %get3A_1504, %scan3A_1498 : vector<16xi1>, vector<16xf32>
        %select_n3A_1510 = arith.select %gt3A, %add3A_1508, %scan3A_1499 : vector<16xi1>, vector<16xi32>
        %scan3A_1511 = arith.constant 1 : i32
        %scan3A_1512 = arith.addi %scan3A_1497, %scan3A_1511 : i32
        %add3A_1513 = arith.addi %mul3A_338, %scan3A_1512 : i32
        %mul3A_1514 = arith.constant 16 : i32
        %mul3A_1515 = arith.muli %add3A_1513, %mul3A_1514 : i32
        %get3A_1516 = arith.index_cast %mul3A_1515 : i32 to index
        %get3A_1517 = tpu.vector_load %arg7[%get3A_1516] {strides = array<i32>} : memref<4096xf32, #tpu.memory_space<vmem>>, vector<16xf32>,
        %mul3A_1518 = arith.constant 16 : i32
        %mul3A_1519 = arith.muli %add3A_1513, %mul3A_1518 : i32
        %add3A_1520 = vector.broadcast %mul3A_1519 : i32 to vector<16xi32>
        %add3A_1521 = arith.addi %add3A_1520, %iota3A : vector<16xi32>
        %gt3A_1522 = arith.cmpf ogt, %get3A_1517, %select_n3A_1509 : vector<16xf32>
        %select_n3A_1523 = arith.select %gt3A_1522, %get3A_1517, %select_n3A_1509 : vector<16xi1>, vector<16xf32>
        %select_n3A_1524 = arith.select %gt3A_1522, %add3A_1521, %select_n3A_1510 : vector<16xi1>, vector<16xi32>
        %scan3A_1525 = arith.constant 2 : i32
        %scan3A_1526 = arith.addi %scan3A_1497, %scan3A_1525 : i32
        %add3A_1527 = arith.addi %mul3A_338, %scan3A_1526 : i32
        %mul3A_1528 = arith.constant 16 : i32
        %mul3A_1529 = arith.muli %add3A_1527, %mul3A_1528 : i32
        %get3A_1530 = arith.index_cast %mul3A_1529 : i32 to index
        %get3A_1531 = tpu.vector_load %arg7[%get3A_1530] {strides = array<i32>} : memref<4096xf32, #tpu.memory_space<vmem>>, vector<16xf32>,
        %mul3A_1532 = arith.constant 16 : i32
        %mul3A_1533 = arith.muli %add3A_1527, %mul3A_1532 : i32
        %add3A_1534 = vector.broadcast %mul3A_1533 : i32 to vector<16xi32>
        %add3A_1535 = arith.addi %add3A_1534, %iota3A : vector<16xi32>
        %gt3A_1536 = arith.cmpf ogt, %get3A_1531, %select_n3A_1523 : vector<16xf32>
        %select_n3A_1537 = arith.select %gt3A_1536, %get3A_1531, %select_n3A_1523 : vector<16xi1>, vector<16xf32>
        %select_n3A_1538 = arith.select %gt3A_1536, %add3A_1535, %select_n3A_1524 : vector<16xi1>, vector<16xi32>
        %scan3A_1539 = arith.constant 3 : i32
        %scan3A_1540 = arith.addi %scan3A_1497, %scan3A_1539 : i32
        %add3A_1541 = arith.addi %mul3A_338, %scan3A_1540 : i32
        %mul3A_1542 = arith.constant 16 : i32
        %mul3A_1543 = arith.muli %add3A_1541, %mul3A_1542 : i32
        %get3A_1544 = arith.index_cast %mul3A_1543 : i32 to index
        %get3A_1545 = tpu.vector_load %arg7[%get3A_1544] {strides = array<i32>} : memref<4096xf32, #tpu.memory_space<vmem>>, vector<16xf32>,
        %mul3A_1546 = arith.constant 16 : i32
        %mul3A_1547 = arith.muli %add3A_1541, %mul3A_1546 : i32
        %add3A_1548 = vector.broadcast %mul3A_1547 : i32 to vector<16xi32>
        %add3A_1549 = arith.addi %add3A_1548, %iota3A : vector<16xi32>
        %gt3A_1550 = arith.cmpf ogt, %get3A_1545, %select_n3A_1537 : vector<16xf32>
        %select_n3A_1551 = arith.select %gt3A_1550, %get3A_1545, %select_n3A_1537 : vector<16xi1>, vector<16xf32>
        %select_n3A_1552 = arith.select %gt3A_1550, %add3A_1549, %select_n3A_1538 : vector<16xi1>, vector<16xi32>
        %scan3A_1553 = arith.constant 4 : i32
        %scan3A_1554 = arith.addi %scan3A_1497, %scan3A_1553 : i32
        %add3A_1555 = arith.addi %mul3A_338, %scan3A_1554 : i32
        %mul3A_1556 = arith.constant 16 : i32
        %mul3A_1557 = arith.muli %add3A_1555, %mul3A_1556 : i32
        %get3A_1558 = arith.index_cast %mul3A_1557 : i32 to index
        %get3A_1559 = tpu.vector_load %arg7[%get3A_1558] {strides = array<i32>} : memref<4096xf32, #tpu.memory_space<vmem>>, vector<16xf32>,
        %mul3A_1560 = arith.constant 16 : i32
        %mul3A_1561 = arith.muli %add3A_1555, %mul3A_1560 : i32
        %add3A_1562 = vector.broadcast %mul3A_1561 : i32 to vector<16xi32>
        %add3A_1563 = arith.addi %add3A_1562, %iota3A : vector<16xi32>
        %gt3A_1564 = arith.cmpf ogt, %get3A_1559, %select_n3A_1551 : vector<16xf32>
        %select_n3A_1565 = arith.select %gt3A_1564, %get3A_1559, %select_n3A_1551 : vector<16xi1>, vector<16xf32>
        %select_n3A_1566 = arith.select %gt3A_1564, %add3A_1563, %select_n3A_1552 : vector<16xi1>, vector<16xi32>
        %scan3A_1567 = arith.constant 5 : i32
        %scan3A_1568 = arith.addi %scan3A_1497, %scan3A_1567 : i32
        %add3A_1569 = arith.addi %mul3A_338, %scan3A_1568 : i32
        %mul3A_1570 = arith.constant 16 : i32
        %mul3A_1571 = arith.muli %add3A_1569, %mul3A_1570 : i32
        %get3A_1572 = arith.index_cast %mul3A_1571 : i32 to index
        %get3A_1573 = tpu.vector_load %arg7[%get3A_1572] {strides = array<i32>} : memref<4096xf32, #tpu.memory_space<vmem>>, vector<16xf32>,
        %mul3A_1574 = arith.constant 16 : i32
        %mul3A_1575 = arith.muli %add3A_1569, %mul3A_1574 : i32
        %add3A_1576 = vector.broadcast %mul3A_1575 : i32 to vector<16xi32>
        %add3A_1577 = arith.addi %add3A_1576, %iota3A : vector<16xi32>
        %gt3A_1578 = arith.cmpf ogt, %get3A_1573, %select_n3A_1565 : vector<16xf32>
        %select_n3A_1579 = arith.select %gt3A_1578, %get3A_1573, %select_n3A_1565 : vector<16xi1>, vector<16xf32>
        %select_n3A_1580 = arith.select %gt3A_1578, %add3A_1577, %select_n3A_1566 : vector<16xi1>, vector<16xi32>
        %scan3A_1581 = arith.constant 6 : i32
        %scan3A_1582 = arith.addi %scan3A_1497, %scan3A_1581 : i32
        %add3A_1583 = arith.addi %mul3A_338, %scan3A_1582 : i32
        %mul3A_1584 = arith.constant 16 : i32
        %mul3A_1585 = arith.muli %add3A_1583, %mul3A_1584 : i32
        %get3A_1586 = arith.index_cast %mul3A_1585 : i32 to index
        %get3A_1587 = tpu.vector_load %arg7[%get3A_1586] {strides = array<i32>} : memref<4096xf32, #tpu.memory_space<vmem>>, vector<16xf32>,
        %mul3A_1588 = arith.constant 16 : i32
        %mul3A_1589 = arith.muli %add3A_1583, %mul3A_1588 : i32
        %add3A_1590 = vector.broadcast %mul3A_1589 : i32 to vector<16xi32>
        %add3A_1591 = arith.addi %add3A_1590, %iota3A : vector<16xi32>
        %gt3A_1592 = arith.cmpf ogt, %get3A_1587, %select_n3A_1579 : vector<16xf32>
        %select_n3A_1593 = arith.select %gt3A_1592, %get3A_1587, %select_n3A_1579 : vector<16xi1>, vector<16xf32>
        %select_n3A_1594 = arith.select %gt3A_1592, %add3A_1591, %select_n3A_1580 : vector<16xi1>, vector<16xi32>
        %scan3A_1595 = arith.constant 7 : i32
        %scan3A_1596 = arith.addi %scan3A_1497, %scan3A_1595 : i32
        %add3A_1597 = arith.addi %mul3A_338, %scan3A_1596 : i32
        %mul3A_1598 = arith.constant 16 : i32
        %mul3A_1599 = arith.muli %add3A_1597, %mul3A_1598 : i32
        %get3A_1600 = arith.index_cast %mul3A_1599 : i32 to index
        %get3A_1601 = tpu.vector_load %arg7[%get3A_1600] {strides = array<i32>} : memref<4096xf32, #tpu.memory_space<vmem>>, vector<16xf32>,
        %mul3A_1602 = arith.constant 16 : i32
        %mul3A_1603 = arith.muli %add3A_1597, %mul3A_1602 : i32
        %add3A_1604 = vector.broadcast %mul3A_1603 : i32 to vector<16xi32>
        %add3A_1605 = arith.addi %add3A_1604, %iota3A : vector<16xi32>
        %gt3A_1606 = arith.cmpf ogt, %get3A_1601, %select_n3A_1593 : vector<16xf32>
        %select_n3A_1607 = arith.select %gt3A_1606, %get3A_1601, %select_n3A_1593 : vector<16xi1>, vector<16xf32>
        %select_n3A_1608 = arith.select %gt3A_1606, %add3A_1605, %select_n3A_1594 : vector<16xi1>, vector<16xi32>
        scf.yield %select_n3A_1607, %select_n3A_1608 : vector<16xf32>, vector<16xi32>
      }
      %scan3A_348 = arith.constant 32 : i32
      %broadcast_in_dim3A_349 = arith.constant 0 : i32
      %broadcast_in_dim3A_350 = vector.broadcast %broadcast_in_dim3A_349 : i32 to vector<16xi32>
      %eq3A_351 = vector.broadcast %select_n3A_327 : i32 to vector<16xi32>
      %eq3A_352 = arith.cmpi eq, %broadcast_in_dim3A_350, %eq3A_351 : vector<16xi32>
      %select_n3A_353 = arith.select %eq3A_352, %scan3A_347#0, %scan3A_185#0 : vector<16xi1>, vector<16xf32>
      %select_n3A_354 = arith.select %eq3A_352, %scan3A_347#1, %scan3A_185#1 : vector<16xi1>, vector<16xi32>
      %broadcast_in_dim3A_355 = arith.constant 1 : i32
      %broadcast_in_dim3A_356 = vector.broadcast %broadcast_in_dim3A_355 : i32 to vector<16xi32>
      %eq3A_357 = vector.broadcast %select_n3A_327 : i32 to vector<16xi32>
      %eq3A_358 = arith.cmpi eq, %broadcast_in_dim3A_356, %eq3A_357 : vector<16xi32>
      %select_n3A_359 = arith.select %eq3A_358, %scan3A_347#0, %scan3A_195#0 : vector<16xi1>, vector<16xf32>
      %select_n3A_360 = arith.select %eq3A_358, %scan3A_347#1, %scan3A_195#1 : vector<16xi1>, vector<16xi32>
      %broadcast_in_dim3A_361 = arith.constant 2 : i32
      %broadcast_in_dim3A_362 = vector.broadcast %broadcast_in_dim3A_361 : i32 to vector<16xi32>
      %eq3A_363 = vector.broadcast %select_n3A_327 : i32 to vector<16xi32>
      %eq3A_364 = arith.cmpi eq, %broadcast_in_dim3A_362, %eq3A_363 : vector<16xi32>
      %select_n3A_365 = arith.select %eq3A_364, %scan3A_347#0, %scan3A_205#0 : vector<16xi1>, vector<16xf32>
      %select_n3A_366 = arith.select %eq3A_364, %scan3A_347#1, %scan3A_205#1 : vector<16xi1>, vector<16xi32>
      %broadcast_in_dim3A_367 = arith.constant 3 : i32
      %broadcast_in_dim3A_368 = vector.broadcast %broadcast_in_dim3A_367 : i32 to vector<16xi32>
      %eq3A_369 = vector.broadcast %select_n3A_327 : i32 to vector<16xi32>
      %eq3A_370 = arith.cmpi eq, %broadcast_in_dim3A_368, %eq3A_369 : vector<16xi32>
      %select_n3A_371 = arith.select %eq3A_370, %scan3A_347#0, %scan3A_215#0 : vector<16xi1>, vector<16xf32>
      %select_n3A_372 = arith.select %eq3A_370, %scan3A_347#1, %scan3A_215#1 : vector<16xi1>, vector<16xi32>
      %broadcast_in_dim3A_373 = arith.constant 4 : i32
      %broadcast_in_dim3A_374 = vector.broadcast %broadcast_in_dim3A_373 : i32 to vector<16xi32>
      %eq3A_375 = vector.broadcast %select_n3A_327 : i32 to vector<16xi32>
      %eq3A_376 = arith.cmpi eq, %broadcast_in_dim3A_374, %eq3A_375 : vector<16xi32>
      %select_n3A_377 = arith.select %eq3A_376, %scan3A_347#0, %scan3A_225#0 : vector<16xi1>, vector<16xf32>
      %select_n3A_378 = arith.select %eq3A_376, %scan3A_347#1, %scan3A_225#1 : vector<16xi1>, vector<16xi32>
      %broadcast_in_dim3A_379 = arith.constant 5 : i32
      %broadcast_in_dim3A_380 = vector.broadcast %broadcast_in_dim3A_379 : i32 to vector<16xi32>
      %eq3A_381 = vector.broadcast %select_n3A_327 : i32 to vector<16xi32>
      %eq3A_382 = arith.cmpi eq, %broadcast_in_dim3A_380, %eq3A_381 : vector<16xi32>
      %select_n3A_383 = arith.select %eq3A_382, %scan3A_347#0, %scan3A_235#0 : vector<16xi1>, vector<16xf32>
      %select_n3A_384 = arith.select %eq3A_382, %scan3A_347#1, %scan3A_235#1 : vector<16xi1>, vector<16xi32>
      %broadcast_in_dim3A_385 = arith.constant 6 : i32
      %broadcast_in_dim3A_386 = vector.broadcast %broadcast_in_dim3A_385 : i32 to vector<16xi32>
      %eq3A_387 = vector.broadcast %select_n3A_327 : i32 to vector<16xi32>
      %eq3A_388 = arith.cmpi eq, %broadcast_in_dim3A_386, %eq3A_387 : vector<16xi32>
      %select_n3A_389 = arith.select %eq3A_388, %scan3A_347#0, %scan3A_245#0 : vector<16xi1>, vector<16xf32>
      %select_n3A_390 = arith.select %eq3A_388, %scan3A_347#1, %scan3A_245#1 : vector<16xi1>, vector<16xi32>
      %broadcast_in_dim3A_391 = arith.constant 7 : i32
      %broadcast_in_dim3A_392 = vector.broadcast %broadcast_in_dim3A_391 : i32 to vector<16xi32>
      %eq3A_393 = vector.broadcast %select_n3A_327 : i32 to vector<16xi32>
      %eq3A_394 = arith.cmpi eq, %broadcast_in_dim3A_392, %eq3A_393 : vector<16xi32>
      %select_n3A_395 = arith.select %eq3A_394, %scan3A_347#0, %scan3A_255#0 : vector<16xi1>, vector<16xf32>
      %select_n3A_396 = arith.select %eq3A_394, %scan3A_347#1, %scan3A_255#1 : vector<16xi1>, vector<16xi32>
      %max3A_397 = arith.maximumf %select_n3A_353, %select_n3A_359 : vector<16xf32>
      %max3A_398 = arith.maximumf %max3A_397, %select_n3A_365 : vector<16xf32>
      %max3A_399 = arith.maximumf %max3A_398, %select_n3A_371 : vector<16xf32>
      %max3A_400 = arith.maximumf %max3A_399, %select_n3A_377 : vector<16xf32>
      %max3A_401 = arith.maximumf %max3A_400, %select_n3A_383 : vector<16xf32>
      %max3A_402 = arith.maximumf %max3A_401, %select_n3A_389 : vector<16xf32>
      %max3A_403 = arith.maximumf %max3A_402, %select_n3A_395 : vector<16xf32>
      %reduce_max3A_404 = arith.constant true
      %reduce_max3A_405 = vector.broadcast %reduce_max3A_404 : i1 to vector<16xi1>
      %reduce_max3A_406 = tpu.scan <max>, %max3A_403 masked %reduce_max3A_405 : vector<16xf32>, vector<16xi1> -> vector<16xf32>
      %reduce_max3A_407 = vector.extract %reduce_max3A_406[15] : f32 from vector<16xf32>
      %broadcast_in_dim3A_408 = arith.constant 1073741824 : i32
      %broadcast_in_dim3A_409 = vector.broadcast %broadcast_in_dim3A_408 : i32 to vector<16xi32>
      %eq3A_410 = vector.broadcast %reduce_max3A_407 : f32 to vector<16xf32>
      %eq3A_411 = arith.cmpf oeq, %select_n3A_353, %eq3A_410 : vector<16xf32>
      %min3A_412 = arith.minsi %broadcast_in_dim3A_409, %select_n3A_354 : vector<16xi32>
      %select_n3A_413 = arith.select %eq3A_411, %min3A_412, %broadcast_in_dim3A_409 : vector<16xi1>, vector<16xi32>
      %eq3A_414 = vector.broadcast %reduce_max3A_407 : f32 to vector<16xf32>
      %eq3A_415 = arith.cmpf oeq, %select_n3A_359, %eq3A_414 : vector<16xf32>
      %min3A_416 = arith.minsi %select_n3A_413, %select_n3A_360 : vector<16xi32>
      %select_n3A_417 = arith.select %eq3A_415, %min3A_416, %select_n3A_413 : vector<16xi1>, vector<16xi32>
      %eq3A_418 = vector.broadcast %reduce_max3A_407 : f32 to vector<16xf32>
      %eq3A_419 = arith.cmpf oeq, %select_n3A_365, %eq3A_418 : vector<16xf32>
      %min3A_420 = arith.minsi %select_n3A_417, %select_n3A_366 : vector<16xi32>
      %select_n3A_421 = arith.select %eq3A_419, %min3A_420, %select_n3A_417 : vector<16xi1>, vector<16xi32>
      %eq3A_422 = vector.broadcast %reduce_max3A_407 : f32 to vector<16xf32>
      %eq3A_423 = arith.cmpf oeq, %select_n3A_371, %eq3A_422 : vector<16xf32>
      %min3A_424 = arith.minsi %select_n3A_421, %select_n3A_372 : vector<16xi32>
      %select_n3A_425 = arith.select %eq3A_423, %min3A_424, %select_n3A_421 : vector<16xi1>, vector<16xi32>
      %eq3A_426 = vector.broadcast %reduce_max3A_407 : f32 to vector<16xf32>
      %eq3A_427 = arith.cmpf oeq, %select_n3A_377, %eq3A_426 : vector<16xf32>
      %min3A_428 = arith.minsi %select_n3A_425, %select_n3A_378 : vector<16xi32>
      %select_n3A_429 = arith.select %eq3A_427, %min3A_428, %select_n3A_425 : vector<16xi1>, vector<16xi32>
      %eq3A_430 = vector.broadcast %reduce_max3A_407 : f32 to vector<16xf32>
      %eq3A_431 = arith.cmpf oeq, %select_n3A_383, %eq3A_430 : vector<16xf32>
      %min3A_432 = arith.minsi %select_n3A_429, %select_n3A_384 : vector<16xi32>
      %select_n3A_433 = arith.select %eq3A_431, %min3A_432, %select_n3A_429 : vector<16xi1>, vector<16xi32>
      %eq3A_434 = vector.broadcast %reduce_max3A_407 : f32 to vector<16xf32>
      %eq3A_435 = arith.cmpf oeq, %select_n3A_389, %eq3A_434 : vector<16xf32>
      %min3A_436 = arith.minsi %select_n3A_433, %select_n3A_390 : vector<16xi32>
      %select_n3A_437 = arith.select %eq3A_435, %min3A_436, %select_n3A_433 : vector<16xi1>, vector<16xi32>
      %eq3A_438 = vector.broadcast %reduce_max3A_407 : f32 to vector<16xf32>
      %eq3A_439 = arith.cmpf oeq, %select_n3A_395, %eq3A_438 : vector<16xf32>
      %min3A_440 = arith.minsi %select_n3A_437, %select_n3A_396 : vector<16xi32>
      %select_n3A_441 = arith.select %eq3A_439, %min3A_440, %select_n3A_437 : vector<16xi1>, vector<16xi32>
      %reduce_min3A_442 = arith.constant true
      %reduce_min3A_443 = vector.broadcast %reduce_min3A_442 : i1 to vector<16xi1>
      %reduce_min3A_444 = arith.constant -2147483648 : i32
      %reduce_min3A_445 = vector.broadcast %reduce_min3A_444 : i32 to vector<16xi32>
      %reduce_min3A_446 = arith.xori %select_n3A_441, %reduce_min3A_445 : vector<16xi32>
      %reduce_min3A_447 = tpu.scan <min>, %reduce_min3A_446 masked %reduce_min3A_443 : vector<16xi32>, vector<16xi1> -> vector<16xi32>
      %reduce_min3A_448 = arith.xori %reduce_min3A_447, %reduce_min3A_445 : vector<16xi32>
      %reduce_min3A_449 = vector.extract %reduce_min3A_448[15] : i32 from vector<16xi32>
      %eq3A_450 = arith.constant 1 : i32
      %eq3A_451 = vector.broadcast %eq3A_450 : i32 to vector<16xi32>
      %eq3A_452 = arith.cmpi eq, %iota3A, %eq3A_451 : vector<16xi32>
      %broadcast_in_dim3A_453 = vector.broadcast %reduce_min3A_449 : i32 to vector<16xi32>
      %select_n3A_454 = arith.select %eq3A_452, %broadcast_in_dim3A_453, %select_n3A_310 : vector<16xi1>, vector<16xi32>
      %jit3A_455 = arith.constant 512 : i32
      %div3A_456 = arith.divsi %reduce_min3A_449, %jit3A_455 : i32
      %sign3A_457 = arith.constant 0 : i32
      %sign3A_458 = arith.cmpi sgt, %reduce_min3A_449, %sign3A_457 : i32
      %sign3A_459 = arith.extui %sign3A_458 : i1 to i32
      %sign3A_460 = arith.constant 0 : i32
      %sign3A_461 = arith.cmpi slt, %reduce_min3A_449, %sign3A_460 : i32
      %sign3A_462 = arith.extui %sign3A_461 : i1 to i32
      %sign3A_463 = arith.subi %sign3A_459, %sign3A_462 : i32
      %sign3A_464 = arith.constant 0 : i32
      %sign3A_465 = arith.cmpi sgt, %jit3A_455, %sign3A_464 : i32
      %sign3A_466 = arith.extui %sign3A_465 : i1 to i32
      %sign3A_467 = arith.constant 0 : i32
      %sign3A_468 = arith.cmpi slt, %jit3A_455, %sign3A_467 : i32
      %sign3A_469 = arith.extui %sign3A_468 : i1 to i32
      %sign3A_470 = arith.subi %sign3A_466, %sign3A_469 : i32
      %ne3A_471 = arith.cmpi ne, %sign3A_463, %sign3A_470 : i32
      %rem3A_472 = arith.remsi %reduce_min3A_449, %jit3A_455 : i32
      %ne3A_473 = arith.constant 0 : i32
      %ne3A_474 = arith.cmpi ne, %rem3A_472, %ne3A_473 : i32
      %and3A_475 = arith.andi %ne3A_471, %ne3A_474 : i1
      %sub3A_476 = arith.constant 1 : i32
      %sub3A_477 = arith.subi %div3A_456, %sub3A_476 : i32
      %select_n3A_478 = arith.select %and3A_475, %sub3A_477, %div3A_456 : i32
      %broadcast_in_dim3A_479 = arith.constant 0 : i32
      %broadcast_in_dim3A_480 = vector.broadcast %broadcast_in_dim3A_479 : i32 to vector<16xi32>
      %add3A_481 = vector.broadcast %reduce_min3A_449 : i32 to vector<16xi32>
      %add3A_482 = arith.addi %broadcast_in_dim3A_480, %add3A_481 : vector<16xi32>
      %broadcast_in_dim3A_483 = arith.constant 0xFF800000 : f32
      %broadcast_in_dim3A_484 = vector.broadcast %broadcast_in_dim3A_483 : f32 to vector<16xf32>
      %eq3A_485 = arith.constant 0 : i32
      %eq3A_486 = vector.broadcast %eq3A_485 : i32 to vector<16xi32>
      %eq3A_487 = arith.cmpi eq, %iota3A, %eq3A_486 : vector<16xi32>
      tpu.vector_store_idx %arg7[%add3A_482], %broadcast_in_dim3A_484 masked %eq3A_487 : memref<4096xf32, #tpu.memory_space<vmem>>[vector<16xi32>], vector<16xf32>, vector<16xi1>
      %mul3A_488 = arith.constant 32 : i32
      %mul3A_489 = arith.muli %select_n3A_478, %mul3A_488 : i32
      %broadcast_in_dim3A_490 = arith.constant 0xFF800000 : f32
      %broadcast_in_dim3A_491 = vector.broadcast %broadcast_in_dim3A_490 : f32 to vector<16xf32>
      %broadcast_in_dim3A_492 = arith.constant 0 : i32
      %broadcast_in_dim3A_493 = vector.broadcast %broadcast_in_dim3A_492 : i32 to vector<16xi32>
      %scan3A_494 = arith.constant 0 : i32
      %scan3A_495 = arith.constant 32 : i32
      %scan3A_496 = arith.addi %scan3A_494, %scan3A_495 : i32
      %scan3A_497 = arith.constant 8 : i32
      %scan3A_498:2 = scf.for %scan3A_1497 = %scan3A_494 to %scan3A_496 step %scan3A_497 iter_args(%scan3A_1498 = %broadcast_in_dim3A_491, %scan3A_1499 = %broadcast_in_dim3A_493) -> (vector<16xf32>, vector<16xi32>)  : i32 {
        %add3A_1500 = arith.addi %mul3A_489, %scan3A_1497 : i32
        %mul3A_1501 = arith.constant 16 : i32
        %mul3A_1502 = arith.muli %add3A_1500, %mul3A_1501 : i32
        %get3A_1503 = arith.index_cast %mul3A_1502 : i32 to index
        %get3A_1504 = tpu.vector_load %arg7[%get3A_1503] {strides = array<i32>} : memref<4096xf32, #tpu.memory_space<vmem>>, vector<16xf32>,
        %mul3A_1505 = arith.constant 16 : i32
        %mul3A_1506 = arith.muli %add3A_1500, %mul3A_1505 : i32
        %add3A_1507 = vector.broadcast %mul3A_1506 : i32 to vector<16xi32>
        %add3A_1508 = arith.addi %add3A_1507, %iota3A : vector<16xi32>
        %gt3A = arith.cmpf ogt, %get3A_1504, %scan3A_1498 : vector<16xf32>
        %select_n3A_1509 = arith.select %gt3A, %get3A_1504, %scan3A_1498 : vector<16xi1>, vector<16xf32>
        %select_n3A_1510 = arith.select %gt3A, %add3A_1508, %scan3A_1499 : vector<16xi1>, vector<16xi32>
        %scan3A_1511 = arith.constant 1 : i32
        %scan3A_1512 = arith.addi %scan3A_1497, %scan3A_1511 : i32
        %add3A_1513 = arith.addi %mul3A_489, %scan3A_1512 : i32
        %mul3A_1514 = arith.constant 16 : i32
        %mul3A_1515 = arith.muli %add3A_1513, %mul3A_1514 : i32
        %get3A_1516 = arith.index_cast %mul3A_1515 : i32 to index
        %get3A_1517 = tpu.vector_load %arg7[%get3A_1516] {strides = array<i32>} : memref<4096xf32, #tpu.memory_space<vmem>>, vector<16xf32>,
        %mul3A_1518 = arith.constant 16 : i32
        %mul3A_1519 = arith.muli %add3A_1513, %mul3A_1518 : i32
        %add3A_1520 = vector.broadcast %mul3A_1519 : i32 to vector<16xi32>
        %add3A_1521 = arith.addi %add3A_1520, %iota3A : vector<16xi32>
        %gt3A_1522 = arith.cmpf ogt, %get3A_1517, %select_n3A_1509 : vector<16xf32>
        %select_n3A_1523 = arith.select %gt3A_1522, %get3A_1517, %select_n3A_1509 : vector<16xi1>, vector<16xf32>
        %select_n3A_1524 = arith.select %gt3A_1522, %add3A_1521, %select_n3A_1510 : vector<16xi1>, vector<16xi32>
        %scan3A_1525 = arith.constant 2 : i32
        %scan3A_1526 = arith.addi %scan3A_1497, %scan3A_1525 : i32
        %add3A_1527 = arith.addi %mul3A_489, %scan3A_1526 : i32
        %mul3A_1528 = arith.constant 16 : i32
        %mul3A_1529 = arith.muli %add3A_1527, %mul3A_1528 : i32
        %get3A_1530 = arith.index_cast %mul3A_1529 : i32 to index
        %get3A_1531 = tpu.vector_load %arg7[%get3A_1530] {strides = array<i32>} : memref<4096xf32, #tpu.memory_space<vmem>>, vector<16xf32>,
        %mul3A_1532 = arith.constant 16 : i32
        %mul3A_1533 = arith.muli %add3A_1527, %mul3A_1532 : i32
        %add3A_1534 = vector.broadcast %mul3A_1533 : i32 to vector<16xi32>
        %add3A_1535 = arith.addi %add3A_1534, %iota3A : vector<16xi32>
        %gt3A_1536 = arith.cmpf ogt, %get3A_1531, %select_n3A_1523 : vector<16xf32>
        %select_n3A_1537 = arith.select %gt3A_1536, %get3A_1531, %select_n3A_1523 : vector<16xi1>, vector<16xf32>
        %select_n3A_1538 = arith.select %gt3A_1536, %add3A_1535, %select_n3A_1524 : vector<16xi1>, vector<16xi32>
        %scan3A_1539 = arith.constant 3 : i32
        %scan3A_1540 = arith.addi %scan3A_1497, %scan3A_1539 : i32
        %add3A_1541 = arith.addi %mul3A_489, %scan3A_1540 : i32
        %mul3A_1542 = arith.constant 16 : i32
        %mul3A_1543 = arith.muli %add3A_1541, %mul3A_1542 : i32
        %get3A_1544 = arith.index_cast %mul3A_1543 : i32 to index
        %get3A_1545 = tpu.vector_load %arg7[%get3A_1544] {strides = array<i32>} : memref<4096xf32, #tpu.memory_space<vmem>>, vector<16xf32>,
        %mul3A_1546 = arith.constant 16 : i32
        %mul3A_1547 = arith.muli %add3A_1541, %mul3A_1546 : i32
        %add3A_1548 = vector.broadcast %mul3A_1547 : i32 to vector<16xi32>
        %add3A_1549 = arith.addi %add3A_1548, %iota3A : vector<16xi32>
        %gt3A_1550 = arith.cmpf ogt, %get3A_1545, %select_n3A_1537 : vector<16xf32>
        %select_n3A_1551 = arith.select %gt3A_1550, %get3A_1545, %select_n3A_1537 : vector<16xi1>, vector<16xf32>
        %select_n3A_1552 = arith.select %gt3A_1550, %add3A_1549, %select_n3A_1538 : vector<16xi1>, vector<16xi32>
        %scan3A_1553 = arith.constant 4 : i32
        %scan3A_1554 = arith.addi %scan3A_1497, %scan3A_1553 : i32
        %add3A_1555 = arith.addi %mul3A_489, %scan3A_1554 : i32
        %mul3A_1556 = arith.constant 16 : i32
        %mul3A_1557 = arith.muli %add3A_1555, %mul3A_1556 : i32
        %get3A_1558 = arith.index_cast %mul3A_1557 : i32 to index
        %get3A_1559 = tpu.vector_load %arg7[%get3A_1558] {strides = array<i32>} : memref<4096xf32, #tpu.memory_space<vmem>>, vector<16xf32>,
        %mul3A_1560 = arith.constant 16 : i32
        %mul3A_1561 = arith.muli %add3A_1555, %mul3A_1560 : i32
        %add3A_1562 = vector.broadcast %mul3A_1561 : i32 to vector<16xi32>
        %add3A_1563 = arith.addi %add3A_1562, %iota3A : vector<16xi32>
        %gt3A_1564 = arith.cmpf ogt, %get3A_1559, %select_n3A_1551 : vector<16xf32>
        %select_n3A_1565 = arith.select %gt3A_1564, %get3A_1559, %select_n3A_1551 : vector<16xi1>, vector<16xf32>
        %select_n3A_1566 = arith.select %gt3A_1564, %add3A_1563, %select_n3A_1552 : vector<16xi1>, vector<16xi32>
        %scan3A_1567 = arith.constant 5 : i32
        %scan3A_1568 = arith.addi %scan3A_1497, %scan3A_1567 : i32
        %add3A_1569 = arith.addi %mul3A_489, %scan3A_1568 : i32
        %mul3A_1570 = arith.constant 16 : i32
        %mul3A_1571 = arith.muli %add3A_1569, %mul3A_1570 : i32
        %get3A_1572 = arith.index_cast %mul3A_1571 : i32 to index
        %get3A_1573 = tpu.vector_load %arg7[%get3A_1572] {strides = array<i32>} : memref<4096xf32, #tpu.memory_space<vmem>>, vector<16xf32>,
        %mul3A_1574 = arith.constant 16 : i32
        %mul3A_1575 = arith.muli %add3A_1569, %mul3A_1574 : i32
        %add3A_1576 = vector.broadcast %mul3A_1575 : i32 to vector<16xi32>
        %add3A_1577 = arith.addi %add3A_1576, %iota3A : vector<16xi32>
        %gt3A_1578 = arith.cmpf ogt, %get3A_1573, %select_n3A_1565 : vector<16xf32>
        %select_n3A_1579 = arith.select %gt3A_1578, %get3A_1573, %select_n3A_1565 : vector<16xi1>, vector<16xf32>
        %select_n3A_1580 = arith.select %gt3A_1578, %add3A_1577, %select_n3A_1566 : vector<16xi1>, vector<16xi32>
        %scan3A_1581 = arith.constant 6 : i32
        %scan3A_1582 = arith.addi %scan3A_1497, %scan3A_1581 : i32
        %add3A_1583 = arith.addi %mul3A_489, %scan3A_1582 : i32
        %mul3A_1584 = arith.constant 16 : i32
        %mul3A_1585 = arith.muli %add3A_1583, %mul3A_1584 : i32
        %get3A_1586 = arith.index_cast %mul3A_1585 : i32 to index
        %get3A_1587 = tpu.vector_load %arg7[%get3A_1586] {strides = array<i32>} : memref<4096xf32, #tpu.memory_space<vmem>>, vector<16xf32>,
        %mul3A_1588 = arith.constant 16 : i32
        %mul3A_1589 = arith.muli %add3A_1583, %mul3A_1588 : i32
        %add3A_1590 = vector.broadcast %mul3A_1589 : i32 to vector<16xi32>
        %add3A_1591 = arith.addi %add3A_1590, %iota3A : vector<16xi32>
        %gt3A_1592 = arith.cmpf ogt, %get3A_1587, %select_n3A_1579 : vector<16xf32>
        %select_n3A_1593 = arith.select %gt3A_1592, %get3A_1587, %select_n3A_1579 : vector<16xi1>, vector<16xf32>
        %select_n3A_1594 = arith.select %gt3A_1592, %add3A_1591, %select_n3A_1580 : vector<16xi1>, vector<16xi32>
        %scan3A_1595 = arith.constant 7 : i32
        %scan3A_1596 = arith.addi %scan3A_1497, %scan3A_1595 : i32
        %add3A_1597 = arith.addi %mul3A_489, %scan3A_1596 : i32
        %mul3A_1598 = arith.constant 16 : i32
        %mul3A_1599 = arith.muli %add3A_1597, %mul3A_1598 : i32
        %get3A_1600 = arith.index_cast %mul3A_1599 : i32 to index
        %get3A_1601 = tpu.vector_load %arg7[%get3A_1600] {strides = array<i32>} : memref<4096xf32, #tpu.memory_space<vmem>>, vector<16xf32>,
        %mul3A_1602 = arith.constant 16 : i32
        %mul3A_1603 = arith.muli %add3A_1597, %mul3A_1602 : i32
        %add3A_1604 = vector.broadcast %mul3A_1603 : i32 to vector<16xi32>
        %add3A_1605 = arith.addi %add3A_1604, %iota3A : vector<16xi32>
        %gt3A_1606 = arith.cmpf ogt, %get3A_1601, %select_n3A_1593 : vector<16xf32>
        %select_n3A_1607 = arith.select %gt3A_1606, %get3A_1601, %select_n3A_1593 : vector<16xi1>, vector<16xf32>
        %select_n3A_1608 = arith.select %gt3A_1606, %add3A_1605, %select_n3A_1594 : vector<16xi1>, vector<16xi32>
        scf.yield %select_n3A_1607, %select_n3A_1608 : vector<16xf32>, vector<16xi32>
      }
      %scan3A_499 = arith.constant 32 : i32
      %broadcast_in_dim3A_500 = arith.constant 0 : i32
      %broadcast_in_dim3A_501 = vector.broadcast %broadcast_in_dim3A_500 : i32 to vector<16xi32>
      %eq3A_502 = vector.broadcast %select_n3A_478 : i32 to vector<16xi32>
      %eq3A_503 = arith.cmpi eq, %broadcast_in_dim3A_501, %eq3A_502 : vector<16xi32>
      %select_n3A_504 = arith.select %eq3A_503, %scan3A_498#0, %select_n3A_353 : vector<16xi1>, vector<16xf32>
      %select_n3A_505 = arith.select %eq3A_503, %scan3A_498#1, %select_n3A_354 : vector<16xi1>, vector<16xi32>
      %broadcast_in_dim3A_506 = arith.constant 1 : i32
      %broadcast_in_dim3A_507 = vector.broadcast %broadcast_in_dim3A_506 : i32 to vector<16xi32>
      %eq3A_508 = vector.broadcast %select_n3A_478 : i32 to vector<16xi32>
      %eq3A_509 = arith.cmpi eq, %broadcast_in_dim3A_507, %eq3A_508 : vector<16xi32>
      %select_n3A_510 = arith.select %eq3A_509, %scan3A_498#0, %select_n3A_359 : vector<16xi1>, vector<16xf32>
      %select_n3A_511 = arith.select %eq3A_509, %scan3A_498#1, %select_n3A_360 : vector<16xi1>, vector<16xi32>
      %broadcast_in_dim3A_512 = arith.constant 2 : i32
      %broadcast_in_dim3A_513 = vector.broadcast %broadcast_in_dim3A_512 : i32 to vector<16xi32>
      %eq3A_514 = vector.broadcast %select_n3A_478 : i32 to vector<16xi32>
      %eq3A_515 = arith.cmpi eq, %broadcast_in_dim3A_513, %eq3A_514 : vector<16xi32>
      %select_n3A_516 = arith.select %eq3A_515, %scan3A_498#0, %select_n3A_365 : vector<16xi1>, vector<16xf32>
      %select_n3A_517 = arith.select %eq3A_515, %scan3A_498#1, %select_n3A_366 : vector<16xi1>, vector<16xi32>
      %broadcast_in_dim3A_518 = arith.constant 3 : i32
      %broadcast_in_dim3A_519 = vector.broadcast %broadcast_in_dim3A_518 : i32 to vector<16xi32>
      %eq3A_520 = vector.broadcast %select_n3A_478 : i32 to vector<16xi32>
      %eq3A_521 = arith.cmpi eq, %broadcast_in_dim3A_519, %eq3A_520 : vector<16xi32>
      %select_n3A_522 = arith.select %eq3A_521, %scan3A_498#0, %select_n3A_371 : vector<16xi1>, vector<16xf32>
      %select_n3A_523 = arith.select %eq3A_521, %scan3A_498#1, %select_n3A_372 : vector<16xi1>, vector<16xi32>
      %broadcast_in_dim3A_524 = arith.constant 4 : i32
      %broadcast_in_dim3A_525 = vector.broadcast %broadcast_in_dim3A_524 : i32 to vector<16xi32>
      %eq3A_526 = vector.broadcast %select_n3A_478 : i32 to vector<16xi32>
      %eq3A_527 = arith.cmpi eq, %broadcast_in_dim3A_525, %eq3A_526 : vector<16xi32>
      %select_n3A_528 = arith.select %eq3A_527, %scan3A_498#0, %select_n3A_377 : vector<16xi1>, vector<16xf32>
      %select_n3A_529 = arith.select %eq3A_527, %scan3A_498#1, %select_n3A_378 : vector<16xi1>, vector<16xi32>
      %broadcast_in_dim3A_530 = arith.constant 5 : i32
      %broadcast_in_dim3A_531 = vector.broadcast %broadcast_in_dim3A_530 : i32 to vector<16xi32>
      %eq3A_532 = vector.broadcast %select_n3A_478 : i32 to vector<16xi32>
      %eq3A_533 = arith.cmpi eq, %broadcast_in_dim3A_531, %eq3A_532 : vector<16xi32>
      %select_n3A_534 = arith.select %eq3A_533, %scan3A_498#0, %select_n3A_383 : vector<16xi1>, vector<16xf32>
      %select_n3A_535 = arith.select %eq3A_533, %scan3A_498#1, %select_n3A_384 : vector<16xi1>, vector<16xi32>
      %broadcast_in_dim3A_536 = arith.constant 6 : i32
      %broadcast_in_dim3A_537 = vector.broadcast %broadcast_in_dim3A_536 : i32 to vector<16xi32>
      %eq3A_538 = vector.broadcast %select_n3A_478 : i32 to vector<16xi32>
      %eq3A_539 = arith.cmpi eq, %broadcast_in_dim3A_537, %eq3A_538 : vector<16xi32>
      %select_n3A_540 = arith.select %eq3A_539, %scan3A_498#0, %select_n3A_389 : vector<16xi1>, vector<16xf32>
      %select_n3A_541 = arith.select %eq3A_539, %scan3A_498#1, %select_n3A_390 : vector<16xi1>, vector<16xi32>
      %broadcast_in_dim3A_542 = arith.constant 7 : i32
      %broadcast_in_dim3A_543 = vector.broadcast %broadcast_in_dim3A_542 : i32 to vector<16xi32>
      %eq3A_544 = vector.broadcast %select_n3A_478 : i32 to vector<16xi32>
      %eq3A_545 = arith.cmpi eq, %broadcast_in_dim3A_543, %eq3A_544 : vector<16xi32>
      %select_n3A_546 = arith.select %eq3A_545, %scan3A_498#0, %select_n3A_395 : vector<16xi1>, vector<16xf32>
      %select_n3A_547 = arith.select %eq3A_545, %scan3A_498#1, %select_n3A_396 : vector<16xi1>, vector<16xi32>
      %max3A_548 = arith.maximumf %select_n3A_504, %select_n3A_510 : vector<16xf32>
      %max3A_549 = arith.maximumf %max3A_548, %select_n3A_516 : vector<16xf32>
      %max3A_550 = arith.maximumf %max3A_549, %select_n3A_522 : vector<16xf32>
      %max3A_551 = arith.maximumf %max3A_550, %select_n3A_528 : vector<16xf32>
      %max3A_552 = arith.maximumf %max3A_551, %select_n3A_534 : vector<16xf32>
      %max3A_553 = arith.maximumf %max3A_552, %select_n3A_540 : vector<16xf32>
      %max3A_554 = arith.maximumf %max3A_553, %select_n3A_546 : vector<16xf32>
      %reduce_max3A_555 = arith.constant true
      %reduce_max3A_556 = vector.broadcast %reduce_max3A_555 : i1 to vector<16xi1>
      %reduce_max3A_557 = tpu.scan <max>, %max3A_554 masked %reduce_max3A_556 : vector<16xf32>, vector<16xi1> -> vector<16xf32>
      %reduce_max3A_558 = vector.extract %reduce_max3A_557[15] : f32 from vector<16xf32>
      %broadcast_in_dim3A_559 = arith.constant 1073741824 : i32
      %broadcast_in_dim3A_560 = vector.broadcast %broadcast_in_dim3A_559 : i32 to vector<16xi32>
      %eq3A_561 = vector.broadcast %reduce_max3A_558 : f32 to vector<16xf32>
      %eq3A_562 = arith.cmpf oeq, %select_n3A_504, %eq3A_561 : vector<16xf32>
      %min3A_563 = arith.minsi %broadcast_in_dim3A_560, %select_n3A_505 : vector<16xi32>
      %select_n3A_564 = arith.select %eq3A_562, %min3A_563, %broadcast_in_dim3A_560 : vector<16xi1>, vector<16xi32>
      %eq3A_565 = vector.broadcast %reduce_max3A_558 : f32 to vector<16xf32>
      %eq3A_566 = arith.cmpf oeq, %select_n3A_510, %eq3A_565 : vector<16xf32>
      %min3A_567 = arith.minsi %select_n3A_564, %select_n3A_511 : vector<16xi32>
      %select_n3A_568 = arith.select %eq3A_566, %min3A_567, %select_n3A_564 : vector<16xi1>, vector<16xi32>
      %eq3A_569 = vector.broadcast %reduce_max3A_558 : f32 to vector<16xf32>
      %eq3A_570 = arith.cmpf oeq, %select_n3A_516, %eq3A_569 : vector<16xf32>
      %min3A_571 = arith.minsi %select_n3A_568, %select_n3A_517 : vector<16xi32>
      %select_n3A_572 = arith.select %eq3A_570, %min3A_571, %select_n3A_568 : vector<16xi1>, vector<16xi32>
      %eq3A_573 = vector.broadcast %reduce_max3A_558 : f32 to vector<16xf32>
      %eq3A_574 = arith.cmpf oeq, %select_n3A_522, %eq3A_573 : vector<16xf32>
      %min3A_575 = arith.minsi %select_n3A_572, %select_n3A_523 : vector<16xi32>
      %select_n3A_576 = arith.select %eq3A_574, %min3A_575, %select_n3A_572 : vector<16xi1>, vector<16xi32>
      %eq3A_577 = vector.broadcast %reduce_max3A_558 : f32 to vector<16xf32>
      %eq3A_578 = arith.cmpf oeq, %select_n3A_528, %eq3A_577 : vector<16xf32>
      %min3A_579 = arith.minsi %select_n3A_576, %select_n3A_529 : vector<16xi32>
      %select_n3A_580 = arith.select %eq3A_578, %min3A_579, %select_n3A_576 : vector<16xi1>, vector<16xi32>
      %eq3A_581 = vector.broadcast %reduce_max3A_558 : f32 to vector<16xf32>
      %eq3A_582 = arith.cmpf oeq, %select_n3A_534, %eq3A_581 : vector<16xf32>
      %min3A_583 = arith.minsi %select_n3A_580, %select_n3A_535 : vector<16xi32>
      %select_n3A_584 = arith.select %eq3A_582, %min3A_583, %select_n3A_580 : vector<16xi1>, vector<16xi32>
      %eq3A_585 = vector.broadcast %reduce_max3A_558 : f32 to vector<16xf32>
      %eq3A_586 = arith.cmpf oeq, %select_n3A_540, %eq3A_585 : vector<16xf32>
      %min3A_587 = arith.minsi %select_n3A_584, %select_n3A_541 : vector<16xi32>
      %select_n3A_588 = arith.select %eq3A_586, %min3A_587, %select_n3A_584 : vector<16xi1>, vector<16xi32>
      %eq3A_589 = vector.broadcast %reduce_max3A_558 : f32 to vector<16xf32>
      %eq3A_590 = arith.cmpf oeq, %select_n3A_546, %eq3A_589 : vector<16xf32>
      %min3A_591 = arith.minsi %select_n3A_588, %select_n3A_547 : vector<16xi32>
      %select_n3A_592 = arith.select %eq3A_590, %min3A_591, %select_n3A_588 : vector<16xi1>, vector<16xi32>
      %reduce_min3A_593 = arith.constant true
      %reduce_min3A_594 = vector.broadcast %reduce_min3A_593 : i1 to vector<16xi1>
      %reduce_min3A_595 = arith.constant -2147483648 : i32
      %reduce_min3A_596 = vector.broadcast %reduce_min3A_595 : i32 to vector<16xi32>
      %reduce_min3A_597 = arith.xori %select_n3A_592, %reduce_min3A_596 : vector<16xi32>
      %reduce_min3A_598 = tpu.scan <min>, %reduce_min3A_597 masked %reduce_min3A_594 : vector<16xi32>, vector<16xi1> -> vector<16xi32>
      %reduce_min3A_599 = arith.xori %reduce_min3A_598, %reduce_min3A_596 : vector<16xi32>
      %reduce_min3A_600 = vector.extract %reduce_min3A_599[15] : i32 from vector<16xi32>
      %eq3A_601 = arith.constant 2 : i32
      %eq3A_602 = vector.broadcast %eq3A_601 : i32 to vector<16xi32>
      %eq3A_603 = arith.cmpi eq, %iota3A, %eq3A_602 : vector<16xi32>
      %broadcast_in_dim3A_604 = vector.broadcast %reduce_min3A_600 : i32 to vector<16xi32>
      %select_n3A_605 = arith.select %eq3A_603, %broadcast_in_dim3A_604, %select_n3A_454 : vector<16xi1>, vector<16xi32>
      %jit3A_606 = arith.constant 512 : i32
      %div3A_607 = arith.divsi %reduce_min3A_600, %jit3A_606 : i32
      %sign3A_608 = arith.constant 0 : i32
      %sign3A_609 = arith.cmpi sgt, %reduce_min3A_600, %sign3A_608 : i32
      %sign3A_610 = arith.extui %sign3A_609 : i1 to i32
      %sign3A_611 = arith.constant 0 : i32
      %sign3A_612 = arith.cmpi slt, %reduce_min3A_600, %sign3A_611 : i32
      %sign3A_613 = arith.extui %sign3A_612 : i1 to i32
      %sign3A_614 = arith.subi %sign3A_610, %sign3A_613 : i32
      %sign3A_615 = arith.constant 0 : i32
      %sign3A_616 = arith.cmpi sgt, %jit3A_606, %sign3A_615 : i32
      %sign3A_617 = arith.extui %sign3A_616 : i1 to i32
      %sign3A_618 = arith.constant 0 : i32
      %sign3A_619 = arith.cmpi slt, %jit3A_606, %sign3A_618 : i32
      %sign3A_620 = arith.extui %sign3A_619 : i1 to i32
      %sign3A_621 = arith.subi %sign3A_617, %sign3A_620 : i32
      %ne3A_622 = arith.cmpi ne, %sign3A_614, %sign3A_621 : i32
      %rem3A_623 = arith.remsi %reduce_min3A_600, %jit3A_606 : i32
      %ne3A_624 = arith.constant 0 : i32
      %ne3A_625 = arith.cmpi ne, %rem3A_623, %ne3A_624 : i32
      %and3A_626 = arith.andi %ne3A_622, %ne3A_625 : i1
      %sub3A_627 = arith.constant 1 : i32
      %sub3A_628 = arith.subi %div3A_607, %sub3A_627 : i32
      %select_n3A_629 = arith.select %and3A_626, %sub3A_628, %div3A_607 : i32
      %broadcast_in_dim3A_630 = arith.constant 0 : i32
      %broadcast_in_dim3A_631 = vector.broadcast %broadcast_in_dim3A_630 : i32 to vector<16xi32>
      %add3A_632 = vector.broadcast %reduce_min3A_600 : i32 to vector<16xi32>
      %add3A_633 = arith.addi %broadcast_in_dim3A_631, %add3A_632 : vector<16xi32>
      %broadcast_in_dim3A_634 = arith.constant 0xFF800000 : f32
      %broadcast_in_dim3A_635 = vector.broadcast %broadcast_in_dim3A_634 : f32 to vector<16xf32>
      %eq3A_636 = arith.constant 0 : i32
      %eq3A_637 = vector.broadcast %eq3A_636 : i32 to vector<16xi32>
      %eq3A_638 = arith.cmpi eq, %iota3A, %eq3A_637 : vector<16xi32>
      tpu.vector_store_idx %arg7[%add3A_633], %broadcast_in_dim3A_635 masked %eq3A_638 : memref<4096xf32, #tpu.memory_space<vmem>>[vector<16xi32>], vector<16xf32>, vector<16xi1>
      %mul3A_639 = arith.constant 32 : i32
      %mul3A_640 = arith.muli %select_n3A_629, %mul3A_639 : i32
      %broadcast_in_dim3A_641 = arith.constant 0xFF800000 : f32
      %broadcast_in_dim3A_642 = vector.broadcast %broadcast_in_dim3A_641 : f32 to vector<16xf32>
      %broadcast_in_dim3A_643 = arith.constant 0 : i32
      %broadcast_in_dim3A_644 = vector.broadcast %broadcast_in_dim3A_643 : i32 to vector<16xi32>
      %scan3A_645 = arith.constant 0 : i32
      %scan3A_646 = arith.constant 32 : i32
      %scan3A_647 = arith.addi %scan3A_645, %scan3A_646 : i32
      %scan3A_648 = arith.constant 8 : i32
      %scan3A_649:2 = scf.for %scan3A_1497 = %scan3A_645 to %scan3A_647 step %scan3A_648 iter_args(%scan3A_1498 = %broadcast_in_dim3A_642, %scan3A_1499 = %broadcast_in_dim3A_644) -> (vector<16xf32>, vector<16xi32>)  : i32 {
        %add3A_1500 = arith.addi %mul3A_640, %scan3A_1497 : i32
        %mul3A_1501 = arith.constant 16 : i32
        %mul3A_1502 = arith.muli %add3A_1500, %mul3A_1501 : i32
        %get3A_1503 = arith.index_cast %mul3A_1502 : i32 to index
        %get3A_1504 = tpu.vector_load %arg7[%get3A_1503] {strides = array<i32>} : memref<4096xf32, #tpu.memory_space<vmem>>, vector<16xf32>,
        %mul3A_1505 = arith.constant 16 : i32
        %mul3A_1506 = arith.muli %add3A_1500, %mul3A_1505 : i32
        %add3A_1507 = vector.broadcast %mul3A_1506 : i32 to vector<16xi32>
        %add3A_1508 = arith.addi %add3A_1507, %iota3A : vector<16xi32>
        %gt3A = arith.cmpf ogt, %get3A_1504, %scan3A_1498 : vector<16xf32>
        %select_n3A_1509 = arith.select %gt3A, %get3A_1504, %scan3A_1498 : vector<16xi1>, vector<16xf32>
        %select_n3A_1510 = arith.select %gt3A, %add3A_1508, %scan3A_1499 : vector<16xi1>, vector<16xi32>
        %scan3A_1511 = arith.constant 1 : i32
        %scan3A_1512 = arith.addi %scan3A_1497, %scan3A_1511 : i32
        %add3A_1513 = arith.addi %mul3A_640, %scan3A_1512 : i32
        %mul3A_1514 = arith.constant 16 : i32
        %mul3A_1515 = arith.muli %add3A_1513, %mul3A_1514 : i32
        %get3A_1516 = arith.index_cast %mul3A_1515 : i32 to index
        %get3A_1517 = tpu.vector_load %arg7[%get3A_1516] {strides = array<i32>} : memref<4096xf32, #tpu.memory_space<vmem>>, vector<16xf32>,
        %mul3A_1518 = arith.constant 16 : i32
        %mul3A_1519 = arith.muli %add3A_1513, %mul3A_1518 : i32
        %add3A_1520 = vector.broadcast %mul3A_1519 : i32 to vector<16xi32>
        %add3A_1521 = arith.addi %add3A_1520, %iota3A : vector<16xi32>
        %gt3A_1522 = arith.cmpf ogt, %get3A_1517, %select_n3A_1509 : vector<16xf32>
        %select_n3A_1523 = arith.select %gt3A_1522, %get3A_1517, %select_n3A_1509 : vector<16xi1>, vector<16xf32>
        %select_n3A_1524 = arith.select %gt3A_1522, %add3A_1521, %select_n3A_1510 : vector<16xi1>, vector<16xi32>
        %scan3A_1525 = arith.constant 2 : i32
        %scan3A_1526 = arith.addi %scan3A_1497, %scan3A_1525 : i32
        %add3A_1527 = arith.addi %mul3A_640, %scan3A_1526 : i32
        %mul3A_1528 = arith.constant 16 : i32
        %mul3A_1529 = arith.muli %add3A_1527, %mul3A_1528 : i32
        %get3A_1530 = arith.index_cast %mul3A_1529 : i32 to index
        %get3A_1531 = tpu.vector_load %arg7[%get3A_1530] {strides = array<i32>} : memref<4096xf32, #tpu.memory_space<vmem>>, vector<16xf32>,
        %mul3A_1532 = arith.constant 16 : i32
        %mul3A_1533 = arith.muli %add3A_1527, %mul3A_1532 : i32
        %add3A_1534 = vector.broadcast %mul3A_1533 : i32 to vector<16xi32>
        %add3A_1535 = arith.addi %add3A_1534, %iota3A : vector<16xi32>
        %gt3A_1536 = arith.cmpf ogt, %get3A_1531, %select_n3A_1523 : vector<16xf32>
        %select_n3A_1537 = arith.select %gt3A_1536, %get3A_1531, %select_n3A_1523 : vector<16xi1>, vector<16xf32>
        %select_n3A_1538 = arith.select %gt3A_1536, %add3A_1535, %select_n3A_1524 : vector<16xi1>, vector<16xi32>
        %scan3A_1539 = arith.constant 3 : i32
        %scan3A_1540 = arith.addi %scan3A_1497, %scan3A_1539 : i32
        %add3A_1541 = arith.addi %mul3A_640, %scan3A_1540 : i32
        %mul3A_1542 = arith.constant 16 : i32
        %mul3A_1543 = arith.muli %add3A_1541, %mul3A_1542 : i32
        %get3A_1544 = arith.index_cast %mul3A_1543 : i32 to index
        %get3A_1545 = tpu.vector_load %arg7[%get3A_1544] {strides = array<i32>} : memref<4096xf32, #tpu.memory_space<vmem>>, vector<16xf32>,
        %mul3A_1546 = arith.constant 16 : i32
        %mul3A_1547 = arith.muli %add3A_1541, %mul3A_1546 : i32
        %add3A_1548 = vector.broadcast %mul3A_1547 : i32 to vector<16xi32>
        %add3A_1549 = arith.addi %add3A_1548, %iota3A : vector<16xi32>
        %gt3A_1550 = arith.cmpf ogt, %get3A_1545, %select_n3A_1537 : vector<16xf32>
        %select_n3A_1551 = arith.select %gt3A_1550, %get3A_1545, %select_n3A_1537 : vector<16xi1>, vector<16xf32>
        %select_n3A_1552 = arith.select %gt3A_1550, %add3A_1549, %select_n3A_1538 : vector<16xi1>, vector<16xi32>
        %scan3A_1553 = arith.constant 4 : i32
        %scan3A_1554 = arith.addi %scan3A_1497, %scan3A_1553 : i32
        %add3A_1555 = arith.addi %mul3A_640, %scan3A_1554 : i32
        %mul3A_1556 = arith.constant 16 : i32
        %mul3A_1557 = arith.muli %add3A_1555, %mul3A_1556 : i32
        %get3A_1558 = arith.index_cast %mul3A_1557 : i32 to index
        %get3A_1559 = tpu.vector_load %arg7[%get3A_1558] {strides = array<i32>} : memref<4096xf32, #tpu.memory_space<vmem>>, vector<16xf32>,
        %mul3A_1560 = arith.constant 16 : i32
        %mul3A_1561 = arith.muli %add3A_1555, %mul3A_1560 : i32
        %add3A_1562 = vector.broadcast %mul3A_1561 : i32 to vector<16xi32>
        %add3A_1563 = arith.addi %add3A_1562, %iota3A : vector<16xi32>
        %gt3A_1564 = arith.cmpf ogt, %get3A_1559, %select_n3A_1551 : vector<16xf32>
        %select_n3A_1565 = arith.select %gt3A_1564, %get3A_1559, %select_n3A_1551 : vector<16xi1>, vector<16xf32>
        %select_n3A_1566 = arith.select %gt3A_1564, %add3A_1563, %select_n3A_1552 : vector<16xi1>, vector<16xi32>
        %scan3A_1567 = arith.constant 5 : i32
        %scan3A_1568 = arith.addi %scan3A_1497, %scan3A_1567 : i32
        %add3A_1569 = arith.addi %mul3A_640, %scan3A_1568 : i32
        %mul3A_1570 = arith.constant 16 : i32
        %mul3A_1571 = arith.muli %add3A_1569, %mul3A_1570 : i32
        %get3A_1572 = arith.index_cast %mul3A_1571 : i32 to index
        %get3A_1573 = tpu.vector_load %arg7[%get3A_1572] {strides = array<i32>} : memref<4096xf32, #tpu.memory_space<vmem>>, vector<16xf32>,
        %mul3A_1574 = arith.constant 16 : i32
        %mul3A_1575 = arith.muli %add3A_1569, %mul3A_1574 : i32
        %add3A_1576 = vector.broadcast %mul3A_1575 : i32 to vector<16xi32>
        %add3A_1577 = arith.addi %add3A_1576, %iota3A : vector<16xi32>
        %gt3A_1578 = arith.cmpf ogt, %get3A_1573, %select_n3A_1565 : vector<16xf32>
        %select_n3A_1579 = arith.select %gt3A_1578, %get3A_1573, %select_n3A_1565 : vector<16xi1>, vector<16xf32>
        %select_n3A_1580 = arith.select %gt3A_1578, %add3A_1577, %select_n3A_1566 : vector<16xi1>, vector<16xi32>
        %scan3A_1581 = arith.constant 6 : i32
        %scan3A_1582 = arith.addi %scan3A_1497, %scan3A_1581 : i32
        %add3A_1583 = arith.addi %mul3A_640, %scan3A_1582 : i32
        %mul3A_1584 = arith.constant 16 : i32
        %mul3A_1585 = arith.muli %add3A_1583, %mul3A_1584 : i32
        %get3A_1586 = arith.index_cast %mul3A_1585 : i32 to index
        %get3A_1587 = tpu.vector_load %arg7[%get3A_1586] {strides = array<i32>} : memref<4096xf32, #tpu.memory_space<vmem>>, vector<16xf32>,
        %mul3A_1588 = arith.constant 16 : i32
        %mul3A_1589 = arith.muli %add3A_1583, %mul3A_1588 : i32
        %add3A_1590 = vector.broadcast %mul3A_1589 : i32 to vector<16xi32>
        %add3A_1591 = arith.addi %add3A_1590, %iota3A : vector<16xi32>
        %gt3A_1592 = arith.cmpf ogt, %get3A_1587, %select_n3A_1579 : vector<16xf32>
        %select_n3A_1593 = arith.select %gt3A_1592, %get3A_1587, %select_n3A_1579 : vector<16xi1>, vector<16xf32>
        %select_n3A_1594 = arith.select %gt3A_1592, %add3A_1591, %select_n3A_1580 : vector<16xi1>, vector<16xi32>
        %scan3A_1595 = arith.constant 7 : i32
        %scan3A_1596 = arith.addi %scan3A_1497, %scan3A_1595 : i32
        %add3A_1597 = arith.addi %mul3A_640, %scan3A_1596 : i32
        %mul3A_1598 = arith.constant 16 : i32
        %mul3A_1599 = arith.muli %add3A_1597, %mul3A_1598 : i32
        %get3A_1600 = arith.index_cast %mul3A_1599 : i32 to index
        %get3A_1601 = tpu.vector_load %arg7[%get3A_1600] {strides = array<i32>} : memref<4096xf32, #tpu.memory_space<vmem>>, vector<16xf32>,
        %mul3A_1602 = arith.constant 16 : i32
        %mul3A_1603 = arith.muli %add3A_1597, %mul3A_1602 : i32
        %add3A_1604 = vector.broadcast %mul3A_1603 : i32 to vector<16xi32>
        %add3A_1605 = arith.addi %add3A_1604, %iota3A : vector<16xi32>
        %gt3A_1606 = arith.cmpf ogt, %get3A_1601, %select_n3A_1593 : vector<16xf32>
        %select_n3A_1607 = arith.select %gt3A_1606, %get3A_1601, %select_n3A_1593 : vector<16xi1>, vector<16xf32>
        %select_n3A_1608 = arith.select %gt3A_1606, %add3A_1605, %select_n3A_1594 : vector<16xi1>, vector<16xi32>
        scf.yield %select_n3A_1607, %select_n3A_1608 : vector<16xf32>, vector<16xi32>
      }
      %scan3A_650 = arith.constant 32 : i32
      %broadcast_in_dim3A_651 = arith.constant 0 : i32
      %broadcast_in_dim3A_652 = vector.broadcast %broadcast_in_dim3A_651 : i32 to vector<16xi32>
      %eq3A_653 = vector.broadcast %select_n3A_629 : i32 to vector<16xi32>
      %eq3A_654 = arith.cmpi eq, %broadcast_in_dim3A_652, %eq3A_653 : vector<16xi32>
      %select_n3A_655 = arith.select %eq3A_654, %scan3A_649#0, %select_n3A_504 : vector<16xi1>, vector<16xf32>
      %select_n3A_656 = arith.select %eq3A_654, %scan3A_649#1, %select_n3A_505 : vector<16xi1>, vector<16xi32>
      %broadcast_in_dim3A_657 = arith.constant 1 : i32
      %broadcast_in_dim3A_658 = vector.broadcast %broadcast_in_dim3A_657 : i32 to vector<16xi32>
      %eq3A_659 = vector.broadcast %select_n3A_629 : i32 to vector<16xi32>
      %eq3A_660 = arith.cmpi eq, %broadcast_in_dim3A_658, %eq3A_659 : vector<16xi32>
      %select_n3A_661 = arith.select %eq3A_660, %scan3A_649#0, %select_n3A_510 : vector<16xi1>, vector<16xf32>
      %select_n3A_662 = arith.select %eq3A_660, %scan3A_649#1, %select_n3A_511 : vector<16xi1>, vector<16xi32>
      %broadcast_in_dim3A_663 = arith.constant 2 : i32
      %broadcast_in_dim3A_664 = vector.broadcast %broadcast_in_dim3A_663 : i32 to vector<16xi32>
      %eq3A_665 = vector.broadcast %select_n3A_629 : i32 to vector<16xi32>
      %eq3A_666 = arith.cmpi eq, %broadcast_in_dim3A_664, %eq3A_665 : vector<16xi32>
      %select_n3A_667 = arith.select %eq3A_666, %scan3A_649#0, %select_n3A_516 : vector<16xi1>, vector<16xf32>
      %select_n3A_668 = arith.select %eq3A_666, %scan3A_649#1, %select_n3A_517 : vector<16xi1>, vector<16xi32>
      %broadcast_in_dim3A_669 = arith.constant 3 : i32
      %broadcast_in_dim3A_670 = vector.broadcast %broadcast_in_dim3A_669 : i32 to vector<16xi32>
      %eq3A_671 = vector.broadcast %select_n3A_629 : i32 to vector<16xi32>
      %eq3A_672 = arith.cmpi eq, %broadcast_in_dim3A_670, %eq3A_671 : vector<16xi32>
      %select_n3A_673 = arith.select %eq3A_672, %scan3A_649#0, %select_n3A_522 : vector<16xi1>, vector<16xf32>
      %select_n3A_674 = arith.select %eq3A_672, %scan3A_649#1, %select_n3A_523 : vector<16xi1>, vector<16xi32>
      %broadcast_in_dim3A_675 = arith.constant 4 : i32
      %broadcast_in_dim3A_676 = vector.broadcast %broadcast_in_dim3A_675 : i32 to vector<16xi32>
      %eq3A_677 = vector.broadcast %select_n3A_629 : i32 to vector<16xi32>
      %eq3A_678 = arith.cmpi eq, %broadcast_in_dim3A_676, %eq3A_677 : vector<16xi32>
      %select_n3A_679 = arith.select %eq3A_678, %scan3A_649#0, %select_n3A_528 : vector<16xi1>, vector<16xf32>
      %select_n3A_680 = arith.select %eq3A_678, %scan3A_649#1, %select_n3A_529 : vector<16xi1>, vector<16xi32>
      %broadcast_in_dim3A_681 = arith.constant 5 : i32
      %broadcast_in_dim3A_682 = vector.broadcast %broadcast_in_dim3A_681 : i32 to vector<16xi32>
      %eq3A_683 = vector.broadcast %select_n3A_629 : i32 to vector<16xi32>
      %eq3A_684 = arith.cmpi eq, %broadcast_in_dim3A_682, %eq3A_683 : vector<16xi32>
      %select_n3A_685 = arith.select %eq3A_684, %scan3A_649#0, %select_n3A_534 : vector<16xi1>, vector<16xf32>
      %select_n3A_686 = arith.select %eq3A_684, %scan3A_649#1, %select_n3A_535 : vector<16xi1>, vector<16xi32>
      %broadcast_in_dim3A_687 = arith.constant 6 : i32
      %broadcast_in_dim3A_688 = vector.broadcast %broadcast_in_dim3A_687 : i32 to vector<16xi32>
      %eq3A_689 = vector.broadcast %select_n3A_629 : i32 to vector<16xi32>
      %eq3A_690 = arith.cmpi eq, %broadcast_in_dim3A_688, %eq3A_689 : vector<16xi32>
      %select_n3A_691 = arith.select %eq3A_690, %scan3A_649#0, %select_n3A_540 : vector<16xi1>, vector<16xf32>
      %select_n3A_692 = arith.select %eq3A_690, %scan3A_649#1, %select_n3A_541 : vector<16xi1>, vector<16xi32>
      %broadcast_in_dim3A_693 = arith.constant 7 : i32
      %broadcast_in_dim3A_694 = vector.broadcast %broadcast_in_dim3A_693 : i32 to vector<16xi32>
      %eq3A_695 = vector.broadcast %select_n3A_629 : i32 to vector<16xi32>
      %eq3A_696 = arith.cmpi eq, %broadcast_in_dim3A_694, %eq3A_695 : vector<16xi32>
      %select_n3A_697 = arith.select %eq3A_696, %scan3A_649#0, %select_n3A_546 : vector<16xi1>, vector<16xf32>
      %select_n3A_698 = arith.select %eq3A_696, %scan3A_649#1, %select_n3A_547 : vector<16xi1>, vector<16xi32>
      %max3A_699 = arith.maximumf %select_n3A_655, %select_n3A_661 : vector<16xf32>
      %max3A_700 = arith.maximumf %max3A_699, %select_n3A_667 : vector<16xf32>
      %max3A_701 = arith.maximumf %max3A_700, %select_n3A_673 : vector<16xf32>
      %max3A_702 = arith.maximumf %max3A_701, %select_n3A_679 : vector<16xf32>
      %max3A_703 = arith.maximumf %max3A_702, %select_n3A_685 : vector<16xf32>
      %max3A_704 = arith.maximumf %max3A_703, %select_n3A_691 : vector<16xf32>
      %max3A_705 = arith.maximumf %max3A_704, %select_n3A_697 : vector<16xf32>
      %reduce_max3A_706 = arith.constant true
      %reduce_max3A_707 = vector.broadcast %reduce_max3A_706 : i1 to vector<16xi1>
      %reduce_max3A_708 = tpu.scan <max>, %max3A_705 masked %reduce_max3A_707 : vector<16xf32>, vector<16xi1> -> vector<16xf32>
      %reduce_max3A_709 = vector.extract %reduce_max3A_708[15] : f32 from vector<16xf32>
      %broadcast_in_dim3A_710 = arith.constant 1073741824 : i32
      %broadcast_in_dim3A_711 = vector.broadcast %broadcast_in_dim3A_710 : i32 to vector<16xi32>
      %eq3A_712 = vector.broadcast %reduce_max3A_709 : f32 to vector<16xf32>
      %eq3A_713 = arith.cmpf oeq, %select_n3A_655, %eq3A_712 : vector<16xf32>
      %min3A_714 = arith.minsi %broadcast_in_dim3A_711, %select_n3A_656 : vector<16xi32>
      %select_n3A_715 = arith.select %eq3A_713, %min3A_714, %broadcast_in_dim3A_711 : vector<16xi1>, vector<16xi32>
      %eq3A_716 = vector.broadcast %reduce_max3A_709 : f32 to vector<16xf32>
      %eq3A_717 = arith.cmpf oeq, %select_n3A_661, %eq3A_716 : vector<16xf32>
      %min3A_718 = arith.minsi %select_n3A_715, %select_n3A_662 : vector<16xi32>
      %select_n3A_719 = arith.select %eq3A_717, %min3A_718, %select_n3A_715 : vector<16xi1>, vector<16xi32>
      %eq3A_720 = vector.broadcast %reduce_max3A_709 : f32 to vector<16xf32>
      %eq3A_721 = arith.cmpf oeq, %select_n3A_667, %eq3A_720 : vector<16xf32>
      %min3A_722 = arith.minsi %select_n3A_719, %select_n3A_668 : vector<16xi32>
      %select_n3A_723 = arith.select %eq3A_721, %min3A_722, %select_n3A_719 : vector<16xi1>, vector<16xi32>
      %eq3A_724 = vector.broadcast %reduce_max3A_709 : f32 to vector<16xf32>
      %eq3A_725 = arith.cmpf oeq, %select_n3A_673, %eq3A_724 : vector<16xf32>
      %min3A_726 = arith.minsi %select_n3A_723, %select_n3A_674 : vector<16xi32>
      %select_n3A_727 = arith.select %eq3A_725, %min3A_726, %select_n3A_723 : vector<16xi1>, vector<16xi32>
      %eq3A_728 = vector.broadcast %reduce_max3A_709 : f32 to vector<16xf32>
      %eq3A_729 = arith.cmpf oeq, %select_n3A_679, %eq3A_728 : vector<16xf32>
      %min3A_730 = arith.minsi %select_n3A_727, %select_n3A_680 : vector<16xi32>
      %select_n3A_731 = arith.select %eq3A_729, %min3A_730, %select_n3A_727 : vector<16xi1>, vector<16xi32>
      %eq3A_732 = vector.broadcast %reduce_max3A_709 : f32 to vector<16xf32>
      %eq3A_733 = arith.cmpf oeq, %select_n3A_685, %eq3A_732 : vector<16xf32>
      %min3A_734 = arith.minsi %select_n3A_731, %select_n3A_686 : vector<16xi32>
      %select_n3A_735 = arith.select %eq3A_733, %min3A_734, %select_n3A_731 : vector<16xi1>, vector<16xi32>
      %eq3A_736 = vector.broadcast %reduce_max3A_709 : f32 to vector<16xf32>
      %eq3A_737 = arith.cmpf oeq, %select_n3A_691, %eq3A_736 : vector<16xf32>
      %min3A_738 = arith.minsi %select_n3A_735, %select_n3A_692 : vector<16xi32>
      %select_n3A_739 = arith.select %eq3A_737, %min3A_738, %select_n3A_735 : vector<16xi1>, vector<16xi32>
      %eq3A_740 = vector.broadcast %reduce_max3A_709 : f32 to vector<16xf32>
      %eq3A_741 = arith.cmpf oeq, %select_n3A_697, %eq3A_740 : vector<16xf32>
      %min3A_742 = arith.minsi %select_n3A_739, %select_n3A_698 : vector<16xi32>
      %select_n3A_743 = arith.select %eq3A_741, %min3A_742, %select_n3A_739 : vector<16xi1>, vector<16xi32>
      %reduce_min3A_744 = arith.constant true
      %reduce_min3A_745 = vector.broadcast %reduce_min3A_744 : i1 to vector<16xi1>
      %reduce_min3A_746 = arith.constant -2147483648 : i32
      %reduce_min3A_747 = vector.broadcast %reduce_min3A_746 : i32 to vector<16xi32>
      %reduce_min3A_748 = arith.xori %select_n3A_743, %reduce_min3A_747 : vector<16xi32>
      %reduce_min3A_749 = tpu.scan <min>, %reduce_min3A_748 masked %reduce_min3A_745 : vector<16xi32>, vector<16xi1> -> vector<16xi32>
      %reduce_min3A_750 = arith.xori %reduce_min3A_749, %reduce_min3A_747 : vector<16xi32>
      %reduce_min3A_751 = vector.extract %reduce_min3A_750[15] : i32 from vector<16xi32>
      %eq3A_752 = arith.constant 3 : i32
      %eq3A_753 = vector.broadcast %eq3A_752 : i32 to vector<16xi32>
      %eq3A_754 = arith.cmpi eq, %iota3A, %eq3A_753 : vector<16xi32>
      %broadcast_in_dim3A_755 = vector.broadcast %reduce_min3A_751 : i32 to vector<16xi32>
      %select_n3A_756 = arith.select %eq3A_754, %broadcast_in_dim3A_755, %select_n3A_605 : vector<16xi1>, vector<16xi32>
      %jit3A_757 = arith.constant 512 : i32
      %div3A_758 = arith.divsi %reduce_min3A_751, %jit3A_757 : i32
      %sign3A_759 = arith.constant 0 : i32
      %sign3A_760 = arith.cmpi sgt, %reduce_min3A_751, %sign3A_759 : i32
      %sign3A_761 = arith.extui %sign3A_760 : i1 to i32
      %sign3A_762 = arith.constant 0 : i32
      %sign3A_763 = arith.cmpi slt, %reduce_min3A_751, %sign3A_762 : i32
      %sign3A_764 = arith.extui %sign3A_763 : i1 to i32
      %sign3A_765 = arith.subi %sign3A_761, %sign3A_764 : i32
      %sign3A_766 = arith.constant 0 : i32
      %sign3A_767 = arith.cmpi sgt, %jit3A_757, %sign3A_766 : i32
      %sign3A_768 = arith.extui %sign3A_767 : i1 to i32
      %sign3A_769 = arith.constant 0 : i32
      %sign3A_770 = arith.cmpi slt, %jit3A_757, %sign3A_769 : i32
      %sign3A_771 = arith.extui %sign3A_770 : i1 to i32
      %sign3A_772 = arith.subi %sign3A_768, %sign3A_771 : i32
      %ne3A_773 = arith.cmpi ne, %sign3A_765, %sign3A_772 : i32
      %rem3A_774 = arith.remsi %reduce_min3A_751, %jit3A_757 : i32
      %ne3A_775 = arith.constant 0 : i32
      %ne3A_776 = arith.cmpi ne, %rem3A_774, %ne3A_775 : i32
      %and3A_777 = arith.andi %ne3A_773, %ne3A_776 : i1
      %sub3A_778 = arith.constant 1 : i32
      %sub3A_779 = arith.subi %div3A_758, %sub3A_778 : i32
      %select_n3A_780 = arith.select %and3A_777, %sub3A_779, %div3A_758 : i32
      %broadcast_in_dim3A_781 = arith.constant 0 : i32
      %broadcast_in_dim3A_782 = vector.broadcast %broadcast_in_dim3A_781 : i32 to vector<16xi32>
      %add3A_783 = vector.broadcast %reduce_min3A_751 : i32 to vector<16xi32>
      %add3A_784 = arith.addi %broadcast_in_dim3A_782, %add3A_783 : vector<16xi32>
      %broadcast_in_dim3A_785 = arith.constant 0xFF800000 : f32
      %broadcast_in_dim3A_786 = vector.broadcast %broadcast_in_dim3A_785 : f32 to vector<16xf32>
      %eq3A_787 = arith.constant 0 : i32
      %eq3A_788 = vector.broadcast %eq3A_787 : i32 to vector<16xi32>
      %eq3A_789 = arith.cmpi eq, %iota3A, %eq3A_788 : vector<16xi32>
      tpu.vector_store_idx %arg7[%add3A_784], %broadcast_in_dim3A_786 masked %eq3A_789 : memref<4096xf32, #tpu.memory_space<vmem>>[vector<16xi32>], vector<16xf32>, vector<16xi1>
      %mul3A_790 = arith.constant 32 : i32
      %mul3A_791 = arith.muli %select_n3A_780, %mul3A_790 : i32
      %broadcast_in_dim3A_792 = arith.constant 0xFF800000 : f32
      %broadcast_in_dim3A_793 = vector.broadcast %broadcast_in_dim3A_792 : f32 to vector<16xf32>
      %broadcast_in_dim3A_794 = arith.constant 0 : i32
      %broadcast_in_dim3A_795 = vector.broadcast %broadcast_in_dim3A_794 : i32 to vector<16xi32>
      %scan3A_796 = arith.constant 0 : i32
      %scan3A_797 = arith.constant 32 : i32
      %scan3A_798 = arith.addi %scan3A_796, %scan3A_797 : i32
      %scan3A_799 = arith.constant 8 : i32
      %scan3A_800:2 = scf.for %scan3A_1497 = %scan3A_796 to %scan3A_798 step %scan3A_799 iter_args(%scan3A_1498 = %broadcast_in_dim3A_793, %scan3A_1499 = %broadcast_in_dim3A_795) -> (vector<16xf32>, vector<16xi32>)  : i32 {
        %add3A_1500 = arith.addi %mul3A_791, %scan3A_1497 : i32
        %mul3A_1501 = arith.constant 16 : i32
        %mul3A_1502 = arith.muli %add3A_1500, %mul3A_1501 : i32
        %get3A_1503 = arith.index_cast %mul3A_1502 : i32 to index
        %get3A_1504 = tpu.vector_load %arg7[%get3A_1503] {strides = array<i32>} : memref<4096xf32, #tpu.memory_space<vmem>>, vector<16xf32>,
        %mul3A_1505 = arith.constant 16 : i32
        %mul3A_1506 = arith.muli %add3A_1500, %mul3A_1505 : i32
        %add3A_1507 = vector.broadcast %mul3A_1506 : i32 to vector<16xi32>
        %add3A_1508 = arith.addi %add3A_1507, %iota3A : vector<16xi32>
        %gt3A = arith.cmpf ogt, %get3A_1504, %scan3A_1498 : vector<16xf32>
        %select_n3A_1509 = arith.select %gt3A, %get3A_1504, %scan3A_1498 : vector<16xi1>, vector<16xf32>
        %select_n3A_1510 = arith.select %gt3A, %add3A_1508, %scan3A_1499 : vector<16xi1>, vector<16xi32>
        %scan3A_1511 = arith.constant 1 : i32
        %scan3A_1512 = arith.addi %scan3A_1497, %scan3A_1511 : i32
        %add3A_1513 = arith.addi %mul3A_791, %scan3A_1512 : i32
        %mul3A_1514 = arith.constant 16 : i32
        %mul3A_1515 = arith.muli %add3A_1513, %mul3A_1514 : i32
        %get3A_1516 = arith.index_cast %mul3A_1515 : i32 to index
        %get3A_1517 = tpu.vector_load %arg7[%get3A_1516] {strides = array<i32>} : memref<4096xf32, #tpu.memory_space<vmem>>, vector<16xf32>,
        %mul3A_1518 = arith.constant 16 : i32
        %mul3A_1519 = arith.muli %add3A_1513, %mul3A_1518 : i32
        %add3A_1520 = vector.broadcast %mul3A_1519 : i32 to vector<16xi32>
        %add3A_1521 = arith.addi %add3A_1520, %iota3A : vector<16xi32>
        %gt3A_1522 = arith.cmpf ogt, %get3A_1517, %select_n3A_1509 : vector<16xf32>
        %select_n3A_1523 = arith.select %gt3A_1522, %get3A_1517, %select_n3A_1509 : vector<16xi1>, vector<16xf32>
        %select_n3A_1524 = arith.select %gt3A_1522, %add3A_1521, %select_n3A_1510 : vector<16xi1>, vector<16xi32>
        %scan3A_1525 = arith.constant 2 : i32
        %scan3A_1526 = arith.addi %scan3A_1497, %scan3A_1525 : i32
        %add3A_1527 = arith.addi %mul3A_791, %scan3A_1526 : i32
        %mul3A_1528 = arith.constant 16 : i32
        %mul3A_1529 = arith.muli %add3A_1527, %mul3A_1528 : i32
        %get3A_1530 = arith.index_cast %mul3A_1529 : i32 to index
        %get3A_1531 = tpu.vector_load %arg7[%get3A_1530] {strides = array<i32>} : memref<4096xf32, #tpu.memory_space<vmem>>, vector<16xf32>,
        %mul3A_1532 = arith.constant 16 : i32
        %mul3A_1533 = arith.muli %add3A_1527, %mul3A_1532 : i32
        %add3A_1534 = vector.broadcast %mul3A_1533 : i32 to vector<16xi32>
        %add3A_1535 = arith.addi %add3A_1534, %iota3A : vector<16xi32>
        %gt3A_1536 = arith.cmpf ogt, %get3A_1531, %select_n3A_1523 : vector<16xf32>
        %select_n3A_1537 = arith.select %gt3A_1536, %get3A_1531, %select_n3A_1523 : vector<16xi1>, vector<16xf32>
        %select_n3A_1538 = arith.select %gt3A_1536, %add3A_1535, %select_n3A_1524 : vector<16xi1>, vector<16xi32>
        %scan3A_1539 = arith.constant 3 : i32
        %scan3A_1540 = arith.addi %scan3A_1497, %scan3A_1539 : i32
        %add3A_1541 = arith.addi %mul3A_791, %scan3A_1540 : i32
        %mul3A_1542 = arith.constant 16 : i32
        %mul3A_1543 = arith.muli %add3A_1541, %mul3A_1542 : i32
        %get3A_1544 = arith.index_cast %mul3A_1543 : i32 to index
        %get3A_1545 = tpu.vector_load %arg7[%get3A_1544] {strides = array<i32>} : memref<4096xf32, #tpu.memory_space<vmem>>, vector<16xf32>,
        %mul3A_1546 = arith.constant 16 : i32
        %mul3A_1547 = arith.muli %add3A_1541, %mul3A_1546 : i32
        %add3A_1548 = vector.broadcast %mul3A_1547 : i32 to vector<16xi32>
        %add3A_1549 = arith.addi %add3A_1548, %iota3A : vector<16xi32>
        %gt3A_1550 = arith.cmpf ogt, %get3A_1545, %select_n3A_1537 : vector<16xf32>
        %select_n3A_1551 = arith.select %gt3A_1550, %get3A_1545, %select_n3A_1537 : vector<16xi1>, vector<16xf32>
        %select_n3A_1552 = arith.select %gt3A_1550, %add3A_1549, %select_n3A_1538 : vector<16xi1>, vector<16xi32>
        %scan3A_1553 = arith.constant 4 : i32
        %scan3A_1554 = arith.addi %scan3A_1497, %scan3A_1553 : i32
        %add3A_1555 = arith.addi %mul3A_791, %scan3A_1554 : i32
        %mul3A_1556 = arith.constant 16 : i32
        %mul3A_1557 = arith.muli %add3A_1555, %mul3A_1556 : i32
        %get3A_1558 = arith.index_cast %mul3A_1557 : i32 to index
        %get3A_1559 = tpu.vector_load %arg7[%get3A_1558] {strides = array<i32>} : memref<4096xf32, #tpu.memory_space<vmem>>, vector<16xf32>,
        %mul3A_1560 = arith.constant 16 : i32
        %mul3A_1561 = arith.muli %add3A_1555, %mul3A_1560 : i32
        %add3A_1562 = vector.broadcast %mul3A_1561 : i32 to vector<16xi32>
        %add3A_1563 = arith.addi %add3A_1562, %iota3A : vector<16xi32>
        %gt3A_1564 = arith.cmpf ogt, %get3A_1559, %select_n3A_1551 : vector<16xf32>
        %select_n3A_1565 = arith.select %gt3A_1564, %get3A_1559, %select_n3A_1551 : vector<16xi1>, vector<16xf32>
        %select_n3A_1566 = arith.select %gt3A_1564, %add3A_1563, %select_n3A_1552 : vector<16xi1>, vector<16xi32>
        %scan3A_1567 = arith.constant 5 : i32
        %scan3A_1568 = arith.addi %scan3A_1497, %scan3A_1567 : i32
        %add3A_1569 = arith.addi %mul3A_791, %scan3A_1568 : i32
        %mul3A_1570 = arith.constant 16 : i32
        %mul3A_1571 = arith.muli %add3A_1569, %mul3A_1570 : i32
        %get3A_1572 = arith.index_cast %mul3A_1571 : i32 to index
        %get3A_1573 = tpu.vector_load %arg7[%get3A_1572] {strides = array<i32>} : memref<4096xf32, #tpu.memory_space<vmem>>, vector<16xf32>,
        %mul3A_1574 = arith.constant 16 : i32
        %mul3A_1575 = arith.muli %add3A_1569, %mul3A_1574 : i32
        %add3A_1576 = vector.broadcast %mul3A_1575 : i32 to vector<16xi32>
        %add3A_1577 = arith.addi %add3A_1576, %iota3A : vector<16xi32>
        %gt3A_1578 = arith.cmpf ogt, %get3A_1573, %select_n3A_1565 : vector<16xf32>
        %select_n3A_1579 = arith.select %gt3A_1578, %get3A_1573, %select_n3A_1565 : vector<16xi1>, vector<16xf32>
        %select_n3A_1580 = arith.select %gt3A_1578, %add3A_1577, %select_n3A_1566 : vector<16xi1>, vector<16xi32>
        %scan3A_1581 = arith.constant 6 : i32
        %scan3A_1582 = arith.addi %scan3A_1497, %scan3A_1581 : i32
        %add3A_1583 = arith.addi %mul3A_791, %scan3A_1582 : i32
        %mul3A_1584 = arith.constant 16 : i32
        %mul3A_1585 = arith.muli %add3A_1583, %mul3A_1584 : i32
        %get3A_1586 = arith.index_cast %mul3A_1585 : i32 to index
        %get3A_1587 = tpu.vector_load %arg7[%get3A_1586] {strides = array<i32>} : memref<4096xf32, #tpu.memory_space<vmem>>, vector<16xf32>,
        %mul3A_1588 = arith.constant 16 : i32
        %mul3A_1589 = arith.muli %add3A_1583, %mul3A_1588 : i32
        %add3A_1590 = vector.broadcast %mul3A_1589 : i32 to vector<16xi32>
        %add3A_1591 = arith.addi %add3A_1590, %iota3A : vector<16xi32>
        %gt3A_1592 = arith.cmpf ogt, %get3A_1587, %select_n3A_1579 : vector<16xf32>
        %select_n3A_1593 = arith.select %gt3A_1592, %get3A_1587, %select_n3A_1579 : vector<16xi1>, vector<16xf32>
        %select_n3A_1594 = arith.select %gt3A_1592, %add3A_1591, %select_n3A_1580 : vector<16xi1>, vector<16xi32>
        %scan3A_1595 = arith.constant 7 : i32
        %scan3A_1596 = arith.addi %scan3A_1497, %scan3A_1595 : i32
        %add3A_1597 = arith.addi %mul3A_791, %scan3A_1596 : i32
        %mul3A_1598 = arith.constant 16 : i32
        %mul3A_1599 = arith.muli %add3A_1597, %mul3A_1598 : i32
        %get3A_1600 = arith.index_cast %mul3A_1599 : i32 to index
        %get3A_1601 = tpu.vector_load %arg7[%get3A_1600] {strides = array<i32>} : memref<4096xf32, #tpu.memory_space<vmem>>, vector<16xf32>,
        %mul3A_1602 = arith.constant 16 : i32
        %mul3A_1603 = arith.muli %add3A_1597, %mul3A_1602 : i32
        %add3A_1604 = vector.broadcast %mul3A_1603 : i32 to vector<16xi32>
        %add3A_1605 = arith.addi %add3A_1604, %iota3A : vector<16xi32>
        %gt3A_1606 = arith.cmpf ogt, %get3A_1601, %select_n3A_1593 : vector<16xf32>
        %select_n3A_1607 = arith.select %gt3A_1606, %get3A_1601, %select_n3A_1593 : vector<16xi1>, vector<16xf32>
        %select_n3A_1608 = arith.select %gt3A_1606, %add3A_1605, %select_n3A_1594 : vector<16xi1>, vector<16xi32>
        scf.yield %select_n3A_1607, %select_n3A_1608 : vector<16xf32>, vector<16xi32>
      }
      %scan3A_801 = arith.constant 32 : i32
      %broadcast_in_dim3A_802 = arith.constant 0 : i32
      %broadcast_in_dim3A_803 = vector.broadcast %broadcast_in_dim3A_802 : i32 to vector<16xi32>
      %eq3A_804 = vector.broadcast %select_n3A_780 : i32 to vector<16xi32>
      %eq3A_805 = arith.cmpi eq, %broadcast_in_dim3A_803, %eq3A_804 : vector<16xi32>
      %select_n3A_806 = arith.select %eq3A_805, %scan3A_800#0, %select_n3A_655 : vector<16xi1>, vector<16xf32>
      %select_n3A_807 = arith.select %eq3A_805, %scan3A_800#1, %select_n3A_656 : vector<16xi1>, vector<16xi32>
      %broadcast_in_dim3A_808 = arith.constant 1 : i32
      %broadcast_in_dim3A_809 = vector.broadcast %broadcast_in_dim3A_808 : i32 to vector<16xi32>
      %eq3A_810 = vector.broadcast %select_n3A_780 : i32 to vector<16xi32>
      %eq3A_811 = arith.cmpi eq, %broadcast_in_dim3A_809, %eq3A_810 : vector<16xi32>
      %select_n3A_812 = arith.select %eq3A_811, %scan3A_800#0, %select_n3A_661 : vector<16xi1>, vector<16xf32>
      %select_n3A_813 = arith.select %eq3A_811, %scan3A_800#1, %select_n3A_662 : vector<16xi1>, vector<16xi32>
      %broadcast_in_dim3A_814 = arith.constant 2 : i32
      %broadcast_in_dim3A_815 = vector.broadcast %broadcast_in_dim3A_814 : i32 to vector<16xi32>
      %eq3A_816 = vector.broadcast %select_n3A_780 : i32 to vector<16xi32>
      %eq3A_817 = arith.cmpi eq, %broadcast_in_dim3A_815, %eq3A_816 : vector<16xi32>
      %select_n3A_818 = arith.select %eq3A_817, %scan3A_800#0, %select_n3A_667 : vector<16xi1>, vector<16xf32>
      %select_n3A_819 = arith.select %eq3A_817, %scan3A_800#1, %select_n3A_668 : vector<16xi1>, vector<16xi32>
      %broadcast_in_dim3A_820 = arith.constant 3 : i32
      %broadcast_in_dim3A_821 = vector.broadcast %broadcast_in_dim3A_820 : i32 to vector<16xi32>
      %eq3A_822 = vector.broadcast %select_n3A_780 : i32 to vector<16xi32>
      %eq3A_823 = arith.cmpi eq, %broadcast_in_dim3A_821, %eq3A_822 : vector<16xi32>
      %select_n3A_824 = arith.select %eq3A_823, %scan3A_800#0, %select_n3A_673 : vector<16xi1>, vector<16xf32>
      %select_n3A_825 = arith.select %eq3A_823, %scan3A_800#1, %select_n3A_674 : vector<16xi1>, vector<16xi32>
      %broadcast_in_dim3A_826 = arith.constant 4 : i32
      %broadcast_in_dim3A_827 = vector.broadcast %broadcast_in_dim3A_826 : i32 to vector<16xi32>
      %eq3A_828 = vector.broadcast %select_n3A_780 : i32 to vector<16xi32>
      %eq3A_829 = arith.cmpi eq, %broadcast_in_dim3A_827, %eq3A_828 : vector<16xi32>
      %select_n3A_830 = arith.select %eq3A_829, %scan3A_800#0, %select_n3A_679 : vector<16xi1>, vector<16xf32>
      %select_n3A_831 = arith.select %eq3A_829, %scan3A_800#1, %select_n3A_680 : vector<16xi1>, vector<16xi32>
      %broadcast_in_dim3A_832 = arith.constant 5 : i32
      %broadcast_in_dim3A_833 = vector.broadcast %broadcast_in_dim3A_832 : i32 to vector<16xi32>
      %eq3A_834 = vector.broadcast %select_n3A_780 : i32 to vector<16xi32>
      %eq3A_835 = arith.cmpi eq, %broadcast_in_dim3A_833, %eq3A_834 : vector<16xi32>
      %select_n3A_836 = arith.select %eq3A_835, %scan3A_800#0, %select_n3A_685 : vector<16xi1>, vector<16xf32>
      %select_n3A_837 = arith.select %eq3A_835, %scan3A_800#1, %select_n3A_686 : vector<16xi1>, vector<16xi32>
      %broadcast_in_dim3A_838 = arith.constant 6 : i32
      %broadcast_in_dim3A_839 = vector.broadcast %broadcast_in_dim3A_838 : i32 to vector<16xi32>
      %eq3A_840 = vector.broadcast %select_n3A_780 : i32 to vector<16xi32>
      %eq3A_841 = arith.cmpi eq, %broadcast_in_dim3A_839, %eq3A_840 : vector<16xi32>
      %select_n3A_842 = arith.select %eq3A_841, %scan3A_800#0, %select_n3A_691 : vector<16xi1>, vector<16xf32>
      %select_n3A_843 = arith.select %eq3A_841, %scan3A_800#1, %select_n3A_692 : vector<16xi1>, vector<16xi32>
      %broadcast_in_dim3A_844 = arith.constant 7 : i32
      %broadcast_in_dim3A_845 = vector.broadcast %broadcast_in_dim3A_844 : i32 to vector<16xi32>
      %eq3A_846 = vector.broadcast %select_n3A_780 : i32 to vector<16xi32>
      %eq3A_847 = arith.cmpi eq, %broadcast_in_dim3A_845, %eq3A_846 : vector<16xi32>
      %select_n3A_848 = arith.select %eq3A_847, %scan3A_800#0, %select_n3A_697 : vector<16xi1>, vector<16xf32>
      %select_n3A_849 = arith.select %eq3A_847, %scan3A_800#1, %select_n3A_698 : vector<16xi1>, vector<16xi32>
      %max3A_850 = arith.maximumf %select_n3A_806, %select_n3A_812 : vector<16xf32>
      %max3A_851 = arith.maximumf %max3A_850, %select_n3A_818 : vector<16xf32>
      %max3A_852 = arith.maximumf %max3A_851, %select_n3A_824 : vector<16xf32>
      %max3A_853 = arith.maximumf %max3A_852, %select_n3A_830 : vector<16xf32>
      %max3A_854 = arith.maximumf %max3A_853, %select_n3A_836 : vector<16xf32>
      %max3A_855 = arith.maximumf %max3A_854, %select_n3A_842 : vector<16xf32>
      %max3A_856 = arith.maximumf %max3A_855, %select_n3A_848 : vector<16xf32>
      %reduce_max3A_857 = arith.constant true
      %reduce_max3A_858 = vector.broadcast %reduce_max3A_857 : i1 to vector<16xi1>
      %reduce_max3A_859 = tpu.scan <max>, %max3A_856 masked %reduce_max3A_858 : vector<16xf32>, vector<16xi1> -> vector<16xf32>
      %reduce_max3A_860 = vector.extract %reduce_max3A_859[15] : f32 from vector<16xf32>
      %broadcast_in_dim3A_861 = arith.constant 1073741824 : i32
      %broadcast_in_dim3A_862 = vector.broadcast %broadcast_in_dim3A_861 : i32 to vector<16xi32>
      %eq3A_863 = vector.broadcast %reduce_max3A_860 : f32 to vector<16xf32>
      %eq3A_864 = arith.cmpf oeq, %select_n3A_806, %eq3A_863 : vector<16xf32>
      %min3A_865 = arith.minsi %broadcast_in_dim3A_862, %select_n3A_807 : vector<16xi32>
      %select_n3A_866 = arith.select %eq3A_864, %min3A_865, %broadcast_in_dim3A_862 : vector<16xi1>, vector<16xi32>
      %eq3A_867 = vector.broadcast %reduce_max3A_860 : f32 to vector<16xf32>
      %eq3A_868 = arith.cmpf oeq, %select_n3A_812, %eq3A_867 : vector<16xf32>
      %min3A_869 = arith.minsi %select_n3A_866, %select_n3A_813 : vector<16xi32>
      %select_n3A_870 = arith.select %eq3A_868, %min3A_869, %select_n3A_866 : vector<16xi1>, vector<16xi32>
      %eq3A_871 = vector.broadcast %reduce_max3A_860 : f32 to vector<16xf32>
      %eq3A_872 = arith.cmpf oeq, %select_n3A_818, %eq3A_871 : vector<16xf32>
      %min3A_873 = arith.minsi %select_n3A_870, %select_n3A_819 : vector<16xi32>
      %select_n3A_874 = arith.select %eq3A_872, %min3A_873, %select_n3A_870 : vector<16xi1>, vector<16xi32>
      %eq3A_875 = vector.broadcast %reduce_max3A_860 : f32 to vector<16xf32>
      %eq3A_876 = arith.cmpf oeq, %select_n3A_824, %eq3A_875 : vector<16xf32>
      %min3A_877 = arith.minsi %select_n3A_874, %select_n3A_825 : vector<16xi32>
      %select_n3A_878 = arith.select %eq3A_876, %min3A_877, %select_n3A_874 : vector<16xi1>, vector<16xi32>
      %eq3A_879 = vector.broadcast %reduce_max3A_860 : f32 to vector<16xf32>
      %eq3A_880 = arith.cmpf oeq, %select_n3A_830, %eq3A_879 : vector<16xf32>
      %min3A_881 = arith.minsi %select_n3A_878, %select_n3A_831 : vector<16xi32>
      %select_n3A_882 = arith.select %eq3A_880, %min3A_881, %select_n3A_878 : vector<16xi1>, vector<16xi32>
      %eq3A_883 = vector.broadcast %reduce_max3A_860 : f32 to vector<16xf32>
      %eq3A_884 = arith.cmpf oeq, %select_n3A_836, %eq3A_883 : vector<16xf32>
      %min3A_885 = arith.minsi %select_n3A_882, %select_n3A_837 : vector<16xi32>
      %select_n3A_886 = arith.select %eq3A_884, %min3A_885, %select_n3A_882 : vector<16xi1>, vector<16xi32>
      %eq3A_887 = vector.broadcast %reduce_max3A_860 : f32 to vector<16xf32>
      %eq3A_888 = arith.cmpf oeq, %select_n3A_842, %eq3A_887 : vector<16xf32>
      %min3A_889 = arith.minsi %select_n3A_886, %select_n3A_843 : vector<16xi32>
      %select_n3A_890 = arith.select %eq3A_888, %min3A_889, %select_n3A_886 : vector<16xi1>, vector<16xi32>
      %eq3A_891 = vector.broadcast %reduce_max3A_860 : f32 to vector<16xf32>
      %eq3A_892 = arith.cmpf oeq, %select_n3A_848, %eq3A_891 : vector<16xf32>
      %min3A_893 = arith.minsi %select_n3A_890, %select_n3A_849 : vector<16xi32>
      %select_n3A_894 = arith.select %eq3A_892, %min3A_893, %select_n3A_890 : vector<16xi1>, vector<16xi32>
      %reduce_min3A_895 = arith.constant true
      %reduce_min3A_896 = vector.broadcast %reduce_min3A_895 : i1 to vector<16xi1>
      %reduce_min3A_897 = arith.constant -2147483648 : i32
      %reduce_min3A_898 = vector.broadcast %reduce_min3A_897 : i32 to vector<16xi32>
      %reduce_min3A_899 = arith.xori %select_n3A_894, %reduce_min3A_898 : vector<16xi32>
      %reduce_min3A_900 = tpu.scan <min>, %reduce_min3A_899 masked %reduce_min3A_896 : vector<16xi32>, vector<16xi1> -> vector<16xi32>
      %reduce_min3A_901 = arith.xori %reduce_min3A_900, %reduce_min3A_898 : vector<16xi32>
      %reduce_min3A_902 = vector.extract %reduce_min3A_901[15] : i32 from vector<16xi32>
      %eq3A_903 = arith.constant 4 : i32
      %eq3A_904 = vector.broadcast %eq3A_903 : i32 to vector<16xi32>
      %eq3A_905 = arith.cmpi eq, %iota3A, %eq3A_904 : vector<16xi32>
      %broadcast_in_dim3A_906 = vector.broadcast %reduce_min3A_902 : i32 to vector<16xi32>
      %select_n3A_907 = arith.select %eq3A_905, %broadcast_in_dim3A_906, %select_n3A_756 : vector<16xi1>, vector<16xi32>
      %jit3A_908 = arith.constant 512 : i32
      %div3A_909 = arith.divsi %reduce_min3A_902, %jit3A_908 : i32
      %sign3A_910 = arith.constant 0 : i32
      %sign3A_911 = arith.cmpi sgt, %reduce_min3A_902, %sign3A_910 : i32
      %sign3A_912 = arith.extui %sign3A_911 : i1 to i32
      %sign3A_913 = arith.constant 0 : i32
      %sign3A_914 = arith.cmpi slt, %reduce_min3A_902, %sign3A_913 : i32
      %sign3A_915 = arith.extui %sign3A_914 : i1 to i32
      %sign3A_916 = arith.subi %sign3A_912, %sign3A_915 : i32
      %sign3A_917 = arith.constant 0 : i32
      %sign3A_918 = arith.cmpi sgt, %jit3A_908, %sign3A_917 : i32
      %sign3A_919 = arith.extui %sign3A_918 : i1 to i32
      %sign3A_920 = arith.constant 0 : i32
      %sign3A_921 = arith.cmpi slt, %jit3A_908, %sign3A_920 : i32
      %sign3A_922 = arith.extui %sign3A_921 : i1 to i32
      %sign3A_923 = arith.subi %sign3A_919, %sign3A_922 : i32
      %ne3A_924 = arith.cmpi ne, %sign3A_916, %sign3A_923 : i32
      %rem3A_925 = arith.remsi %reduce_min3A_902, %jit3A_908 : i32
      %ne3A_926 = arith.constant 0 : i32
      %ne3A_927 = arith.cmpi ne, %rem3A_925, %ne3A_926 : i32
      %and3A_928 = arith.andi %ne3A_924, %ne3A_927 : i1
      %sub3A_929 = arith.constant 1 : i32
      %sub3A_930 = arith.subi %div3A_909, %sub3A_929 : i32
      %select_n3A_931 = arith.select %and3A_928, %sub3A_930, %div3A_909 : i32
      %broadcast_in_dim3A_932 = arith.constant 0 : i32
      %broadcast_in_dim3A_933 = vector.broadcast %broadcast_in_dim3A_932 : i32 to vector<16xi32>
      %add3A_934 = vector.broadcast %reduce_min3A_902 : i32 to vector<16xi32>
      %add3A_935 = arith.addi %broadcast_in_dim3A_933, %add3A_934 : vector<16xi32>
      %broadcast_in_dim3A_936 = arith.constant 0xFF800000 : f32
      %broadcast_in_dim3A_937 = vector.broadcast %broadcast_in_dim3A_936 : f32 to vector<16xf32>
      %eq3A_938 = arith.constant 0 : i32
      %eq3A_939 = vector.broadcast %eq3A_938 : i32 to vector<16xi32>
      %eq3A_940 = arith.cmpi eq, %iota3A, %eq3A_939 : vector<16xi32>
      tpu.vector_store_idx %arg7[%add3A_935], %broadcast_in_dim3A_937 masked %eq3A_940 : memref<4096xf32, #tpu.memory_space<vmem>>[vector<16xi32>], vector<16xf32>, vector<16xi1>
      %mul3A_941 = arith.constant 32 : i32
      %mul3A_942 = arith.muli %select_n3A_931, %mul3A_941 : i32
      %broadcast_in_dim3A_943 = arith.constant 0xFF800000 : f32
      %broadcast_in_dim3A_944 = vector.broadcast %broadcast_in_dim3A_943 : f32 to vector<16xf32>
      %broadcast_in_dim3A_945 = arith.constant 0 : i32
      %broadcast_in_dim3A_946 = vector.broadcast %broadcast_in_dim3A_945 : i32 to vector<16xi32>
      %scan3A_947 = arith.constant 0 : i32
      %scan3A_948 = arith.constant 32 : i32
      %scan3A_949 = arith.addi %scan3A_947, %scan3A_948 : i32
      %scan3A_950 = arith.constant 8 : i32
      %scan3A_951:2 = scf.for %scan3A_1497 = %scan3A_947 to %scan3A_949 step %scan3A_950 iter_args(%scan3A_1498 = %broadcast_in_dim3A_944, %scan3A_1499 = %broadcast_in_dim3A_946) -> (vector<16xf32>, vector<16xi32>)  : i32 {
        %add3A_1500 = arith.addi %mul3A_942, %scan3A_1497 : i32
        %mul3A_1501 = arith.constant 16 : i32
        %mul3A_1502 = arith.muli %add3A_1500, %mul3A_1501 : i32
        %get3A_1503 = arith.index_cast %mul3A_1502 : i32 to index
        %get3A_1504 = tpu.vector_load %arg7[%get3A_1503] {strides = array<i32>} : memref<4096xf32, #tpu.memory_space<vmem>>, vector<16xf32>,
        %mul3A_1505 = arith.constant 16 : i32
        %mul3A_1506 = arith.muli %add3A_1500, %mul3A_1505 : i32
        %add3A_1507 = vector.broadcast %mul3A_1506 : i32 to vector<16xi32>
        %add3A_1508 = arith.addi %add3A_1507, %iota3A : vector<16xi32>
        %gt3A = arith.cmpf ogt, %get3A_1504, %scan3A_1498 : vector<16xf32>
        %select_n3A_1509 = arith.select %gt3A, %get3A_1504, %scan3A_1498 : vector<16xi1>, vector<16xf32>
        %select_n3A_1510 = arith.select %gt3A, %add3A_1508, %scan3A_1499 : vector<16xi1>, vector<16xi32>
        %scan3A_1511 = arith.constant 1 : i32
        %scan3A_1512 = arith.addi %scan3A_1497, %scan3A_1511 : i32
        %add3A_1513 = arith.addi %mul3A_942, %scan3A_1512 : i32
        %mul3A_1514 = arith.constant 16 : i32
        %mul3A_1515 = arith.muli %add3A_1513, %mul3A_1514 : i32
        %get3A_1516 = arith.index_cast %mul3A_1515 : i32 to index
        %get3A_1517 = tpu.vector_load %arg7[%get3A_1516] {strides = array<i32>} : memref<4096xf32, #tpu.memory_space<vmem>>, vector<16xf32>,
        %mul3A_1518 = arith.constant 16 : i32
        %mul3A_1519 = arith.muli %add3A_1513, %mul3A_1518 : i32
        %add3A_1520 = vector.broadcast %mul3A_1519 : i32 to vector<16xi32>
        %add3A_1521 = arith.addi %add3A_1520, %iota3A : vector<16xi32>
        %gt3A_1522 = arith.cmpf ogt, %get3A_1517, %select_n3A_1509 : vector<16xf32>
        %select_n3A_1523 = arith.select %gt3A_1522, %get3A_1517, %select_n3A_1509 : vector<16xi1>, vector<16xf32>
        %select_n3A_1524 = arith.select %gt3A_1522, %add3A_1521, %select_n3A_1510 : vector<16xi1>, vector<16xi32>
        %scan3A_1525 = arith.constant 2 : i32
        %scan3A_1526 = arith.addi %scan3A_1497, %scan3A_1525 : i32
        %add3A_1527 = arith.addi %mul3A_942, %scan3A_1526 : i32
        %mul3A_1528 = arith.constant 16 : i32
        %mul3A_1529 = arith.muli %add3A_1527, %mul3A_1528 : i32
        %get3A_1530 = arith.index_cast %mul3A_1529 : i32 to index
        %get3A_1531 = tpu.vector_load %arg7[%get3A_1530] {strides = array<i32>} : memref<4096xf32, #tpu.memory_space<vmem>>, vector<16xf32>,
        %mul3A_1532 = arith.constant 16 : i32
        %mul3A_1533 = arith.muli %add3A_1527, %mul3A_1532 : i32
        %add3A_1534 = vector.broadcast %mul3A_1533 : i32 to vector<16xi32>
        %add3A_1535 = arith.addi %add3A_1534, %iota3A : vector<16xi32>
        %gt3A_1536 = arith.cmpf ogt, %get3A_1531, %select_n3A_1523 : vector<16xf32>
        %select_n3A_1537 = arith.select %gt3A_1536, %get3A_1531, %select_n3A_1523 : vector<16xi1>, vector<16xf32>
        %select_n3A_1538 = arith.select %gt3A_1536, %add3A_1535, %select_n3A_1524 : vector<16xi1>, vector<16xi32>
        %scan3A_1539 = arith.constant 3 : i32
        %scan3A_1540 = arith.addi %scan3A_1497, %scan3A_1539 : i32
        %add3A_1541 = arith.addi %mul3A_942, %scan3A_1540 : i32
        %mul3A_1542 = arith.constant 16 : i32
        %mul3A_1543 = arith.muli %add3A_1541, %mul3A_1542 : i32
        %get3A_1544 = arith.index_cast %mul3A_1543 : i32 to index
        %get3A_1545 = tpu.vector_load %arg7[%get3A_1544] {strides = array<i32>} : memref<4096xf32, #tpu.memory_space<vmem>>, vector<16xf32>,
        %mul3A_1546 = arith.constant 16 : i32
        %mul3A_1547 = arith.muli %add3A_1541, %mul3A_1546 : i32
        %add3A_1548 = vector.broadcast %mul3A_1547 : i32 to vector<16xi32>
        %add3A_1549 = arith.addi %add3A_1548, %iota3A : vector<16xi32>
        %gt3A_1550 = arith.cmpf ogt, %get3A_1545, %select_n3A_1537 : vector<16xf32>
        %select_n3A_1551 = arith.select %gt3A_1550, %get3A_1545, %select_n3A_1537 : vector<16xi1>, vector<16xf32>
        %select_n3A_1552 = arith.select %gt3A_1550, %add3A_1549, %select_n3A_1538 : vector<16xi1>, vector<16xi32>
        %scan3A_1553 = arith.constant 4 : i32
        %scan3A_1554 = arith.addi %scan3A_1497, %scan3A_1553 : i32
        %add3A_1555 = arith.addi %mul3A_942, %scan3A_1554 : i32
        %mul3A_1556 = arith.constant 16 : i32
        %mul3A_1557 = arith.muli %add3A_1555, %mul3A_1556 : i32
        %get3A_1558 = arith.index_cast %mul3A_1557 : i32 to index
        %get3A_1559 = tpu.vector_load %arg7[%get3A_1558] {strides = array<i32>} : memref<4096xf32, #tpu.memory_space<vmem>>, vector<16xf32>,
        %mul3A_1560 = arith.constant 16 : i32
        %mul3A_1561 = arith.muli %add3A_1555, %mul3A_1560 : i32
        %add3A_1562 = vector.broadcast %mul3A_1561 : i32 to vector<16xi32>
        %add3A_1563 = arith.addi %add3A_1562, %iota3A : vector<16xi32>
        %gt3A_1564 = arith.cmpf ogt, %get3A_1559, %select_n3A_1551 : vector<16xf32>
        %select_n3A_1565 = arith.select %gt3A_1564, %get3A_1559, %select_n3A_1551 : vector<16xi1>, vector<16xf32>
        %select_n3A_1566 = arith.select %gt3A_1564, %add3A_1563, %select_n3A_1552 : vector<16xi1>, vector<16xi32>
        %scan3A_1567 = arith.constant 5 : i32
        %scan3A_1568 = arith.addi %scan3A_1497, %scan3A_1567 : i32
        %add3A_1569 = arith.addi %mul3A_942, %scan3A_1568 : i32
        %mul3A_1570 = arith.constant 16 : i32
        %mul3A_1571 = arith.muli %add3A_1569, %mul3A_1570 : i32
        %get3A_1572 = arith.index_cast %mul3A_1571 : i32 to index
        %get3A_1573 = tpu.vector_load %arg7[%get3A_1572] {strides = array<i32>} : memref<4096xf32, #tpu.memory_space<vmem>>, vector<16xf32>,
        %mul3A_1574 = arith.constant 16 : i32
        %mul3A_1575 = arith.muli %add3A_1569, %mul3A_1574 : i32
        %add3A_1576 = vector.broadcast %mul3A_1575 : i32 to vector<16xi32>
        %add3A_1577 = arith.addi %add3A_1576, %iota3A : vector<16xi32>
        %gt3A_1578 = arith.cmpf ogt, %get3A_1573, %select_n3A_1565 : vector<16xf32>
        %select_n3A_1579 = arith.select %gt3A_1578, %get3A_1573, %select_n3A_1565 : vector<16xi1>, vector<16xf32>
        %select_n3A_1580 = arith.select %gt3A_1578, %add3A_1577, %select_n3A_1566 : vector<16xi1>, vector<16xi32>
        %scan3A_1581 = arith.constant 6 : i32
        %scan3A_1582 = arith.addi %scan3A_1497, %scan3A_1581 : i32
        %add3A_1583 = arith.addi %mul3A_942, %scan3A_1582 : i32
        %mul3A_1584 = arith.constant 16 : i32
        %mul3A_1585 = arith.muli %add3A_1583, %mul3A_1584 : i32
        %get3A_1586 = arith.index_cast %mul3A_1585 : i32 to index
        %get3A_1587 = tpu.vector_load %arg7[%get3A_1586] {strides = array<i32>} : memref<4096xf32, #tpu.memory_space<vmem>>, vector<16xf32>,
        %mul3A_1588 = arith.constant 16 : i32
        %mul3A_1589 = arith.muli %add3A_1583, %mul3A_1588 : i32
        %add3A_1590 = vector.broadcast %mul3A_1589 : i32 to vector<16xi32>
        %add3A_1591 = arith.addi %add3A_1590, %iota3A : vector<16xi32>
        %gt3A_1592 = arith.cmpf ogt, %get3A_1587, %select_n3A_1579 : vector<16xf32>
        %select_n3A_1593 = arith.select %gt3A_1592, %get3A_1587, %select_n3A_1579 : vector<16xi1>, vector<16xf32>
        %select_n3A_1594 = arith.select %gt3A_1592, %add3A_1591, %select_n3A_1580 : vector<16xi1>, vector<16xi32>
        %scan3A_1595 = arith.constant 7 : i32
        %scan3A_1596 = arith.addi %scan3A_1497, %scan3A_1595 : i32
        %add3A_1597 = arith.addi %mul3A_942, %scan3A_1596 : i32
        %mul3A_1598 = arith.constant 16 : i32
        %mul3A_1599 = arith.muli %add3A_1597, %mul3A_1598 : i32
        %get3A_1600 = arith.index_cast %mul3A_1599 : i32 to index
        %get3A_1601 = tpu.vector_load %arg7[%get3A_1600] {strides = array<i32>} : memref<4096xf32, #tpu.memory_space<vmem>>, vector<16xf32>,
        %mul3A_1602 = arith.constant 16 : i32
        %mul3A_1603 = arith.muli %add3A_1597, %mul3A_1602 : i32
        %add3A_1604 = vector.broadcast %mul3A_1603 : i32 to vector<16xi32>
        %add3A_1605 = arith.addi %add3A_1604, %iota3A : vector<16xi32>
        %gt3A_1606 = arith.cmpf ogt, %get3A_1601, %select_n3A_1593 : vector<16xf32>
        %select_n3A_1607 = arith.select %gt3A_1606, %get3A_1601, %select_n3A_1593 : vector<16xi1>, vector<16xf32>
        %select_n3A_1608 = arith.select %gt3A_1606, %add3A_1605, %select_n3A_1594 : vector<16xi1>, vector<16xi32>
        scf.yield %select_n3A_1607, %select_n3A_1608 : vector<16xf32>, vector<16xi32>
      }
      %scan3A_952 = arith.constant 32 : i32
      %broadcast_in_dim3A_953 = arith.constant 0 : i32
      %broadcast_in_dim3A_954 = vector.broadcast %broadcast_in_dim3A_953 : i32 to vector<16xi32>
      %eq3A_955 = vector.broadcast %select_n3A_931 : i32 to vector<16xi32>
      %eq3A_956 = arith.cmpi eq, %broadcast_in_dim3A_954, %eq3A_955 : vector<16xi32>
      %select_n3A_957 = arith.select %eq3A_956, %scan3A_951#0, %select_n3A_806 : vector<16xi1>, vector<16xf32>
      %select_n3A_958 = arith.select %eq3A_956, %scan3A_951#1, %select_n3A_807 : vector<16xi1>, vector<16xi32>
      %broadcast_in_dim3A_959 = arith.constant 1 : i32
      %broadcast_in_dim3A_960 = vector.broadcast %broadcast_in_dim3A_959 : i32 to vector<16xi32>
      %eq3A_961 = vector.broadcast %select_n3A_931 : i32 to vector<16xi32>
      %eq3A_962 = arith.cmpi eq, %broadcast_in_dim3A_960, %eq3A_961 : vector<16xi32>
      %select_n3A_963 = arith.select %eq3A_962, %scan3A_951#0, %select_n3A_812 : vector<16xi1>, vector<16xf32>
      %select_n3A_964 = arith.select %eq3A_962, %scan3A_951#1, %select_n3A_813 : vector<16xi1>, vector<16xi32>
      %broadcast_in_dim3A_965 = arith.constant 2 : i32
      %broadcast_in_dim3A_966 = vector.broadcast %broadcast_in_dim3A_965 : i32 to vector<16xi32>
      %eq3A_967 = vector.broadcast %select_n3A_931 : i32 to vector<16xi32>
      %eq3A_968 = arith.cmpi eq, %broadcast_in_dim3A_966, %eq3A_967 : vector<16xi32>
      %select_n3A_969 = arith.select %eq3A_968, %scan3A_951#0, %select_n3A_818 : vector<16xi1>, vector<16xf32>
      %select_n3A_970 = arith.select %eq3A_968, %scan3A_951#1, %select_n3A_819 : vector<16xi1>, vector<16xi32>
      %broadcast_in_dim3A_971 = arith.constant 3 : i32
      %broadcast_in_dim3A_972 = vector.broadcast %broadcast_in_dim3A_971 : i32 to vector<16xi32>
      %eq3A_973 = vector.broadcast %select_n3A_931 : i32 to vector<16xi32>
      %eq3A_974 = arith.cmpi eq, %broadcast_in_dim3A_972, %eq3A_973 : vector<16xi32>
      %select_n3A_975 = arith.select %eq3A_974, %scan3A_951#0, %select_n3A_824 : vector<16xi1>, vector<16xf32>
      %select_n3A_976 = arith.select %eq3A_974, %scan3A_951#1, %select_n3A_825 : vector<16xi1>, vector<16xi32>
      %broadcast_in_dim3A_977 = arith.constant 4 : i32
      %broadcast_in_dim3A_978 = vector.broadcast %broadcast_in_dim3A_977 : i32 to vector<16xi32>
      %eq3A_979 = vector.broadcast %select_n3A_931 : i32 to vector<16xi32>
      %eq3A_980 = arith.cmpi eq, %broadcast_in_dim3A_978, %eq3A_979 : vector<16xi32>
      %select_n3A_981 = arith.select %eq3A_980, %scan3A_951#0, %select_n3A_830 : vector<16xi1>, vector<16xf32>
      %select_n3A_982 = arith.select %eq3A_980, %scan3A_951#1, %select_n3A_831 : vector<16xi1>, vector<16xi32>
      %broadcast_in_dim3A_983 = arith.constant 5 : i32
      %broadcast_in_dim3A_984 = vector.broadcast %broadcast_in_dim3A_983 : i32 to vector<16xi32>
      %eq3A_985 = vector.broadcast %select_n3A_931 : i32 to vector<16xi32>
      %eq3A_986 = arith.cmpi eq, %broadcast_in_dim3A_984, %eq3A_985 : vector<16xi32>
      %select_n3A_987 = arith.select %eq3A_986, %scan3A_951#0, %select_n3A_836 : vector<16xi1>, vector<16xf32>
      %select_n3A_988 = arith.select %eq3A_986, %scan3A_951#1, %select_n3A_837 : vector<16xi1>, vector<16xi32>
      %broadcast_in_dim3A_989 = arith.constant 6 : i32
      %broadcast_in_dim3A_990 = vector.broadcast %broadcast_in_dim3A_989 : i32 to vector<16xi32>
      %eq3A_991 = vector.broadcast %select_n3A_931 : i32 to vector<16xi32>
      %eq3A_992 = arith.cmpi eq, %broadcast_in_dim3A_990, %eq3A_991 : vector<16xi32>
      %select_n3A_993 = arith.select %eq3A_992, %scan3A_951#0, %select_n3A_842 : vector<16xi1>, vector<16xf32>
      %select_n3A_994 = arith.select %eq3A_992, %scan3A_951#1, %select_n3A_843 : vector<16xi1>, vector<16xi32>
      %broadcast_in_dim3A_995 = arith.constant 7 : i32
      %broadcast_in_dim3A_996 = vector.broadcast %broadcast_in_dim3A_995 : i32 to vector<16xi32>
      %eq3A_997 = vector.broadcast %select_n3A_931 : i32 to vector<16xi32>
      %eq3A_998 = arith.cmpi eq, %broadcast_in_dim3A_996, %eq3A_997 : vector<16xi32>
      %select_n3A_999 = arith.select %eq3A_998, %scan3A_951#0, %select_n3A_848 : vector<16xi1>, vector<16xf32>
      %select_n3A_1000 = arith.select %eq3A_998, %scan3A_951#1, %select_n3A_849 : vector<16xi1>, vector<16xi32>
      %max3A_1001 = arith.maximumf %select_n3A_957, %select_n3A_963 : vector<16xf32>
      %max3A_1002 = arith.maximumf %max3A_1001, %select_n3A_969 : vector<16xf32>
      %max3A_1003 = arith.maximumf %max3A_1002, %select_n3A_975 : vector<16xf32>
      %max3A_1004 = arith.maximumf %max3A_1003, %select_n3A_981 : vector<16xf32>
      %max3A_1005 = arith.maximumf %max3A_1004, %select_n3A_987 : vector<16xf32>
      %max3A_1006 = arith.maximumf %max3A_1005, %select_n3A_993 : vector<16xf32>
      %max3A_1007 = arith.maximumf %max3A_1006, %select_n3A_999 : vector<16xf32>
      %reduce_max3A_1008 = arith.constant true
      %reduce_max3A_1009 = vector.broadcast %reduce_max3A_1008 : i1 to vector<16xi1>
      %reduce_max3A_1010 = tpu.scan <max>, %max3A_1007 masked %reduce_max3A_1009 : vector<16xf32>, vector<16xi1> -> vector<16xf32>
      %reduce_max3A_1011 = vector.extract %reduce_max3A_1010[15] : f32 from vector<16xf32>
      %broadcast_in_dim3A_1012 = arith.constant 1073741824 : i32
      %broadcast_in_dim3A_1013 = vector.broadcast %broadcast_in_dim3A_1012 : i32 to vector<16xi32>
      %eq3A_1014 = vector.broadcast %reduce_max3A_1011 : f32 to vector<16xf32>
      %eq3A_1015 = arith.cmpf oeq, %select_n3A_957, %eq3A_1014 : vector<16xf32>
      %min3A_1016 = arith.minsi %broadcast_in_dim3A_1013, %select_n3A_958 : vector<16xi32>
      %select_n3A_1017 = arith.select %eq3A_1015, %min3A_1016, %broadcast_in_dim3A_1013 : vector<16xi1>, vector<16xi32>
      %eq3A_1018 = vector.broadcast %reduce_max3A_1011 : f32 to vector<16xf32>
      %eq3A_1019 = arith.cmpf oeq, %select_n3A_963, %eq3A_1018 : vector<16xf32>
      %min3A_1020 = arith.minsi %select_n3A_1017, %select_n3A_964 : vector<16xi32>
      %select_n3A_1021 = arith.select %eq3A_1019, %min3A_1020, %select_n3A_1017 : vector<16xi1>, vector<16xi32>
      %eq3A_1022 = vector.broadcast %reduce_max3A_1011 : f32 to vector<16xf32>
      %eq3A_1023 = arith.cmpf oeq, %select_n3A_969, %eq3A_1022 : vector<16xf32>
      %min3A_1024 = arith.minsi %select_n3A_1021, %select_n3A_970 : vector<16xi32>
      %select_n3A_1025 = arith.select %eq3A_1023, %min3A_1024, %select_n3A_1021 : vector<16xi1>, vector<16xi32>
      %eq3A_1026 = vector.broadcast %reduce_max3A_1011 : f32 to vector<16xf32>
      %eq3A_1027 = arith.cmpf oeq, %select_n3A_975, %eq3A_1026 : vector<16xf32>
      %min3A_1028 = arith.minsi %select_n3A_1025, %select_n3A_976 : vector<16xi32>
      %select_n3A_1029 = arith.select %eq3A_1027, %min3A_1028, %select_n3A_1025 : vector<16xi1>, vector<16xi32>
      %eq3A_1030 = vector.broadcast %reduce_max3A_1011 : f32 to vector<16xf32>
      %eq3A_1031 = arith.cmpf oeq, %select_n3A_981, %eq3A_1030 : vector<16xf32>
      %min3A_1032 = arith.minsi %select_n3A_1029, %select_n3A_982 : vector<16xi32>
      %select_n3A_1033 = arith.select %eq3A_1031, %min3A_1032, %select_n3A_1029 : vector<16xi1>, vector<16xi32>
      %eq3A_1034 = vector.broadcast %reduce_max3A_1011 : f32 to vector<16xf32>
      %eq3A_1035 = arith.cmpf oeq, %select_n3A_987, %eq3A_1034 : vector<16xf32>
      %min3A_1036 = arith.minsi %select_n3A_1033, %select_n3A_988 : vector<16xi32>
      %select_n3A_1037 = arith.select %eq3A_1035, %min3A_1036, %select_n3A_1033 : vector<16xi1>, vector<16xi32>
      %eq3A_1038 = vector.broadcast %reduce_max3A_1011 : f32 to vector<16xf32>
      %eq3A_1039 = arith.cmpf oeq, %select_n3A_993, %eq3A_1038 : vector<16xf32>
      %min3A_1040 = arith.minsi %select_n3A_1037, %select_n3A_994 : vector<16xi32>
      %select_n3A_1041 = arith.select %eq3A_1039, %min3A_1040, %select_n3A_1037 : vector<16xi1>, vector<16xi32>
      %eq3A_1042 = vector.broadcast %reduce_max3A_1011 : f32 to vector<16xf32>
      %eq3A_1043 = arith.cmpf oeq, %select_n3A_999, %eq3A_1042 : vector<16xf32>
      %min3A_1044 = arith.minsi %select_n3A_1041, %select_n3A_1000 : vector<16xi32>
      %select_n3A_1045 = arith.select %eq3A_1043, %min3A_1044, %select_n3A_1041 : vector<16xi1>, vector<16xi32>
      %reduce_min3A_1046 = arith.constant true
      %reduce_min3A_1047 = vector.broadcast %reduce_min3A_1046 : i1 to vector<16xi1>
      %reduce_min3A_1048 = arith.constant -2147483648 : i32
      %reduce_min3A_1049 = vector.broadcast %reduce_min3A_1048 : i32 to vector<16xi32>
      %reduce_min3A_1050 = arith.xori %select_n3A_1045, %reduce_min3A_1049 : vector<16xi32>
      %reduce_min3A_1051 = tpu.scan <min>, %reduce_min3A_1050 masked %reduce_min3A_1047 : vector<16xi32>, vector<16xi1> -> vector<16xi32>
      %reduce_min3A_1052 = arith.xori %reduce_min3A_1051, %reduce_min3A_1049 : vector<16xi32>
      %reduce_min3A_1053 = vector.extract %reduce_min3A_1052[15] : i32 from vector<16xi32>
      %eq3A_1054 = arith.constant 5 : i32
      %eq3A_1055 = vector.broadcast %eq3A_1054 : i32 to vector<16xi32>
      %eq3A_1056 = arith.cmpi eq, %iota3A, %eq3A_1055 : vector<16xi32>
      %broadcast_in_dim3A_1057 = vector.broadcast %reduce_min3A_1053 : i32 to vector<16xi32>
      %select_n3A_1058 = arith.select %eq3A_1056, %broadcast_in_dim3A_1057, %select_n3A_907 : vector<16xi1>, vector<16xi32>
      %jit3A_1059 = arith.constant 512 : i32
      %div3A_1060 = arith.divsi %reduce_min3A_1053, %jit3A_1059 : i32
      %sign3A_1061 = arith.constant 0 : i32
      %sign3A_1062 = arith.cmpi sgt, %reduce_min3A_1053, %sign3A_1061 : i32
      %sign3A_1063 = arith.extui %sign3A_1062 : i1 to i32
      %sign3A_1064 = arith.constant 0 : i32
      %sign3A_1065 = arith.cmpi slt, %reduce_min3A_1053, %sign3A_1064 : i32
      %sign3A_1066 = arith.extui %sign3A_1065 : i1 to i32
      %sign3A_1067 = arith.subi %sign3A_1063, %sign3A_1066 : i32
      %sign3A_1068 = arith.constant 0 : i32
      %sign3A_1069 = arith.cmpi sgt, %jit3A_1059, %sign3A_1068 : i32
      %sign3A_1070 = arith.extui %sign3A_1069 : i1 to i32
      %sign3A_1071 = arith.constant 0 : i32
      %sign3A_1072 = arith.cmpi slt, %jit3A_1059, %sign3A_1071 : i32
      %sign3A_1073 = arith.extui %sign3A_1072 : i1 to i32
      %sign3A_1074 = arith.subi %sign3A_1070, %sign3A_1073 : i32
      %ne3A_1075 = arith.cmpi ne, %sign3A_1067, %sign3A_1074 : i32
      %rem3A_1076 = arith.remsi %reduce_min3A_1053, %jit3A_1059 : i32
      %ne3A_1077 = arith.constant 0 : i32
      %ne3A_1078 = arith.cmpi ne, %rem3A_1076, %ne3A_1077 : i32
      %and3A_1079 = arith.andi %ne3A_1075, %ne3A_1078 : i1
      %sub3A_1080 = arith.constant 1 : i32
      %sub3A_1081 = arith.subi %div3A_1060, %sub3A_1080 : i32
      %select_n3A_1082 = arith.select %and3A_1079, %sub3A_1081, %div3A_1060 : i32
      %broadcast_in_dim3A_1083 = arith.constant 0 : i32
      %broadcast_in_dim3A_1084 = vector.broadcast %broadcast_in_dim3A_1083 : i32 to vector<16xi32>
      %add3A_1085 = vector.broadcast %reduce_min3A_1053 : i32 to vector<16xi32>
      %add3A_1086 = arith.addi %broadcast_in_dim3A_1084, %add3A_1085 : vector<16xi32>
      %broadcast_in_dim3A_1087 = arith.constant 0xFF800000 : f32
      %broadcast_in_dim3A_1088 = vector.broadcast %broadcast_in_dim3A_1087 : f32 to vector<16xf32>
      %eq3A_1089 = arith.constant 0 : i32
      %eq3A_1090 = vector.broadcast %eq3A_1089 : i32 to vector<16xi32>
      %eq3A_1091 = arith.cmpi eq, %iota3A, %eq3A_1090 : vector<16xi32>
      tpu.vector_store_idx %arg7[%add3A_1086], %broadcast_in_dim3A_1088 masked %eq3A_1091 : memref<4096xf32, #tpu.memory_space<vmem>>[vector<16xi32>], vector<16xf32>, vector<16xi1>
      %mul3A_1092 = arith.constant 32 : i32
      %mul3A_1093 = arith.muli %select_n3A_1082, %mul3A_1092 : i32
      %broadcast_in_dim3A_1094 = arith.constant 0xFF800000 : f32
      %broadcast_in_dim3A_1095 = vector.broadcast %broadcast_in_dim3A_1094 : f32 to vector<16xf32>
      %broadcast_in_dim3A_1096 = arith.constant 0 : i32
      %broadcast_in_dim3A_1097 = vector.broadcast %broadcast_in_dim3A_1096 : i32 to vector<16xi32>
      %scan3A_1098 = arith.constant 0 : i32
      %scan3A_1099 = arith.constant 32 : i32
      %scan3A_1100 = arith.addi %scan3A_1098, %scan3A_1099 : i32
      %scan3A_1101 = arith.constant 8 : i32
      %scan3A_1102:2 = scf.for %scan3A_1497 = %scan3A_1098 to %scan3A_1100 step %scan3A_1101 iter_args(%scan3A_1498 = %broadcast_in_dim3A_1095, %scan3A_1499 = %broadcast_in_dim3A_1097) -> (vector<16xf32>, vector<16xi32>)  : i32 {
        %add3A_1500 = arith.addi %mul3A_1093, %scan3A_1497 : i32
        %mul3A_1501 = arith.constant 16 : i32
        %mul3A_1502 = arith.muli %add3A_1500, %mul3A_1501 : i32
        %get3A_1503 = arith.index_cast %mul3A_1502 : i32 to index
        %get3A_1504 = tpu.vector_load %arg7[%get3A_1503] {strides = array<i32>} : memref<4096xf32, #tpu.memory_space<vmem>>, vector<16xf32>,
        %mul3A_1505 = arith.constant 16 : i32
        %mul3A_1506 = arith.muli %add3A_1500, %mul3A_1505 : i32
        %add3A_1507 = vector.broadcast %mul3A_1506 : i32 to vector<16xi32>
        %add3A_1508 = arith.addi %add3A_1507, %iota3A : vector<16xi32>
        %gt3A = arith.cmpf ogt, %get3A_1504, %scan3A_1498 : vector<16xf32>
        %select_n3A_1509 = arith.select %gt3A, %get3A_1504, %scan3A_1498 : vector<16xi1>, vector<16xf32>
        %select_n3A_1510 = arith.select %gt3A, %add3A_1508, %scan3A_1499 : vector<16xi1>, vector<16xi32>
        %scan3A_1511 = arith.constant 1 : i32
        %scan3A_1512 = arith.addi %scan3A_1497, %scan3A_1511 : i32
        %add3A_1513 = arith.addi %mul3A_1093, %scan3A_1512 : i32
        %mul3A_1514 = arith.constant 16 : i32
        %mul3A_1515 = arith.muli %add3A_1513, %mul3A_1514 : i32
        %get3A_1516 = arith.index_cast %mul3A_1515 : i32 to index
        %get3A_1517 = tpu.vector_load %arg7[%get3A_1516] {strides = array<i32>} : memref<4096xf32, #tpu.memory_space<vmem>>, vector<16xf32>,
        %mul3A_1518 = arith.constant 16 : i32
        %mul3A_1519 = arith.muli %add3A_1513, %mul3A_1518 : i32
        %add3A_1520 = vector.broadcast %mul3A_1519 : i32 to vector<16xi32>
        %add3A_1521 = arith.addi %add3A_1520, %iota3A : vector<16xi32>
        %gt3A_1522 = arith.cmpf ogt, %get3A_1517, %select_n3A_1509 : vector<16xf32>
        %select_n3A_1523 = arith.select %gt3A_1522, %get3A_1517, %select_n3A_1509 : vector<16xi1>, vector<16xf32>
        %select_n3A_1524 = arith.select %gt3A_1522, %add3A_1521, %select_n3A_1510 : vector<16xi1>, vector<16xi32>
        %scan3A_1525 = arith.constant 2 : i32
        %scan3A_1526 = arith.addi %scan3A_1497, %scan3A_1525 : i32
        %add3A_1527 = arith.addi %mul3A_1093, %scan3A_1526 : i32
        %mul3A_1528 = arith.constant 16 : i32
        %mul3A_1529 = arith.muli %add3A_1527, %mul3A_1528 : i32
        %get3A_1530 = arith.index_cast %mul3A_1529 : i32 to index
        %get3A_1531 = tpu.vector_load %arg7[%get3A_1530] {strides = array<i32>} : memref<4096xf32, #tpu.memory_space<vmem>>, vector<16xf32>,
        %mul3A_1532 = arith.constant 16 : i32
        %mul3A_1533 = arith.muli %add3A_1527, %mul3A_1532 : i32
        %add3A_1534 = vector.broadcast %mul3A_1533 : i32 to vector<16xi32>
        %add3A_1535 = arith.addi %add3A_1534, %iota3A : vector<16xi32>
        %gt3A_1536 = arith.cmpf ogt, %get3A_1531, %select_n3A_1523 : vector<16xf32>
        %select_n3A_1537 = arith.select %gt3A_1536, %get3A_1531, %select_n3A_1523 : vector<16xi1>, vector<16xf32>
        %select_n3A_1538 = arith.select %gt3A_1536, %add3A_1535, %select_n3A_1524 : vector<16xi1>, vector<16xi32>
        %scan3A_1539 = arith.constant 3 : i32
        %scan3A_1540 = arith.addi %scan3A_1497, %scan3A_1539 : i32
        %add3A_1541 = arith.addi %mul3A_1093, %scan3A_1540 : i32
        %mul3A_1542 = arith.constant 16 : i32
        %mul3A_1543 = arith.muli %add3A_1541, %mul3A_1542 : i32
        %get3A_1544 = arith.index_cast %mul3A_1543 : i32 to index
        %get3A_1545 = tpu.vector_load %arg7[%get3A_1544] {strides = array<i32>} : memref<4096xf32, #tpu.memory_space<vmem>>, vector<16xf32>,
        %mul3A_1546 = arith.constant 16 : i32
        %mul3A_1547 = arith.muli %add3A_1541, %mul3A_1546 : i32
        %add3A_1548 = vector.broadcast %mul3A_1547 : i32 to vector<16xi32>
        %add3A_1549 = arith.addi %add3A_1548, %iota3A : vector<16xi32>
        %gt3A_1550 = arith.cmpf ogt, %get3A_1545, %select_n3A_1537 : vector<16xf32>
        %select_n3A_1551 = arith.select %gt3A_1550, %get3A_1545, %select_n3A_1537 : vector<16xi1>, vector<16xf32>
        %select_n3A_1552 = arith.select %gt3A_1550, %add3A_1549, %select_n3A_1538 : vector<16xi1>, vector<16xi32>
        %scan3A_1553 = arith.constant 4 : i32
        %scan3A_1554 = arith.addi %scan3A_1497, %scan3A_1553 : i32
        %add3A_1555 = arith.addi %mul3A_1093, %scan3A_1554 : i32
        %mul3A_1556 = arith.constant 16 : i32
        %mul3A_1557 = arith.muli %add3A_1555, %mul3A_1556 : i32
        %get3A_1558 = arith.index_cast %mul3A_1557 : i32 to index
        %get3A_1559 = tpu.vector_load %arg7[%get3A_1558] {strides = array<i32>} : memref<4096xf32, #tpu.memory_space<vmem>>, vector<16xf32>,
        %mul3A_1560 = arith.constant 16 : i32
        %mul3A_1561 = arith.muli %add3A_1555, %mul3A_1560 : i32
        %add3A_1562 = vector.broadcast %mul3A_1561 : i32 to vector<16xi32>
        %add3A_1563 = arith.addi %add3A_1562, %iota3A : vector<16xi32>
        %gt3A_1564 = arith.cmpf ogt, %get3A_1559, %select_n3A_1551 : vector<16xf32>
        %select_n3A_1565 = arith.select %gt3A_1564, %get3A_1559, %select_n3A_1551 : vector<16xi1>, vector<16xf32>
        %select_n3A_1566 = arith.select %gt3A_1564, %add3A_1563, %select_n3A_1552 : vector<16xi1>, vector<16xi32>
        %scan3A_1567 = arith.constant 5 : i32
        %scan3A_1568 = arith.addi %scan3A_1497, %scan3A_1567 : i32
        %add3A_1569 = arith.addi %mul3A_1093, %scan3A_1568 : i32
        %mul3A_1570 = arith.constant 16 : i32
        %mul3A_1571 = arith.muli %add3A_1569, %mul3A_1570 : i32
        %get3A_1572 = arith.index_cast %mul3A_1571 : i32 to index
        %get3A_1573 = tpu.vector_load %arg7[%get3A_1572] {strides = array<i32>} : memref<4096xf32, #tpu.memory_space<vmem>>, vector<16xf32>,
        %mul3A_1574 = arith.constant 16 : i32
        %mul3A_1575 = arith.muli %add3A_1569, %mul3A_1574 : i32
        %add3A_1576 = vector.broadcast %mul3A_1575 : i32 to vector<16xi32>
        %add3A_1577 = arith.addi %add3A_1576, %iota3A : vector<16xi32>
        %gt3A_1578 = arith.cmpf ogt, %get3A_1573, %select_n3A_1565 : vector<16xf32>
        %select_n3A_1579 = arith.select %gt3A_1578, %get3A_1573, %select_n3A_1565 : vector<16xi1>, vector<16xf32>
        %select_n3A_1580 = arith.select %gt3A_1578, %add3A_1577, %select_n3A_1566 : vector<16xi1>, vector<16xi32>
        %scan3A_1581 = arith.constant 6 : i32
        %scan3A_1582 = arith.addi %scan3A_1497, %scan3A_1581 : i32
        %add3A_1583 = arith.addi %mul3A_1093, %scan3A_1582 : i32
        %mul3A_1584 = arith.constant 16 : i32
        %mul3A_1585 = arith.muli %add3A_1583, %mul3A_1584 : i32
        %get3A_1586 = arith.index_cast %mul3A_1585 : i32 to index
        %get3A_1587 = tpu.vector_load %arg7[%get3A_1586] {strides = array<i32>} : memref<4096xf32, #tpu.memory_space<vmem>>, vector<16xf32>,
        %mul3A_1588 = arith.constant 16 : i32
        %mul3A_1589 = arith.muli %add3A_1583, %mul3A_1588 : i32
        %add3A_1590 = vector.broadcast %mul3A_1589 : i32 to vector<16xi32>
        %add3A_1591 = arith.addi %add3A_1590, %iota3A : vector<16xi32>
        %gt3A_1592 = arith.cmpf ogt, %get3A_1587, %select_n3A_1579 : vector<16xf32>
        %select_n3A_1593 = arith.select %gt3A_1592, %get3A_1587, %select_n3A_1579 : vector<16xi1>, vector<16xf32>
        %select_n3A_1594 = arith.select %gt3A_1592, %add3A_1591, %select_n3A_1580 : vector<16xi1>, vector<16xi32>
        %scan3A_1595 = arith.constant 7 : i32
        %scan3A_1596 = arith.addi %scan3A_1497, %scan3A_1595 : i32
        %add3A_1597 = arith.addi %mul3A_1093, %scan3A_1596 : i32
        %mul3A_1598 = arith.constant 16 : i32
        %mul3A_1599 = arith.muli %add3A_1597, %mul3A_1598 : i32
        %get3A_1600 = arith.index_cast %mul3A_1599 : i32 to index
        %get3A_1601 = tpu.vector_load %arg7[%get3A_1600] {strides = array<i32>} : memref<4096xf32, #tpu.memory_space<vmem>>, vector<16xf32>,
        %mul3A_1602 = arith.constant 16 : i32
        %mul3A_1603 = arith.muli %add3A_1597, %mul3A_1602 : i32
        %add3A_1604 = vector.broadcast %mul3A_1603 : i32 to vector<16xi32>
        %add3A_1605 = arith.addi %add3A_1604, %iota3A : vector<16xi32>
        %gt3A_1606 = arith.cmpf ogt, %get3A_1601, %select_n3A_1593 : vector<16xf32>
        %select_n3A_1607 = arith.select %gt3A_1606, %get3A_1601, %select_n3A_1593 : vector<16xi1>, vector<16xf32>
        %select_n3A_1608 = arith.select %gt3A_1606, %add3A_1605, %select_n3A_1594 : vector<16xi1>, vector<16xi32>
        scf.yield %select_n3A_1607, %select_n3A_1608 : vector<16xf32>, vector<16xi32>
      }
      %scan3A_1103 = arith.constant 32 : i32
      %broadcast_in_dim3A_1104 = arith.constant 0 : i32
      %broadcast_in_dim3A_1105 = vector.broadcast %broadcast_in_dim3A_1104 : i32 to vector<16xi32>
      %eq3A_1106 = vector.broadcast %select_n3A_1082 : i32 to vector<16xi32>
      %eq3A_1107 = arith.cmpi eq, %broadcast_in_dim3A_1105, %eq3A_1106 : vector<16xi32>
      %select_n3A_1108 = arith.select %eq3A_1107, %scan3A_1102#0, %select_n3A_957 : vector<16xi1>, vector<16xf32>
      %select_n3A_1109 = arith.select %eq3A_1107, %scan3A_1102#1, %select_n3A_958 : vector<16xi1>, vector<16xi32>
      %broadcast_in_dim3A_1110 = arith.constant 1 : i32
      %broadcast_in_dim3A_1111 = vector.broadcast %broadcast_in_dim3A_1110 : i32 to vector<16xi32>
      %eq3A_1112 = vector.broadcast %select_n3A_1082 : i32 to vector<16xi32>
      %eq3A_1113 = arith.cmpi eq, %broadcast_in_dim3A_1111, %eq3A_1112 : vector<16xi32>
      %select_n3A_1114 = arith.select %eq3A_1113, %scan3A_1102#0, %select_n3A_963 : vector<16xi1>, vector<16xf32>
      %select_n3A_1115 = arith.select %eq3A_1113, %scan3A_1102#1, %select_n3A_964 : vector<16xi1>, vector<16xi32>
      %broadcast_in_dim3A_1116 = arith.constant 2 : i32
      %broadcast_in_dim3A_1117 = vector.broadcast %broadcast_in_dim3A_1116 : i32 to vector<16xi32>
      %eq3A_1118 = vector.broadcast %select_n3A_1082 : i32 to vector<16xi32>
      %eq3A_1119 = arith.cmpi eq, %broadcast_in_dim3A_1117, %eq3A_1118 : vector<16xi32>
      %select_n3A_1120 = arith.select %eq3A_1119, %scan3A_1102#0, %select_n3A_969 : vector<16xi1>, vector<16xf32>
      %select_n3A_1121 = arith.select %eq3A_1119, %scan3A_1102#1, %select_n3A_970 : vector<16xi1>, vector<16xi32>
      %broadcast_in_dim3A_1122 = arith.constant 3 : i32
      %broadcast_in_dim3A_1123 = vector.broadcast %broadcast_in_dim3A_1122 : i32 to vector<16xi32>
      %eq3A_1124 = vector.broadcast %select_n3A_1082 : i32 to vector<16xi32>
      %eq3A_1125 = arith.cmpi eq, %broadcast_in_dim3A_1123, %eq3A_1124 : vector<16xi32>
      %select_n3A_1126 = arith.select %eq3A_1125, %scan3A_1102#0, %select_n3A_975 : vector<16xi1>, vector<16xf32>
      %select_n3A_1127 = arith.select %eq3A_1125, %scan3A_1102#1, %select_n3A_976 : vector<16xi1>, vector<16xi32>
      %broadcast_in_dim3A_1128 = arith.constant 4 : i32
      %broadcast_in_dim3A_1129 = vector.broadcast %broadcast_in_dim3A_1128 : i32 to vector<16xi32>
      %eq3A_1130 = vector.broadcast %select_n3A_1082 : i32 to vector<16xi32>
      %eq3A_1131 = arith.cmpi eq, %broadcast_in_dim3A_1129, %eq3A_1130 : vector<16xi32>
      %select_n3A_1132 = arith.select %eq3A_1131, %scan3A_1102#0, %select_n3A_981 : vector<16xi1>, vector<16xf32>
      %select_n3A_1133 = arith.select %eq3A_1131, %scan3A_1102#1, %select_n3A_982 : vector<16xi1>, vector<16xi32>
      %broadcast_in_dim3A_1134 = arith.constant 5 : i32
      %broadcast_in_dim3A_1135 = vector.broadcast %broadcast_in_dim3A_1134 : i32 to vector<16xi32>
      %eq3A_1136 = vector.broadcast %select_n3A_1082 : i32 to vector<16xi32>
      %eq3A_1137 = arith.cmpi eq, %broadcast_in_dim3A_1135, %eq3A_1136 : vector<16xi32>
      %select_n3A_1138 = arith.select %eq3A_1137, %scan3A_1102#0, %select_n3A_987 : vector<16xi1>, vector<16xf32>
      %select_n3A_1139 = arith.select %eq3A_1137, %scan3A_1102#1, %select_n3A_988 : vector<16xi1>, vector<16xi32>
      %broadcast_in_dim3A_1140 = arith.constant 6 : i32
      %broadcast_in_dim3A_1141 = vector.broadcast %broadcast_in_dim3A_1140 : i32 to vector<16xi32>
      %eq3A_1142 = vector.broadcast %select_n3A_1082 : i32 to vector<16xi32>
      %eq3A_1143 = arith.cmpi eq, %broadcast_in_dim3A_1141, %eq3A_1142 : vector<16xi32>
      %select_n3A_1144 = arith.select %eq3A_1143, %scan3A_1102#0, %select_n3A_993 : vector<16xi1>, vector<16xf32>
      %select_n3A_1145 = arith.select %eq3A_1143, %scan3A_1102#1, %select_n3A_994 : vector<16xi1>, vector<16xi32>
      %broadcast_in_dim3A_1146 = arith.constant 7 : i32
      %broadcast_in_dim3A_1147 = vector.broadcast %broadcast_in_dim3A_1146 : i32 to vector<16xi32>
      %eq3A_1148 = vector.broadcast %select_n3A_1082 : i32 to vector<16xi32>
      %eq3A_1149 = arith.cmpi eq, %broadcast_in_dim3A_1147, %eq3A_1148 : vector<16xi32>
      %select_n3A_1150 = arith.select %eq3A_1149, %scan3A_1102#0, %select_n3A_999 : vector<16xi1>, vector<16xf32>
      %select_n3A_1151 = arith.select %eq3A_1149, %scan3A_1102#1, %select_n3A_1000 : vector<16xi1>, vector<16xi32>
      %max3A_1152 = arith.maximumf %select_n3A_1108, %select_n3A_1114 : vector<16xf32>
      %max3A_1153 = arith.maximumf %max3A_1152, %select_n3A_1120 : vector<16xf32>
      %max3A_1154 = arith.maximumf %max3A_1153, %select_n3A_1126 : vector<16xf32>
      %max3A_1155 = arith.maximumf %max3A_1154, %select_n3A_1132 : vector<16xf32>
      %max3A_1156 = arith.maximumf %max3A_1155, %select_n3A_1138 : vector<16xf32>
      %max3A_1157 = arith.maximumf %max3A_1156, %select_n3A_1144 : vector<16xf32>
      %max3A_1158 = arith.maximumf %max3A_1157, %select_n3A_1150 : vector<16xf32>
      %reduce_max3A_1159 = arith.constant true
      %reduce_max3A_1160 = vector.broadcast %reduce_max3A_1159 : i1 to vector<16xi1>
      %reduce_max3A_1161 = tpu.scan <max>, %max3A_1158 masked %reduce_max3A_1160 : vector<16xf32>, vector<16xi1> -> vector<16xf32>
      %reduce_max3A_1162 = vector.extract %reduce_max3A_1161[15] : f32 from vector<16xf32>
      %broadcast_in_dim3A_1163 = arith.constant 1073741824 : i32
      %broadcast_in_dim3A_1164 = vector.broadcast %broadcast_in_dim3A_1163 : i32 to vector<16xi32>
      %eq3A_1165 = vector.broadcast %reduce_max3A_1162 : f32 to vector<16xf32>
      %eq3A_1166 = arith.cmpf oeq, %select_n3A_1108, %eq3A_1165 : vector<16xf32>
      %min3A_1167 = arith.minsi %broadcast_in_dim3A_1164, %select_n3A_1109 : vector<16xi32>
      %select_n3A_1168 = arith.select %eq3A_1166, %min3A_1167, %broadcast_in_dim3A_1164 : vector<16xi1>, vector<16xi32>
      %eq3A_1169 = vector.broadcast %reduce_max3A_1162 : f32 to vector<16xf32>
      %eq3A_1170 = arith.cmpf oeq, %select_n3A_1114, %eq3A_1169 : vector<16xf32>
      %min3A_1171 = arith.minsi %select_n3A_1168, %select_n3A_1115 : vector<16xi32>
      %select_n3A_1172 = arith.select %eq3A_1170, %min3A_1171, %select_n3A_1168 : vector<16xi1>, vector<16xi32>
      %eq3A_1173 = vector.broadcast %reduce_max3A_1162 : f32 to vector<16xf32>
      %eq3A_1174 = arith.cmpf oeq, %select_n3A_1120, %eq3A_1173 : vector<16xf32>
      %min3A_1175 = arith.minsi %select_n3A_1172, %select_n3A_1121 : vector<16xi32>
      %select_n3A_1176 = arith.select %eq3A_1174, %min3A_1175, %select_n3A_1172 : vector<16xi1>, vector<16xi32>
      %eq3A_1177 = vector.broadcast %reduce_max3A_1162 : f32 to vector<16xf32>
      %eq3A_1178 = arith.cmpf oeq, %select_n3A_1126, %eq3A_1177 : vector<16xf32>
      %min3A_1179 = arith.minsi %select_n3A_1176, %select_n3A_1127 : vector<16xi32>
      %select_n3A_1180 = arith.select %eq3A_1178, %min3A_1179, %select_n3A_1176 : vector<16xi1>, vector<16xi32>
      %eq3A_1181 = vector.broadcast %reduce_max3A_1162 : f32 to vector<16xf32>
      %eq3A_1182 = arith.cmpf oeq, %select_n3A_1132, %eq3A_1181 : vector<16xf32>
      %min3A_1183 = arith.minsi %select_n3A_1180, %select_n3A_1133 : vector<16xi32>
      %select_n3A_1184 = arith.select %eq3A_1182, %min3A_1183, %select_n3A_1180 : vector<16xi1>, vector<16xi32>
      %eq3A_1185 = vector.broadcast %reduce_max3A_1162 : f32 to vector<16xf32>
      %eq3A_1186 = arith.cmpf oeq, %select_n3A_1138, %eq3A_1185 : vector<16xf32>
      %min3A_1187 = arith.minsi %select_n3A_1184, %select_n3A_1139 : vector<16xi32>
      %select_n3A_1188 = arith.select %eq3A_1186, %min3A_1187, %select_n3A_1184 : vector<16xi1>, vector<16xi32>
      %eq3A_1189 = vector.broadcast %reduce_max3A_1162 : f32 to vector<16xf32>
      %eq3A_1190 = arith.cmpf oeq, %select_n3A_1144, %eq3A_1189 : vector<16xf32>
      %min3A_1191 = arith.minsi %select_n3A_1188, %select_n3A_1145 : vector<16xi32>
      %select_n3A_1192 = arith.select %eq3A_1190, %min3A_1191, %select_n3A_1188 : vector<16xi1>, vector<16xi32>
      %eq3A_1193 = vector.broadcast %reduce_max3A_1162 : f32 to vector<16xf32>
      %eq3A_1194 = arith.cmpf oeq, %select_n3A_1150, %eq3A_1193 : vector<16xf32>
      %min3A_1195 = arith.minsi %select_n3A_1192, %select_n3A_1151 : vector<16xi32>
      %select_n3A_1196 = arith.select %eq3A_1194, %min3A_1195, %select_n3A_1192 : vector<16xi1>, vector<16xi32>
      %reduce_min3A_1197 = arith.constant true
      %reduce_min3A_1198 = vector.broadcast %reduce_min3A_1197 : i1 to vector<16xi1>
      %reduce_min3A_1199 = arith.constant -2147483648 : i32
      %reduce_min3A_1200 = vector.broadcast %reduce_min3A_1199 : i32 to vector<16xi32>
      %reduce_min3A_1201 = arith.xori %select_n3A_1196, %reduce_min3A_1200 : vector<16xi32>
      %reduce_min3A_1202 = tpu.scan <min>, %reduce_min3A_1201 masked %reduce_min3A_1198 : vector<16xi32>, vector<16xi1> -> vector<16xi32>
      %reduce_min3A_1203 = arith.xori %reduce_min3A_1202, %reduce_min3A_1200 : vector<16xi32>
      %reduce_min3A_1204 = vector.extract %reduce_min3A_1203[15] : i32 from vector<16xi32>
      %eq3A_1205 = arith.constant 6 : i32
      %eq3A_1206 = vector.broadcast %eq3A_1205 : i32 to vector<16xi32>
      %eq3A_1207 = arith.cmpi eq, %iota3A, %eq3A_1206 : vector<16xi32>
      %broadcast_in_dim3A_1208 = vector.broadcast %reduce_min3A_1204 : i32 to vector<16xi32>
      %select_n3A_1209 = arith.select %eq3A_1207, %broadcast_in_dim3A_1208, %select_n3A_1058 : vector<16xi1>, vector<16xi32>
      %jit3A_1210 = arith.constant 512 : i32
      %div3A_1211 = arith.divsi %reduce_min3A_1204, %jit3A_1210 : i32
      %sign3A_1212 = arith.constant 0 : i32
      %sign3A_1213 = arith.cmpi sgt, %reduce_min3A_1204, %sign3A_1212 : i32
      %sign3A_1214 = arith.extui %sign3A_1213 : i1 to i32
      %sign3A_1215 = arith.constant 0 : i32
      %sign3A_1216 = arith.cmpi slt, %reduce_min3A_1204, %sign3A_1215 : i32
      %sign3A_1217 = arith.extui %sign3A_1216 : i1 to i32
      %sign3A_1218 = arith.subi %sign3A_1214, %sign3A_1217 : i32
      %sign3A_1219 = arith.constant 0 : i32
      %sign3A_1220 = arith.cmpi sgt, %jit3A_1210, %sign3A_1219 : i32
      %sign3A_1221 = arith.extui %sign3A_1220 : i1 to i32
      %sign3A_1222 = arith.constant 0 : i32
      %sign3A_1223 = arith.cmpi slt, %jit3A_1210, %sign3A_1222 : i32
      %sign3A_1224 = arith.extui %sign3A_1223 : i1 to i32
      %sign3A_1225 = arith.subi %sign3A_1221, %sign3A_1224 : i32
      %ne3A_1226 = arith.cmpi ne, %sign3A_1218, %sign3A_1225 : i32
      %rem3A_1227 = arith.remsi %reduce_min3A_1204, %jit3A_1210 : i32
      %ne3A_1228 = arith.constant 0 : i32
      %ne3A_1229 = arith.cmpi ne, %rem3A_1227, %ne3A_1228 : i32
      %and3A_1230 = arith.andi %ne3A_1226, %ne3A_1229 : i1
      %sub3A_1231 = arith.constant 1 : i32
      %sub3A_1232 = arith.subi %div3A_1211, %sub3A_1231 : i32
      %select_n3A_1233 = arith.select %and3A_1230, %sub3A_1232, %div3A_1211 : i32
      %broadcast_in_dim3A_1234 = arith.constant 0 : i32
      %broadcast_in_dim3A_1235 = vector.broadcast %broadcast_in_dim3A_1234 : i32 to vector<16xi32>
      %add3A_1236 = vector.broadcast %reduce_min3A_1204 : i32 to vector<16xi32>
      %add3A_1237 = arith.addi %broadcast_in_dim3A_1235, %add3A_1236 : vector<16xi32>
      %broadcast_in_dim3A_1238 = arith.constant 0xFF800000 : f32
      %broadcast_in_dim3A_1239 = vector.broadcast %broadcast_in_dim3A_1238 : f32 to vector<16xf32>
      %eq3A_1240 = arith.constant 0 : i32
      %eq3A_1241 = vector.broadcast %eq3A_1240 : i32 to vector<16xi32>
      %eq3A_1242 = arith.cmpi eq, %iota3A, %eq3A_1241 : vector<16xi32>
      tpu.vector_store_idx %arg7[%add3A_1237], %broadcast_in_dim3A_1239 masked %eq3A_1242 : memref<4096xf32, #tpu.memory_space<vmem>>[vector<16xi32>], vector<16xf32>, vector<16xi1>
      %mul3A_1243 = arith.constant 32 : i32
      %mul3A_1244 = arith.muli %select_n3A_1233, %mul3A_1243 : i32
      %broadcast_in_dim3A_1245 = arith.constant 0xFF800000 : f32
      %broadcast_in_dim3A_1246 = vector.broadcast %broadcast_in_dim3A_1245 : f32 to vector<16xf32>
      %broadcast_in_dim3A_1247 = arith.constant 0 : i32
      %broadcast_in_dim3A_1248 = vector.broadcast %broadcast_in_dim3A_1247 : i32 to vector<16xi32>
      %scan3A_1249 = arith.constant 0 : i32
      %scan3A_1250 = arith.constant 32 : i32
      %scan3A_1251 = arith.addi %scan3A_1249, %scan3A_1250 : i32
      %scan3A_1252 = arith.constant 8 : i32
      %scan3A_1253:2 = scf.for %scan3A_1497 = %scan3A_1249 to %scan3A_1251 step %scan3A_1252 iter_args(%scan3A_1498 = %broadcast_in_dim3A_1246, %scan3A_1499 = %broadcast_in_dim3A_1248) -> (vector<16xf32>, vector<16xi32>)  : i32 {
        %add3A_1500 = arith.addi %mul3A_1244, %scan3A_1497 : i32
        %mul3A_1501 = arith.constant 16 : i32
        %mul3A_1502 = arith.muli %add3A_1500, %mul3A_1501 : i32
        %get3A_1503 = arith.index_cast %mul3A_1502 : i32 to index
        %get3A_1504 = tpu.vector_load %arg7[%get3A_1503] {strides = array<i32>} : memref<4096xf32, #tpu.memory_space<vmem>>, vector<16xf32>,
        %mul3A_1505 = arith.constant 16 : i32
        %mul3A_1506 = arith.muli %add3A_1500, %mul3A_1505 : i32
        %add3A_1507 = vector.broadcast %mul3A_1506 : i32 to vector<16xi32>
        %add3A_1508 = arith.addi %add3A_1507, %iota3A : vector<16xi32>
        %gt3A = arith.cmpf ogt, %get3A_1504, %scan3A_1498 : vector<16xf32>
        %select_n3A_1509 = arith.select %gt3A, %get3A_1504, %scan3A_1498 : vector<16xi1>, vector<16xf32>
        %select_n3A_1510 = arith.select %gt3A, %add3A_1508, %scan3A_1499 : vector<16xi1>, vector<16xi32>
        %scan3A_1511 = arith.constant 1 : i32
        %scan3A_1512 = arith.addi %scan3A_1497, %scan3A_1511 : i32
        %add3A_1513 = arith.addi %mul3A_1244, %scan3A_1512 : i32
        %mul3A_1514 = arith.constant 16 : i32
        %mul3A_1515 = arith.muli %add3A_1513, %mul3A_1514 : i32
        %get3A_1516 = arith.index_cast %mul3A_1515 : i32 to index
        %get3A_1517 = tpu.vector_load %arg7[%get3A_1516] {strides = array<i32>} : memref<4096xf32, #tpu.memory_space<vmem>>, vector<16xf32>,
        %mul3A_1518 = arith.constant 16 : i32
        %mul3A_1519 = arith.muli %add3A_1513, %mul3A_1518 : i32
        %add3A_1520 = vector.broadcast %mul3A_1519 : i32 to vector<16xi32>
        %add3A_1521 = arith.addi %add3A_1520, %iota3A : vector<16xi32>
        %gt3A_1522 = arith.cmpf ogt, %get3A_1517, %select_n3A_1509 : vector<16xf32>
        %select_n3A_1523 = arith.select %gt3A_1522, %get3A_1517, %select_n3A_1509 : vector<16xi1>, vector<16xf32>
        %select_n3A_1524 = arith.select %gt3A_1522, %add3A_1521, %select_n3A_1510 : vector<16xi1>, vector<16xi32>
        %scan3A_1525 = arith.constant 2 : i32
        %scan3A_1526 = arith.addi %scan3A_1497, %scan3A_1525 : i32
        %add3A_1527 = arith.addi %mul3A_1244, %scan3A_1526 : i32
        %mul3A_1528 = arith.constant 16 : i32
        %mul3A_1529 = arith.muli %add3A_1527, %mul3A_1528 : i32
        %get3A_1530 = arith.index_cast %mul3A_1529 : i32 to index
        %get3A_1531 = tpu.vector_load %arg7[%get3A_1530] {strides = array<i32>} : memref<4096xf32, #tpu.memory_space<vmem>>, vector<16xf32>,
        %mul3A_1532 = arith.constant 16 : i32
        %mul3A_1533 = arith.muli %add3A_1527, %mul3A_1532 : i32
        %add3A_1534 = vector.broadcast %mul3A_1533 : i32 to vector<16xi32>
        %add3A_1535 = arith.addi %add3A_1534, %iota3A : vector<16xi32>
        %gt3A_1536 = arith.cmpf ogt, %get3A_1531, %select_n3A_1523 : vector<16xf32>
        %select_n3A_1537 = arith.select %gt3A_1536, %get3A_1531, %select_n3A_1523 : vector<16xi1>, vector<16xf32>
        %select_n3A_1538 = arith.select %gt3A_1536, %add3A_1535, %select_n3A_1524 : vector<16xi1>, vector<16xi32>
        %scan3A_1539 = arith.constant 3 : i32
        %scan3A_1540 = arith.addi %scan3A_1497, %scan3A_1539 : i32
        %add3A_1541 = arith.addi %mul3A_1244, %scan3A_1540 : i32
        %mul3A_1542 = arith.constant 16 : i32
        %mul3A_1543 = arith.muli %add3A_1541, %mul3A_1542 : i32
        %get3A_1544 = arith.index_cast %mul3A_1543 : i32 to index
        %get3A_1545 = tpu.vector_load %arg7[%get3A_1544] {strides = array<i32>} : memref<4096xf32, #tpu.memory_space<vmem>>, vector<16xf32>,
        %mul3A_1546 = arith.constant 16 : i32
        %mul3A_1547 = arith.muli %add3A_1541, %mul3A_1546 : i32
        %add3A_1548 = vector.broadcast %mul3A_1547 : i32 to vector<16xi32>
        %add3A_1549 = arith.addi %add3A_1548, %iota3A : vector<16xi32>
        %gt3A_1550 = arith.cmpf ogt, %get3A_1545, %select_n3A_1537 : vector<16xf32>
        %select_n3A_1551 = arith.select %gt3A_1550, %get3A_1545, %select_n3A_1537 : vector<16xi1>, vector<16xf32>
        %select_n3A_1552 = arith.select %gt3A_1550, %add3A_1549, %select_n3A_1538 : vector<16xi1>, vector<16xi32>
        %scan3A_1553 = arith.constant 4 : i32
        %scan3A_1554 = arith.addi %scan3A_1497, %scan3A_1553 : i32
        %add3A_1555 = arith.addi %mul3A_1244, %scan3A_1554 : i32
        %mul3A_1556 = arith.constant 16 : i32
        %mul3A_1557 = arith.muli %add3A_1555, %mul3A_1556 : i32
        %get3A_1558 = arith.index_cast %mul3A_1557 : i32 to index
        %get3A_1559 = tpu.vector_load %arg7[%get3A_1558] {strides = array<i32>} : memref<4096xf32, #tpu.memory_space<vmem>>, vector<16xf32>,
        %mul3A_1560 = arith.constant 16 : i32
        %mul3A_1561 = arith.muli %add3A_1555, %mul3A_1560 : i32
        %add3A_1562 = vector.broadcast %mul3A_1561 : i32 to vector<16xi32>
        %add3A_1563 = arith.addi %add3A_1562, %iota3A : vector<16xi32>
        %gt3A_1564 = arith.cmpf ogt, %get3A_1559, %select_n3A_1551 : vector<16xf32>
        %select_n3A_1565 = arith.select %gt3A_1564, %get3A_1559, %select_n3A_1551 : vector<16xi1>, vector<16xf32>
        %select_n3A_1566 = arith.select %gt3A_1564, %add3A_1563, %select_n3A_1552 : vector<16xi1>, vector<16xi32>
        %scan3A_1567 = arith.constant 5 : i32
        %scan3A_1568 = arith.addi %scan3A_1497, %scan3A_1567 : i32
        %add3A_1569 = arith.addi %mul3A_1244, %scan3A_1568 : i32
        %mul3A_1570 = arith.constant 16 : i32
        %mul3A_1571 = arith.muli %add3A_1569, %mul3A_1570 : i32
        %get3A_1572 = arith.index_cast %mul3A_1571 : i32 to index
        %get3A_1573 = tpu.vector_load %arg7[%get3A_1572] {strides = array<i32>} : memref<4096xf32, #tpu.memory_space<vmem>>, vector<16xf32>,
        %mul3A_1574 = arith.constant 16 : i32
        %mul3A_1575 = arith.muli %add3A_1569, %mul3A_1574 : i32
        %add3A_1576 = vector.broadcast %mul3A_1575 : i32 to vector<16xi32>
        %add3A_1577 = arith.addi %add3A_1576, %iota3A : vector<16xi32>
        %gt3A_1578 = arith.cmpf ogt, %get3A_1573, %select_n3A_1565 : vector<16xf32>
        %select_n3A_1579 = arith.select %gt3A_1578, %get3A_1573, %select_n3A_1565 : vector<16xi1>, vector<16xf32>
        %select_n3A_1580 = arith.select %gt3A_1578, %add3A_1577, %select_n3A_1566 : vector<16xi1>, vector<16xi32>
        %scan3A_1581 = arith.constant 6 : i32
        %scan3A_1582 = arith.addi %scan3A_1497, %scan3A_1581 : i32
        %add3A_1583 = arith.addi %mul3A_1244, %scan3A_1582 : i32
        %mul3A_1584 = arith.constant 16 : i32
        %mul3A_1585 = arith.muli %add3A_1583, %mul3A_1584 : i32
        %get3A_1586 = arith.index_cast %mul3A_1585 : i32 to index
        %get3A_1587 = tpu.vector_load %arg7[%get3A_1586] {strides = array<i32>} : memref<4096xf32, #tpu.memory_space<vmem>>, vector<16xf32>,
        %mul3A_1588 = arith.constant 16 : i32
        %mul3A_1589 = arith.muli %add3A_1583, %mul3A_1588 : i32
        %add3A_1590 = vector.broadcast %mul3A_1589 : i32 to vector<16xi32>
        %add3A_1591 = arith.addi %add3A_1590, %iota3A : vector<16xi32>
        %gt3A_1592 = arith.cmpf ogt, %get3A_1587, %select_n3A_1579 : vector<16xf32>
        %select_n3A_1593 = arith.select %gt3A_1592, %get3A_1587, %select_n3A_1579 : vector<16xi1>, vector<16xf32>
        %select_n3A_1594 = arith.select %gt3A_1592, %add3A_1591, %select_n3A_1580 : vector<16xi1>, vector<16xi32>
        %scan3A_1595 = arith.constant 7 : i32
        %scan3A_1596 = arith.addi %scan3A_1497, %scan3A_1595 : i32
        %add3A_1597 = arith.addi %mul3A_1244, %scan3A_1596 : i32
        %mul3A_1598 = arith.constant 16 : i32
        %mul3A_1599 = arith.muli %add3A_1597, %mul3A_1598 : i32
        %get3A_1600 = arith.index_cast %mul3A_1599 : i32 to index
        %get3A_1601 = tpu.vector_load %arg7[%get3A_1600] {strides = array<i32>} : memref<4096xf32, #tpu.memory_space<vmem>>, vector<16xf32>,
        %mul3A_1602 = arith.constant 16 : i32
        %mul3A_1603 = arith.muli %add3A_1597, %mul3A_1602 : i32
        %add3A_1604 = vector.broadcast %mul3A_1603 : i32 to vector<16xi32>
        %add3A_1605 = arith.addi %add3A_1604, %iota3A : vector<16xi32>
        %gt3A_1606 = arith.cmpf ogt, %get3A_1601, %select_n3A_1593 : vector<16xf32>
        %select_n3A_1607 = arith.select %gt3A_1606, %get3A_1601, %select_n3A_1593 : vector<16xi1>, vector<16xf32>
        %select_n3A_1608 = arith.select %gt3A_1606, %add3A_1605, %select_n3A_1594 : vector<16xi1>, vector<16xi32>
        scf.yield %select_n3A_1607, %select_n3A_1608 : vector<16xf32>, vector<16xi32>
      }
      %scan3A_1254 = arith.constant 32 : i32
      %broadcast_in_dim3A_1255 = arith.constant 0 : i32
      %broadcast_in_dim3A_1256 = vector.broadcast %broadcast_in_dim3A_1255 : i32 to vector<16xi32>
      %eq3A_1257 = vector.broadcast %select_n3A_1233 : i32 to vector<16xi32>
      %eq3A_1258 = arith.cmpi eq, %broadcast_in_dim3A_1256, %eq3A_1257 : vector<16xi32>
      %select_n3A_1259 = arith.select %eq3A_1258, %scan3A_1253#0, %select_n3A_1108 : vector<16xi1>, vector<16xf32>
      %select_n3A_1260 = arith.select %eq3A_1258, %scan3A_1253#1, %select_n3A_1109 : vector<16xi1>, vector<16xi32>
      %broadcast_in_dim3A_1261 = arith.constant 1 : i32
      %broadcast_in_dim3A_1262 = vector.broadcast %broadcast_in_dim3A_1261 : i32 to vector<16xi32>
      %eq3A_1263 = vector.broadcast %select_n3A_1233 : i32 to vector<16xi32>
      %eq3A_1264 = arith.cmpi eq, %broadcast_in_dim3A_1262, %eq3A_1263 : vector<16xi32>
      %select_n3A_1265 = arith.select %eq3A_1264, %scan3A_1253#0, %select_n3A_1114 : vector<16xi1>, vector<16xf32>
      %select_n3A_1266 = arith.select %eq3A_1264, %scan3A_1253#1, %select_n3A_1115 : vector<16xi1>, vector<16xi32>
      %broadcast_in_dim3A_1267 = arith.constant 2 : i32
      %broadcast_in_dim3A_1268 = vector.broadcast %broadcast_in_dim3A_1267 : i32 to vector<16xi32>
      %eq3A_1269 = vector.broadcast %select_n3A_1233 : i32 to vector<16xi32>
      %eq3A_1270 = arith.cmpi eq, %broadcast_in_dim3A_1268, %eq3A_1269 : vector<16xi32>
      %select_n3A_1271 = arith.select %eq3A_1270, %scan3A_1253#0, %select_n3A_1120 : vector<16xi1>, vector<16xf32>
      %select_n3A_1272 = arith.select %eq3A_1270, %scan3A_1253#1, %select_n3A_1121 : vector<16xi1>, vector<16xi32>
      %broadcast_in_dim3A_1273 = arith.constant 3 : i32
      %broadcast_in_dim3A_1274 = vector.broadcast %broadcast_in_dim3A_1273 : i32 to vector<16xi32>
      %eq3A_1275 = vector.broadcast %select_n3A_1233 : i32 to vector<16xi32>
      %eq3A_1276 = arith.cmpi eq, %broadcast_in_dim3A_1274, %eq3A_1275 : vector<16xi32>
      %select_n3A_1277 = arith.select %eq3A_1276, %scan3A_1253#0, %select_n3A_1126 : vector<16xi1>, vector<16xf32>
      %select_n3A_1278 = arith.select %eq3A_1276, %scan3A_1253#1, %select_n3A_1127 : vector<16xi1>, vector<16xi32>
      %broadcast_in_dim3A_1279 = arith.constant 4 : i32
      %broadcast_in_dim3A_1280 = vector.broadcast %broadcast_in_dim3A_1279 : i32 to vector<16xi32>
      %eq3A_1281 = vector.broadcast %select_n3A_1233 : i32 to vector<16xi32>
      %eq3A_1282 = arith.cmpi eq, %broadcast_in_dim3A_1280, %eq3A_1281 : vector<16xi32>
      %select_n3A_1283 = arith.select %eq3A_1282, %scan3A_1253#0, %select_n3A_1132 : vector<16xi1>, vector<16xf32>
      %select_n3A_1284 = arith.select %eq3A_1282, %scan3A_1253#1, %select_n3A_1133 : vector<16xi1>, vector<16xi32>
      %broadcast_in_dim3A_1285 = arith.constant 5 : i32
      %broadcast_in_dim3A_1286 = vector.broadcast %broadcast_in_dim3A_1285 : i32 to vector<16xi32>
      %eq3A_1287 = vector.broadcast %select_n3A_1233 : i32 to vector<16xi32>
      %eq3A_1288 = arith.cmpi eq, %broadcast_in_dim3A_1286, %eq3A_1287 : vector<16xi32>
      %select_n3A_1289 = arith.select %eq3A_1288, %scan3A_1253#0, %select_n3A_1138 : vector<16xi1>, vector<16xf32>
      %select_n3A_1290 = arith.select %eq3A_1288, %scan3A_1253#1, %select_n3A_1139 : vector<16xi1>, vector<16xi32>
      %broadcast_in_dim3A_1291 = arith.constant 6 : i32
      %broadcast_in_dim3A_1292 = vector.broadcast %broadcast_in_dim3A_1291 : i32 to vector<16xi32>
      %eq3A_1293 = vector.broadcast %select_n3A_1233 : i32 to vector<16xi32>
      %eq3A_1294 = arith.cmpi eq, %broadcast_in_dim3A_1292, %eq3A_1293 : vector<16xi32>
      %select_n3A_1295 = arith.select %eq3A_1294, %scan3A_1253#0, %select_n3A_1144 : vector<16xi1>, vector<16xf32>
      %select_n3A_1296 = arith.select %eq3A_1294, %scan3A_1253#1, %select_n3A_1145 : vector<16xi1>, vector<16xi32>
      %broadcast_in_dim3A_1297 = arith.constant 7 : i32
      %broadcast_in_dim3A_1298 = vector.broadcast %broadcast_in_dim3A_1297 : i32 to vector<16xi32>
      %eq3A_1299 = vector.broadcast %select_n3A_1233 : i32 to vector<16xi32>
      %eq3A_1300 = arith.cmpi eq, %broadcast_in_dim3A_1298, %eq3A_1299 : vector<16xi32>
      %select_n3A_1301 = arith.select %eq3A_1300, %scan3A_1253#0, %select_n3A_1150 : vector<16xi1>, vector<16xf32>
      %select_n3A_1302 = arith.select %eq3A_1300, %scan3A_1253#1, %select_n3A_1151 : vector<16xi1>, vector<16xi32>
      %max3A_1303 = arith.maximumf %select_n3A_1259, %select_n3A_1265 : vector<16xf32>
      %max3A_1304 = arith.maximumf %max3A_1303, %select_n3A_1271 : vector<16xf32>
      %max3A_1305 = arith.maximumf %max3A_1304, %select_n3A_1277 : vector<16xf32>
      %max3A_1306 = arith.maximumf %max3A_1305, %select_n3A_1283 : vector<16xf32>
      %max3A_1307 = arith.maximumf %max3A_1306, %select_n3A_1289 : vector<16xf32>
      %max3A_1308 = arith.maximumf %max3A_1307, %select_n3A_1295 : vector<16xf32>
      %max3A_1309 = arith.maximumf %max3A_1308, %select_n3A_1301 : vector<16xf32>
      %reduce_max3A_1310 = arith.constant true
      %reduce_max3A_1311 = vector.broadcast %reduce_max3A_1310 : i1 to vector<16xi1>
      %reduce_max3A_1312 = tpu.scan <max>, %max3A_1309 masked %reduce_max3A_1311 : vector<16xf32>, vector<16xi1> -> vector<16xf32>
      %reduce_max3A_1313 = vector.extract %reduce_max3A_1312[15] : f32 from vector<16xf32>
      %broadcast_in_dim3A_1314 = arith.constant 1073741824 : i32
      %broadcast_in_dim3A_1315 = vector.broadcast %broadcast_in_dim3A_1314 : i32 to vector<16xi32>
      %eq3A_1316 = vector.broadcast %reduce_max3A_1313 : f32 to vector<16xf32>
      %eq3A_1317 = arith.cmpf oeq, %select_n3A_1259, %eq3A_1316 : vector<16xf32>
      %min3A_1318 = arith.minsi %broadcast_in_dim3A_1315, %select_n3A_1260 : vector<16xi32>
      %select_n3A_1319 = arith.select %eq3A_1317, %min3A_1318, %broadcast_in_dim3A_1315 : vector<16xi1>, vector<16xi32>
      %eq3A_1320 = vector.broadcast %reduce_max3A_1313 : f32 to vector<16xf32>
      %eq3A_1321 = arith.cmpf oeq, %select_n3A_1265, %eq3A_1320 : vector<16xf32>
      %min3A_1322 = arith.minsi %select_n3A_1319, %select_n3A_1266 : vector<16xi32>
      %select_n3A_1323 = arith.select %eq3A_1321, %min3A_1322, %select_n3A_1319 : vector<16xi1>, vector<16xi32>
      %eq3A_1324 = vector.broadcast %reduce_max3A_1313 : f32 to vector<16xf32>
      %eq3A_1325 = arith.cmpf oeq, %select_n3A_1271, %eq3A_1324 : vector<16xf32>
      %min3A_1326 = arith.minsi %select_n3A_1323, %select_n3A_1272 : vector<16xi32>
      %select_n3A_1327 = arith.select %eq3A_1325, %min3A_1326, %select_n3A_1323 : vector<16xi1>, vector<16xi32>
      %eq3A_1328 = vector.broadcast %reduce_max3A_1313 : f32 to vector<16xf32>
      %eq3A_1329 = arith.cmpf oeq, %select_n3A_1277, %eq3A_1328 : vector<16xf32>
      %min3A_1330 = arith.minsi %select_n3A_1327, %select_n3A_1278 : vector<16xi32>
      %select_n3A_1331 = arith.select %eq3A_1329, %min3A_1330, %select_n3A_1327 : vector<16xi1>, vector<16xi32>
      %eq3A_1332 = vector.broadcast %reduce_max3A_1313 : f32 to vector<16xf32>
      %eq3A_1333 = arith.cmpf oeq, %select_n3A_1283, %eq3A_1332 : vector<16xf32>
      %min3A_1334 = arith.minsi %select_n3A_1331, %select_n3A_1284 : vector<16xi32>
      %select_n3A_1335 = arith.select %eq3A_1333, %min3A_1334, %select_n3A_1331 : vector<16xi1>, vector<16xi32>
      %eq3A_1336 = vector.broadcast %reduce_max3A_1313 : f32 to vector<16xf32>
      %eq3A_1337 = arith.cmpf oeq, %select_n3A_1289, %eq3A_1336 : vector<16xf32>
      %min3A_1338 = arith.minsi %select_n3A_1335, %select_n3A_1290 : vector<16xi32>
      %select_n3A_1339 = arith.select %eq3A_1337, %min3A_1338, %select_n3A_1335 : vector<16xi1>, vector<16xi32>
      %eq3A_1340 = vector.broadcast %reduce_max3A_1313 : f32 to vector<16xf32>
      %eq3A_1341 = arith.cmpf oeq, %select_n3A_1295, %eq3A_1340 : vector<16xf32>
      %min3A_1342 = arith.minsi %select_n3A_1339, %select_n3A_1296 : vector<16xi32>
      %select_n3A_1343 = arith.select %eq3A_1341, %min3A_1342, %select_n3A_1339 : vector<16xi1>, vector<16xi32>
      %eq3A_1344 = vector.broadcast %reduce_max3A_1313 : f32 to vector<16xf32>
      %eq3A_1345 = arith.cmpf oeq, %select_n3A_1301, %eq3A_1344 : vector<16xf32>
      %min3A_1346 = arith.minsi %select_n3A_1343, %select_n3A_1302 : vector<16xi32>
      %select_n3A_1347 = arith.select %eq3A_1345, %min3A_1346, %select_n3A_1343 : vector<16xi1>, vector<16xi32>
      %reduce_min3A_1348 = arith.constant true
      %reduce_min3A_1349 = vector.broadcast %reduce_min3A_1348 : i1 to vector<16xi1>
      %reduce_min3A_1350 = arith.constant -2147483648 : i32
      %reduce_min3A_1351 = vector.broadcast %reduce_min3A_1350 : i32 to vector<16xi32>
      %reduce_min3A_1352 = arith.xori %select_n3A_1347, %reduce_min3A_1351 : vector<16xi32>
      %reduce_min3A_1353 = tpu.scan <min>, %reduce_min3A_1352 masked %reduce_min3A_1349 : vector<16xi32>, vector<16xi1> -> vector<16xi32>
      %reduce_min3A_1354 = arith.xori %reduce_min3A_1353, %reduce_min3A_1351 : vector<16xi32>
      %reduce_min3A_1355 = vector.extract %reduce_min3A_1354[15] : i32 from vector<16xi32>
      %eq3A_1356 = arith.constant 7 : i32
      %eq3A_1357 = vector.broadcast %eq3A_1356 : i32 to vector<16xi32>
      %eq3A_1358 = arith.cmpi eq, %iota3A, %eq3A_1357 : vector<16xi32>
      %broadcast_in_dim3A_1359 = vector.broadcast %reduce_min3A_1355 : i32 to vector<16xi32>
      %select_n3A_1360 = arith.select %eq3A_1358, %broadcast_in_dim3A_1359, %select_n3A_1209 : vector<16xi1>, vector<16xi32>
      %jit3A_1361 = arith.constant 512 : i32
      %div3A_1362 = arith.divsi %reduce_min3A_1355, %jit3A_1361 : i32
      %sign3A_1363 = arith.constant 0 : i32
      %sign3A_1364 = arith.cmpi sgt, %reduce_min3A_1355, %sign3A_1363 : i32
      %sign3A_1365 = arith.extui %sign3A_1364 : i1 to i32
      %sign3A_1366 = arith.constant 0 : i32
      %sign3A_1367 = arith.cmpi slt, %reduce_min3A_1355, %sign3A_1366 : i32
      %sign3A_1368 = arith.extui %sign3A_1367 : i1 to i32
      %sign3A_1369 = arith.subi %sign3A_1365, %sign3A_1368 : i32
      %sign3A_1370 = arith.constant 0 : i32
      %sign3A_1371 = arith.cmpi sgt, %jit3A_1361, %sign3A_1370 : i32
      %sign3A_1372 = arith.extui %sign3A_1371 : i1 to i32
      %sign3A_1373 = arith.constant 0 : i32
      %sign3A_1374 = arith.cmpi slt, %jit3A_1361, %sign3A_1373 : i32
      %sign3A_1375 = arith.extui %sign3A_1374 : i1 to i32
      %sign3A_1376 = arith.subi %sign3A_1372, %sign3A_1375 : i32
      %ne3A_1377 = arith.cmpi ne, %sign3A_1369, %sign3A_1376 : i32
      %rem3A_1378 = arith.remsi %reduce_min3A_1355, %jit3A_1361 : i32
      %ne3A_1379 = arith.constant 0 : i32
      %ne3A_1380 = arith.cmpi ne, %rem3A_1378, %ne3A_1379 : i32
      %and3A_1381 = arith.andi %ne3A_1377, %ne3A_1380 : i1
      %sub3A_1382 = arith.constant 1 : i32
      %sub3A_1383 = arith.subi %div3A_1362, %sub3A_1382 : i32
      %select_n3A_1384 = arith.select %and3A_1381, %sub3A_1383, %div3A_1362 : i32
      %broadcast_in_dim3A_1385 = arith.constant 0 : i32
      %broadcast_in_dim3A_1386 = vector.broadcast %broadcast_in_dim3A_1385 : i32 to vector<16xi32>
      %add3A_1387 = vector.broadcast %reduce_min3A_1355 : i32 to vector<16xi32>
      %add3A_1388 = arith.addi %broadcast_in_dim3A_1386, %add3A_1387 : vector<16xi32>
      %broadcast_in_dim3A_1389 = arith.constant 0xFF800000 : f32
      %broadcast_in_dim3A_1390 = vector.broadcast %broadcast_in_dim3A_1389 : f32 to vector<16xf32>
      %eq3A_1391 = arith.constant 0 : i32
      %eq3A_1392 = vector.broadcast %eq3A_1391 : i32 to vector<16xi32>
      %eq3A_1393 = arith.cmpi eq, %iota3A, %eq3A_1392 : vector<16xi32>
      tpu.vector_store_idx %arg7[%add3A_1388], %broadcast_in_dim3A_1390 masked %eq3A_1393 : memref<4096xf32, #tpu.memory_space<vmem>>[vector<16xi32>], vector<16xf32>, vector<16xi1>
      %mul3A_1394 = arith.constant 32 : i32
      %mul3A_1395 = arith.muli %select_n3A_1384, %mul3A_1394 : i32
      %broadcast_in_dim3A_1396 = arith.constant 0xFF800000 : f32
      %broadcast_in_dim3A_1397 = vector.broadcast %broadcast_in_dim3A_1396 : f32 to vector<16xf32>
      %broadcast_in_dim3A_1398 = arith.constant 0 : i32
      %broadcast_in_dim3A_1399 = vector.broadcast %broadcast_in_dim3A_1398 : i32 to vector<16xi32>
      %scan3A_1400 = arith.constant 0 : i32
      %scan3A_1401 = arith.constant 32 : i32
      %scan3A_1402 = arith.addi %scan3A_1400, %scan3A_1401 : i32
      %scan3A_1403 = arith.constant 8 : i32
      %scan3A_1404:2 = scf.for %scan3A_1497 = %scan3A_1400 to %scan3A_1402 step %scan3A_1403 iter_args(%scan3A_1498 = %broadcast_in_dim3A_1397, %scan3A_1499 = %broadcast_in_dim3A_1399) -> (vector<16xf32>, vector<16xi32>)  : i32 {
        %add3A_1500 = arith.addi %mul3A_1395, %scan3A_1497 : i32
        %mul3A_1501 = arith.constant 16 : i32
        %mul3A_1502 = arith.muli %add3A_1500, %mul3A_1501 : i32
        %get3A_1503 = arith.index_cast %mul3A_1502 : i32 to index
        %get3A_1504 = tpu.vector_load %arg7[%get3A_1503] {strides = array<i32>} : memref<4096xf32, #tpu.memory_space<vmem>>, vector<16xf32>,
        %mul3A_1505 = arith.constant 16 : i32
        %mul3A_1506 = arith.muli %add3A_1500, %mul3A_1505 : i32
        %add3A_1507 = vector.broadcast %mul3A_1506 : i32 to vector<16xi32>
        %add3A_1508 = arith.addi %add3A_1507, %iota3A : vector<16xi32>
        %gt3A = arith.cmpf ogt, %get3A_1504, %scan3A_1498 : vector<16xf32>
        %select_n3A_1509 = arith.select %gt3A, %get3A_1504, %scan3A_1498 : vector<16xi1>, vector<16xf32>
        %select_n3A_1510 = arith.select %gt3A, %add3A_1508, %scan3A_1499 : vector<16xi1>, vector<16xi32>
        %scan3A_1511 = arith.constant 1 : i32
        %scan3A_1512 = arith.addi %scan3A_1497, %scan3A_1511 : i32
        %add3A_1513 = arith.addi %mul3A_1395, %scan3A_1512 : i32
        %mul3A_1514 = arith.constant 16 : i32
        %mul3A_1515 = arith.muli %add3A_1513, %mul3A_1514 : i32
        %get3A_1516 = arith.index_cast %mul3A_1515 : i32 to index
        %get3A_1517 = tpu.vector_load %arg7[%get3A_1516] {strides = array<i32>} : memref<4096xf32, #tpu.memory_space<vmem>>, vector<16xf32>,
        %mul3A_1518 = arith.constant 16 : i32
        %mul3A_1519 = arith.muli %add3A_1513, %mul3A_1518 : i32
        %add3A_1520 = vector.broadcast %mul3A_1519 : i32 to vector<16xi32>
        %add3A_1521 = arith.addi %add3A_1520, %iota3A : vector<16xi32>
        %gt3A_1522 = arith.cmpf ogt, %get3A_1517, %select_n3A_1509 : vector<16xf32>
        %select_n3A_1523 = arith.select %gt3A_1522, %get3A_1517, %select_n3A_1509 : vector<16xi1>, vector<16xf32>
        %select_n3A_1524 = arith.select %gt3A_1522, %add3A_1521, %select_n3A_1510 : vector<16xi1>, vector<16xi32>
        %scan3A_1525 = arith.constant 2 : i32
        %scan3A_1526 = arith.addi %scan3A_1497, %scan3A_1525 : i32
        %add3A_1527 = arith.addi %mul3A_1395, %scan3A_1526 : i32
        %mul3A_1528 = arith.constant 16 : i32
        %mul3A_1529 = arith.muli %add3A_1527, %mul3A_1528 : i32
        %get3A_1530 = arith.index_cast %mul3A_1529 : i32 to index
        %get3A_1531 = tpu.vector_load %arg7[%get3A_1530] {strides = array<i32>} : memref<4096xf32, #tpu.memory_space<vmem>>, vector<16xf32>,
        %mul3A_1532 = arith.constant 16 : i32
        %mul3A_1533 = arith.muli %add3A_1527, %mul3A_1532 : i32
        %add3A_1534 = vector.broadcast %mul3A_1533 : i32 to vector<16xi32>
        %add3A_1535 = arith.addi %add3A_1534, %iota3A : vector<16xi32>
        %gt3A_1536 = arith.cmpf ogt, %get3A_1531, %select_n3A_1523 : vector<16xf32>
        %select_n3A_1537 = arith.select %gt3A_1536, %get3A_1531, %select_n3A_1523 : vector<16xi1>, vector<16xf32>
        %select_n3A_1538 = arith.select %gt3A_1536, %add3A_1535, %select_n3A_1524 : vector<16xi1>, vector<16xi32>
        %scan3A_1539 = arith.constant 3 : i32
        %scan3A_1540 = arith.addi %scan3A_1497, %scan3A_1539 : i32
        %add3A_1541 = arith.addi %mul3A_1395, %scan3A_1540 : i32
        %mul3A_1542 = arith.constant 16 : i32
        %mul3A_1543 = arith.muli %add3A_1541, %mul3A_1542 : i32
        %get3A_1544 = arith.index_cast %mul3A_1543 : i32 to index
        %get3A_1545 = tpu.vector_load %arg7[%get3A_1544] {strides = array<i32>} : memref<4096xf32, #tpu.memory_space<vmem>>, vector<16xf32>,
        %mul3A_1546 = arith.constant 16 : i32
        %mul3A_1547 = arith.muli %add3A_1541, %mul3A_1546 : i32
        %add3A_1548 = vector.broadcast %mul3A_1547 : i32 to vector<16xi32>
        %add3A_1549 = arith.addi %add3A_1548, %iota3A : vector<16xi32>
        %gt3A_1550 = arith.cmpf ogt, %get3A_1545, %select_n3A_1537 : vector<16xf32>
        %select_n3A_1551 = arith.select %gt3A_1550, %get3A_1545, %select_n3A_1537 : vector<16xi1>, vector<16xf32>
        %select_n3A_1552 = arith.select %gt3A_1550, %add3A_1549, %select_n3A_1538 : vector<16xi1>, vector<16xi32>
        %scan3A_1553 = arith.constant 4 : i32
        %scan3A_1554 = arith.addi %scan3A_1497, %scan3A_1553 : i32
        %add3A_1555 = arith.addi %mul3A_1395, %scan3A_1554 : i32
        %mul3A_1556 = arith.constant 16 : i32
        %mul3A_1557 = arith.muli %add3A_1555, %mul3A_1556 : i32
        %get3A_1558 = arith.index_cast %mul3A_1557 : i32 to index
        %get3A_1559 = tpu.vector_load %arg7[%get3A_1558] {strides = array<i32>} : memref<4096xf32, #tpu.memory_space<vmem>>, vector<16xf32>,
        %mul3A_1560 = arith.constant 16 : i32
        %mul3A_1561 = arith.muli %add3A_1555, %mul3A_1560 : i32
        %add3A_1562 = vector.broadcast %mul3A_1561 : i32 to vector<16xi32>
        %add3A_1563 = arith.addi %add3A_1562, %iota3A : vector<16xi32>
        %gt3A_1564 = arith.cmpf ogt, %get3A_1559, %select_n3A_1551 : vector<16xf32>
        %select_n3A_1565 = arith.select %gt3A_1564, %get3A_1559, %select_n3A_1551 : vector<16xi1>, vector<16xf32>
        %select_n3A_1566 = arith.select %gt3A_1564, %add3A_1563, %select_n3A_1552 : vector<16xi1>, vector<16xi32>
        %scan3A_1567 = arith.constant 5 : i32
        %scan3A_1568 = arith.addi %scan3A_1497, %scan3A_1567 : i32
        %add3A_1569 = arith.addi %mul3A_1395, %scan3A_1568 : i32
        %mul3A_1570 = arith.constant 16 : i32
        %mul3A_1571 = arith.muli %add3A_1569, %mul3A_1570 : i32
        %get3A_1572 = arith.index_cast %mul3A_1571 : i32 to index
        %get3A_1573 = tpu.vector_load %arg7[%get3A_1572] {strides = array<i32>} : memref<4096xf32, #tpu.memory_space<vmem>>, vector<16xf32>,
        %mul3A_1574 = arith.constant 16 : i32
        %mul3A_1575 = arith.muli %add3A_1569, %mul3A_1574 : i32
        %add3A_1576 = vector.broadcast %mul3A_1575 : i32 to vector<16xi32>
        %add3A_1577 = arith.addi %add3A_1576, %iota3A : vector<16xi32>
        %gt3A_1578 = arith.cmpf ogt, %get3A_1573, %select_n3A_1565 : vector<16xf32>
        %select_n3A_1579 = arith.select %gt3A_1578, %get3A_1573, %select_n3A_1565 : vector<16xi1>, vector<16xf32>
        %select_n3A_1580 = arith.select %gt3A_1578, %add3A_1577, %select_n3A_1566 : vector<16xi1>, vector<16xi32>
        %scan3A_1581 = arith.constant 6 : i32
        %scan3A_1582 = arith.addi %scan3A_1497, %scan3A_1581 : i32
        %add3A_1583 = arith.addi %mul3A_1395, %scan3A_1582 : i32
        %mul3A_1584 = arith.constant 16 : i32
        %mul3A_1585 = arith.muli %add3A_1583, %mul3A_1584 : i32
        %get3A_1586 = arith.index_cast %mul3A_1585 : i32 to index
        %get3A_1587 = tpu.vector_load %arg7[%get3A_1586] {strides = array<i32>} : memref<4096xf32, #tpu.memory_space<vmem>>, vector<16xf32>,
        %mul3A_1588 = arith.constant 16 : i32
        %mul3A_1589 = arith.muli %add3A_1583, %mul3A_1588 : i32
        %add3A_1590 = vector.broadcast %mul3A_1589 : i32 to vector<16xi32>
        %add3A_1591 = arith.addi %add3A_1590, %iota3A : vector<16xi32>
        %gt3A_1592 = arith.cmpf ogt, %get3A_1587, %select_n3A_1579 : vector<16xf32>
        %select_n3A_1593 = arith.select %gt3A_1592, %get3A_1587, %select_n3A_1579 : vector<16xi1>, vector<16xf32>
        %select_n3A_1594 = arith.select %gt3A_1592, %add3A_1591, %select_n3A_1580 : vector<16xi1>, vector<16xi32>
        %scan3A_1595 = arith.constant 7 : i32
        %scan3A_1596 = arith.addi %scan3A_1497, %scan3A_1595 : i32
        %add3A_1597 = arith.addi %mul3A_1395, %scan3A_1596 : i32
        %mul3A_1598 = arith.constant 16 : i32
        %mul3A_1599 = arith.muli %add3A_1597, %mul3A_1598 : i32
        %get3A_1600 = arith.index_cast %mul3A_1599 : i32 to index
        %get3A_1601 = tpu.vector_load %arg7[%get3A_1600] {strides = array<i32>} : memref<4096xf32, #tpu.memory_space<vmem>>, vector<16xf32>,
        %mul3A_1602 = arith.constant 16 : i32
        %mul3A_1603 = arith.muli %add3A_1597, %mul3A_1602 : i32
        %add3A_1604 = vector.broadcast %mul3A_1603 : i32 to vector<16xi32>
        %add3A_1605 = arith.addi %add3A_1604, %iota3A : vector<16xi32>
        %gt3A_1606 = arith.cmpf ogt, %get3A_1601, %select_n3A_1593 : vector<16xf32>
        %select_n3A_1607 = arith.select %gt3A_1606, %get3A_1601, %select_n3A_1593 : vector<16xi1>, vector<16xf32>
        %select_n3A_1608 = arith.select %gt3A_1606, %add3A_1605, %select_n3A_1594 : vector<16xi1>, vector<16xi32>
        scf.yield %select_n3A_1607, %select_n3A_1608 : vector<16xf32>, vector<16xi32>
      }
      %scan3A_1405 = arith.constant 32 : i32
      %broadcast_in_dim3A_1406 = arith.constant 0 : i32
      %broadcast_in_dim3A_1407 = vector.broadcast %broadcast_in_dim3A_1406 : i32 to vector<16xi32>
      %eq3A_1408 = vector.broadcast %select_n3A_1384 : i32 to vector<16xi32>
      %eq3A_1409 = arith.cmpi eq, %broadcast_in_dim3A_1407, %eq3A_1408 : vector<16xi32>
      %select_n3A_1410 = arith.select %eq3A_1409, %scan3A_1404#0, %select_n3A_1259 : vector<16xi1>, vector<16xf32>
      %select_n3A_1411 = arith.select %eq3A_1409, %scan3A_1404#1, %select_n3A_1260 : vector<16xi1>, vector<16xi32>
      %broadcast_in_dim3A_1412 = arith.constant 1 : i32
      %broadcast_in_dim3A_1413 = vector.broadcast %broadcast_in_dim3A_1412 : i32 to vector<16xi32>
      %eq3A_1414 = vector.broadcast %select_n3A_1384 : i32 to vector<16xi32>
      %eq3A_1415 = arith.cmpi eq, %broadcast_in_dim3A_1413, %eq3A_1414 : vector<16xi32>
      %select_n3A_1416 = arith.select %eq3A_1415, %scan3A_1404#0, %select_n3A_1265 : vector<16xi1>, vector<16xf32>
      %select_n3A_1417 = arith.select %eq3A_1415, %scan3A_1404#1, %select_n3A_1266 : vector<16xi1>, vector<16xi32>
      %broadcast_in_dim3A_1418 = arith.constant 2 : i32
      %broadcast_in_dim3A_1419 = vector.broadcast %broadcast_in_dim3A_1418 : i32 to vector<16xi32>
      %eq3A_1420 = vector.broadcast %select_n3A_1384 : i32 to vector<16xi32>
      %eq3A_1421 = arith.cmpi eq, %broadcast_in_dim3A_1419, %eq3A_1420 : vector<16xi32>
      %select_n3A_1422 = arith.select %eq3A_1421, %scan3A_1404#0, %select_n3A_1271 : vector<16xi1>, vector<16xf32>
      %select_n3A_1423 = arith.select %eq3A_1421, %scan3A_1404#1, %select_n3A_1272 : vector<16xi1>, vector<16xi32>
      %broadcast_in_dim3A_1424 = arith.constant 3 : i32
      %broadcast_in_dim3A_1425 = vector.broadcast %broadcast_in_dim3A_1424 : i32 to vector<16xi32>
      %eq3A_1426 = vector.broadcast %select_n3A_1384 : i32 to vector<16xi32>
      %eq3A_1427 = arith.cmpi eq, %broadcast_in_dim3A_1425, %eq3A_1426 : vector<16xi32>
      %select_n3A_1428 = arith.select %eq3A_1427, %scan3A_1404#0, %select_n3A_1277 : vector<16xi1>, vector<16xf32>
      %select_n3A_1429 = arith.select %eq3A_1427, %scan3A_1404#1, %select_n3A_1278 : vector<16xi1>, vector<16xi32>
      %broadcast_in_dim3A_1430 = arith.constant 4 : i32
      %broadcast_in_dim3A_1431 = vector.broadcast %broadcast_in_dim3A_1430 : i32 to vector<16xi32>
      %eq3A_1432 = vector.broadcast %select_n3A_1384 : i32 to vector<16xi32>
      %eq3A_1433 = arith.cmpi eq, %broadcast_in_dim3A_1431, %eq3A_1432 : vector<16xi32>
      %select_n3A_1434 = arith.select %eq3A_1433, %scan3A_1404#0, %select_n3A_1283 : vector<16xi1>, vector<16xf32>
      %select_n3A_1435 = arith.select %eq3A_1433, %scan3A_1404#1, %select_n3A_1284 : vector<16xi1>, vector<16xi32>
      %broadcast_in_dim3A_1436 = arith.constant 5 : i32
      %broadcast_in_dim3A_1437 = vector.broadcast %broadcast_in_dim3A_1436 : i32 to vector<16xi32>
      %eq3A_1438 = vector.broadcast %select_n3A_1384 : i32 to vector<16xi32>
      %eq3A_1439 = arith.cmpi eq, %broadcast_in_dim3A_1437, %eq3A_1438 : vector<16xi32>
      %select_n3A_1440 = arith.select %eq3A_1439, %scan3A_1404#0, %select_n3A_1289 : vector<16xi1>, vector<16xf32>
      %select_n3A_1441 = arith.select %eq3A_1439, %scan3A_1404#1, %select_n3A_1290 : vector<16xi1>, vector<16xi32>
      %broadcast_in_dim3A_1442 = arith.constant 6 : i32
      %broadcast_in_dim3A_1443 = vector.broadcast %broadcast_in_dim3A_1442 : i32 to vector<16xi32>
      %eq3A_1444 = vector.broadcast %select_n3A_1384 : i32 to vector<16xi32>
      %eq3A_1445 = arith.cmpi eq, %broadcast_in_dim3A_1443, %eq3A_1444 : vector<16xi32>
      %select_n3A_1446 = arith.select %eq3A_1445, %scan3A_1404#0, %select_n3A_1295 : vector<16xi1>, vector<16xf32>
      %select_n3A_1447 = arith.select %eq3A_1445, %scan3A_1404#1, %select_n3A_1296 : vector<16xi1>, vector<16xi32>
      %broadcast_in_dim3A_1448 = arith.constant 7 : i32
      %broadcast_in_dim3A_1449 = vector.broadcast %broadcast_in_dim3A_1448 : i32 to vector<16xi32>
      %eq3A_1450 = vector.broadcast %select_n3A_1384 : i32 to vector<16xi32>
      %eq3A_1451 = arith.cmpi eq, %broadcast_in_dim3A_1449, %eq3A_1450 : vector<16xi32>
      %select_n3A_1452 = arith.select %eq3A_1451, %scan3A_1404#0, %select_n3A_1301 : vector<16xi1>, vector<16xf32>
      %select_n3A_1453 = arith.select %eq3A_1451, %scan3A_1404#1, %select_n3A_1302 : vector<16xi1>, vector<16xi32>
      %jit3A_1454 = arith.constant 512 : i32
      %div3A_1455 = vector.broadcast %jit3A_1454 : i32 to vector<16xi32>
      %div3A_1456 = arith.divsi %select_n3A_1360, %div3A_1455 : vector<16xi32>
      %sign3A_1457 = arith.constant 0 : i32
      %sign3A_1458 = vector.broadcast %sign3A_1457 : i32 to vector<16xi32>
      %sign3A_1459 = arith.cmpi sgt, %select_n3A_1360, %sign3A_1458 : vector<16xi32>
      %sign3A_1460 = arith.extui %sign3A_1459 : vector<16xi1> to vector<16xi32>
      %sign3A_1461 = arith.constant 0 : i32
      %sign3A_1462 = vector.broadcast %sign3A_1461 : i32 to vector<16xi32>
      %sign3A_1463 = arith.cmpi slt, %select_n3A_1360, %sign3A_1462 : vector<16xi32>
      %sign3A_1464 = arith.extui %sign3A_1463 : vector<16xi1> to vector<16xi32>
      %sign3A_1465 = arith.subi %sign3A_1460, %sign3A_1464 : vector<16xi32>
      %sign3A_1466 = arith.constant 0 : i32
      %sign3A_1467 = arith.cmpi sgt, %jit3A_1454, %sign3A_1466 : i32
      %sign3A_1468 = arith.extui %sign3A_1467 : i1 to i32
      %sign3A_1469 = arith.constant 0 : i32
      %sign3A_1470 = arith.cmpi slt, %jit3A_1454, %sign3A_1469 : i32
      %sign3A_1471 = arith.extui %sign3A_1470 : i1 to i32
      %sign3A_1472 = arith.subi %sign3A_1468, %sign3A_1471 : i32
      %ne3A_1473 = vector.broadcast %sign3A_1472 : i32 to vector<16xi32>
      %ne3A_1474 = arith.cmpi ne, %sign3A_1465, %ne3A_1473 : vector<16xi32>
      %rem3A_1475 = vector.broadcast %jit3A_1454 : i32 to vector<16xi32>
      %rem3A_1476 = arith.remsi %select_n3A_1360, %rem3A_1475 : vector<16xi32>
      %ne3A_1477 = arith.constant 0 : i32
      %ne3A_1478 = vector.broadcast %ne3A_1477 : i32 to vector<16xi32>
      %ne3A_1479 = arith.cmpi ne, %rem3A_1476, %ne3A_1478 : vector<16xi32>
      %and3A_1480 = arith.andi %ne3A_1474, %ne3A_1479 : vector<16xi1>
      %sub3A_1481 = arith.constant 1 : i32
      %sub3A_1482 = vector.broadcast %sub3A_1481 : i32 to vector<16xi32>
      %sub3A_1483 = arith.subi %div3A_1456, %sub3A_1482 : vector<16xi32>
      %select_n3A_1484 = arith.select %and3A_1480, %sub3A_1483, %div3A_1456 : vector<16xi1>, vector<16xi32>
      %gather3A = tpu.vector_load_idx %arg5[%select_n3A_1484] : memref<16xi32, #tpu.memory_space<vmem>>[vector<16xi32>], vector<16xi32>,
      %mul3A_1485 = arith.constant 512 : i32
      %mul3A_1486 = vector.broadcast %mul3A_1485 : i32 to vector<16xi32>
      %mul3A_1487 = arith.muli %gather3A, %mul3A_1486 : vector<16xi32>
      %mul3A_1488 = arith.constant 512 : i32
      %mul3A_1489 = vector.broadcast %mul3A_1488 : i32 to vector<16xi32>
      %mul3A_1490 = arith.muli %select_n3A_1484, %mul3A_1489 : vector<16xi32>
      %sub3A_1491 = arith.subi %select_n3A_1360, %mul3A_1490 : vector<16xi32>
      %add3A_1492 = arith.addi %mul3A_1487, %sub3A_1491 : vector<16xi32>
      %swap3A = arith.constant 0 : index
      %swap3A_1493 = tpu.vector_load %arg8[%swap3A] {strides = array<i32>} : memref<16xi32, #tpu.memory_space<vmem>>, vector<16xi32>,
      tpu.vector_store %arg8[%swap3A], %add3A_1492 {strides = array<i32>} : memref<16xi32, #tpu.memory_space<vmem>>, vector<16xi32>,
      %mul3A_1494 = arith.constant 8 : i32
      %mul3A_1495 = arith.muli %add3A_11, %mul3A_1494 : i32
      "tpu.region"() ({
        %run_scoped3A = tpu.sem_alloc : memref<!tpu.dma_semaphore, #tpu.memory_space<semaphore_mem>>
        %dma_start3A_1497 = arith.constant 0 : i32
        %dma_start3A_1498 = tpu.memref_slice %arg8[%dma_start3A_1497] : memref<16xi32, #tpu.memory_space<vmem>> -> memref<8xi32, #tpu.memory_space<vmem>>
        %dma_start3A_1499 = tpu.memref_slice %arg4[%mul3A_1495] : memref<8192xi32, #tpu.memory_space<hbm>> -> memref<8xi32, #tpu.memory_space<hbm>>
        %dma_start3A_1500 = tpu.memref_slice %arg4[%mul3A_1495] : memref<8192xi32, #tpu.memory_space<hbm>> -> memref<8xi32, #tpu.memory_space<hbm>>
        %dma_start3A_1501 = arith.constant 0 : i32
        %dma_start3A_1502 = tpu.memref_slice %arg8[%dma_start3A_1501] : memref<16xi32, #tpu.memory_space<vmem>> -> memref<8xi32, #tpu.memory_space<vmem>>
        tpu.enqueue_dma source(%dma_start3A_1502 : memref<8xi32, #tpu.memory_space<vmem>>) target(%dma_start3A_1500 : memref<8xi32, #tpu.memory_space<hbm>>) target_semaphore(%run_scoped3A : memref<!tpu.dma_semaphore, #tpu.memory_space<semaphore_mem>>)
        %dma_wait3A_1503 = arith.constant 0 : i32
        %dma_wait3A_1504 = tpu.memref_slice %arg8[%dma_wait3A_1503] : memref<16xi32, #tpu.memory_space<vmem>> -> memref<8xi32, #tpu.memory_space<vmem>>
        %dma_wait3A_1505 = tpu.memref_slice %arg4[%mul3A_1495] : memref<8192xi32, #tpu.memory_space<hbm>> -> memref<8xi32, #tpu.memory_space<hbm>>
        %dma_wait3A_1506 = tpu.memref_slice %arg4[%mul3A_1495] : memref<8192xi32, #tpu.memory_space<hbm>> -> memref<8xi32, #tpu.memory_space<hbm>>
        %dma_wait3A_1507 = arith.constant 0 : i32
        %dma_wait3A_1508 = tpu.memref_slice %arg8[%dma_wait3A_1507] : memref<16xi32, #tpu.memory_space<vmem>> -> memref<8xi32, #tpu.memory_space<vmem>>
        tpu.wait_dma2 semaphore(%run_scoped3A : memref<!tpu.dma_semaphore, #tpu.memory_space<semaphore_mem>>) src(%dma_wait3A_1508 : memref<8xi32, #tpu.memory_space<vmem>>) dst(%dma_wait3A_1506 : memref<8xi32, #tpu.memory_space<hbm>>)
        tpu.yield
      }) : () -> ()
      %scan3A_1496 = arith.constant 0 : i32
      scf.yield %scan3A_1496 : i32
    }
    %scan3A_6 = arith.constant 32 : i32
    return
  }
}

module attributes {stable_mosaic.version = 14 : i64} {
  func.func @_mm_body(%arg0: i32, %arg1: i32, %arg2: memref<1024x128xf32, #tpu.memory_space<vmem>>, %arg3: memref<128x2048xf32, #tpu.memory_space<vmem>>, %arg4: memref<1x2048xf32, #tpu.memory_space<vmem>>, %arg5: memref<1024x2048xf32, #tpu.memory_space<vmem>>, %arg6: memref<1024x8xi32, #tpu.memory_space<vmem>>, %arg7: memref<1024x8xf32, #tpu.memory_space<vmem>>, %arg8: memref<1024x8xi32, #tpu.memory_space<vmem>>) attributes {dimension_semantics = [#tpu.dimension_semantics<arbitrary>, #tpu.dimension_semantics<arbitrary>], iteration_bounds = array<i64: 1, 49>, scalar_prefetch = 0 : i64, scratch_operands = 2 : i64, tpu.core_type = #tpu.core_type<tc>, window_params = [{transform_indices = @transform_0, window_bounds = array<i64: 1024, 128>}, {transform_indices = @transform_1, window_bounds = array<i64: 128, 2048>}, {transform_indices = @transform_2, window_bounds = array<i64: 1, 2048>}, {transform_indices = @transform_3, window_bounds = array<i64: 1024, 2048>}, {transform_indices = @transform_4, window_bounds = array<i64: 1024, 8>}]} {
    %eq3A = arith.constant 0 : i32
    %eq3A_0 = arith.cmpi eq, %arg1, %eq3A : i32
    %convert_element_type3A = arith.extui %eq3A_0 : i1 to i32
    %cond3A = arith.constant 0 : i32
    %cond3A_1 = arith.cmpi ne, %convert_element_type3A, %cond3A : i32
    scf.if %cond3A_1 {
      %broadcast_in_dim3A_180 = arith.constant 0xFF800000 : f32
      %broadcast_in_dim3A_181 = vector.broadcast %broadcast_in_dim3A_180 : f32 to vector<1024x8xf32>
      %swap3A_182 = arith.constant 0 : index
      %swap3A_183 = arith.constant 0 : index
      %swap3A_184 = vector.load %arg7[%swap3A_182, %swap3A_183] : memref<1024x8xf32, #tpu.memory_space<vmem>>, vector<1024x8xf32>
      tpu.vector_store %arg7[%swap3A_182, %swap3A_183], %broadcast_in_dim3A_181 {strides = array<i32>} : memref<1024x8xf32, #tpu.memory_space<vmem>>, vector<1024x8xf32>,
      %broadcast_in_dim3A_185 = arith.constant 0 : i32
      %broadcast_in_dim3A_186 = vector.broadcast %broadcast_in_dim3A_185 : i32 to vector<1024x8xi32>
      %swap3A_187 = arith.constant 0 : index
      %swap3A_188 = arith.constant 0 : index
      %swap3A_189 = vector.load %arg8[%swap3A_187, %swap3A_188] : memref<1024x8xi32, #tpu.memory_space<vmem>>, vector<1024x8xi32>
      tpu.vector_store %arg8[%swap3A_187, %swap3A_188], %broadcast_in_dim3A_186 {strides = array<i32>} : memref<1024x8xi32, #tpu.memory_space<vmem>>, vector<1024x8xi32>,
    } else {
    }
    %get3A = arith.constant 0 : index
    %get3A_2 = arith.constant 0 : index
    %get3A_3 = vector.load %arg2[%get3A, %get3A_2] : memref<1024x128xf32, #tpu.memory_space<vmem>>, vector<1024x128xf32>
    %get3A_4 = arith.constant 0 : index
    %get3A_5 = arith.constant 0 : index
    %get3A_6 = vector.load %arg3[%get3A_4, %get3A_5] : memref<128x2048xf32, #tpu.memory_space<vmem>>, vector<128x2048xf32>
    %dot_general3A = arith.constant dense<0.000000e+00> : vector<1024x2048xf32>
    %dot_general3A_7 = tpu.matmul %get3A_3, %get3A_6, %dot_general3A {dimension_numbers = #tpu.dot_dimension_numbers<[1], [0], [0], [1], [0, 0, 1, 1], [], []>, transpose_lhs_hint = false} : vector<1024x128xf32>, vector<128x2048xf32>, vector<1024x2048xf32> -> vector<1024x2048xf32>
    %get3A_8 = arith.constant 0 : index
    %get3A_9 = arith.constant 0 : index
    %get3A_10 = vector.load %arg4[%get3A_8, %get3A_9] : memref<1x2048xf32, #tpu.memory_space<vmem>>, vector<1x2048xf32>
    %add3A = vector.broadcast %get3A_10 : vector<1x2048xf32> to vector<1024x2048xf32>
    %add3A_11 = arith.addf %dot_general3A_7, %add3A : vector<1024x2048xf32>
    %swap3A = arith.constant 0 : index
    %swap3A_12 = arith.constant 0 : index
    %swap3A_13 = vector.load %arg5[%swap3A, %swap3A_12] : memref<1024x2048xf32, #tpu.memory_space<vmem>>, vector<1024x2048xf32>
    tpu.vector_store %arg5[%swap3A, %swap3A_12], %add3A_11 {strides = array<i32>} : memref<1024x2048xf32, #tpu.memory_space<vmem>>, vector<1024x2048xf32>,
    %iota3A = tpu.iota {dimensions = array<i32: 1>} : vector<1024x2048xi32>
    %mul3A = arith.constant 2048 : i32
    %mul3A_14 = arith.muli %arg1, %mul3A : i32
    %add3A_15 = vector.broadcast %mul3A_14 : i32 to vector<1024x2048xi32>
    %add3A_16 = arith.addi %iota3A, %add3A_15 : vector<1024x2048xi32>
    %lt3A = arith.constant 100000 : i32
    %lt3A_17 = vector.broadcast %lt3A : i32 to vector<1024x2048xi32>
    %lt3A_18 = arith.cmpi slt, %add3A_16, %lt3A_17 : vector<1024x2048xi32>
    %jit3A = arith.constant 0xFF800000 : f32
    %broadcast_in_dim3A = vector.broadcast %jit3A : f32 to vector<1024x2048xf32>
    %select_n3A = arith.select %lt3A_18, %add3A_11, %broadcast_in_dim3A : vector<1024x2048xi1>, vector<1024x2048xf32>
    %iota3A_19 = tpu.iota {dimensions = array<i32: 1>} : vector<1024x8xi32>
    %get3A_20 = arith.constant 0 : index
    %get3A_21 = arith.constant 0 : index
    %get3A_22 = vector.load %arg7[%get3A_20, %get3A_21] : memref<1024x8xf32, #tpu.memory_space<vmem>>, vector<1024x8xf32>
    %get3A_23 = arith.constant 0 : index
    %get3A_24 = arith.constant 0 : index
    %get3A_25 = vector.load %arg8[%get3A_23, %get3A_24] : memref<1024x8xi32, #tpu.memory_space<vmem>>, vector<1024x8xi32>
    %slice3A = vector.extract_strided_slice %select_n3A {offsets = [0, 0], sizes = [1024, 512], strides = [1, 1]} : vector<1024x2048xf32> to vector<1024x512xf32>
    %reduce_max3A = arith.constant dense<0xFF800000> : vector<1024xf32>
    %reduce_max3A_26 = vector.multi_reduction <maximumf>, %slice3A, %reduce_max3A [1] : vector<1024x512xf32> to vector<1024xf32>
    %broadcast_in_dim3A_27 = vector.shape_cast %reduce_max3A_26 : vector<1024xf32> to vector<1024x1xf32>
    %mul3A_28 = arith.constant 4 : i32
    %mul3A_29 = arith.muli %arg1, %mul3A_28 : i32
    %add3A_30 = arith.constant 0 : i32
    %add3A_31 = arith.addi %mul3A_29, %add3A_30 : i32
    %broadcast_in_dim3A_32 = vector.broadcast %add3A_31 : i32 to vector<1024x1xi32>
    %ge3A = vector.broadcast %broadcast_in_dim3A_27 : vector<1024x1xf32> to vector<1024x8xf32>
    %ge3A_33 = arith.cmpf oge, %get3A_22, %ge3A : vector<1024x8xf32>
    %convert_element_type3A_34 = arith.extui %ge3A_33 : vector<1024x8xi1> to vector<1024x8xi32>
    %reduce_sum3A = arith.constant dense<0> : vector<1024xi32>
    %reduce_sum3A_35 = vector.multi_reduction <add>, %convert_element_type3A_34, %reduce_sum3A [1] : vector<1024x8xi32> to vector<1024xi32>
    %broadcast_in_dim3A_36 = vector.shape_cast %reduce_sum3A_35 : vector<1024xi32> to vector<1024x1xi32>
    %slice3A_37 = vector.extract_strided_slice %get3A_22 {offsets = [0, 0], sizes = [1024, 1], strides = [1, 1]} : vector<1024x8xf32> to vector<1024x1xf32>
    %slice3A_38 = vector.extract_strided_slice %get3A_22 {offsets = [0, 0], sizes = [1024, 7], strides = [1, 1]} : vector<1024x8xf32> to vector<1024x7xf32>
    %concatenate3A = tpu.concatenate %slice3A_37, %slice3A_38 in 1 : vector<1024x1xf32>, vector<1024x7xf32> -> vector<1024x8xf32>
    %slice3A_39 = vector.extract_strided_slice %get3A_25 {offsets = [0, 0], sizes = [1024, 1], strides = [1, 1]} : vector<1024x8xi32> to vector<1024x1xi32>
    %slice3A_40 = vector.extract_strided_slice %get3A_25 {offsets = [0, 0], sizes = [1024, 7], strides = [1, 1]} : vector<1024x8xi32> to vector<1024x7xi32>
    %concatenate3A_41 = tpu.concatenate %slice3A_39, %slice3A_40 in 1 : vector<1024x1xi32>, vector<1024x7xi32> -> vector<1024x8xi32>
    %lt3A_42 = vector.broadcast %broadcast_in_dim3A_36 : vector<1024x1xi32> to vector<1024x8xi32>
    %lt3A_43 = arith.cmpi slt, %iota3A_19, %lt3A_42 : vector<1024x8xi32>
    %eq3A_44 = vector.broadcast %broadcast_in_dim3A_36 : vector<1024x1xi32> to vector<1024x8xi32>
    %eq3A_45 = arith.cmpi eq, %iota3A_19, %eq3A_44 : vector<1024x8xi32>
    %broadcast_in_dim3A_46 = vector.shape_cast %broadcast_in_dim3A_27 : vector<1024x1xf32> to vector<1024x1xf32>
    %broadcast_in_dim3A_47 = vector.broadcast %broadcast_in_dim3A_46 : vector<1024x1xf32> to vector<1024x8xf32>
    %select_n3A_48 = arith.select %eq3A_45, %broadcast_in_dim3A_47, %concatenate3A : vector<1024x8xi1>, vector<1024x8xf32>
    %select_n3A_49 = arith.select %lt3A_43, %get3A_22, %select_n3A_48 : vector<1024x8xi1>, vector<1024x8xf32>
    %lt3A_50 = vector.broadcast %broadcast_in_dim3A_36 : vector<1024x1xi32> to vector<1024x8xi32>
    %lt3A_51 = arith.cmpi slt, %iota3A_19, %lt3A_50 : vector<1024x8xi32>
    %eq3A_52 = vector.broadcast %broadcast_in_dim3A_36 : vector<1024x1xi32> to vector<1024x8xi32>
    %eq3A_53 = arith.cmpi eq, %iota3A_19, %eq3A_52 : vector<1024x8xi32>
    %broadcast_in_dim3A_54 = vector.shape_cast %broadcast_in_dim3A_32 : vector<1024x1xi32> to vector<1024x1xi32>
    %broadcast_in_dim3A_55 = vector.broadcast %broadcast_in_dim3A_54 : vector<1024x1xi32> to vector<1024x8xi32>
    %select_n3A_56 = arith.select %eq3A_53, %broadcast_in_dim3A_55, %concatenate3A_41 : vector<1024x8xi1>, vector<1024x8xi32>
    %select_n3A_57 = arith.select %lt3A_51, %get3A_25, %select_n3A_56 : vector<1024x8xi1>, vector<1024x8xi32>
    %slice3A_58 = vector.extract_strided_slice %select_n3A {offsets = [0, 512], sizes = [1024, 512], strides = [1, 1]} : vector<1024x2048xf32> to vector<1024x512xf32>
    %reduce_max3A_59 = arith.constant dense<0xFF800000> : vector<1024xf32>
    %reduce_max3A_60 = vector.multi_reduction <maximumf>, %slice3A_58, %reduce_max3A_59 [1] : vector<1024x512xf32> to vector<1024xf32>
    %broadcast_in_dim3A_61 = vector.shape_cast %reduce_max3A_60 : vector<1024xf32> to vector<1024x1xf32>
    %mul3A_62 = arith.constant 4 : i32
    %mul3A_63 = arith.muli %arg1, %mul3A_62 : i32
    %add3A_64 = arith.constant 1 : i32
    %add3A_65 = arith.addi %mul3A_63, %add3A_64 : i32
    %broadcast_in_dim3A_66 = vector.broadcast %add3A_65 : i32 to vector<1024x1xi32>
    %ge3A_67 = vector.broadcast %broadcast_in_dim3A_61 : vector<1024x1xf32> to vector<1024x8xf32>
    %ge3A_68 = arith.cmpf oge, %select_n3A_49, %ge3A_67 : vector<1024x8xf32>
    %convert_element_type3A_69 = arith.extui %ge3A_68 : vector<1024x8xi1> to vector<1024x8xi32>
    %reduce_sum3A_70 = arith.constant dense<0> : vector<1024xi32>
    %reduce_sum3A_71 = vector.multi_reduction <add>, %convert_element_type3A_69, %reduce_sum3A_70 [1] : vector<1024x8xi32> to vector<1024xi32>
    %broadcast_in_dim3A_72 = vector.shape_cast %reduce_sum3A_71 : vector<1024xi32> to vector<1024x1xi32>
    %slice3A_73 = vector.extract_strided_slice %select_n3A_49 {offsets = [0, 0], sizes = [1024, 1], strides = [1, 1]} : vector<1024x8xf32> to vector<1024x1xf32>
    %slice3A_74 = vector.extract_strided_slice %select_n3A_49 {offsets = [0, 0], sizes = [1024, 7], strides = [1, 1]} : vector<1024x8xf32> to vector<1024x7xf32>
    %concatenate3A_75 = tpu.concatenate %slice3A_73, %slice3A_74 in 1 : vector<1024x1xf32>, vector<1024x7xf32> -> vector<1024x8xf32>
    %slice3A_76 = vector.extract_strided_slice %select_n3A_57 {offsets = [0, 0], sizes = [1024, 1], strides = [1, 1]} : vector<1024x8xi32> to vector<1024x1xi32>
    %slice3A_77 = vector.extract_strided_slice %select_n3A_57 {offsets = [0, 0], sizes = [1024, 7], strides = [1, 1]} : vector<1024x8xi32> to vector<1024x7xi32>
    %concatenate3A_78 = tpu.concatenate %slice3A_76, %slice3A_77 in 1 : vector<1024x1xi32>, vector<1024x7xi32> -> vector<1024x8xi32>
    %lt3A_79 = vector.broadcast %broadcast_in_dim3A_72 : vector<1024x1xi32> to vector<1024x8xi32>
    %lt3A_80 = arith.cmpi slt, %iota3A_19, %lt3A_79 : vector<1024x8xi32>
    %eq3A_81 = vector.broadcast %broadcast_in_dim3A_72 : vector<1024x1xi32> to vector<1024x8xi32>
    %eq3A_82 = arith.cmpi eq, %iota3A_19, %eq3A_81 : vector<1024x8xi32>
    %broadcast_in_dim3A_83 = vector.shape_cast %broadcast_in_dim3A_61 : vector<1024x1xf32> to vector<1024x1xf32>
    %broadcast_in_dim3A_84 = vector.broadcast %broadcast_in_dim3A_83 : vector<1024x1xf32> to vector<1024x8xf32>
    %select_n3A_85 = arith.select %eq3A_82, %broadcast_in_dim3A_84, %concatenate3A_75 : vector<1024x8xi1>, vector<1024x8xf32>
    %select_n3A_86 = arith.select %lt3A_80, %select_n3A_49, %select_n3A_85 : vector<1024x8xi1>, vector<1024x8xf32>
    %lt3A_87 = vector.broadcast %broadcast_in_dim3A_72 : vector<1024x1xi32> to vector<1024x8xi32>
    %lt3A_88 = arith.cmpi slt, %iota3A_19, %lt3A_87 : vector<1024x8xi32>
    %eq3A_89 = vector.broadcast %broadcast_in_dim3A_72 : vector<1024x1xi32> to vector<1024x8xi32>
    %eq3A_90 = arith.cmpi eq, %iota3A_19, %eq3A_89 : vector<1024x8xi32>
    %broadcast_in_dim3A_91 = vector.shape_cast %broadcast_in_dim3A_66 : vector<1024x1xi32> to vector<1024x1xi32>
    %broadcast_in_dim3A_92 = vector.broadcast %broadcast_in_dim3A_91 : vector<1024x1xi32> to vector<1024x8xi32>
    %select_n3A_93 = arith.select %eq3A_90, %broadcast_in_dim3A_92, %concatenate3A_78 : vector<1024x8xi1>, vector<1024x8xi32>
    %select_n3A_94 = arith.select %lt3A_88, %select_n3A_57, %select_n3A_93 : vector<1024x8xi1>, vector<1024x8xi32>
    %slice3A_95 = vector.extract_strided_slice %select_n3A {offsets = [0, 1024], sizes = [1024, 512], strides = [1, 1]} : vector<1024x2048xf32> to vector<1024x512xf32>
    %reduce_max3A_96 = arith.constant dense<0xFF800000> : vector<1024xf32>
    %reduce_max3A_97 = vector.multi_reduction <maximumf>, %slice3A_95, %reduce_max3A_96 [1] : vector<1024x512xf32> to vector<1024xf32>
    %broadcast_in_dim3A_98 = vector.shape_cast %reduce_max3A_97 : vector<1024xf32> to vector<1024x1xf32>
    %mul3A_99 = arith.constant 4 : i32
    %mul3A_100 = arith.muli %arg1, %mul3A_99 : i32
    %add3A_101 = arith.constant 2 : i32
    %add3A_102 = arith.addi %mul3A_100, %add3A_101 : i32
    %broadcast_in_dim3A_103 = vector.broadcast %add3A_102 : i32 to vector<1024x1xi32>
    %ge3A_104 = vector.broadcast %broadcast_in_dim3A_98 : vector<1024x1xf32> to vector<1024x8xf32>
    %ge3A_105 = arith.cmpf oge, %select_n3A_86, %ge3A_104 : vector<1024x8xf32>
    %convert_element_type3A_106 = arith.extui %ge3A_105 : vector<1024x8xi1> to vector<1024x8xi32>
    %reduce_sum3A_107 = arith.constant dense<0> : vector<1024xi32>
    %reduce_sum3A_108 = vector.multi_reduction <add>, %convert_element_type3A_106, %reduce_sum3A_107 [1] : vector<1024x8xi32> to vector<1024xi32>
    %broadcast_in_dim3A_109 = vector.shape_cast %reduce_sum3A_108 : vector<1024xi32> to vector<1024x1xi32>
    %slice3A_110 = vector.extract_strided_slice %select_n3A_86 {offsets = [0, 0], sizes = [1024, 1], strides = [1, 1]} : vector<1024x8xf32> to vector<1024x1xf32>
    %slice3A_111 = vector.extract_strided_slice %select_n3A_86 {offsets = [0, 0], sizes = [1024, 7], strides = [1, 1]} : vector<1024x8xf32> to vector<1024x7xf32>
    %concatenate3A_112 = tpu.concatenate %slice3A_110, %slice3A_111 in 1 : vector<1024x1xf32>, vector<1024x7xf32> -> vector<1024x8xf32>
    %slice3A_113 = vector.extract_strided_slice %select_n3A_94 {offsets = [0, 0], sizes = [1024, 1], strides = [1, 1]} : vector<1024x8xi32> to vector<1024x1xi32>
    %slice3A_114 = vector.extract_strided_slice %select_n3A_94 {offsets = [0, 0], sizes = [1024, 7], strides = [1, 1]} : vector<1024x8xi32> to vector<1024x7xi32>
    %concatenate3A_115 = tpu.concatenate %slice3A_113, %slice3A_114 in 1 : vector<1024x1xi32>, vector<1024x7xi32> -> vector<1024x8xi32>
    %lt3A_116 = vector.broadcast %broadcast_in_dim3A_109 : vector<1024x1xi32> to vector<1024x8xi32>
    %lt3A_117 = arith.cmpi slt, %iota3A_19, %lt3A_116 : vector<1024x8xi32>
    %eq3A_118 = vector.broadcast %broadcast_in_dim3A_109 : vector<1024x1xi32> to vector<1024x8xi32>
    %eq3A_119 = arith.cmpi eq, %iota3A_19, %eq3A_118 : vector<1024x8xi32>
    %broadcast_in_dim3A_120 = vector.shape_cast %broadcast_in_dim3A_98 : vector<1024x1xf32> to vector<1024x1xf32>
    %broadcast_in_dim3A_121 = vector.broadcast %broadcast_in_dim3A_120 : vector<1024x1xf32> to vector<1024x8xf32>
    %select_n3A_122 = arith.select %eq3A_119, %broadcast_in_dim3A_121, %concatenate3A_112 : vector<1024x8xi1>, vector<1024x8xf32>
    %select_n3A_123 = arith.select %lt3A_117, %select_n3A_86, %select_n3A_122 : vector<1024x8xi1>, vector<1024x8xf32>
    %lt3A_124 = vector.broadcast %broadcast_in_dim3A_109 : vector<1024x1xi32> to vector<1024x8xi32>
    %lt3A_125 = arith.cmpi slt, %iota3A_19, %lt3A_124 : vector<1024x8xi32>
    %eq3A_126 = vector.broadcast %broadcast_in_dim3A_109 : vector<1024x1xi32> to vector<1024x8xi32>
    %eq3A_127 = arith.cmpi eq, %iota3A_19, %eq3A_126 : vector<1024x8xi32>
    %broadcast_in_dim3A_128 = vector.shape_cast %broadcast_in_dim3A_103 : vector<1024x1xi32> to vector<1024x1xi32>
    %broadcast_in_dim3A_129 = vector.broadcast %broadcast_in_dim3A_128 : vector<1024x1xi32> to vector<1024x8xi32>
    %select_n3A_130 = arith.select %eq3A_127, %broadcast_in_dim3A_129, %concatenate3A_115 : vector<1024x8xi1>, vector<1024x8xi32>
    %select_n3A_131 = arith.select %lt3A_125, %select_n3A_94, %select_n3A_130 : vector<1024x8xi1>, vector<1024x8xi32>
    %slice3A_132 = vector.extract_strided_slice %select_n3A {offsets = [0, 1536], sizes = [1024, 512], strides = [1, 1]} : vector<1024x2048xf32> to vector<1024x512xf32>
    %reduce_max3A_133 = arith.constant dense<0xFF800000> : vector<1024xf32>
    %reduce_max3A_134 = vector.multi_reduction <maximumf>, %slice3A_132, %reduce_max3A_133 [1] : vector<1024x512xf32> to vector<1024xf32>
    %broadcast_in_dim3A_135 = vector.shape_cast %reduce_max3A_134 : vector<1024xf32> to vector<1024x1xf32>
    %mul3A_136 = arith.constant 4 : i32
    %mul3A_137 = arith.muli %arg1, %mul3A_136 : i32
    %add3A_138 = arith.constant 3 : i32
    %add3A_139 = arith.addi %mul3A_137, %add3A_138 : i32
    %broadcast_in_dim3A_140 = vector.broadcast %add3A_139 : i32 to vector<1024x1xi32>
    %ge3A_141 = vector.broadcast %broadcast_in_dim3A_135 : vector<1024x1xf32> to vector<1024x8xf32>
    %ge3A_142 = arith.cmpf oge, %select_n3A_123, %ge3A_141 : vector<1024x8xf32>
    %convert_element_type3A_143 = arith.extui %ge3A_142 : vector<1024x8xi1> to vector<1024x8xi32>
    %reduce_sum3A_144 = arith.constant dense<0> : vector<1024xi32>
    %reduce_sum3A_145 = vector.multi_reduction <add>, %convert_element_type3A_143, %reduce_sum3A_144 [1] : vector<1024x8xi32> to vector<1024xi32>
    %broadcast_in_dim3A_146 = vector.shape_cast %reduce_sum3A_145 : vector<1024xi32> to vector<1024x1xi32>
    %slice3A_147 = vector.extract_strided_slice %select_n3A_123 {offsets = [0, 0], sizes = [1024, 1], strides = [1, 1]} : vector<1024x8xf32> to vector<1024x1xf32>
    %slice3A_148 = vector.extract_strided_slice %select_n3A_123 {offsets = [0, 0], sizes = [1024, 7], strides = [1, 1]} : vector<1024x8xf32> to vector<1024x7xf32>
    %concatenate3A_149 = tpu.concatenate %slice3A_147, %slice3A_148 in 1 : vector<1024x1xf32>, vector<1024x7xf32> -> vector<1024x8xf32>
    %slice3A_150 = vector.extract_strided_slice %select_n3A_131 {offsets = [0, 0], sizes = [1024, 1], strides = [1, 1]} : vector<1024x8xi32> to vector<1024x1xi32>
    %slice3A_151 = vector.extract_strided_slice %select_n3A_131 {offsets = [0, 0], sizes = [1024, 7], strides = [1, 1]} : vector<1024x8xi32> to vector<1024x7xi32>
    %concatenate3A_152 = tpu.concatenate %slice3A_150, %slice3A_151 in 1 : vector<1024x1xi32>, vector<1024x7xi32> -> vector<1024x8xi32>
    %lt3A_153 = vector.broadcast %broadcast_in_dim3A_146 : vector<1024x1xi32> to vector<1024x8xi32>
    %lt3A_154 = arith.cmpi slt, %iota3A_19, %lt3A_153 : vector<1024x8xi32>
    %eq3A_155 = vector.broadcast %broadcast_in_dim3A_146 : vector<1024x1xi32> to vector<1024x8xi32>
    %eq3A_156 = arith.cmpi eq, %iota3A_19, %eq3A_155 : vector<1024x8xi32>
    %broadcast_in_dim3A_157 = vector.shape_cast %broadcast_in_dim3A_135 : vector<1024x1xf32> to vector<1024x1xf32>
    %broadcast_in_dim3A_158 = vector.broadcast %broadcast_in_dim3A_157 : vector<1024x1xf32> to vector<1024x8xf32>
    %select_n3A_159 = arith.select %eq3A_156, %broadcast_in_dim3A_158, %concatenate3A_149 : vector<1024x8xi1>, vector<1024x8xf32>
    %select_n3A_160 = arith.select %lt3A_154, %select_n3A_123, %select_n3A_159 : vector<1024x8xi1>, vector<1024x8xf32>
    %lt3A_161 = vector.broadcast %broadcast_in_dim3A_146 : vector<1024x1xi32> to vector<1024x8xi32>
    %lt3A_162 = arith.cmpi slt, %iota3A_19, %lt3A_161 : vector<1024x8xi32>
    %eq3A_163 = vector.broadcast %broadcast_in_dim3A_146 : vector<1024x1xi32> to vector<1024x8xi32>
    %eq3A_164 = arith.cmpi eq, %iota3A_19, %eq3A_163 : vector<1024x8xi32>
    %broadcast_in_dim3A_165 = vector.shape_cast %broadcast_in_dim3A_140 : vector<1024x1xi32> to vector<1024x1xi32>
    %broadcast_in_dim3A_166 = vector.broadcast %broadcast_in_dim3A_165 : vector<1024x1xi32> to vector<1024x8xi32>
    %select_n3A_167 = arith.select %eq3A_164, %broadcast_in_dim3A_166, %concatenate3A_152 : vector<1024x8xi1>, vector<1024x8xi32>
    %select_n3A_168 = arith.select %lt3A_162, %select_n3A_131, %select_n3A_167 : vector<1024x8xi1>, vector<1024x8xi32>
    %swap3A_169 = arith.constant 0 : index
    %swap3A_170 = arith.constant 0 : index
    %swap3A_171 = vector.load %arg7[%swap3A_169, %swap3A_170] : memref<1024x8xf32, #tpu.memory_space<vmem>>, vector<1024x8xf32>
    tpu.vector_store %arg7[%swap3A_169, %swap3A_170], %select_n3A_160 {strides = array<i32>} : memref<1024x8xf32, #tpu.memory_space<vmem>>, vector<1024x8xf32>,
    %swap3A_172 = arith.constant 0 : index
    %swap3A_173 = arith.constant 0 : index
    %swap3A_174 = vector.load %arg8[%swap3A_172, %swap3A_173] : memref<1024x8xi32, #tpu.memory_space<vmem>>, vector<1024x8xi32>
    tpu.vector_store %arg8[%swap3A_172, %swap3A_173], %select_n3A_168 {strides = array<i32>} : memref<1024x8xi32, #tpu.memory_space<vmem>>, vector<1024x8xi32>,
    %eq3A_175 = arith.constant 48 : i32
    %eq3A_176 = arith.cmpi eq, %arg1, %eq3A_175 : i32
    %convert_element_type3A_177 = arith.extui %eq3A_176 : i1 to i32
    %cond3A_178 = arith.constant 0 : i32
    %cond3A_179 = arith.cmpi ne, %convert_element_type3A_177, %cond3A_178 : i32
    scf.if %cond3A_179 {
      %get3A_180 = arith.constant 0 : index
      %get3A_181 = arith.constant 0 : index
      %get3A_182 = vector.load %arg8[%get3A_180, %get3A_181] : memref<1024x8xi32, #tpu.memory_space<vmem>>, vector<1024x8xi32>
      %slice3A_183 = vector.extract_strided_slice %get3A_182 {offsets = [0, 0], sizes = [1024, 1], strides = [1, 1]} : vector<1024x8xi32> to vector<1024x1xi32>
      %slice3A_184 = vector.extract_strided_slice %get3A_182 {offsets = [0, 0], sizes = [1024, 7], strides = [1, 1]} : vector<1024x8xi32> to vector<1024x7xi32>
      %concatenate3A_185 = tpu.concatenate %slice3A_183, %slice3A_184 in 1 : vector<1024x1xi32>, vector<1024x7xi32> -> vector<1024x8xi32>
      %slice3A_186 = vector.extract_strided_slice %get3A_182 {offsets = [0, 1], sizes = [1024, 7], strides = [1, 1]} : vector<1024x8xi32> to vector<1024x7xi32>
      %slice3A_187 = vector.extract_strided_slice %get3A_182 {offsets = [0, 7], sizes = [1024, 1], strides = [1, 1]} : vector<1024x8xi32> to vector<1024x1xi32>
      %concatenate3A_188 = tpu.concatenate %slice3A_186, %slice3A_187 in 1 : vector<1024x7xi32>, vector<1024x1xi32> -> vector<1024x8xi32>
      %ge3A_189 = arith.constant 0 : i32
      %ge3A_190 = vector.broadcast %ge3A_189 : i32 to vector<1024x8xi32>
      %ge3A_191 = arith.cmpi sge, %iota3A_19, %ge3A_190 : vector<1024x8xi32>
      %sub3A = arith.constant 0 : i32
      %sub3A_192 = vector.broadcast %sub3A : i32 to vector<1024x8xi32>
      %sub3A_193 = arith.subi %iota3A_19, %sub3A_192 : vector<1024x8xi32>
      %jit3A_194 = arith.constant 2 : i32
      %eq3A_195 = arith.constant 0 : i32
      %eq3A_196 = arith.cmpi eq, %jit3A_194, %eq3A_195 : i32
      %jit3A_197 = arith.constant 1 : i32
      %select_n3A_198 = arith.select %eq3A_196, %jit3A_197, %jit3A_194 : i32
      %rem3A = vector.broadcast %select_n3A_198 : i32 to vector<1024x8xi32>
      %rem3A_199 = arith.remsi %sub3A_193, %rem3A : vector<1024x8xi32>
      %ne3A = arith.constant 0 : i32
      %ne3A_200 = vector.broadcast %ne3A : i32 to vector<1024x8xi32>
      %ne3A_201 = arith.cmpi ne, %rem3A_199, %ne3A_200 : vector<1024x8xi32>
      %lt3A_202 = arith.constant 0 : i32
      %lt3A_203 = vector.broadcast %lt3A_202 : i32 to vector<1024x8xi32>
      %lt3A_204 = arith.cmpi slt, %rem3A_199, %lt3A_203 : vector<1024x8xi32>
      %lt3A_205 = arith.constant 0 : i32
      %lt3A_206 = arith.cmpi slt, %select_n3A_198, %lt3A_205 : i32
      %ne3A_207 = vector.broadcast %lt3A_206 : i1 to vector<1024x8xi1>
      %ne3A_208 = vector.broadcast %ne3A_207 : vector<1024x8xi1> to vector<1024x8xi1>
      %ne3A_209 = arith.xori %lt3A_204, %ne3A_208 : vector<1024x8xi1>
      %and3A = arith.andi %ne3A_209, %ne3A_201 : vector<1024x8xi1>
      %add3A_210 = vector.broadcast %select_n3A_198 : i32 to vector<1024x8xi32>
      %add3A_211 = arith.addi %rem3A_199, %add3A_210 : vector<1024x8xi32>
      %select_n3A_212 = arith.select %and3A, %add3A_211, %rem3A_199 : vector<1024x8xi1>, vector<1024x8xi32>
      %eq3A_213 = arith.constant 0 : i32
      %eq3A_214 = vector.broadcast %eq3A_213 : i32 to vector<1024x8xi32>
      %eq3A_215 = arith.cmpi eq, %select_n3A_212, %eq3A_214 : vector<1024x8xi32>
      %and3A_216 = arith.andi %ge3A_191, %eq3A_215 : vector<1024x8xi1>
      %lt3A_217 = arith.constant 7 : i32
      %lt3A_218 = vector.broadcast %lt3A_217 : i32 to vector<1024x8xi32>
      %lt3A_219 = arith.cmpi slt, %iota3A_19, %lt3A_218 : vector<1024x8xi32>
      %and3A_220 = arith.andi %and3A_216, %lt3A_219 : vector<1024x8xi1>
      %gt3A = arith.constant 0 : i32
      %gt3A_221 = vector.broadcast %gt3A : i32 to vector<1024x8xi32>
      %gt3A_222 = arith.cmpi sgt, %iota3A_19, %gt3A_221 : vector<1024x8xi32>
      %sub3A_223 = arith.constant 0 : i32
      %sub3A_224 = vector.broadcast %sub3A_223 : i32 to vector<1024x8xi32>
      %sub3A_225 = arith.subi %iota3A_19, %sub3A_224 : vector<1024x8xi32>
      %jit3A_226 = arith.constant 2 : i32
      %eq3A_227 = arith.constant 0 : i32
      %eq3A_228 = arith.cmpi eq, %jit3A_226, %eq3A_227 : i32
      %jit3A_229 = arith.constant 1 : i32
      %select_n3A_230 = arith.select %eq3A_228, %jit3A_229, %jit3A_226 : i32
      %rem3A_231 = vector.broadcast %select_n3A_230 : i32 to vector<1024x8xi32>
      %rem3A_232 = arith.remsi %sub3A_225, %rem3A_231 : vector<1024x8xi32>
      %ne3A_233 = arith.constant 0 : i32
      %ne3A_234 = vector.broadcast %ne3A_233 : i32 to vector<1024x8xi32>
      %ne3A_235 = arith.cmpi ne, %rem3A_232, %ne3A_234 : vector<1024x8xi32>
      %lt3A_236 = arith.constant 0 : i32
      %lt3A_237 = vector.broadcast %lt3A_236 : i32 to vector<1024x8xi32>
      %lt3A_238 = arith.cmpi slt, %rem3A_232, %lt3A_237 : vector<1024x8xi32>
      %lt3A_239 = arith.constant 0 : i32
      %lt3A_240 = arith.cmpi slt, %select_n3A_230, %lt3A_239 : i32
      %ne3A_241 = vector.broadcast %lt3A_240 : i1 to vector<1024x8xi1>
      %ne3A_242 = vector.broadcast %ne3A_241 : vector<1024x8xi1> to vector<1024x8xi1>
      %ne3A_243 = arith.xori %lt3A_238, %ne3A_242 : vector<1024x8xi1>
      %and3A_244 = arith.andi %ne3A_243, %ne3A_235 : vector<1024x8xi1>
      %add3A_245 = vector.broadcast %select_n3A_230 : i32 to vector<1024x8xi32>
      %add3A_246 = arith.addi %rem3A_232, %add3A_245 : vector<1024x8xi32>
      %select_n3A_247 = arith.select %and3A_244, %add3A_246, %rem3A_232 : vector<1024x8xi1>, vector<1024x8xi32>
      %eq3A_248 = arith.constant 1 : i32
      %eq3A_249 = vector.broadcast %eq3A_248 : i32 to vector<1024x8xi32>
      %eq3A_250 = arith.cmpi eq, %select_n3A_247, %eq3A_249 : vector<1024x8xi32>
      %and3A_251 = arith.andi %gt3A_222, %eq3A_250 : vector<1024x8xi1>
      %min3A = arith.minsi %get3A_182, %concatenate3A_188 : vector<1024x8xi32>
      %max3A = arith.maxsi %get3A_182, %concatenate3A_185 : vector<1024x8xi32>
      %select_n3A_252 = arith.select %and3A_251, %max3A, %get3A_182 : vector<1024x8xi1>, vector<1024x8xi32>
      %select_n3A_253 = arith.select %and3A_220, %min3A, %select_n3A_252 : vector<1024x8xi1>, vector<1024x8xi32>
      %slice3A_254 = vector.extract_strided_slice %select_n3A_253 {offsets = [0, 0], sizes = [1024, 1], strides = [1, 1]} : vector<1024x8xi32> to vector<1024x1xi32>
      %slice3A_255 = vector.extract_strided_slice %select_n3A_253 {offsets = [0, 0], sizes = [1024, 7], strides = [1, 1]} : vector<1024x8xi32> to vector<1024x7xi32>
      %concatenate3A_256 = tpu.concatenate %slice3A_254, %slice3A_255 in 1 : vector<1024x1xi32>, vector<1024x7xi32> -> vector<1024x8xi32>
      %slice3A_257 = vector.extract_strided_slice %select_n3A_253 {offsets = [0, 1], sizes = [1024, 7], strides = [1, 1]} : vector<1024x8xi32> to vector<1024x7xi32>
      %slice3A_258 = vector.extract_strided_slice %select_n3A_253 {offsets = [0, 7], sizes = [1024, 1], strides = [1, 1]} : vector<1024x8xi32> to vector<1024x1xi32>
      %concatenate3A_259 = tpu.concatenate %slice3A_257, %slice3A_258 in 1 : vector<1024x7xi32>, vector<1024x1xi32> -> vector<1024x8xi32>
      %ge3A_260 = arith.constant 1 : i32
      %ge3A_261 = vector.broadcast %ge3A_260 : i32 to vector<1024x8xi32>
      %ge3A_262 = arith.cmpi sge, %iota3A_19, %ge3A_261 : vector<1024x8xi32>
      %sub3A_263 = arith.constant 1 : i32
      %sub3A_264 = vector.broadcast %sub3A_263 : i32 to vector<1024x8xi32>
      %sub3A_265 = arith.subi %iota3A_19, %sub3A_264 : vector<1024x8xi32>
      %jit3A_266 = arith.constant 2 : i32
      %eq3A_267 = arith.constant 0 : i32
      %eq3A_268 = arith.cmpi eq, %jit3A_266, %eq3A_267 : i32
      %jit3A_269 = arith.constant 1 : i32
      %select_n3A_270 = arith.select %eq3A_268, %jit3A_269, %jit3A_266 : i32
      %rem3A_271 = vector.broadcast %select_n3A_270 : i32 to vector<1024x8xi32>
      %rem3A_272 = arith.remsi %sub3A_265, %rem3A_271 : vector<1024x8xi32>
      %ne3A_273 = arith.constant 0 : i32
      %ne3A_274 = vector.broadcast %ne3A_273 : i32 to vector<1024x8xi32>
      %ne3A_275 = arith.cmpi ne, %rem3A_272, %ne3A_274 : vector<1024x8xi32>
      %lt3A_276 = arith.constant 0 : i32
      %lt3A_277 = vector.broadcast %lt3A_276 : i32 to vector<1024x8xi32>
      %lt3A_278 = arith.cmpi slt, %rem3A_272, %lt3A_277 : vector<1024x8xi32>
      %lt3A_279 = arith.constant 0 : i32
      %lt3A_280 = arith.cmpi slt, %select_n3A_270, %lt3A_279 : i32
      %ne3A_281 = vector.broadcast %lt3A_280 : i1 to vector<1024x8xi1>
      %ne3A_282 = vector.broadcast %ne3A_281 : vector<1024x8xi1> to vector<1024x8xi1>
      %ne3A_283 = arith.xori %lt3A_278, %ne3A_282 : vector<1024x8xi1>
      %and3A_284 = arith.andi %ne3A_283, %ne3A_275 : vector<1024x8xi1>
      %add3A_285 = vector.broadcast %select_n3A_270 : i32 to vector<1024x8xi32>
      %add3A_286 = arith.addi %rem3A_272, %add3A_285 : vector<1024x8xi32>
      %select_n3A_287 = arith.select %and3A_284, %add3A_286, %rem3A_272 : vector<1024x8xi1>, vector<1024x8xi32>
      %eq3A_288 = arith.constant 0 : i32
      %eq3A_289 = vector.broadcast %eq3A_288 : i32 to vector<1024x8xi32>
      %eq3A_290 = arith.cmpi eq, %select_n3A_287, %eq3A_289 : vector<1024x8xi32>
      %and3A_291 = arith.andi %ge3A_262, %eq3A_290 : vector<1024x8xi1>
      %lt3A_292 = arith.constant 7 : i32
      %lt3A_293 = vector.broadcast %lt3A_292 : i32 to vector<1024x8xi32>
      %lt3A_294 = arith.cmpi slt, %iota3A_19, %lt3A_293 : vector<1024x8xi32>
      %and3A_295 = arith.andi %and3A_291, %lt3A_294 : vector<1024x8xi1>
      %gt3A_296 = arith.constant 1 : i32
      %gt3A_297 = vector.broadcast %gt3A_296 : i32 to vector<1024x8xi32>
      %gt3A_298 = arith.cmpi sgt, %iota3A_19, %gt3A_297 : vector<1024x8xi32>
      %sub3A_299 = arith.constant 1 : i32
      %sub3A_300 = vector.broadcast %sub3A_299 : i32 to vector<1024x8xi32>
      %sub3A_301 = arith.subi %iota3A_19, %sub3A_300 : vector<1024x8xi32>
      %jit3A_302 = arith.constant 2 : i32
      %eq3A_303 = arith.constant 0 : i32
      %eq3A_304 = arith.cmpi eq, %jit3A_302, %eq3A_303 : i32
      %jit3A_305 = arith.constant 1 : i32
      %select_n3A_306 = arith.select %eq3A_304, %jit3A_305, %jit3A_302 : i32
      %rem3A_307 = vector.broadcast %select_n3A_306 : i32 to vector<1024x8xi32>
      %rem3A_308 = arith.remsi %sub3A_301, %rem3A_307 : vector<1024x8xi32>
      %ne3A_309 = arith.constant 0 : i32
      %ne3A_310 = vector.broadcast %ne3A_309 : i32 to vector<1024x8xi32>
      %ne3A_311 = arith.cmpi ne, %rem3A_308, %ne3A_310 : vector<1024x8xi32>
      %lt3A_312 = arith.constant 0 : i32
      %lt3A_313 = vector.broadcast %lt3A_312 : i32 to vector<1024x8xi32>
      %lt3A_314 = arith.cmpi slt, %rem3A_308, %lt3A_313 : vector<1024x8xi32>
      %lt3A_315 = arith.constant 0 : i32
      %lt3A_316 = arith.cmpi slt, %select_n3A_306, %lt3A_315 : i32
      %ne3A_317 = vector.broadcast %lt3A_316 : i1 to vector<1024x8xi1>
      %ne3A_318 = vector.broadcast %ne3A_317 : vector<1024x8xi1> to vector<1024x8xi1>
      %ne3A_319 = arith.xori %lt3A_314, %ne3A_318 : vector<1024x8xi1>
      %and3A_320 = arith.andi %ne3A_319, %ne3A_311 : vector<1024x8xi1>
      %add3A_321 = vector.broadcast %select_n3A_306 : i32 to vector<1024x8xi32>
      %add3A_322 = arith.addi %rem3A_308, %add3A_321 : vector<1024x8xi32>
      %select_n3A_323 = arith.select %and3A_320, %add3A_322, %rem3A_308 : vector<1024x8xi1>, vector<1024x8xi32>
      %eq3A_324 = arith.constant 1 : i32
      %eq3A_325 = vector.broadcast %eq3A_324 : i32 to vector<1024x8xi32>
      %eq3A_326 = arith.cmpi eq, %select_n3A_323, %eq3A_325 : vector<1024x8xi32>
      %and3A_327 = arith.andi %gt3A_298, %eq3A_326 : vector<1024x8xi1>
      %min3A_328 = arith.minsi %select_n3A_253, %concatenate3A_259 : vector<1024x8xi32>
      %max3A_329 = arith.maxsi %select_n3A_253, %concatenate3A_256 : vector<1024x8xi32>
      %select_n3A_330 = arith.select %and3A_327, %max3A_329, %select_n3A_253 : vector<1024x8xi1>, vector<1024x8xi32>
      %select_n3A_331 = arith.select %and3A_295, %min3A_328, %select_n3A_330 : vector<1024x8xi1>, vector<1024x8xi32>
      %slice3A_332 = vector.extract_strided_slice %select_n3A_331 {offsets = [0, 0], sizes = [1024, 1], strides = [1, 1]} : vector<1024x8xi32> to vector<1024x1xi32>
      %slice3A_333 = vector.extract_strided_slice %select_n3A_331 {offsets = [0, 0], sizes = [1024, 7], strides = [1, 1]} : vector<1024x8xi32> to vector<1024x7xi32>
      %concatenate3A_334 = tpu.concatenate %slice3A_332, %slice3A_333 in 1 : vector<1024x1xi32>, vector<1024x7xi32> -> vector<1024x8xi32>
      %slice3A_335 = vector.extract_strided_slice %select_n3A_331 {offsets = [0, 1], sizes = [1024, 7], strides = [1, 1]} : vector<1024x8xi32> to vector<1024x7xi32>
      %slice3A_336 = vector.extract_strided_slice %select_n3A_331 {offsets = [0, 7], sizes = [1024, 1], strides = [1, 1]} : vector<1024x8xi32> to vector<1024x1xi32>
      %concatenate3A_337 = tpu.concatenate %slice3A_335, %slice3A_336 in 1 : vector<1024x7xi32>, vector<1024x1xi32> -> vector<1024x8xi32>
      %ge3A_338 = arith.constant 0 : i32
      %ge3A_339 = vector.broadcast %ge3A_338 : i32 to vector<1024x8xi32>
      %ge3A_340 = arith.cmpi sge, %iota3A_19, %ge3A_339 : vector<1024x8xi32>
      %sub3A_341 = arith.constant 0 : i32
      %sub3A_342 = vector.broadcast %sub3A_341 : i32 to vector<1024x8xi32>
      %sub3A_343 = arith.subi %iota3A_19, %sub3A_342 : vector<1024x8xi32>
      %jit3A_344 = arith.constant 2 : i32
      %eq3A_345 = arith.constant 0 : i32
      %eq3A_346 = arith.cmpi eq, %jit3A_344, %eq3A_345 : i32
      %jit3A_347 = arith.constant 1 : i32
      %select_n3A_348 = arith.select %eq3A_346, %jit3A_347, %jit3A_344 : i32
      %rem3A_349 = vector.broadcast %select_n3A_348 : i32 to vector<1024x8xi32>
      %rem3A_350 = arith.remsi %sub3A_343, %rem3A_349 : vector<1024x8xi32>
      %ne3A_351 = arith.constant 0 : i32
      %ne3A_352 = vector.broadcast %ne3A_351 : i32 to vector<1024x8xi32>
      %ne3A_353 = arith.cmpi ne, %rem3A_350, %ne3A_352 : vector<1024x8xi32>
      %lt3A_354 = arith.constant 0 : i32
      %lt3A_355 = vector.broadcast %lt3A_354 : i32 to vector<1024x8xi32>
      %lt3A_356 = arith.cmpi slt, %rem3A_350, %lt3A_355 : vector<1024x8xi32>
      %lt3A_357 = arith.constant 0 : i32
      %lt3A_358 = arith.cmpi slt, %select_n3A_348, %lt3A_357 : i32
      %ne3A_359 = vector.broadcast %lt3A_358 : i1 to vector<1024x8xi1>
      %ne3A_360 = vector.broadcast %ne3A_359 : vector<1024x8xi1> to vector<1024x8xi1>
      %ne3A_361 = arith.xori %lt3A_356, %ne3A_360 : vector<1024x8xi1>
      %and3A_362 = arith.andi %ne3A_361, %ne3A_353 : vector<1024x8xi1>
      %add3A_363 = vector.broadcast %select_n3A_348 : i32 to vector<1024x8xi32>
      %add3A_364 = arith.addi %rem3A_350, %add3A_363 : vector<1024x8xi32>
      %select_n3A_365 = arith.select %and3A_362, %add3A_364, %rem3A_350 : vector<1024x8xi1>, vector<1024x8xi32>
      %eq3A_366 = arith.constant 0 : i32
      %eq3A_367 = vector.broadcast %eq3A_366 : i32 to vector<1024x8xi32>
      %eq3A_368 = arith.cmpi eq, %select_n3A_365, %eq3A_367 : vector<1024x8xi32>
      %and3A_369 = arith.andi %ge3A_340, %eq3A_368 : vector<1024x8xi1>
      %lt3A_370 = arith.constant 7 : i32
      %lt3A_371 = vector.broadcast %lt3A_370 : i32 to vector<1024x8xi32>
      %lt3A_372 = arith.cmpi slt, %iota3A_19, %lt3A_371 : vector<1024x8xi32>
      %and3A_373 = arith.andi %and3A_369, %lt3A_372 : vector<1024x8xi1>
      %gt3A_374 = arith.constant 0 : i32
      %gt3A_375 = vector.broadcast %gt3A_374 : i32 to vector<1024x8xi32>
      %gt3A_376 = arith.cmpi sgt, %iota3A_19, %gt3A_375 : vector<1024x8xi32>
      %sub3A_377 = arith.constant 0 : i32
      %sub3A_378 = vector.broadcast %sub3A_377 : i32 to vector<1024x8xi32>
      %sub3A_379 = arith.subi %iota3A_19, %sub3A_378 : vector<1024x8xi32>
      %jit3A_380 = arith.constant 2 : i32
      %eq3A_381 = arith.constant 0 : i32
      %eq3A_382 = arith.cmpi eq, %jit3A_380, %eq3A_381 : i32
      %jit3A_383 = arith.constant 1 : i32
      %select_n3A_384 = arith.select %eq3A_382, %jit3A_383, %jit3A_380 : i32
      %rem3A_385 = vector.broadcast %select_n3A_384 : i32 to vector<1024x8xi32>
      %rem3A_386 = arith.remsi %sub3A_379, %rem3A_385 : vector<1024x8xi32>
      %ne3A_387 = arith.constant 0 : i32
      %ne3A_388 = vector.broadcast %ne3A_387 : i32 to vector<1024x8xi32>
      %ne3A_389 = arith.cmpi ne, %rem3A_386, %ne3A_388 : vector<1024x8xi32>
      %lt3A_390 = arith.constant 0 : i32
      %lt3A_391 = vector.broadcast %lt3A_390 : i32 to vector<1024x8xi32>
      %lt3A_392 = arith.cmpi slt, %rem3A_386, %lt3A_391 : vector<1024x8xi32>
      %lt3A_393 = arith.constant 0 : i32
      %lt3A_394 = arith.cmpi slt, %select_n3A_384, %lt3A_393 : i32
      %ne3A_395 = vector.broadcast %lt3A_394 : i1 to vector<1024x8xi1>
      %ne3A_396 = vector.broadcast %ne3A_395 : vector<1024x8xi1> to vector<1024x8xi1>
      %ne3A_397 = arith.xori %lt3A_392, %ne3A_396 : vector<1024x8xi1>
      %and3A_398 = arith.andi %ne3A_397, %ne3A_389 : vector<1024x8xi1>
      %add3A_399 = vector.broadcast %select_n3A_384 : i32 to vector<1024x8xi32>
      %add3A_400 = arith.addi %rem3A_386, %add3A_399 : vector<1024x8xi32>
      %select_n3A_401 = arith.select %and3A_398, %add3A_400, %rem3A_386 : vector<1024x8xi1>, vector<1024x8xi32>
      %eq3A_402 = arith.constant 1 : i32
      %eq3A_403 = vector.broadcast %eq3A_402 : i32 to vector<1024x8xi32>
      %eq3A_404 = arith.cmpi eq, %select_n3A_401, %eq3A_403 : vector<1024x8xi32>
      %and3A_405 = arith.andi %gt3A_376, %eq3A_404 : vector<1024x8xi1>
      %min3A_406 = arith.minsi %select_n3A_331, %concatenate3A_337 : vector<1024x8xi32>
      %max3A_407 = arith.maxsi %select_n3A_331, %concatenate3A_334 : vector<1024x8xi32>
      %select_n3A_408 = arith.select %and3A_405, %max3A_407, %select_n3A_331 : vector<1024x8xi1>, vector<1024x8xi32>
      %select_n3A_409 = arith.select %and3A_373, %min3A_406, %select_n3A_408 : vector<1024x8xi1>, vector<1024x8xi32>
      %slice3A_410 = vector.extract_strided_slice %select_n3A_409 {offsets = [0, 0], sizes = [1024, 1], strides = [1, 1]} : vector<1024x8xi32> to vector<1024x1xi32>
      %slice3A_411 = vector.extract_strided_slice %select_n3A_409 {offsets = [0, 0], sizes = [1024, 7], strides = [1, 1]} : vector<1024x8xi32> to vector<1024x7xi32>
      %concatenate3A_412 = tpu.concatenate %slice3A_410, %slice3A_411 in 1 : vector<1024x1xi32>, vector<1024x7xi32> -> vector<1024x8xi32>
      %slice3A_413 = vector.extract_strided_slice %select_n3A_409 {offsets = [0, 1], sizes = [1024, 7], strides = [1, 1]} : vector<1024x8xi32> to vector<1024x7xi32>
      %slice3A_414 = vector.extract_strided_slice %select_n3A_409 {offsets = [0, 7], sizes = [1024, 1], strides = [1, 1]} : vector<1024x8xi32> to vector<1024x1xi32>
      %concatenate3A_415 = tpu.concatenate %slice3A_413, %slice3A_414 in 1 : vector<1024x7xi32>, vector<1024x1xi32> -> vector<1024x8xi32>
      %ge3A_416 = arith.constant 1 : i32
      %ge3A_417 = vector.broadcast %ge3A_416 : i32 to vector<1024x8xi32>
      %ge3A_418 = arith.cmpi sge, %iota3A_19, %ge3A_417 : vector<1024x8xi32>
      %sub3A_419 = arith.constant 1 : i32
      %sub3A_420 = vector.broadcast %sub3A_419 : i32 to vector<1024x8xi32>
      %sub3A_421 = arith.subi %iota3A_19, %sub3A_420 : vector<1024x8xi32>
      %jit3A_422 = arith.constant 2 : i32
      %eq3A_423 = arith.constant 0 : i32
      %eq3A_424 = arith.cmpi eq, %jit3A_422, %eq3A_423 : i32
      %jit3A_425 = arith.constant 1 : i32
      %select_n3A_426 = arith.select %eq3A_424, %jit3A_425, %jit3A_422 : i32
      %rem3A_427 = vector.broadcast %select_n3A_426 : i32 to vector<1024x8xi32>
      %rem3A_428 = arith.remsi %sub3A_421, %rem3A_427 : vector<1024x8xi32>
      %ne3A_429 = arith.constant 0 : i32
      %ne3A_430 = vector.broadcast %ne3A_429 : i32 to vector<1024x8xi32>
      %ne3A_431 = arith.cmpi ne, %rem3A_428, %ne3A_430 : vector<1024x8xi32>
      %lt3A_432 = arith.constant 0 : i32
      %lt3A_433 = vector.broadcast %lt3A_432 : i32 to vector<1024x8xi32>
      %lt3A_434 = arith.cmpi slt, %rem3A_428, %lt3A_433 : vector<1024x8xi32>
      %lt3A_435 = arith.constant 0 : i32
      %lt3A_436 = arith.cmpi slt, %select_n3A_426, %lt3A_435 : i32
      %ne3A_437 = vector.broadcast %lt3A_436 : i1 to vector<1024x8xi1>
      %ne3A_438 = vector.broadcast %ne3A_437 : vector<1024x8xi1> to vector<1024x8xi1>
      %ne3A_439 = arith.xori %lt3A_434, %ne3A_438 : vector<1024x8xi1>
      %and3A_440 = arith.andi %ne3A_439, %ne3A_431 : vector<1024x8xi1>
      %add3A_441 = vector.broadcast %select_n3A_426 : i32 to vector<1024x8xi32>
      %add3A_442 = arith.addi %rem3A_428, %add3A_441 : vector<1024x8xi32>
      %select_n3A_443 = arith.select %and3A_440, %add3A_442, %rem3A_428 : vector<1024x8xi1>, vector<1024x8xi32>
      %eq3A_444 = arith.constant 0 : i32
      %eq3A_445 = vector.broadcast %eq3A_444 : i32 to vector<1024x8xi32>
      %eq3A_446 = arith.cmpi eq, %select_n3A_443, %eq3A_445 : vector<1024x8xi32>
      %and3A_447 = arith.andi %ge3A_418, %eq3A_446 : vector<1024x8xi1>
      %lt3A_448 = arith.constant 7 : i32
      %lt3A_449 = vector.broadcast %lt3A_448 : i32 to vector<1024x8xi32>
      %lt3A_450 = arith.cmpi slt, %iota3A_19, %lt3A_449 : vector<1024x8xi32>
      %and3A_451 = arith.andi %and3A_447, %lt3A_450 : vector<1024x8xi1>
      %gt3A_452 = arith.constant 1 : i32
      %gt3A_453 = vector.broadcast %gt3A_452 : i32 to vector<1024x8xi32>
      %gt3A_454 = arith.cmpi sgt, %iota3A_19, %gt3A_453 : vector<1024x8xi32>
      %sub3A_455 = arith.constant 1 : i32
      %sub3A_456 = vector.broadcast %sub3A_455 : i32 to vector<1024x8xi32>
      %sub3A_457 = arith.subi %iota3A_19, %sub3A_456 : vector<1024x8xi32>
      %jit3A_458 = arith.constant 2 : i32
      %eq3A_459 = arith.constant 0 : i32
      %eq3A_460 = arith.cmpi eq, %jit3A_458, %eq3A_459 : i32
      %jit3A_461 = arith.constant 1 : i32
      %select_n3A_462 = arith.select %eq3A_460, %jit3A_461, %jit3A_458 : i32
      %rem3A_463 = vector.broadcast %select_n3A_462 : i32 to vector<1024x8xi32>
      %rem3A_464 = arith.remsi %sub3A_457, %rem3A_463 : vector<1024x8xi32>
      %ne3A_465 = arith.constant 0 : i32
      %ne3A_466 = vector.broadcast %ne3A_465 : i32 to vector<1024x8xi32>
      %ne3A_467 = arith.cmpi ne, %rem3A_464, %ne3A_466 : vector<1024x8xi32>
      %lt3A_468 = arith.constant 0 : i32
      %lt3A_469 = vector.broadcast %lt3A_468 : i32 to vector<1024x8xi32>
      %lt3A_470 = arith.cmpi slt, %rem3A_464, %lt3A_469 : vector<1024x8xi32>
      %lt3A_471 = arith.constant 0 : i32
      %lt3A_472 = arith.cmpi slt, %select_n3A_462, %lt3A_471 : i32
      %ne3A_473 = vector.broadcast %lt3A_472 : i1 to vector<1024x8xi1>
      %ne3A_474 = vector.broadcast %ne3A_473 : vector<1024x8xi1> to vector<1024x8xi1>
      %ne3A_475 = arith.xori %lt3A_470, %ne3A_474 : vector<1024x8xi1>
      %and3A_476 = arith.andi %ne3A_475, %ne3A_467 : vector<1024x8xi1>
      %add3A_477 = vector.broadcast %select_n3A_462 : i32 to vector<1024x8xi32>
      %add3A_478 = arith.addi %rem3A_464, %add3A_477 : vector<1024x8xi32>
      %select_n3A_479 = arith.select %and3A_476, %add3A_478, %rem3A_464 : vector<1024x8xi1>, vector<1024x8xi32>
      %eq3A_480 = arith.constant 1 : i32
      %eq3A_481 = vector.broadcast %eq3A_480 : i32 to vector<1024x8xi32>
      %eq3A_482 = arith.cmpi eq, %select_n3A_479, %eq3A_481 : vector<1024x8xi32>
      %and3A_483 = arith.andi %gt3A_454, %eq3A_482 : vector<1024x8xi1>
      %min3A_484 = arith.minsi %select_n3A_409, %concatenate3A_415 : vector<1024x8xi32>
      %max3A_485 = arith.maxsi %select_n3A_409, %concatenate3A_412 : vector<1024x8xi32>
      %select_n3A_486 = arith.select %and3A_483, %max3A_485, %select_n3A_409 : vector<1024x8xi1>, vector<1024x8xi32>
      %select_n3A_487 = arith.select %and3A_451, %min3A_484, %select_n3A_486 : vector<1024x8xi1>, vector<1024x8xi32>
      %slice3A_488 = vector.extract_strided_slice %select_n3A_487 {offsets = [0, 0], sizes = [1024, 1], strides = [1, 1]} : vector<1024x8xi32> to vector<1024x1xi32>
      %slice3A_489 = vector.extract_strided_slice %select_n3A_487 {offsets = [0, 0], sizes = [1024, 7], strides = [1, 1]} : vector<1024x8xi32> to vector<1024x7xi32>
      %concatenate3A_490 = tpu.concatenate %slice3A_488, %slice3A_489 in 1 : vector<1024x1xi32>, vector<1024x7xi32> -> vector<1024x8xi32>
      %slice3A_491 = vector.extract_strided_slice %select_n3A_487 {offsets = [0, 1], sizes = [1024, 7], strides = [1, 1]} : vector<1024x8xi32> to vector<1024x7xi32>
      %slice3A_492 = vector.extract_strided_slice %select_n3A_487 {offsets = [0, 7], sizes = [1024, 1], strides = [1, 1]} : vector<1024x8xi32> to vector<1024x1xi32>
      %concatenate3A_493 = tpu.concatenate %slice3A_491, %slice3A_492 in 1 : vector<1024x7xi32>, vector<1024x1xi32> -> vector<1024x8xi32>
      %ge3A_494 = arith.constant 0 : i32
      %ge3A_495 = vector.broadcast %ge3A_494 : i32 to vector<1024x8xi32>
      %ge3A_496 = arith.cmpi sge, %iota3A_19, %ge3A_495 : vector<1024x8xi32>
      %sub3A_497 = arith.constant 0 : i32
      %sub3A_498 = vector.broadcast %sub3A_497 : i32 to vector<1024x8xi32>
      %sub3A_499 = arith.subi %iota3A_19, %sub3A_498 : vector<1024x8xi32>
      %jit3A_500 = arith.constant 2 : i32
      %eq3A_501 = arith.constant 0 : i32
      %eq3A_502 = arith.cmpi eq, %jit3A_500, %eq3A_501 : i32
      %jit3A_503 = arith.constant 1 : i32
      %select_n3A_504 = arith.select %eq3A_502, %jit3A_503, %jit3A_500 : i32
      %rem3A_505 = vector.broadcast %select_n3A_504 : i32 to vector<1024x8xi32>
      %rem3A_506 = arith.remsi %sub3A_499, %rem3A_505 : vector<1024x8xi32>
      %ne3A_507 = arith.constant 0 : i32
      %ne3A_508 = vector.broadcast %ne3A_507 : i32 to vector<1024x8xi32>
      %ne3A_509 = arith.cmpi ne, %rem3A_506, %ne3A_508 : vector<1024x8xi32>
      %lt3A_510 = arith.constant 0 : i32
      %lt3A_511 = vector.broadcast %lt3A_510 : i32 to vector<1024x8xi32>
      %lt3A_512 = arith.cmpi slt, %rem3A_506, %lt3A_511 : vector<1024x8xi32>
      %lt3A_513 = arith.constant 0 : i32
      %lt3A_514 = arith.cmpi slt, %select_n3A_504, %lt3A_513 : i32
      %ne3A_515 = vector.broadcast %lt3A_514 : i1 to vector<1024x8xi1>
      %ne3A_516 = vector.broadcast %ne3A_515 : vector<1024x8xi1> to vector<1024x8xi1>
      %ne3A_517 = arith.xori %lt3A_512, %ne3A_516 : vector<1024x8xi1>
      %and3A_518 = arith.andi %ne3A_517, %ne3A_509 : vector<1024x8xi1>
      %add3A_519 = vector.broadcast %select_n3A_504 : i32 to vector<1024x8xi32>
      %add3A_520 = arith.addi %rem3A_506, %add3A_519 : vector<1024x8xi32>
      %select_n3A_521 = arith.select %and3A_518, %add3A_520, %rem3A_506 : vector<1024x8xi1>, vector<1024x8xi32>
      %eq3A_522 = arith.constant 0 : i32
      %eq3A_523 = vector.broadcast %eq3A_522 : i32 to vector<1024x8xi32>
      %eq3A_524 = arith.cmpi eq, %select_n3A_521, %eq3A_523 : vector<1024x8xi32>
      %and3A_525 = arith.andi %ge3A_496, %eq3A_524 : vector<1024x8xi1>
      %lt3A_526 = arith.constant 7 : i32
      %lt3A_527 = vector.broadcast %lt3A_526 : i32 to vector<1024x8xi32>
      %lt3A_528 = arith.cmpi slt, %iota3A_19, %lt3A_527 : vector<1024x8xi32>
      %and3A_529 = arith.andi %and3A_525, %lt3A_528 : vector<1024x8xi1>
      %gt3A_530 = arith.constant 0 : i32
      %gt3A_531 = vector.broadcast %gt3A_530 : i32 to vector<1024x8xi32>
      %gt3A_532 = arith.cmpi sgt, %iota3A_19, %gt3A_531 : vector<1024x8xi32>
      %sub3A_533 = arith.constant 0 : i32
      %sub3A_534 = vector.broadcast %sub3A_533 : i32 to vector<1024x8xi32>
      %sub3A_535 = arith.subi %iota3A_19, %sub3A_534 : vector<1024x8xi32>
      %jit3A_536 = arith.constant 2 : i32
      %eq3A_537 = arith.constant 0 : i32
      %eq3A_538 = arith.cmpi eq, %jit3A_536, %eq3A_537 : i32
      %jit3A_539 = arith.constant 1 : i32
      %select_n3A_540 = arith.select %eq3A_538, %jit3A_539, %jit3A_536 : i32
      %rem3A_541 = vector.broadcast %select_n3A_540 : i32 to vector<1024x8xi32>
      %rem3A_542 = arith.remsi %sub3A_535, %rem3A_541 : vector<1024x8xi32>
      %ne3A_543 = arith.constant 0 : i32
      %ne3A_544 = vector.broadcast %ne3A_543 : i32 to vector<1024x8xi32>
      %ne3A_545 = arith.cmpi ne, %rem3A_542, %ne3A_544 : vector<1024x8xi32>
      %lt3A_546 = arith.constant 0 : i32
      %lt3A_547 = vector.broadcast %lt3A_546 : i32 to vector<1024x8xi32>
      %lt3A_548 = arith.cmpi slt, %rem3A_542, %lt3A_547 : vector<1024x8xi32>
      %lt3A_549 = arith.constant 0 : i32
      %lt3A_550 = arith.cmpi slt, %select_n3A_540, %lt3A_549 : i32
      %ne3A_551 = vector.broadcast %lt3A_550 : i1 to vector<1024x8xi1>
      %ne3A_552 = vector.broadcast %ne3A_551 : vector<1024x8xi1> to vector<1024x8xi1>
      %ne3A_553 = arith.xori %lt3A_548, %ne3A_552 : vector<1024x8xi1>
      %and3A_554 = arith.andi %ne3A_553, %ne3A_545 : vector<1024x8xi1>
      %add3A_555 = vector.broadcast %select_n3A_540 : i32 to vector<1024x8xi32>
      %add3A_556 = arith.addi %rem3A_542, %add3A_555 : vector<1024x8xi32>
      %select_n3A_557 = arith.select %and3A_554, %add3A_556, %rem3A_542 : vector<1024x8xi1>, vector<1024x8xi32>
      %eq3A_558 = arith.constant 1 : i32
      %eq3A_559 = vector.broadcast %eq3A_558 : i32 to vector<1024x8xi32>
      %eq3A_560 = arith.cmpi eq, %select_n3A_557, %eq3A_559 : vector<1024x8xi32>
      %and3A_561 = arith.andi %gt3A_532, %eq3A_560 : vector<1024x8xi1>
      %min3A_562 = arith.minsi %select_n3A_487, %concatenate3A_493 : vector<1024x8xi32>
      %max3A_563 = arith.maxsi %select_n3A_487, %concatenate3A_490 : vector<1024x8xi32>
      %select_n3A_564 = arith.select %and3A_561, %max3A_563, %select_n3A_487 : vector<1024x8xi1>, vector<1024x8xi32>
      %select_n3A_565 = arith.select %and3A_529, %min3A_562, %select_n3A_564 : vector<1024x8xi1>, vector<1024x8xi32>
      %slice3A_566 = vector.extract_strided_slice %select_n3A_565 {offsets = [0, 0], sizes = [1024, 1], strides = [1, 1]} : vector<1024x8xi32> to vector<1024x1xi32>
      %slice3A_567 = vector.extract_strided_slice %select_n3A_565 {offsets = [0, 0], sizes = [1024, 7], strides = [1, 1]} : vector<1024x8xi32> to vector<1024x7xi32>
      %concatenate3A_568 = tpu.concatenate %slice3A_566, %slice3A_567 in 1 : vector<1024x1xi32>, vector<1024x7xi32> -> vector<1024x8xi32>
      %slice3A_569 = vector.extract_strided_slice %select_n3A_565 {offsets = [0, 1], sizes = [1024, 7], strides = [1, 1]} : vector<1024x8xi32> to vector<1024x7xi32>
      %slice3A_570 = vector.extract_strided_slice %select_n3A_565 {offsets = [0, 7], sizes = [1024, 1], strides = [1, 1]} : vector<1024x8xi32> to vector<1024x1xi32>
      %concatenate3A_571 = tpu.concatenate %slice3A_569, %slice3A_570 in 1 : vector<1024x7xi32>, vector<1024x1xi32> -> vector<1024x8xi32>
      %ge3A_572 = arith.constant 1 : i32
      %ge3A_573 = vector.broadcast %ge3A_572 : i32 to vector<1024x8xi32>
      %ge3A_574 = arith.cmpi sge, %iota3A_19, %ge3A_573 : vector<1024x8xi32>
      %sub3A_575 = arith.constant 1 : i32
      %sub3A_576 = vector.broadcast %sub3A_575 : i32 to vector<1024x8xi32>
      %sub3A_577 = arith.subi %iota3A_19, %sub3A_576 : vector<1024x8xi32>
      %jit3A_578 = arith.constant 2 : i32
      %eq3A_579 = arith.constant 0 : i32
      %eq3A_580 = arith.cmpi eq, %jit3A_578, %eq3A_579 : i32
      %jit3A_581 = arith.constant 1 : i32
      %select_n3A_582 = arith.select %eq3A_580, %jit3A_581, %jit3A_578 : i32
      %rem3A_583 = vector.broadcast %select_n3A_582 : i32 to vector<1024x8xi32>
      %rem3A_584 = arith.remsi %sub3A_577, %rem3A_583 : vector<1024x8xi32>
      %ne3A_585 = arith.constant 0 : i32
      %ne3A_586 = vector.broadcast %ne3A_585 : i32 to vector<1024x8xi32>
      %ne3A_587 = arith.cmpi ne, %rem3A_584, %ne3A_586 : vector<1024x8xi32>
      %lt3A_588 = arith.constant 0 : i32
      %lt3A_589 = vector.broadcast %lt3A_588 : i32 to vector<1024x8xi32>
      %lt3A_590 = arith.cmpi slt, %rem3A_584, %lt3A_589 : vector<1024x8xi32>
      %lt3A_591 = arith.constant 0 : i32
      %lt3A_592 = arith.cmpi slt, %select_n3A_582, %lt3A_591 : i32
      %ne3A_593 = vector.broadcast %lt3A_592 : i1 to vector<1024x8xi1>
      %ne3A_594 = vector.broadcast %ne3A_593 : vector<1024x8xi1> to vector<1024x8xi1>
      %ne3A_595 = arith.xori %lt3A_590, %ne3A_594 : vector<1024x8xi1>
      %and3A_596 = arith.andi %ne3A_595, %ne3A_587 : vector<1024x8xi1>
      %add3A_597 = vector.broadcast %select_n3A_582 : i32 to vector<1024x8xi32>
      %add3A_598 = arith.addi %rem3A_584, %add3A_597 : vector<1024x8xi32>
      %select_n3A_599 = arith.select %and3A_596, %add3A_598, %rem3A_584 : vector<1024x8xi1>, vector<1024x8xi32>
      %eq3A_600 = arith.constant 0 : i32
      %eq3A_601 = vector.broadcast %eq3A_600 : i32 to vector<1024x8xi32>
      %eq3A_602 = arith.cmpi eq, %select_n3A_599, %eq3A_601 : vector<1024x8xi32>
      %and3A_603 = arith.andi %ge3A_574, %eq3A_602 : vector<1024x8xi1>
      %lt3A_604 = arith.constant 7 : i32
      %lt3A_605 = vector.broadcast %lt3A_604 : i32 to vector<1024x8xi32>
      %lt3A_606 = arith.cmpi slt, %iota3A_19, %lt3A_605 : vector<1024x8xi32>
      %and3A_607 = arith.andi %and3A_603, %lt3A_606 : vector<1024x8xi1>
      %gt3A_608 = arith.constant 1 : i32
      %gt3A_609 = vector.broadcast %gt3A_608 : i32 to vector<1024x8xi32>
      %gt3A_610 = arith.cmpi sgt, %iota3A_19, %gt3A_609 : vector<1024x8xi32>
      %sub3A_611 = arith.constant 1 : i32
      %sub3A_612 = vector.broadcast %sub3A_611 : i32 to vector<1024x8xi32>
      %sub3A_613 = arith.subi %iota3A_19, %sub3A_612 : vector<1024x8xi32>
      %jit3A_614 = arith.constant 2 : i32
      %eq3A_615 = arith.constant 0 : i32
      %eq3A_616 = arith.cmpi eq, %jit3A_614, %eq3A_615 : i32
      %jit3A_617 = arith.constant 1 : i32
      %select_n3A_618 = arith.select %eq3A_616, %jit3A_617, %jit3A_614 : i32
      %rem3A_619 = vector.broadcast %select_n3A_618 : i32 to vector<1024x8xi32>
      %rem3A_620 = arith.remsi %sub3A_613, %rem3A_619 : vector<1024x8xi32>
      %ne3A_621 = arith.constant 0 : i32
      %ne3A_622 = vector.broadcast %ne3A_621 : i32 to vector<1024x8xi32>
      %ne3A_623 = arith.cmpi ne, %rem3A_620, %ne3A_622 : vector<1024x8xi32>
      %lt3A_624 = arith.constant 0 : i32
      %lt3A_625 = vector.broadcast %lt3A_624 : i32 to vector<1024x8xi32>
      %lt3A_626 = arith.cmpi slt, %rem3A_620, %lt3A_625 : vector<1024x8xi32>
      %lt3A_627 = arith.constant 0 : i32
      %lt3A_628 = arith.cmpi slt, %select_n3A_618, %lt3A_627 : i32
      %ne3A_629 = vector.broadcast %lt3A_628 : i1 to vector<1024x8xi1>
      %ne3A_630 = vector.broadcast %ne3A_629 : vector<1024x8xi1> to vector<1024x8xi1>
      %ne3A_631 = arith.xori %lt3A_626, %ne3A_630 : vector<1024x8xi1>
      %and3A_632 = arith.andi %ne3A_631, %ne3A_623 : vector<1024x8xi1>
      %add3A_633 = vector.broadcast %select_n3A_618 : i32 to vector<1024x8xi32>
      %add3A_634 = arith.addi %rem3A_620, %add3A_633 : vector<1024x8xi32>
      %select_n3A_635 = arith.select %and3A_632, %add3A_634, %rem3A_620 : vector<1024x8xi1>, vector<1024x8xi32>
      %eq3A_636 = arith.constant 1 : i32
      %eq3A_637 = vector.broadcast %eq3A_636 : i32 to vector<1024x8xi32>
      %eq3A_638 = arith.cmpi eq, %select_n3A_635, %eq3A_637 : vector<1024x8xi32>
      %and3A_639 = arith.andi %gt3A_610, %eq3A_638 : vector<1024x8xi1>
      %min3A_640 = arith.minsi %select_n3A_565, %concatenate3A_571 : vector<1024x8xi32>
      %max3A_641 = arith.maxsi %select_n3A_565, %concatenate3A_568 : vector<1024x8xi32>
      %select_n3A_642 = arith.select %and3A_639, %max3A_641, %select_n3A_565 : vector<1024x8xi1>, vector<1024x8xi32>
      %select_n3A_643 = arith.select %and3A_607, %min3A_640, %select_n3A_642 : vector<1024x8xi1>, vector<1024x8xi32>
      %slice3A_644 = vector.extract_strided_slice %select_n3A_643 {offsets = [0, 0], sizes = [1024, 1], strides = [1, 1]} : vector<1024x8xi32> to vector<1024x1xi32>
      %slice3A_645 = vector.extract_strided_slice %select_n3A_643 {offsets = [0, 0], sizes = [1024, 7], strides = [1, 1]} : vector<1024x8xi32> to vector<1024x7xi32>
      %concatenate3A_646 = tpu.concatenate %slice3A_644, %slice3A_645 in 1 : vector<1024x1xi32>, vector<1024x7xi32> -> vector<1024x8xi32>
      %slice3A_647 = vector.extract_strided_slice %select_n3A_643 {offsets = [0, 1], sizes = [1024, 7], strides = [1, 1]} : vector<1024x8xi32> to vector<1024x7xi32>
      %slice3A_648 = vector.extract_strided_slice %select_n3A_643 {offsets = [0, 7], sizes = [1024, 1], strides = [1, 1]} : vector<1024x8xi32> to vector<1024x1xi32>
      %concatenate3A_649 = tpu.concatenate %slice3A_647, %slice3A_648 in 1 : vector<1024x7xi32>, vector<1024x1xi32> -> vector<1024x8xi32>
      %ge3A_650 = arith.constant 0 : i32
      %ge3A_651 = vector.broadcast %ge3A_650 : i32 to vector<1024x8xi32>
      %ge3A_652 = arith.cmpi sge, %iota3A_19, %ge3A_651 : vector<1024x8xi32>
      %sub3A_653 = arith.constant 0 : i32
      %sub3A_654 = vector.broadcast %sub3A_653 : i32 to vector<1024x8xi32>
      %sub3A_655 = arith.subi %iota3A_19, %sub3A_654 : vector<1024x8xi32>
      %jit3A_656 = arith.constant 2 : i32
      %eq3A_657 = arith.constant 0 : i32
      %eq3A_658 = arith.cmpi eq, %jit3A_656, %eq3A_657 : i32
      %jit3A_659 = arith.constant 1 : i32
      %select_n3A_660 = arith.select %eq3A_658, %jit3A_659, %jit3A_656 : i32
      %rem3A_661 = vector.broadcast %select_n3A_660 : i32 to vector<1024x8xi32>
      %rem3A_662 = arith.remsi %sub3A_655, %rem3A_661 : vector<1024x8xi32>
      %ne3A_663 = arith.constant 0 : i32
      %ne3A_664 = vector.broadcast %ne3A_663 : i32 to vector<1024x8xi32>
      %ne3A_665 = arith.cmpi ne, %rem3A_662, %ne3A_664 : vector<1024x8xi32>
      %lt3A_666 = arith.constant 0 : i32
      %lt3A_667 = vector.broadcast %lt3A_666 : i32 to vector<1024x8xi32>
      %lt3A_668 = arith.cmpi slt, %rem3A_662, %lt3A_667 : vector<1024x8xi32>
      %lt3A_669 = arith.constant 0 : i32
      %lt3A_670 = arith.cmpi slt, %select_n3A_660, %lt3A_669 : i32
      %ne3A_671 = vector.broadcast %lt3A_670 : i1 to vector<1024x8xi1>
      %ne3A_672 = vector.broadcast %ne3A_671 : vector<1024x8xi1> to vector<1024x8xi1>
      %ne3A_673 = arith.xori %lt3A_668, %ne3A_672 : vector<1024x8xi1>
      %and3A_674 = arith.andi %ne3A_673, %ne3A_665 : vector<1024x8xi1>
      %add3A_675 = vector.broadcast %select_n3A_660 : i32 to vector<1024x8xi32>
      %add3A_676 = arith.addi %rem3A_662, %add3A_675 : vector<1024x8xi32>
      %select_n3A_677 = arith.select %and3A_674, %add3A_676, %rem3A_662 : vector<1024x8xi1>, vector<1024x8xi32>
      %eq3A_678 = arith.constant 0 : i32
      %eq3A_679 = vector.broadcast %eq3A_678 : i32 to vector<1024x8xi32>
      %eq3A_680 = arith.cmpi eq, %select_n3A_677, %eq3A_679 : vector<1024x8xi32>
      %and3A_681 = arith.andi %ge3A_652, %eq3A_680 : vector<1024x8xi1>
      %lt3A_682 = arith.constant 7 : i32
      %lt3A_683 = vector.broadcast %lt3A_682 : i32 to vector<1024x8xi32>
      %lt3A_684 = arith.cmpi slt, %iota3A_19, %lt3A_683 : vector<1024x8xi32>
      %and3A_685 = arith.andi %and3A_681, %lt3A_684 : vector<1024x8xi1>
      %gt3A_686 = arith.constant 0 : i32
      %gt3A_687 = vector.broadcast %gt3A_686 : i32 to vector<1024x8xi32>
      %gt3A_688 = arith.cmpi sgt, %iota3A_19, %gt3A_687 : vector<1024x8xi32>
      %sub3A_689 = arith.constant 0 : i32
      %sub3A_690 = vector.broadcast %sub3A_689 : i32 to vector<1024x8xi32>
      %sub3A_691 = arith.subi %iota3A_19, %sub3A_690 : vector<1024x8xi32>
      %jit3A_692 = arith.constant 2 : i32
      %eq3A_693 = arith.constant 0 : i32
      %eq3A_694 = arith.cmpi eq, %jit3A_692, %eq3A_693 : i32
      %jit3A_695 = arith.constant 1 : i32
      %select_n3A_696 = arith.select %eq3A_694, %jit3A_695, %jit3A_692 : i32
      %rem3A_697 = vector.broadcast %select_n3A_696 : i32 to vector<1024x8xi32>
      %rem3A_698 = arith.remsi %sub3A_691, %rem3A_697 : vector<1024x8xi32>
      %ne3A_699 = arith.constant 0 : i32
      %ne3A_700 = vector.broadcast %ne3A_699 : i32 to vector<1024x8xi32>
      %ne3A_701 = arith.cmpi ne, %rem3A_698, %ne3A_700 : vector<1024x8xi32>
      %lt3A_702 = arith.constant 0 : i32
      %lt3A_703 = vector.broadcast %lt3A_702 : i32 to vector<1024x8xi32>
      %lt3A_704 = arith.cmpi slt, %rem3A_698, %lt3A_703 : vector<1024x8xi32>
      %lt3A_705 = arith.constant 0 : i32
      %lt3A_706 = arith.cmpi slt, %select_n3A_696, %lt3A_705 : i32
      %ne3A_707 = vector.broadcast %lt3A_706 : i1 to vector<1024x8xi1>
      %ne3A_708 = vector.broadcast %ne3A_707 : vector<1024x8xi1> to vector<1024x8xi1>
      %ne3A_709 = arith.xori %lt3A_704, %ne3A_708 : vector<1024x8xi1>
      %and3A_710 = arith.andi %ne3A_709, %ne3A_701 : vector<1024x8xi1>
      %add3A_711 = vector.broadcast %select_n3A_696 : i32 to vector<1024x8xi32>
      %add3A_712 = arith.addi %rem3A_698, %add3A_711 : vector<1024x8xi32>
      %select_n3A_713 = arith.select %and3A_710, %add3A_712, %rem3A_698 : vector<1024x8xi1>, vector<1024x8xi32>
      %eq3A_714 = arith.constant 1 : i32
      %eq3A_715 = vector.broadcast %eq3A_714 : i32 to vector<1024x8xi32>
      %eq3A_716 = arith.cmpi eq, %select_n3A_713, %eq3A_715 : vector<1024x8xi32>
      %and3A_717 = arith.andi %gt3A_688, %eq3A_716 : vector<1024x8xi1>
      %min3A_718 = arith.minsi %select_n3A_643, %concatenate3A_649 : vector<1024x8xi32>
      %max3A_719 = arith.maxsi %select_n3A_643, %concatenate3A_646 : vector<1024x8xi32>
      %select_n3A_720 = arith.select %and3A_717, %max3A_719, %select_n3A_643 : vector<1024x8xi1>, vector<1024x8xi32>
      %select_n3A_721 = arith.select %and3A_685, %min3A_718, %select_n3A_720 : vector<1024x8xi1>, vector<1024x8xi32>
      %slice3A_722 = vector.extract_strided_slice %select_n3A_721 {offsets = [0, 0], sizes = [1024, 1], strides = [1, 1]} : vector<1024x8xi32> to vector<1024x1xi32>
      %slice3A_723 = vector.extract_strided_slice %select_n3A_721 {offsets = [0, 0], sizes = [1024, 7], strides = [1, 1]} : vector<1024x8xi32> to vector<1024x7xi32>
      %concatenate3A_724 = tpu.concatenate %slice3A_722, %slice3A_723 in 1 : vector<1024x1xi32>, vector<1024x7xi32> -> vector<1024x8xi32>
      %slice3A_725 = vector.extract_strided_slice %select_n3A_721 {offsets = [0, 1], sizes = [1024, 7], strides = [1, 1]} : vector<1024x8xi32> to vector<1024x7xi32>
      %slice3A_726 = vector.extract_strided_slice %select_n3A_721 {offsets = [0, 7], sizes = [1024, 1], strides = [1, 1]} : vector<1024x8xi32> to vector<1024x1xi32>
      %concatenate3A_727 = tpu.concatenate %slice3A_725, %slice3A_726 in 1 : vector<1024x7xi32>, vector<1024x1xi32> -> vector<1024x8xi32>
      %ge3A_728 = arith.constant 1 : i32
      %ge3A_729 = vector.broadcast %ge3A_728 : i32 to vector<1024x8xi32>
      %ge3A_730 = arith.cmpi sge, %iota3A_19, %ge3A_729 : vector<1024x8xi32>
      %sub3A_731 = arith.constant 1 : i32
      %sub3A_732 = vector.broadcast %sub3A_731 : i32 to vector<1024x8xi32>
      %sub3A_733 = arith.subi %iota3A_19, %sub3A_732 : vector<1024x8xi32>
      %jit3A_734 = arith.constant 2 : i32
      %eq3A_735 = arith.constant 0 : i32
      %eq3A_736 = arith.cmpi eq, %jit3A_734, %eq3A_735 : i32
      %jit3A_737 = arith.constant 1 : i32
      %select_n3A_738 = arith.select %eq3A_736, %jit3A_737, %jit3A_734 : i32
      %rem3A_739 = vector.broadcast %select_n3A_738 : i32 to vector<1024x8xi32>
      %rem3A_740 = arith.remsi %sub3A_733, %rem3A_739 : vector<1024x8xi32>
      %ne3A_741 = arith.constant 0 : i32
      %ne3A_742 = vector.broadcast %ne3A_741 : i32 to vector<1024x8xi32>
      %ne3A_743 = arith.cmpi ne, %rem3A_740, %ne3A_742 : vector<1024x8xi32>
      %lt3A_744 = arith.constant 0 : i32
      %lt3A_745 = vector.broadcast %lt3A_744 : i32 to vector<1024x8xi32>
      %lt3A_746 = arith.cmpi slt, %rem3A_740, %lt3A_745 : vector<1024x8xi32>
      %lt3A_747 = arith.constant 0 : i32
      %lt3A_748 = arith.cmpi slt, %select_n3A_738, %lt3A_747 : i32
      %ne3A_749 = vector.broadcast %lt3A_748 : i1 to vector<1024x8xi1>
      %ne3A_750 = vector.broadcast %ne3A_749 : vector<1024x8xi1> to vector<1024x8xi1>
      %ne3A_751 = arith.xori %lt3A_746, %ne3A_750 : vector<1024x8xi1>
      %and3A_752 = arith.andi %ne3A_751, %ne3A_743 : vector<1024x8xi1>
      %add3A_753 = vector.broadcast %select_n3A_738 : i32 to vector<1024x8xi32>
      %add3A_754 = arith.addi %rem3A_740, %add3A_753 : vector<1024x8xi32>
      %select_n3A_755 = arith.select %and3A_752, %add3A_754, %rem3A_740 : vector<1024x8xi1>, vector<1024x8xi32>
      %eq3A_756 = arith.constant 0 : i32
      %eq3A_757 = vector.broadcast %eq3A_756 : i32 to vector<1024x8xi32>
      %eq3A_758 = arith.cmpi eq, %select_n3A_755, %eq3A_757 : vector<1024x8xi32>
      %and3A_759 = arith.andi %ge3A_730, %eq3A_758 : vector<1024x8xi1>
      %lt3A_760 = arith.constant 7 : i32
      %lt3A_761 = vector.broadcast %lt3A_760 : i32 to vector<1024x8xi32>
      %lt3A_762 = arith.cmpi slt, %iota3A_19, %lt3A_761 : vector<1024x8xi32>
      %and3A_763 = arith.andi %and3A_759, %lt3A_762 : vector<1024x8xi1>
      %gt3A_764 = arith.constant 1 : i32
      %gt3A_765 = vector.broadcast %gt3A_764 : i32 to vector<1024x8xi32>
      %gt3A_766 = arith.cmpi sgt, %iota3A_19, %gt3A_765 : vector<1024x8xi32>
      %sub3A_767 = arith.constant 1 : i32
      %sub3A_768 = vector.broadcast %sub3A_767 : i32 to vector<1024x8xi32>
      %sub3A_769 = arith.subi %iota3A_19, %sub3A_768 : vector<1024x8xi32>
      %jit3A_770 = arith.constant 2 : i32
      %eq3A_771 = arith.constant 0 : i32
      %eq3A_772 = arith.cmpi eq, %jit3A_770, %eq3A_771 : i32
      %jit3A_773 = arith.constant 1 : i32
      %select_n3A_774 = arith.select %eq3A_772, %jit3A_773, %jit3A_770 : i32
      %rem3A_775 = vector.broadcast %select_n3A_774 : i32 to vector<1024x8xi32>
      %rem3A_776 = arith.remsi %sub3A_769, %rem3A_775 : vector<1024x8xi32>
      %ne3A_777 = arith.constant 0 : i32
      %ne3A_778 = vector.broadcast %ne3A_777 : i32 to vector<1024x8xi32>
      %ne3A_779 = arith.cmpi ne, %rem3A_776, %ne3A_778 : vector<1024x8xi32>
      %lt3A_780 = arith.constant 0 : i32
      %lt3A_781 = vector.broadcast %lt3A_780 : i32 to vector<1024x8xi32>
      %lt3A_782 = arith.cmpi slt, %rem3A_776, %lt3A_781 : vector<1024x8xi32>
      %lt3A_783 = arith.constant 0 : i32
      %lt3A_784 = arith.cmpi slt, %select_n3A_774, %lt3A_783 : i32
      %ne3A_785 = vector.broadcast %lt3A_784 : i1 to vector<1024x8xi1>
      %ne3A_786 = vector.broadcast %ne3A_785 : vector<1024x8xi1> to vector<1024x8xi1>
      %ne3A_787 = arith.xori %lt3A_782, %ne3A_786 : vector<1024x8xi1>
      %and3A_788 = arith.andi %ne3A_787, %ne3A_779 : vector<1024x8xi1>
      %add3A_789 = vector.broadcast %select_n3A_774 : i32 to vector<1024x8xi32>
      %add3A_790 = arith.addi %rem3A_776, %add3A_789 : vector<1024x8xi32>
      %select_n3A_791 = arith.select %and3A_788, %add3A_790, %rem3A_776 : vector<1024x8xi1>, vector<1024x8xi32>
      %eq3A_792 = arith.constant 1 : i32
      %eq3A_793 = vector.broadcast %eq3A_792 : i32 to vector<1024x8xi32>
      %eq3A_794 = arith.cmpi eq, %select_n3A_791, %eq3A_793 : vector<1024x8xi32>
      %and3A_795 = arith.andi %gt3A_766, %eq3A_794 : vector<1024x8xi1>
      %min3A_796 = arith.minsi %select_n3A_721, %concatenate3A_727 : vector<1024x8xi32>
      %max3A_797 = arith.maxsi %select_n3A_721, %concatenate3A_724 : vector<1024x8xi32>
      %select_n3A_798 = arith.select %and3A_795, %max3A_797, %select_n3A_721 : vector<1024x8xi1>, vector<1024x8xi32>
      %select_n3A_799 = arith.select %and3A_763, %min3A_796, %select_n3A_798 : vector<1024x8xi1>, vector<1024x8xi32>
      %swap3A_800 = arith.constant 0 : index
      %swap3A_801 = arith.constant 0 : index
      %swap3A_802 = vector.load %arg6[%swap3A_800, %swap3A_801] : memref<1024x8xi32, #tpu.memory_space<vmem>>, vector<1024x8xi32>
      tpu.vector_store %arg6[%swap3A_800, %swap3A_801], %select_n3A_799 {strides = array<i32>} : memref<1024x8xi32, #tpu.memory_space<vmem>>, vector<1024x8xi32>,
    } else {
    }
    return
  }
  func.func @transform_0(%arg0: i32, %arg1: i32) -> (i32, i32) {
    %c0_i32 = arith.constant 0 : i32
    %c0_i32_0 = arith.constant 0 : i32
    return %arg0, %c0_i32 : i32, i32
  }
  func.func @transform_1(%arg0: i32, %arg1: i32) -> (i32, i32) {
    %c0_i32 = arith.constant 0 : i32
    %c0_i32_0 = arith.constant 0 : i32
    return %c0_i32, %arg1 : i32, i32
  }
  func.func @transform_2(%arg0: i32, %arg1: i32) -> (i32, i32) {
    %c0_i32 = arith.constant 0 : i32
    %c0_i32_0 = arith.constant 0 : i32
    return %c0_i32, %arg1 : i32, i32
  }
  func.func @transform_3(%arg0: i32, %arg1: i32) -> (i32, i32) {
    %c0_i32 = arith.constant 0 : i32
    return %arg0, %arg1 : i32, i32
  }
  func.func @transform_4(%arg0: i32, %arg1: i32) -> (i32, i32) {
    %c0_i32 = arith.constant 0 : i32
    %c0_i32_0 = arith.constant 0 : i32
    return %arg0, %c0_i32 : i32, i32
  }
}

</mosaic_0001>

<sc_bundles>
// kernel: kernel.4.cloned.1.call-start
scs
__scs_entry_jumppad:
0x0: {  	(pc) =	sbr.rel $0x88, $3  }
0x1: {  	(tag) =	ssettag $0x0;
	lr =	simm.s32 $0x1  }
0x2: {  	[smem:$0x3F9D] =	sst lr;
	_ =	strace $0xD0000000  }
0x3: {  	_ = 	snop  }
0x4: {  	_ = 	snop  }
0x5: {  	_ = 	snop  }
0x6: {  	_ = 	snop  }
0x7: {  	_ = 	snop  }
__scs_overlays_trampoline_lowered:
0x8: {  	[smem:$0x3FAC] =	sst s0  }
0x9: {  	[smem:$0x3FAD] =	sst s1  }
0xa: {  	[smem:$0x3FAE] =	sst s2  }
0xb: {  	[smem:$0x3FAF] =	sst s3  }
0xc: {  	[smem:$0x3FB0] =	sst s4  }
0xd: {  	[smem:$0x3FB1] =	sst s5  }
0xe: {  	[smem:$0x3FB2] =	sst s6  }
0xf: {  	[smem:$0x3FB3] =	sst s7  }
0x10: {  	[smem:$0x3FB4] =	sst s8  }
0x11: {  	[smem:$0x3FB5] =	sst s9;
	s0 =	simm.s32 @!p0 $0x0  }
0x12: {  	s1 =	sld [smem:$0x3F9B];
	s0 =	simm.s32 @p0 $0x1  }
0x13: {  	[smem:$0x3FB6] =	sst s0;
	s0 =	simm.s32 @!p1 $0x0  }
0x14: {  	s2 =	sld [smem:$0x3F9A];
	s0 =	simm.s32 @p1 $0x1  }
0x15: {  	[smem:$0x3FB7] =	sst s0;
	s0 =	simm.s32 @!p2 $0x0  }
0x16: {  	s3 =	sld [smem:$0x3FDB];
	s0 =	simm.s32 @p2 $0x1  }
0x17: {  	s4 =	simm.s32 $0x1BF5;
	[smem:$0x3FB9] =	sst s0  }
0x18: {  	s0 =	sld [smem:$0x3F9C];
	_ =	swait.ge [sflag:s4], $0x0  }
0x19: {  	s7 =	sld [smem:$0x3F9D]  }
0x1a: {  	s8 =	sadd.s32 $0xFFFFE003, lr  }
0x1b: {  	s9 =	sadd.s32 $0xFFFFFEF7, lr;
	s5 =	simm.s32 $0xFFFFFFFF;
	p2 =	slt.u32 s8, $0xFFFFF086  }
0x1c: {  	p1 =	slt.u32 s9, $0xF7A;
	s5 =	simm.s32 @!p2 $0x0  }
0x1d: {  	s5 =	simm.s32 @p1 $0x1;
	p0 =	seq.s32 s7, s2  }
0x1e: {  	s7 =	smul.u32 @!p0 $0xF7A, s2;
	p2 =	seq.s32 @!p0 s5, $0x0  }
0x1f: {  	s9 =	smul.u32 $0xF7A, s1;
	s8 =	simm.s32 @!p0 $0x1BF5;
	p2 =	por !p2, p0  }
0x20: {  	[sflag:s8] =	ssyncset.s32 @!p0 $0xFFFFF086;
	s6 =	sadd.s32 @!p0 s3, s7;
	s7 =	simm.s32 @!p0 $0x108  }
0x21: {  	s3 =	sadd.s32 s3, s9;
	s6 =	sadd.s32 @!p0 $0x88, s6;
	s7 =	simm.s32 @p2 $0x1082  }
0x22: {  	[simem:s7], [sflag:s8] =	dma.local @!p0 [hbm:s6], $0xF7A  }
0x23: {  	s9 =	sor.u32 $0xD0000000, s2;
	s6 =	simm.s32 $0x108;
	_ =	swait.ge @!p0 [sflag:s8], $0x0  }
0x24: {  	s3 =	sadd.s32 $0x88, s3;
	s6 =	simm.s32 @!p1 $0x1082;
	[sflag:s4] =	ssyncset.s32 $0xFFFFF086  }
0x25: {  	[simem:s6], [sflag:s4] =	dma.local [hbm:s3], $0xF7A  }
0x26: {  	[smem:$0x3F9D] =	sst s1;
	(tag) =	ssettag s2;
	_ =	strace s9  }
0x27: {  	s1 =	sld [smem:$0x3FAD]  }
0x28: {  	s2 =	sld [smem:$0x3FAE]  }
0x29: {  	s4 =	sld [smem:$0x3FB0]  }
0x2a: {  	p0 =	seq.s32 s5, $0x0;
	s5 =	sld [smem:$0x3FB1]  }
0x2b: {  	s6 =	sld [smem:$0x3FB2]  }
0x2c: {  	s7 =	sld [smem:$0x3FB3]  }
0x2d: {  	s3 =	simm.s32 $0x108;
	s8 =	sld [smem:$0x3FB4]  }
0x2e: {  	s3 =	simm.s32 @!p0 $0x1082;
	s9 =	sld [smem:$0x3FB5]  }
0x2f: {  	lr =	sadd.s32 s0, s3;
	s0 =	sld [smem:$0x3FAC]  }
0x30: {  	s3 =	sld [smem:$0x3FAF]  }
0x31: {  	[smem:$0x3FB8] =	sst s10  }
0x32: {  	s10 =	sld [smem:$0x3FB6];
	_ =	sdelay $0x3  }
0x33: {  	p0 =	seq.s32 s10, $0x1;
	s10 =	sld [smem:$0x3FB8];
	_ =	sdelay $0x3  }
0x34: {  	[smem:$0x3FB8] =	sst s10  }
0x35: {  	s10 =	sld [smem:$0x3FB7];
	_ =	sdelay $0x3  }
0x36: {  	p1 =	seq.s32 s10, $0x1;
	s10 =	sld [smem:$0x3FB8];
	_ =	sdelay $0x3  }
0x37: {  	[smem:$0x3FB8] =	sst s10  }
0x38: {  	s10 =	sld [smem:$0x3FB9]  }
0x39: {  	_ = 	snop;
	(pc) =	sbr.ind lr, $3  }
0x3a: {  	_ = 	snop  }
0x3b: {  	_ = 	snop  }
0x3c: {  	p2 =	seq.s32 s10, $0x1;
	s10 =	sld [smem:$0x3FB8]  }
0x3d: {  	_ =	shalt  }
0x3e: {  	_ =	shalt  }
0x3f: {  	_ =	shalt  }
0x40: {  	_ =	shalt  }
0x41: {  	_ =	shalt  }
0x42: {  	_ =	shalt  }
0x43: {  	_ =	shalt  }
0x44: {  	_ =	shalt  }
0x45: {  	_ =	shalt  }
0x46: {  	_ =	shalt  }
0x47: {  	_ =	shalt  }
0x48: {  	_ =	shalt  }
0x49: {  	_ =	shalt  }
0x4a: {  	_ =	shalt  }
0x4b: {  	_ =	shalt  }
0x4c: {  	_ =	shalt  }
0x4d: {  	_ =	shalt  }
0x4e: {  	_ =	shalt  }
0x4f: {  	_ =	shalt  }
0x50: {  	_ =	shalt  }
0x51: {  	_ =	shalt  }
0x52: {  	_ =	shalt  }
0x53: {  	_ =	shalt  }
0x54: {  	_ =	shalt  }
0x55: {  	_ =	shalt  }
0x56: {  	_ =	shalt  }
0x57: {  	_ =	shalt  }
0x58: {  	_ =	shalt  }
0x59: {  	_ =	shalt  }
0x5a: {  	_ =	shalt  }
0x5b: {  	_ =	shalt  }
0x5c: {  	_ =	shalt  }
0x5d: {  	_ =	shalt  }
0x5e: {  	_ =	shalt  }
0x5f: {  	_ =	shalt  }
0x60: {  	_ =	shalt  }
0x61: {  	_ =	shalt  }
0x62: {  	_ =	shalt  }
0x63: {  	_ =	shalt  }
0x64: {  	_ =	shalt  }
0x65: {  	_ =	shalt  }
0x66: {  	_ =	shalt  }
0x67: {  	_ =	shalt  }
0x68: {  	_ =	shalt  }
0x69: {  	_ =	shalt  }
0x6a: {  	_ =	shalt  }
0x6b: {  	_ =	shalt  }
0x6c: {  	_ =	shalt  }
0x6d: {  	_ =	shalt  }
0x6e: {  	_ =	shalt  }
0x6f: {  	_ =	shalt  }
0x70: {  	_ =	shalt  }
0x71: {  	_ =	shalt  }
0x72: {  	_ =	shalt  }
0x73: {  	_ =	shalt  }
0x74: {  	_ =	shalt  }
0x75: {  	_ =	shalt  }
0x76: {  	_ =	shalt  }
0x77: {  	_ =	shalt  }
0x78: {  	_ =	shalt  }
0x79: {  	_ =	shalt  }
0x7a: {  	_ =	shalt  }
0x7b: {  	_ =	shalt  }
0x7c: {  	_ =	shalt  }
0x7d: {  	_ =	shalt  }
0x7e: {  	_ =	shalt  }
0x7f: {  	_ =	shalt  }
0x80: {  	_ =	shalt  }
0x81: {  	_ =	shalt  }
0x82: {  	_ =	shalt  }
0x83: {  	_ =	shalt  }
0x84: {  	_ =	shalt  }
0x85: {  	_ =	shalt  }
0x86: {  	_ =	shalt  }
0x87: {  	_ =	shalt  }
.Lfunc_end0:
.L_simem_size_0:
called_computation_lowered:
.L_overlay_start_0:
0x88: {  	s2 =	sld [smem:$0x3FD9]  }
0x89: {  	s3 =	sld [smem:$0x3FFE];
	_ =	sdelay $0x1  }
0x8a: {  	s1 =	srdreg.scid  }
0x8b: {  	s0 =	sand.u32 $0x1, s1  }
0x8c: {  	s14 =	sshll.u32 s0, $0xA;
	s2 =	sadd.s32 s3, s2  }
0x8d: {  	s2 =	sadd.s32 s2, s14  }
0x8e: {  	[smem:$0x3FC4] =	sst s2  }
0x8f: {  	_ = 	snop  }
0x90: {  	s2 =	sld [smem:$0x3FD0];
	_ =	sdelay $0x2  }
0x91: {  	s15 =	simm.s32 $0xA;
	s4 =	simm.s32 $0x10  }
0x92: {  	[smem:s4], [sflag:s15] =	dma.local [hbm:s2], $0x1  }
0x93: {  	_ =	swait.eq [sflag:s15], $0x1  }
0x94: {  	[sflag:s15] =	ssyncset.done $0x0  }
0x95: {  	[sflag:s15] =	ssyncadd.s32 $0xFFFFFFFF  }
0x96: {  	s16 =	sld [smem:$0x11];
	(tm) =	ssettm $0x1  }
0x97: {  	s17 =	sld [smem:$0x3FFB];
	_ =	sdelay $0x3  }
0x98: {  	_ =	strace s17  }
0x99: {  	s3 =	sld [smem:$0x3FFC];
	_ =	sdelay $0x3  }
0x9a: {  	_ =	strace s3  }
0x9b: {  	s3 =	sld [smem:$0x3FFD];
	_ =	sdelay $0x3  }
0x9c: {  	_ =	strace s3  }
0x9d: {  	_ =	strace $0x8FFFFFFF  }
0x9e: {  	s18 =	sld [smem:$0x3FDB];
	_ =	sdelay $0x1  }
0x9f: {  	s19 =	simm.s32 $_scs_section_size  }
0xa0: {  	s5 =	simm.s32 $_size__tile_overlayer_lowered;
	s6 =	simm.s32 $_tile_overlayer_lowered  }
0xa1: {  	s22 =	simm.s32 $0x1BFF;
	s21 =	sshll.u32 s6, $0x1;
	s3 =	sadd.s32 s19, s18  }
0xa2: {  	s7 =	simm.s32 $0x0;
	s20 =	sshll.u32 s5, $0x1;
	s5 =	sadd.s32 s21, s3  }
0xa3: {  	[timem:s7], [sflag:s22] =	dma.local [hbm:s5], s20  }
0xa4: {  	_ =	swait.ge [sflag:s22], s20  }
0xa5: {  	s4 =	ssub.s32 $0x0, s20;
	[sflag:s22] =	ssyncset.done $0x0  }
0xa6: {  	[sflag:s22] =	ssyncadd.s32 s4;
	_ =	sdelay $0x1  }
0xa7: {  	s23 =	simm.s32 $0x1B8B  }
0xa8: {  	_ =	swait.ge [sflag:s23], $0x1  }
0xa9: {  	[sflag:s23] =	ssyncset.done $0x0  }
0xaa: {  	s25 =	simm.s32 $0x1B8E;
	s24 =	sld [smem:$0x3FFE];
	[sflag:s23] =	ssyncadd.s32 $0xFFFFFFFF  }
0xab: {  	s26 =	simm.s32 $execute0_lowered;
	[smem:$0x3FD2] =	sst s25  }
0xac: {  	s5 =	sshll.u32 s26, $0x1;
	_ =	strace $0x80000046;
	[dreg:$0x1] =	wrdreg $0xFFFFFFFF  }
0xad: {  	s28 =	simm.s32 $_size_execute0_lowered;
	s3 =	sadd.s32 s3, s5;
	[dreg:$0x0] =	wrdreg $0x0  }
0xae: {  	s5 =	sshll.u32 s28, $0x1;
	[dreg:$0x2] =	wrdreg s3  }
0xaf: {  	[dreg:$0x3] =	wrdreg s5  }
0xb0: {  	[dreg:$0x4] =	wrdreg $0xC0  }
0xb1: {  	_ =	task [dreg:s7], $0x5FFFF  }
0xb2: {  	[dreg:$0x1] =	wrdreg $0xFFFFFFFF  }
0xb3: {  	[dreg:$0x0] =	wrdreg $0x60  }
0xb4: {  	[dreg:$0x2] =	wrdreg s24  }
0xb5: {  	[dreg:$0x3] =	wrdreg s16  }
0xb6: {  	[dreg:$0x4] =	wrdreg $0x9  }
0xb7: {  	_ =	task.clear_ibuf [dreg:s7], $0x5FFFF;
	_ =	strace $0x90000046  }
0xb8: {  	s29 =	simm.s32 $0x9;
	_ =	strace $0x80000048  }
0xb9: {  	_ =	swait.ge [sflag:s29], $0x1  }
0xba: {  	[sflag:s29] =	ssyncadd.s32 $0xFFFFFFFF  }
0xbb: {  	_ =	strace $0x90000048  }
0xbc: {  	_ =	sfence  }
0xbd: {  	s30 =	sld [smem:$0x0];
	_ =	sdelay $0x2  }
0xbe: {  	s31 =	sshll.u32 s1, $0xD;
	s1 =	sshrl.u32 s1, $0x2  }
0xbf: {  	s3 =	sand.u32 $0x4000, s31;
	s1 =	sadd.s32 s1, s30  }
0xc0: {  	s0 =	sor.u32 s3, s0;
	s1 =	sshll.u32 s1, $0x11  }
0xc1: {  	s0 =	sor.u32 s1, s0  }
0xc2: {  	s0 =	sadd.s32 $0x8F2B, s0  }
0xc3: {  	[sflag:s0] =	ssyncadd.remote.s32 $0x1  }
0xc4: {  	_ =	sfence.sel $0xFFFF  }
0xc5: {  	[dreg:$0x0] =	wrdreg $0xFFFFFFFF;
	(pc) =	sbr.abs _section_cstart, $3  }
0xc6: {  	[dreg:$0x1] =	wrdreg $0xFFFFFFFF  }
0xc7: {  	_ =	task.clear_ibuf [dreg:s7], $0x2FFFF;
	_ =	strace $0x9FFFFFFF  }
0xc8: {  	(tm) =	ssettm $0x7FFFFFFF  }
0xc9: {  	_ =	shalt  }
tec
execute0_lowered:
.L_overlay_start_1:
0x0: {  	(tag) =	ssettag $0x1  }
0x1: {  	s3 =	rddreg [dreg:$0x0]  }
0x2: {  	s1 =	rddreg [dreg:$0x1]  }
0x3: {  	s0 =	rddreg [dreg:$0x2];
	s2 =	simm.s32 $0x0  }
0x4: {  	s4 =	srdreg.scid;
	s9 =	simm.s32 $0x400;
	s10 =	simm.s32 $0x80  }
0x5: {  	s11 =	simm.s32 $0x280;
	s12 =	simm.s32 $0x480;
	s13 =	simm.s32 $0x680  }
0x6: {  	s14 =	simm.s32 $0x880;
	s15 =	simm.s32 $0xA80;
	s16 =	simm.s32 $0xC80  }
0x7: {  	s17 =	simm.s32 $0xE80;
	s18 =	simm.s32 $0x1;
	s19 =	simm.s32 $0x1080  }
0x8: {  	s20 =	simm.s32 $0x0;
	[smem:$0x7FF] =	sst s2;
	s6 =	sand.u32 $0x1, s4  }
0x9: {  	v0 =	vlaneseq.u32;
	s4 =	sadd.s32 $0x800, s3;
	s5 =	sadd.s32 $0xC38800, s3;
	s7 =	ssub.s32 $0x2, s6  }
0xa: {  	vm3 =	vcmask $0xB20;
	vm4 =	vcmask $0xF20;
	s3 =	stileid.u32;
	v1 =	vmul.u32 $0xFFFFFFFF, v0;
	_ =	strace $0x80000047;
	s8 =	sshrl.u32 s7, $0x1  }
0xb: {  	vm5 =	vcmask $0x1320;
	vm6 =	vcmask $0x1720;
	vm7 =	vcmask $0x1B20;
	s31 =	sshll.u32 s3, $0x6;
	s6 =	sshll.u32 s6, $0x5;
	s7 =	ssub.s32 s7, s8  }
0xc: {  	v2 =	vimm.f32 $-Inf;
	v3 =	vimm.s32 $0x0;
	s6 =	sor.u32 s6, s31;
	v1 =	vadd.s32 $0x186A0, v1;
	s8 =	simm.s32 $0x2;
	s7 =	smax.u32 s7, $0x1  }
.LBB2_1:
0xd: {  	s21 =	simm.s32 $0x0  }
.LBB2_2:
0xe: {  	s22 =	sadd.s32 s6, s21  }
0xf: {  	s24 =	simm.s32 $0x0;
	s23 =	sadd.s32 s1, s22  }
0x10: {  	[tilespmem:s24], [sflag:$0x2] =	stream.linear.gather [hbm4b:s23+s24], $0x8, $0x38;
	[tilespmem:$0x1100] =	vst v63  }
0x11: {  	_ =	swait.ge [sflag:s8], $0x8  }
0x12: {  	[sflag:s8] =	ssyncset.done $0x0  }
0x13: {  	[sflag:s8] =	ssyncadd.s32 $0xFFFFFFF8  }
0x14: {  	v4 =	vld [tilespmem:$0x0];
	_ =	sdelay $0x2  }
0x15: {  	s25 =	sshrl.u32 s22, $0x3  }
0x16: {  	s23 =	smul.u32 $0xC3800, s25  }
0x17: {  	v4 =	vshll.u32 v4, $0xC  }
0x18: {  	v4 =	vadd.s32 s23, v4  }
0x19: {  	(v2sf) =	vpush v4, $0x0;
	_ =	sdelay $0x5  }
0x1a: {  	(v2sf) =	vpush v4, $0x1;
	_ =	sdelay $0x2  }
0x1b: {  	(v2sf) =	vpush v4, $0x2;
	_ =	sdelay $0x5  }
0x1c: {  	s25 =	spop (v2sf);
	(v2sf) =	vpush v4, $0x3;
	_ =	sdelay $0x2  }
0x1d: {  	s26 =	sshll.u32 s21, $0x7;
	(v2sf) =	vpush v4, $0x4  }
0x1e: {  	s23 =	sand.u32 $0x380, s26  }
0x1f: {  	s25 =	sor.u32 s23, s25  }
0x20: {  	s31 =	spop (v2sf);
	s25 =	sshrl.u32 s25, $0x3;
	(v2sf) =	vpush v4, $0x5  }
0x21: {  	s25 =	sadd.s32 s4, s25  }
0x22: {  	[tilespmem:s10], [sflag:$0x1] =	stream.strided.gather [hbm4b:s25+s10], $0x200, s9, s10, $0x38;
	[tilespmem:$0x1100] =	vst v63  }
0x23: {  	s26 =	spop (v2sf);
	(v2sf) =	vpush v4, $0x6;
	s25 =	sor.u32 s23, s31  }
0x24: {  	s25 =	sshrl.u32 s25, $0x3  }
0x25: {  	s25 =	sadd.s32 s4, s25  }
0x26: {  	[tilespmem:s11], [sflag:$0x1] =	stream.strided.gather [hbm4b:s25+s10], $0x200, s9, s10, $0x38;
	[tilespmem:$0x1100] =	vst v63  }
0x27: {  	s25 =	sor.u32 s23, s26  }
0x28: {  	s25 =	sshrl.u32 s25, $0x3  }
0x29: {  	s25 =	sadd.s32 s4, s25;
	s31 =	spop (v2sf);
	(v2sf) =	vpush v4, $0x7  }
0x2a: {  	[tilespmem:s12], [sflag:$0x1] =	stream.strided.gather [hbm4b:s25+s10], $0x200, s9, s10, $0x38;
	[tilespmem:$0x1100] =	vst v63  }
0x2b: {  	s25 =	sor.u32 s23, s31  }
0x2c: {  	s26 =	spop (v2sf);
	s25 =	sshrl.u32 s25, $0x3  }
0x2d: {  	s26 =	sor.u32 s23, s26;
	s25 =	sadd.s32 s4, s25  }
0x2e: {  	[tilespmem:s13], [sflag:$0x1] =	stream.strided.gather [hbm4b:s25+s10], $0x200, s9, s10, $0x38;
	[tilespmem:$0x1100] =	vst v63  }
0x2f: {  	s31 =	spop (v2sf);
	s25 =	sshrl.u32 s26, $0x3  }
0x30: {  	s26 =	sor.u32 s23, s31;
	s25 =	sadd.s32 s4, s25  }
0x31: {  	[tilespmem:s14], [sflag:$0x1] =	stream.strided.gather [hbm4b:s25+s10], $0x200, s9, s10, $0x38;
	[tilespmem:$0x1100] =	vst v63  }
0x32: {  	s31 =	spop (v2sf);
	s25 =	sshrl.u32 s26, $0x3  }
0x33: {  	s26 =	sor.u32 s23, s31;
	s25 =	sadd.s32 s4, s25  }
0x34: {  	[tilespmem:s15], [sflag:$0x1] =	stream.strided.gather [hbm4b:s25+s10], $0x200, s9, s10, $0x38;
	[tilespmem:$0x1100] =	vst v63  }
0x35: {  	s25 =	sshrl.u32 s26, $0x3  }
0x36: {  	s25 =	sadd.s32 s4, s25  }
0x37: {  	[tilespmem:s16], [sflag:$0x1] =	stream.strided.gather [hbm4b:s25+s10], $0x200, s9, s10, $0x38;
	[tilespmem:$0x1100] =	vst v63  }
0x38: {  	s31 =	spop (v2sf)  }
0x39: {  	s23 =	sor.u32 s23, s31  }
0x3a: {  	s23 =	sshrl.u32 s23, $0x3  }
0x3b: {  	s23 =	sadd.s32 s4, s23  }
0x3c: {  	[tilespmem:s17], [sflag:$0x1] =	stream.strided.gather [hbm4b:s23+s10], $0x200, s9, s10, $0x38;
	[tilespmem:$0x1100] =	vst v63  }
0x3d: {  	_ =	swait.ge [sflag:s18], $0x200  }
0x3e: {  	[sflag:s18] =	ssyncset.done $0x0  }
0x3f: {  	[sflag:s18] =	ssyncadd.s32 $0xFFFFFE00  }
0x40: {  	_ =	swait.ge [sflag:s18], $0x200  }
0x41: {  	[sflag:s18] =	ssyncset.done $0x0  }
0x42: {  	[sflag:s18] =	ssyncadd.s32 $0xFFFFFE00  }
0x43: {  	_ =	swait.ge [sflag:s18], $0x200  }
0x44: {  	[sflag:s18] =	ssyncset.done $0x0  }
0x45: {  	[sflag:s18] =	ssyncadd.s32 $0xFFFFFE00  }
0x46: {  	_ =	swait.ge [sflag:s18], $0x200  }
0x47: {  	[sflag:s18] =	ssyncset.done $0x0  }
0x48: {  	[sflag:s18] =	ssyncadd.s32 $0xFFFFFE00  }
0x49: {  	_ =	swait.ge [sflag:s18], $0x200  }
0x4a: {  	[sflag:s18] =	ssyncset.done $0x0  }
0x4b: {  	[sflag:s18] =	ssyncadd.s32 $0xFFFFFE00  }
0x4c: {  	_ =	swait.ge [sflag:s18], $0x200  }
0x4d: {  	[sflag:s18] =	ssyncset.done $0x0  }
0x4e: {  	[sflag:s18] =	ssyncadd.s32 $0xFFFFFE00  }
0x4f: {  	s25 =	simm.s32 $0x0;
	_ =	swait.ge [sflag:s18], $0x200  }
0x50: {  	v4 =	vmov s25;
	[sflag:s18] =	ssyncset.done $0x0  }
0x51: {  	[sflag:s18] =	ssyncadd.s32 $0xFFFFFE00  }
0x52: {  	_ =	swait.ge [sflag:s18], $0x200  }
0x53: {  	[sflag:s18] =	ssyncset.done $0x0  }
0x54: {  	[sflag:s18] =	ssyncadd.s32 $0xFFFFFE00  }
0x55: {  	v5 =	vld.idx.msk [tilespmem:v4+s2+$0x0], $0xffff;
	_ =	sdelay $0x1  }
0x56: {  	s25 =	simm.s32 $0xA0  }
0x57: {  	s26 =	simm.s32 $0x0;
	v6 =	vld [tilespmem:s25+$0xFFFFFFE0]  }
0x58: {  	s23 =	sand.u32 $0xFFFFFE00, s26  }
0x59: {  	s28 =	ssub.s32 $0x0, s23;
	v5 =	vshll.u32 v5, $0x9  }
0x5a: {  	v5 =	vadd.s32 s28, v5  }
0x5b: {  	vm0 =	vlt.s32 v5, v1  }
0x5c: {  	v5 =	vnsel vm0, $0xFF800000, v6  }
0x5d: {  	[tilespmem:s25+$0xFFFFFFE0] =	vst v5  }
0x5e: {  	v5 =	vld.idx.msk [tilespmem:v4+s2+$0x0], $0xffff;
	_ =	sdelay $0x2  }
0x5f: {  	v6 =	vld [tilespmem:s25+$0xFFFFFFF0];
	_ =	sdelay $0x1  }
0x60: {  	s23 =	sadd.s32 $0x10, s28;
	v5 =	vshll.u32 v5, $0x9  }
0x61: {  	v5 =	vadd.s32 s23, v5  }
0x62: {  	vm0 =	vlt.s32 v5, v1  }
0x63: {  	v5 =	vnsel vm0, $0xFF800000, v6  }
0x64: {  	[tilespmem:s25+$0xFFFFFFF0] =	vst v5  }
0x65: {  	v5 =	vld.idx.msk [tilespmem:v4+s2+$0x0], $0xffff;
	_ =	sdelay $0x2  }
0x66: {  	v6 =	vld [tilespmem:s25+$0x0];
	_ =	sdelay $0x1  }
0x67: {  	s31 =	sadd.s32 $0x20, s28;
	v5 =	vshll.u32 v5, $0x9  }
0x68: {  	v5 =	vadd.s32 s31, v5  }
0x69: {  	vm0 =	vlt.s32 v5, v1  }
0x6a: {  	v5 =	vnsel vm0, $0xFF800000, v6  }
0x6b: {  	[tilespmem:s25+$0x0] =	vst v5  }
0x6c: {  	s29 =	simm.s32 $0x0;
	s30 =	simm.s32 $0x0;
	v4 =	vld.idx.msk [tilespmem:v4+s2+$0x0], $0xffff  }
.LBB2_3:
0x6d: {  	_ =	sdelay $0x1  }
0x6e: {  	s29 =	sadd.s32 $0x4, s29;
	v5 =	vld [tilespmem:s25+$0x10]  }
0x6f: {  	s23 =	sshrl.u32 s29, $0x5;
	p0 =	slt.u32 s29, $0xFC  }
0x70: {  	v6 =	vmov s23;
	s23 =	sadd.s32 $0x30, s28;
	v4 =	vshll.u32 v4, $0x9  }
0x71: {  	v4 =	vadd.s32 s23, v4  }
0x72: {  	vm0 =	vlt.s32 v4, v1  }
0x73: {  	v4 =	vnsel vm0, $0xFF800000, v5  }
0x74: {  	s26 =	simm.s32 $0xC0;
	s23 =	simm.s32 $0x70;
	[tilespmem:s25+$0x10] =	vst v4  }
0x75: {  	v4 =	vld.idx.msk [tilespmem:v6+s2+$0x0], $0xffff;
	_ =	sdelay $0x2  }
0x76: {  	s24 =	sadd.s32 $0x4, s24;
	s25 =	sadd.s32 $0x40, s25  }
0x77: {  	s28 =	sshll.u32 s24, $0x4;
	v5 =	vld [tilespmem:s25+$0xFFFFFFE0]  }
0x78: {  	s30 =	sadd.s32 $0x40, s30;
	s28 =	sand.u32 $0xFFFFFE00, s28  }
0x79: {  	s28 =	ssub.s32 s30, s28;
	v4 =	vshll.u32 v4, $0x9  }
0x7a: {  	v4 =	vadd.s32 s28, v4  }
0x7b: {  	vm0 =	vlt.s32 v4, v1  }
0x7c: {  	v4 =	vnsel vm0, $0xFF800000, v5  }
0x7d: {  	[tilespmem:s25+$0xFFFFFFE0] =	vst v4  }
0x7e: {  	v4 =	vld.idx.msk [tilespmem:v6+s2+$0x0], $0xffff;
	_ =	sdelay $0x3  }
0x7f: {  	v5 =	vld [tilespmem:s25+$0xFFFFFFF0];
	_ =	sdelay $0x1  }
0x80: {  	s31 =	sadd.s32 $0x10, s28;
	v4 =	vshll.u32 v4, $0x9  }
0x81: {  	v4 =	vadd.s32 s31, v4  }
0x82: {  	vm0 =	vlt.s32 v4, v1  }
0x83: {  	v4 =	vnsel vm0, $0xFF800000, v5  }
0x84: {  	[tilespmem:s25+$0xFFFFFFF0] =	vst v4  }
0x85: {  	v4 =	vld.idx.msk [tilespmem:v6+s2+$0x0], $0xffff;
	_ =	sdelay $0x3  }
0x86: {  	v5 =	vld [tilespmem:s25+$0x0];
	_ =	sdelay $0x1  }
0x87: {  	s31 =	sadd.s32 $0x20, s28;
	v4 =	vshll.u32 v4, $0x9  }
.Ltmp0:
0x88: {  	v4 =	vadd.s32 s31, v4;
	(pc) =	sbr.rel @p0 .LBB2_3-.Ltmp0, $4  }
0x89: {  	vm0 =	vlt.s32 v4, v1  }
0x8a: {  	v4 =	vnsel vm0, $0xFF800000, v5  }
0x8b: {  	[tilespmem:s25+$0x0] =	vst v4  }
0x8c: {  	v4 =	vld.idx.msk [tilespmem:v6+s2+$0x0], $0xffff  }
0x8d: {  	_ =	sdelay $0x1  }
0x8e: {  	v5 =	vld [tilespmem:s25+$0x10];
	_ =	sdelay $0x1  }
0x8f: {  	s24 =	sadd.s32 $0x30, s28;
	v4 =	vshll.u32 v4, $0x9  }
0x90: {  	v4 =	vadd.s32 s24, v4  }
0x91: {  	vm0 =	vlt.s32 v4, v1  }
0x92: {  	v4 =	vnsel vm0, $0xFF800000, v5  }
0x93: {  	[tilespmem:s25+$0x10] =	vst v4  }
0x94: {  	v4 =	vld [tilespmem:s26+$0xFFFFFFC0];
	_ =	sdelay $0x1  }
0x95: {  	v6 =	vld [tilespmem:s26+$0xFFFFFFD0];
	_ =	sdelay $0x1  }
0x96: {  	v5 =	vimm.f32 $-Inf;
	v7 =	vld [tilespmem:s26+$0xFFFFFFE0]  }
0x97: {  	vm0 =	vgt.f32 v4, v5  }
0x98: {  	v8 =	vld [tilespmem:s26+$0xFFFFFFF0];
	v4 =	vsel vm0, v4, v5  }
0x99: {  	vm1 =	vgt.f32 v6, v4  }
0x9a: {  	v6 =	vsel vm1, v6, v4  }
0x9b: {  	s30 =	simm.s32 $0x0;
	vm2 =	vgt.f32 v7, v6  }
0x9c: {  	s31 =	simm.s32 $0x10;
	v10 =	vor.u32 s30, v0;
	v9 =	vld [tilespmem:s26+$0x0];
	v4 =	vimm.s32 $0x0;
	v7 =	vsel vm2, v7, v6  }
0x9d: {  	v11 =	vor.u32 s31, v0;
	s25 =	simm.s32 $0x20;
	v10 =	vsel vm0, v10, v4;
	vm0 =	vgt.f32 v8, v7  }
0x9e: {  	s29 =	simm.s32 $0x30;
	v6 =	vld [tilespmem:s26+$0x10];
	v10 =	vsel vm1, v11, v10;
	v7 =	vsel vm0, v8, v7;
	v8 =	vor.u32 s25, v0  }
0x9f: {  	v8 =	vsel vm2, v8, v10;
	v10 =	vor.u32 s29, v0  }
0xa0: {  	v10 =	vsel vm0, v10, v8;
	v8 =	vld [tilespmem:s26+$0x20]  }
0xa1: {  	s30 =	simm.s32 $0x40;
	vm1 =	vgt.f32 v9, v7  }
0xa2: {  	s31 =	simm.s32 $0x50;
	v11 =	vor.u32 s30, v0;
	v9 =	vsel vm1, v9, v7;
	v7 =	vld [tilespmem:s26+$0x30]  }
0xa3: {  	s28 =	simm.s32 $0x0;
	s26 =	simm.s32 $0x140;
	v10 =	vsel vm1, v11, v10;
	v11 =	vor.u32 s31, v0;
	vm0 =	vgt.f32 v6, v9  }
.LBB2_5:
0xa4: {  	v12 =	vld [tilespmem:s26+$0xFFFFFFC0];
	s28 =	sadd.s32 $0x8, s28;
	v6 =	vsel vm0, v6, v9;
	v9 =	vsel vm0, v11, v10;
	s24 =	sadd.s32 $0xFFFFFFF0, s23  }
0xa5: {  	p0 =	slt.u32 s28, $0x18;
	v10 =	vor.u32 s24, v0;
	vm0 =	vgt.f32 v8, v6  }
0xa6: {  	v11 =	vld [tilespmem:s26+$0xFFFFFFD0];
	v6 =	vsel vm0, v8, v6;
	v8 =	vsel vm0, v10, v9  }
0xa7: {  	v9 =	vor.u32 s23, v0;
	s23 =	sadd.s32 $0x80, s23;
	vm0 =	vgt.f32 v7, v6  }
0xa8: {  	s25 =	simm.s32 $0x2F0;
	s24 =	simm.s32 $0x270;
	s29 =	sadd.s32 $0xFFFFFF90, s23;
	v10 =	vld [tilespmem:s26+$0xFFFFFFE0];
	v6 =	vsel vm0, v7, v6;
	v7 =	vsel vm0, v9, v8  }
0xa9: {  	v8 =	vor.u32 s29, v0;
	vm0 =	vgt.f32 v12, v6  }
0xaa: {  	s29 =	sadd.s32 $0xFFFFFFA0, s23;
	v6 =	vsel vm0, v12, v6;
	v7 =	vsel vm0, v8, v7;
	v8 =	vld [tilespmem:s26+$0xFFFFFFF0]  }
0xab: {  	v9 =	vor.u32 s29, v0;
	vm0 =	vgt.f32 v11, v6  }
0xac: {  	s29 =	sadd.s32 $0xFFFFFFB0, s23;
	v6 =	vsel vm0, v11, v6;
	v7 =	vsel vm0, v9, v7;
	v9 =	vld [tilespmem:s26+$0x0]  }
0xad: {  	v11 =	vor.u32 s29, v0;
	vm0 =	vgt.f32 v10, v6  }
0xae: {  	s29 =	sadd.s32 $0xFFFFFFC0, s23;
	v10 =	vsel vm0, v10, v6;
	v7 =	vsel vm0, v11, v7;
	v6 =	vld [tilespmem:s26+$0x10]  }
.Ltmp1:
0xaf: {  	v11 =	vor.u32 s29, v0;
	vm0 =	vgt.f32 v8, v10;
	(pc) =	sbr.rel @p0 .LBB2_5-.Ltmp1, $4  }
0xb0: {  	s29 =	sadd.s32 $0xFFFFFFD0, s23;
	v10 =	vsel vm0, v8, v10;
	v7 =	vsel vm0, v11, v7;
	v8 =	vld [tilespmem:s26+$0x20]  }
0xb1: {  	v11 =	vor.u32 s29, v0;
	vm0 =	vgt.f32 v9, v10  }
0xb2: {  	s29 =	sadd.s32 $0xFFFFFFE0, s23;
	v9 =	vsel vm0, v9, v10;
	v10 =	vsel vm0, v11, v7;
	v7 =	vld [tilespmem:s26+$0x30]  }
0xb3: {  	v11 =	vor.u32 s29, v0;
	s26 =	sadd.s32 $0x80, s26;
	vm0 =	vgt.f32 v6, v9  }
0xb4: {  	v12 =	vld [tilespmem:s25+$0xFFFFFF90];
	_ =	sdelay $0x1  }
0xb5: {  	v13 =	vld [tilespmem:s25+$0xFFFFFFA0];
	_ =	sdelay $0x1  }
0xb6: {  	v14 =	vld [tilespmem:s25+$0xFFFFFFB0]  }
0xb7: {  	v6 =	vsel vm0, v6, v9;
	vm1 =	vgt.f32 v12, v5  }
0xb8: {  	v9 =	vsel vm0, v11, v10;
	s26 =	sadd.s32 $0xFFFFFFF0, s23;
	v10 =	vld [tilespmem:s25+$0xFFFFFFC0];
	vm0 =	vgt.f32 v8, v6;
	v5 =	vsel vm1, v12, v5  }
0xb9: {  	v6 =	vsel vm0, v8, v6;
	v8 =	vor.u32 s26, v0;
	vm2 =	vgt.f32 v13, v5  }
0xba: {  	v8 =	vsel vm0, v8, v9;
	vm0 =	vgt.f32 v7, v6;
	v9 =	vsel vm2, v13, v5  }
0xbb: {  	s30 =	simm.s32 $0x200;
	v6 =	vsel vm0, v7, v6;
	v5 =	vor.u32 s23, v0;
	vm8 =	vgt.f32 v14, v9  }
0xbc: {  	v11 =	vld [tilespmem:s25+$0xFFFFFFD0];
	s31 =	simm.s32 $0x210;
	v5 =	vsel vm0, v5, v8;
	v8 =	vor.u32 s30, v0;
	v9 =	vsel vm8, v14, v9  }
0xbd: {  	s26 =	simm.s32 $0x220;
	v4 =	vsel vm1, v8, v4;
	v8 =	vor.u32 s31, v0;
	vm0 =	vgt.f32 v10, v9  }
0xbe: {  	s29 =	simm.s32 $0x230;
	v7 =	vld [tilespmem:s25+$0xFFFFFFE0];
	v4 =	vsel vm2, v8, v4;
	v8 =	vsel vm0, v10, v9;
	v9 =	vor.u32 s26, v0  }
0xbf: {  	v4 =	vsel vm8, v9, v4;
	v9 =	vor.u32 s29, v0  }
0xc0: {  	v4 =	vsel vm0, v9, v4;
	v9 =	vld [tilespmem:s25+$0xFFFFFFF0]  }
0xc1: {  	s30 =	simm.s32 $0x240;
	vm1 =	vgt.f32 v11, v8  }
0xc2: {  	v12 =	vor.u32 s30, v0;
	s31 =	simm.s32 $0x250;
	v10 =	vsel vm1, v11, v8;
	v8 =	vld [tilespmem:s25+$0x0]  }
0xc3: {  	s28 =	simm.s32 $0x370;
	s26 =	simm.s32 $0x0;
	v11 =	vsel vm1, v12, v4;
	v12 =	vor.u32 s31, v0;
	vm0 =	vgt.f32 v7, v10  }
.LBB2_7:
0xc4: {  	v4 =	vld [tilespmem:s28+$0xFFFFFF90];
	s26 =	sadd.s32 $0x8, s26;
	v7 =	vsel vm0, v7, v10;
	v10 =	vsel vm0, v12, v11;
	s23 =	sadd.s32 $0xFFFFFFF0, s24  }
0xc5: {  	p0 =	slt.u32 s26, $0x18;
	v11 =	vor.u32 s23, v0;
	vm0 =	vgt.f32 v9, v7  }
0xc6: {  	v12 =	vld [tilespmem:s28+$0xFFFFFFA0];
	v7 =	vsel vm0, v9, v7;
	v9 =	vsel vm0, v11, v10  }
0xc7: {  	s25 =	simm.s32 $0x4F0;
	v10 =	vor.u32 s24, v0;
	s24 =	sadd.s32 $0x80, s24;
	vm0 =	vgt.f32 v8, v7  }
0xc8: {  	s23 =	simm.s32 $0x470;
	s29 =	sadd.s32 $0xFFFFFF90, s24;
	v11 =	vld [tilespmem:s28+$0xFFFFFFB0];
	v7 =	vsel vm0, v8, v7;
	v8 =	vsel vm0, v10, v9  }
0xc9: {  	v9 =	vor.u32 s29, v0;
	vm0 =	vgt.f32 v4, v7  }
0xca: {  	s29 =	sadd.s32 $0xFFFFFFA0, s24;
	v4 =	vsel vm0, v4, v7;
	v7 =	vsel vm0, v9, v8;
	v8 =	vld [tilespmem:s28+$0xFFFFFFC0]  }
0xcb: {  	v9 =	vor.u32 s29, v0;
	vm0 =	vgt.f32 v12, v4  }
0xcc: {  	s29 =	sadd.s32 $0xFFFFFFB0, s24;
	v4 =	vsel vm0, v12, v4;
	v7 =	vsel vm0, v9, v7;
	v10 =	vld [tilespmem:s28+$0xFFFFFFD0]  }
0xcd: {  	v9 =	vor.u32 s29, v0;
	vm0 =	vgt.f32 v11, v4  }
0xce: {  	s29 =	sadd.s32 $0xFFFFFFC0, s24;
	v4 =	vsel vm0, v11, v4;
	v9 =	vsel vm0, v9, v7;
	v7 =	vld [tilespmem:s28+$0xFFFFFFE0]  }
.Ltmp2:
0xcf: {  	v11 =	vor.u32 s29, v0;
	vm0 =	vgt.f32 v8, v4;
	(pc) =	sbr.rel @p0 .LBB2_7-.Ltmp2, $4  }
0xd0: {  	s29 =	sadd.s32 $0xFFFFFFD0, s24;
	v4 =	vsel vm0, v8, v4;
	v8 =	vsel vm0, v11, v9;
	v9 =	vld [tilespmem:s28+$0xFFFFFFF0]  }
0xd1: {  	v11 =	vor.u32 s29, v0;
	vm0 =	vgt.f32 v10, v4  }
0xd2: {  	s29 =	sadd.s32 $0xFFFFFFE0, s24;
	v10 =	vsel vm0, v10, v4;
	v11 =	vsel vm0, v11, v8;
	v8 =	vld [tilespmem:s28+$0x0]  }
0xd3: {  	v12 =	vor.u32 s29, v0;
	s28 =	sadd.s32 $0x80, s28;
	vm0 =	vgt.f32 v7, v10  }
0xd4: {  	v13 =	vld [tilespmem:s25+$0xFFFFFF90];
	_ =	sdelay $0x1  }
0xd5: {  	v14 =	vld [tilespmem:s25+$0xFFFFFFA0];
	_ =	sdelay $0x1  }
0xd6: {  	v4 =	vimm.f32 $-Inf;
	v15 =	vld [tilespmem:s25+$0xFFFFFFB0]  }
0xd7: {  	v7 =	vsel vm0, v7, v10;
	v10 =	vsel vm0, v12, v11;
	s26 =	sadd.s32 $0xFFFFFFF0, s24;
	vm0 =	vgt.f32 v13, v4  }
0xd8: {  	v11 =	vor.u32 s26, v0;
	vm1 =	vgt.f32 v9, v7;
	v12 =	vsel vm0, v13, v4;
	v13 =	vld [tilespmem:s25+$0xFFFFFFC0]  }
0xd9: {  	v7 =	vsel vm1, v9, v7;
	v9 =	vsel vm1, v11, v10;
	vm1 =	vgt.f32 v14, v12  }
0xda: {  	v10 =	vor.u32 s24, v0;
	vm2 =	vgt.f32 v8, v7;
	v12 =	vsel vm1, v14, v12  }
0xdb: {  	s30 =	simm.s32 $0x400;
	v8 =	vsel vm2, v8, v7;
	v7 =	vsel vm2, v10, v9;
	vm2 =	vgt.f32 v15, v12  }
0xdc: {  	s31 =	simm.s32 $0x410;
	v11 =	vimm.s32 $0x0;
	v10 =	vor.u32 s30, v0;
	v14 =	vld [tilespmem:s25+$0xFFFFFFD0];
	v12 =	vsel vm2, v15, v12  }
0xdd: {  	s26 =	simm.s32 $0x420;
	v10 =	vsel vm0, v10, v11;
	v15 =	vor.u32 s31, v0;
	vm0 =	vgt.f32 v13, v12  }
0xde: {  	s29 =	simm.s32 $0x430;
	v9 =	vld [tilespmem:s25+$0xFFFFFFE0];
	v10 =	vsel vm1, v15, v10;
	v13 =	vsel vm0, v13, v12;
	v12 =	vor.u32 s26, v0  }
0xdf: {  	v10 =	vsel vm2, v12, v10;
	v12 =	vor.u32 s29, v0  }
0xe0: {  	s30 =	simm.s32 $0x440;
	v10 =	vsel vm0, v12, v10;
	v12 =	vld [tilespmem:s25+$0xFFFFFFF0]  }
0xe1: {  	v15 =	vor.u32 s30, v0;
	vm1 =	vgt.f32 v14, v13  }
0xe2: {  	s31 =	simm.s32 $0x450;
	v13 =	vsel vm1, v14, v13;
	v14 =	vsel vm1, v15, v10;
	v10 =	vld [tilespmem:s25+$0x0]  }
0xe3: {  	s28 =	simm.s32 $0x570;
	s26 =	simm.s32 $0x0;
	v15 =	vor.u32 s31, v0;
	vm0 =	vgt.f32 v9, v13  }
.LBB2_9:
0xe4: {  	v16 =	vld [tilespmem:s28+$0xFFFFFF90];
	s26 =	sadd.s32 $0x8, s26;
	v9 =	vsel vm0, v9, v13;
	v13 =	vsel vm0, v15, v14;
	s24 =	sadd.s32 $0xFFFFFFF0, s23  }
0xe5: {  	p0 =	slt.u32 s26, $0x18;
	v14 =	vor.u32 s24, v0;
	vm0 =	vgt.f32 v12, v9  }
0xe6: {  	v15 =	vld [tilespmem:s28+$0xFFFFFFA0];
	v9 =	vsel vm0, v12, v9;
	v12 =	vsel vm0, v14, v13  }
0xe7: {  	v13 =	vor.u32 s23, v0;
	s23 =	sadd.s32 $0x80, s23;
	vm0 =	vgt.f32 v10, v9  }
0xe8: {  	s25 =	simm.s32 $0x6F0;
	s24 =	simm.s32 $0x670;
	s29 =	sadd.s32 $0xFFFFFF90, s23;
	v14 =	vld [tilespmem:s28+$0xFFFFFFB0];
	v9 =	vsel vm0, v10, v9;
	v10 =	vsel vm0, v13, v12  }
0xe9: {  	v12 =	vor.u32 s29, v0;
	vm0 =	vgt.f32 v16, v9  }
0xea: {  	s29 =	sadd.s32 $0xFFFFFFA0, s23;
	v9 =	vsel vm0, v16, v9;
	v10 =	vsel vm0, v12, v10;
	v12 =	vld [tilespmem:s28+$0xFFFFFFC0]  }
0xeb: {  	v13 =	vor.u32 s29, v0;
	vm0 =	vgt.f32 v15, v9  }
0xec: {  	s29 =	sadd.s32 $0xFFFFFFB0, s23;
	v9 =	vsel vm0, v15, v9;
	v10 =	vsel vm0, v13, v10;
	v13 =	vld [tilespmem:s28+$0xFFFFFFD0]  }
0xed: {  	v15 =	vor.u32 s29, v0;
	vm0 =	vgt.f32 v14, v9  }
0xee: {  	s29 =	sadd.s32 $0xFFFFFFC0, s23;
	v14 =	vsel vm0, v14, v9;
	v10 =	vsel vm0, v15, v10;
	v9 =	vld [tilespmem:s28+$0xFFFFFFE0]  }
.Ltmp3:
0xef: {  	v15 =	vor.u32 s29, v0;
	vm0 =	vgt.f32 v12, v14;
	(pc) =	sbr.rel @p0 .LBB2_9-.Ltmp3, $4  }
0xf0: {  	s29 =	sadd.s32 $0xFFFFFFD0, s23;
	v14 =	vsel vm0, v12, v14;
	v10 =	vsel vm0, v15, v10;
	v12 =	vld [tilespmem:s28+$0xFFFFFFF0]  }
0xf1: {  	v15 =	vor.u32 s29, v0;
	vm0 =	vgt.f32 v13, v14  }
0xf2: {  	s29 =	sadd.s32 $0xFFFFFFE0, s23;
	v13 =	vsel vm0, v13, v14;
	v14 =	vsel vm0, v15, v10;
	v10 =	vld [tilespmem:s28+$0x0]  }
0xf3: {  	v15 =	vor.u32 s29, v0;
	s28 =	sadd.s32 $0x80, s28;
	vm0 =	vgt.f32 v9, v13  }
0xf4: {  	v16 =	vld [tilespmem:s25+$0xFFFFFF90];
	_ =	sdelay $0x1  }
0xf5: {  	v17 =	vld [tilespmem:s25+$0xFFFFFFA0]  }
0xf6: {  	v9 =	vsel vm0, v9, v13  }
0xf7: {  	v18 =	vld [tilespmem:s25+$0xFFFFFFB0];
	v13 =	vsel vm0, v15, v14;
	s26 =	sadd.s32 $0xFFFFFFF0, s23;
	vm0 =	vgt.f32 v12, v9  }
0xf8: {  	v9 =	vsel vm0, v12, v9;
	v12 =	vor.u32 s26, v0;
	vm1 =	vgt.f32 v16, v4  }
0xf9: {  	v14 =	vld [tilespmem:s25+$0xFFFFFFC0];
	v12 =	vsel vm0, v12, v13;
	vm0 =	vgt.f32 v10, v9;
	v4 =	vsel vm1, v16, v4  }
0xfa: {  	s30 =	simm.s32 $0x600;
	v10 =	vsel vm0, v10, v9;
	v9 =	vor.u32 s23, v0;
	vm2 =	vgt.f32 v17, v4  }
0xfb: {  	v15 =	vld [tilespmem:s25+$0xFFFFFFD0];
	s31 =	simm.s32 $0x610;
	v13 =	vor.u32 s30, v0;
	v9 =	vsel vm0, v9, v12;
	v4 =	vsel vm2, v17, v4  }
0xfc: {  	s26 =	simm.s32 $0x620;
	v11 =	vsel vm1, v13, v11;
	v13 =	vor.u32 s31, v0;
	vm8 =	vgt.f32 v18, v4  }
0xfd: {  	s29 =	simm.s32 $0x630;
	v12 =	vld [tilespmem:s25+$0xFFFFFFE0];
	v11 =	vsel vm2, v13, v11;
	v13 =	vor.u32 s26, v0;
	v4 =	vsel vm8, v18, v4  }
0xfe: {  	v11 =	vsel vm8, v13, v11;
	v13 =	vor.u32 s29, v0;
	vm0 =	vgt.f32 v14, v4  }
0xff: {  	s30 =	simm.s32 $0x640;
	v4 =	vsel vm0, v14, v4;
	v11 =	vsel vm0, v13, v11;
	v13 =	vld [tilespmem:s25+$0xFFFFFFF0]  }
0x100: {  	v16 =	vor.u32 s30, v0;
	vm1 =	vgt.f32 v15, v4  }
0x101: {  	s31 =	simm.s32 $0x650;
	v14 =	vsel vm1, v15, v4;
	v15 =	vsel vm1, v16, v11;
	v11 =	vld [tilespmem:s25+$0x0]  }
0x102: {  	s28 =	simm.s32 $0x770;
	s26 =	simm.s32 $0x0;
	v16 =	vor.u32 s31, v0;
	vm0 =	vgt.f32 v12, v14  }
.LBB2_11:
0x103: {  	v4 =	vld [tilespmem:s28+$0xFFFFFF90];
	s26 =	sadd.s32 $0x8, s26;
	v12 =	vsel vm0, v12, v14;
	v14 =	vsel vm0, v16, v15;
	s23 =	sadd.s32 $0xFFFFFFF0, s24  }
0x104: {  	p0 =	slt.u32 s26, $0x18;
	v15 =	vor.u32 s23, v0;
	vm0 =	vgt.f32 v13, v12  }
0x105: {  	v16 =	vld [tilespmem:s28+$0xFFFFFFA0];
	v12 =	vsel vm0, v13, v12;
	v13 =	vsel vm0, v15, v14  }
0x106: {  	s25 =	simm.s32 $0x8F0;
	v14 =	vor.u32 s24, v0;
	s24 =	sadd.s32 $0x80, s24;
	vm0 =	vgt.f32 v11, v12  }
0x107: {  	s23 =	simm.s32 $0x870;
	s29 =	sadd.s32 $0xFFFFFF90, s24;
	v15 =	vld [tilespmem:s28+$0xFFFFFFB0];
	v11 =	vsel vm0, v11, v12;
	v12 =	vsel vm0, v14, v13  }
0x108: {  	v13 =	vor.u32 s29, v0;
	vm0 =	vgt.f32 v4, v11  }
0x109: {  	s29 =	sadd.s32 $0xFFFFFFA0, s24;
	v4 =	vsel vm0, v4, v11;
	v11 =	vsel vm0, v13, v12;
	v13 =	vld [tilespmem:s28+$0xFFFFFFC0]  }
0x10a: {  	v12 =	vor.u32 s29, v0;
	vm0 =	vgt.f32 v16, v4  }
0x10b: {  	s29 =	sadd.s32 $0xFFFFFFB0, s24;
	v4 =	vsel vm0, v16, v4;
	v11 =	vsel vm0, v12, v11;
	v14 =	vld [tilespmem:s28+$0xFFFFFFD0]  }
0x10c: {  	v12 =	vor.u32 s29, v0;
	vm0 =	vgt.f32 v15, v4  }
0x10d: {  	s29 =	sadd.s32 $0xFFFFFFC0, s24;
	v4 =	vsel vm0, v15, v4;
	v11 =	vsel vm0, v12, v11;
	v12 =	vld [tilespmem:s28+$0xFFFFFFE0]  }
.Ltmp4:
0x10e: {  	v15 =	vor.u32 s29, v0;
	vm0 =	vgt.f32 v13, v4;
	(pc) =	sbr.rel @p0 .LBB2_11-.Ltmp4, $4  }
0x10f: {  	s29 =	sadd.s32 $0xFFFFFFD0, s24;
	v4 =	vsel vm0, v13, v4;
	v11 =	vsel vm0, v15, v11;
	v13 =	vld [tilespmem:s28+$0xFFFFFFF0]  }
0x110: {  	v15 =	vor.u32 s29, v0;
	vm0 =	vgt.f32 v14, v4  }
0x111: {  	s29 =	sadd.s32 $0xFFFFFFE0, s24;
	v14 =	vsel vm0, v14, v4;
	v15 =	vsel vm0, v15, v11;
	v11 =	vld [tilespmem:s28+$0x0]  }
0x112: {  	v16 =	vor.u32 s29, v0;
	s28 =	sadd.s32 $0x80, s28;
	vm0 =	vgt.f32 v12, v14  }
0x113: {  	v17 =	vld [tilespmem:s25+$0xFFFFFF90];
	_ =	sdelay $0x1  }
0x114: {  	v18 =	vld [tilespmem:s25+$0xFFFFFFA0];
	_ =	sdelay $0x1  }
0x115: {  	v4 =	vimm.f32 $-Inf;
	v19 =	vld [tilespmem:s25+$0xFFFFFFB0]  }
0x116: {  	v12 =	vsel vm0, v12, v14;
	v14 =	vsel vm0, v16, v15;
	s26 =	sadd.s32 $0xFFFFFFF0, s24;
	vm0 =	vgt.f32 v17, v4  }
0x117: {  	v15 =	vor.u32 s26, v0;
	vm1 =	vgt.f32 v13, v12;
	v16 =	vsel vm0, v17, v4;
	v17 =	vld [tilespmem:s25+$0xFFFFFFC0]  }
0x118: {  	v12 =	vsel vm1, v13, v12;
	v13 =	vsel vm1, v15, v14;
	vm1 =	vgt.f32 v18, v16  }
0x119: {  	v14 =	vor.u32 s24, v0;
	vm2 =	vgt.f32 v11, v12;
	v16 =	vsel vm1, v18, v16  }
0x11a: {  	s30 =	simm.s32 $0x800;
	v12 =	vsel vm2, v11, v12;
	v11 =	vsel vm2, v14, v13;
	vm2 =	vgt.f32 v19, v16  }
0x11b: {  	s31 =	simm.s32 $0x810;
	v15 =	vimm.s32 $0x0;
	v14 =	vor.u32 s30, v0;
	v18 =	vld [tilespmem:s25+$0xFFFFFFD0];
	v16 =	vsel vm2, v19, v16  }
0x11c: {  	s26 =	simm.s32 $0x820;
	v14 =	vsel vm0, v14, v15;
	v19 =	vor.u32 s31, v0;
	vm0 =	vgt.f32 v17, v16  }
0x11d: {  	s29 =	simm.s32 $0x830;
	v13 =	vld [tilespmem:s25+$0xFFFFFFE0];
	v14 =	vsel vm1, v19, v14;
	v17 =	vsel vm0, v17, v16;
	v16 =	vor.u32 s26, v0  }
0x11e: {  	v14 =	vsel vm2, v16, v14;
	v16 =	vor.u32 s29, v0  }
0x11f: {  	s30 =	simm.s32 $0x840;
	v14 =	vsel vm0, v16, v14;
	v16 =	vld [tilespmem:s25+$0xFFFFFFF0]  }
0x120: {  	v19 =	vor.u32 s30, v0;
	vm1 =	vgt.f32 v18, v17  }
0x121: {  	s31 =	simm.s32 $0x850;
	v17 =	vsel vm1, v18, v17;
	v18 =	vsel vm1, v19, v14;
	v14 =	vld [tilespmem:s25+$0x0]  }
0x122: {  	s28 =	simm.s32 $0x970;
	s26 =	simm.s32 $0x0;
	v19 =	vor.u32 s31, v0;
	vm0 =	vgt.f32 v13, v17  }
.LBB2_13:
0x123: {  	v20 =	vld [tilespmem:s28+$0xFFFFFF90];
	s26 =	sadd.s32 $0x8, s26;
	v13 =	vsel vm0, v13, v17;
	v17 =	vsel vm0, v19, v18;
	s24 =	sadd.s32 $0xFFFFFFF0, s23  }
0x124: {  	p0 =	slt.u32 s26, $0x18;
	v18 =	vor.u32 s24, v0;
	vm0 =	vgt.f32 v16, v13  }
0x125: {  	v19 =	vld [tilespmem:s28+$0xFFFFFFA0];
	v13 =	vsel vm0, v16, v13;
	v16 =	vsel vm0, v18, v17  }
0x126: {  	v17 =	vor.u32 s23, v0;
	s23 =	sadd.s32 $0x80, s23;
	vm0 =	vgt.f32 v14, v13  }
0x127: {  	s25 =	simm.s32 $0xA70;
	s24 =	simm.s32 $0xAF0;
	s29 =	sadd.s32 $0xFFFFFF90, s23;
	v18 =	vld [tilespmem:s28+$0xFFFFFFB0];
	v13 =	vsel vm0, v14, v13;
	v14 =	vsel vm0, v17, v16  }
0x128: {  	v16 =	vor.u32 s29, v0;
	vm0 =	vgt.f32 v20, v13  }
0x129: {  	s29 =	sadd.s32 $0xFFFFFFA0, s23;
	v13 =	vsel vm0, v20, v13;
	v14 =	vsel vm0, v16, v14;
	v16 =	vld [tilespmem:s28+$0xFFFFFFC0]  }
0x12a: {  	v17 =	vor.u32 s29, v0;
	vm0 =	vgt.f32 v19, v13  }
0x12b: {  	s29 =	sadd.s32 $0xFFFFFFB0, s23;
	v13 =	vsel vm0, v19, v13;
	v14 =	vsel vm0, v17, v14;
	v17 =	vld [tilespmem:s28+$0xFFFFFFD0]  }
0x12c: {  	v19 =	vor.u32 s29, v0;
	vm0 =	vgt.f32 v18, v13  }
0x12d: {  	s29 =	sadd.s32 $0xFFFFFFC0, s23;
	v18 =	vsel vm0, v18, v13;
	v14 =	vsel vm0, v19, v14;
	v13 =	vld [tilespmem:s28+$0xFFFFFFE0]  }
.Ltmp5:
0x12e: {  	v19 =	vor.u32 s29, v0;
	vm0 =	vgt.f32 v16, v18;
	(pc) =	sbr.rel @p0 .LBB2_13-.Ltmp5, $4  }
0x12f: {  	s29 =	sadd.s32 $0xFFFFFFD0, s23;
	v18 =	vsel vm0, v16, v18;
	v14 =	vsel vm0, v19, v14;
	v16 =	vld [tilespmem:s28+$0xFFFFFFF0]  }
0x130: {  	v19 =	vor.u32 s29, v0;
	vm0 =	vgt.f32 v17, v18  }
0x131: {  	s29 =	sadd.s32 $0xFFFFFFE0, s23;
	v17 =	vsel vm0, v17, v18;
	v18 =	vsel vm0, v19, v14;
	v14 =	vld [tilespmem:s28+$0x0]  }
0x132: {  	v19 =	vor.u32 s29, v0;
	s28 =	sadd.s32 $0x80, s28;
	vm0 =	vgt.f32 v13, v17  }
0x133: {  	v20 =	vld [tilespmem:s24+$0xFFFFFF90];
	_ =	sdelay $0x1  }
0x134: {  	v21 =	vld [tilespmem:s24+$0xFFFFFFA0]  }
0x135: {  	v13 =	vsel vm0, v13, v17  }
0x136: {  	v22 =	vld [tilespmem:s24+$0xFFFFFFB0];
	v17 =	vsel vm0, v19, v18;
	s26 =	sadd.s32 $0xFFFFFFF0, s23;
	vm0 =	vgt.f32 v16, v13  }
0x137: {  	v13 =	vsel vm0, v16, v13;
	v16 =	vor.u32 s26, v0;
	vm1 =	vgt.f32 v20, v4  }
0x138: {  	v18 =	vld [tilespmem:s24+$0xFFFFFFC0];
	v16 =	vsel vm0, v16, v17;
	vm0 =	vgt.f32 v14, v13;
	v4 =	vsel vm1, v20, v4  }
0x139: {  	s30 =	simm.s32 $0xA00;
	v14 =	vsel vm0, v14, v13;
	v13 =	vor.u32 s23, v0;
	vm2 =	vgt.f32 v21, v4  }
0x13a: {  	v19 =	vld [tilespmem:s24+$0xFFFFFFD0];
	s31 =	simm.s32 $0xA10;
	v17 =	vor.u32 s30, v0;
	v13 =	vsel vm0, v13, v16;
	v4 =	vsel vm2, v21, v4  }
0x13b: {  	s26 =	simm.s32 $0xA20;
	v15 =	vsel vm1, v17, v15;
	v17 =	vor.u32 s31, v0;
	vm8 =	vgt.f32 v22, v4  }
0x13c: {  	s29 =	simm.s32 $0xA30;
	v16 =	vld [tilespmem:s24+$0xFFFFFFE0];
	v15 =	vsel vm2, v17, v15;
	v17 =	vor.u32 s26, v0;
	v4 =	vsel vm8, v22, v4  }
0x13d: {  	v15 =	vsel vm8, v17, v15;
	v17 =	vor.u32 s29, v0;
	vm0 =	vgt.f32 v18, v4  }
0x13e: {  	s30 =	simm.s32 $0xA40;
	v4 =	vsel vm0, v18, v4;
	v15 =	vsel vm0, v17, v15;
	v17 =	vld [tilespmem:s24+$0xFFFFFFF0]  }
0x13f: {  	v20 =	vor.u32 s30, v0;
	vm1 =	vgt.f32 v19, v4  }
0x140: {  	s31 =	simm.s32 $0xA50;
	v18 =	vsel vm1, v19, v4;
	v19 =	vsel vm1, v20, v15;
	v15 =	vld [tilespmem:s24+$0x0]  }
0x141: {  	s28 =	simm.s32 $0xB70;
	s26 =	simm.s32 $0x0;
	v20 =	vor.u32 s31, v0;
	vm0 =	vgt.f32 v16, v18  }
.LBB2_15:
0x142: {  	v4 =	vld [tilespmem:s28+$0xFFFFFF90];
	s26 =	sadd.s32 $0x8, s26;
	v16 =	vsel vm0, v16, v18;
	v18 =	vsel vm0, v20, v19;
	s23 =	sadd.s32 $0xFFFFFFF0, s25  }
0x143: {  	p0 =	slt.u32 s26, $0x18;
	v19 =	vor.u32 s23, v0;
	vm0 =	vgt.f32 v17, v16  }
0x144: {  	v20 =	vld [tilespmem:s28+$0xFFFFFFA0];
	v16 =	vsel vm0, v17, v16;
	v17 =	vsel vm0, v19, v18  }
0x145: {  	s23 =	simm.s32 $0xCF0;
	v18 =	vor.u32 s25, v0;
	s25 =	sadd.s32 $0x80, s25;
	vm0 =	vgt.f32 v15, v16  }
0x146: {  	s24 =	simm.s32 $0xC70;
	s29 =	sadd.s32 $0xFFFFFF90, s25;
	v19 =	vld [tilespmem:s28+$0xFFFFFFB0];
	v15 =	vsel vm0, v15, v16;
	v16 =	vsel vm0, v18, v17  }
0x147: {  	v17 =	vor.u32 s29, v0;
	vm0 =	vgt.f32 v4, v15  }
0x148: {  	s29 =	sadd.s32 $0xFFFFFFA0, s25;
	v4 =	vsel vm0, v4, v15;
	v15 =	vsel vm0, v17, v16;
	v17 =	vld [tilespmem:s28+$0xFFFFFFC0]  }
0x149: {  	v16 =	vor.u32 s29, v0;
	vm0 =	vgt.f32 v20, v4  }
0x14a: {  	s29 =	sadd.s32 $0xFFFFFFB0, s25;
	v4 =	vsel vm0, v20, v4;
	v15 =	vsel vm0, v16, v15;
	v18 =	vld [tilespmem:s28+$0xFFFFFFD0]  }
0x14b: {  	v16 =	vor.u32 s29, v0;
	vm0 =	vgt.f32 v19, v4  }
0x14c: {  	s29 =	sadd.s32 $0xFFFFFFC0, s25;
	v4 =	vsel vm0, v19, v4;
	v15 =	vsel vm0, v16, v15;
	v16 =	vld [tilespmem:s28+$0xFFFFFFE0]  }
.Ltmp6:
0x14d: {  	v19 =	vor.u32 s29, v0;
	vm0 =	vgt.f32 v17, v4;
	(pc) =	sbr.rel @p0 .LBB2_15-.Ltmp6, $4  }
0x14e: {  	s29 =	sadd.s32 $0xFFFFFFD0, s25;
	v4 =	vsel vm0, v17, v4;
	v15 =	vsel vm0, v19, v15;
	v17 =	vld [tilespmem:s28+$0xFFFFFFF0]  }
0x14f: {  	v19 =	vor.u32 s29, v0;
	vm0 =	vgt.f32 v18, v4  }
0x150: {  	s29 =	sadd.s32 $0xFFFFFFE0, s25;
	v18 =	vsel vm0, v18, v4;
	v19 =	vsel vm0, v19, v15;
	v15 =	vld [tilespmem:s28+$0x0]  }
0x151: {  	v20 =	vor.u32 s29, v0;
	s28 =	sadd.s32 $0x80, s28;
	vm0 =	vgt.f32 v16, v18  }
0x152: {  	v21 =	vld [tilespmem:s23+$0xFFFFFF90];
	_ =	sdelay $0x1  }
0x153: {  	v22 =	vld [tilespmem:s23+$0xFFFFFFA0];
	_ =	sdelay $0x1  }
0x154: {  	v4 =	vimm.f32 $-Inf;
	v23 =	vld [tilespmem:s23+$0xFFFFFFB0]  }
0x155: {  	v16 =	vsel vm0, v16, v18;
	v18 =	vsel vm0, v20, v19;
	s26 =	sadd.s32 $0xFFFFFFF0, s25;
	vm0 =	vgt.f32 v21, v4  }
0x156: {  	v19 =	vor.u32 s26, v0;
	vm1 =	vgt.f32 v17, v16;
	v20 =	vsel vm0, v21, v4;
	v21 =	vld [tilespmem:s23+$0xFFFFFFC0]  }
0x157: {  	v16 =	vsel vm1, v17, v16;
	v17 =	vsel vm1, v19, v18;
	vm1 =	vgt.f32 v22, v20  }
0x158: {  	v18 =	vor.u32 s25, v0;
	vm2 =	vgt.f32 v15, v16;
	v20 =	vsel vm1, v22, v20  }
0x159: {  	s30 =	simm.s32 $0xC00;
	v16 =	vsel vm2, v15, v16;
	v15 =	vsel vm2, v18, v17;
	vm2 =	vgt.f32 v23, v20  }
0x15a: {  	s31 =	simm.s32 $0xC10;
	v19 =	vimm.s32 $0x0;
	v18 =	vor.u32 s30, v0;
	v22 =	vld [tilespmem:s23+$0xFFFFFFD0];
	v20 =	vsel vm2, v23, v20  }
0x15b: {  	s26 =	simm.s32 $0xC20;
	v18 =	vsel vm0, v18, v19;
	v23 =	vor.u32 s31, v0;
	vm0 =	vgt.f32 v21, v20  }
0x15c: {  	s29 =	simm.s32 $0xC30;
	v17 =	vld [tilespmem:s23+$0xFFFFFFE0];
	v18 =	vsel vm1, v23, v18;
	v21 =	vsel vm0, v21, v20;
	v20 =	vor.u32 s26, v0  }
0x15d: {  	v18 =	vsel vm2, v20, v18;
	v20 =	vor.u32 s29, v0  }
0x15e: {  	s30 =	simm.s32 $0xC40;
	v18 =	vsel vm0, v20, v18;
	v20 =	vld [tilespmem:s23+$0xFFFFFFF0]  }
0x15f: {  	v23 =	vor.u32 s30, v0;
	vm1 =	vgt.f32 v22, v21  }
0x160: {  	s31 =	simm.s32 $0xC50;
	v21 =	vsel vm1, v22, v21;
	v22 =	vsel vm1, v23, v18;
	v18 =	vld [tilespmem:s23+$0x0]  }
0x161: {  	s28 =	simm.s32 $0xD70;
	s26 =	simm.s32 $0x0;
	v23 =	vor.u32 s31, v0;
	vm0 =	vgt.f32 v17, v21  }
.LBB2_17:
0x162: {  	v24 =	vld [tilespmem:s28+$0xFFFFFF90];
	s26 =	sadd.s32 $0x8, s26;
	v17 =	vsel vm0, v17, v21;
	v21 =	vsel vm0, v23, v22;
	s23 =	sadd.s32 $0xFFFFFFF0, s24  }
0x163: {  	p0 =	slt.u32 s26, $0x18;
	v22 =	vor.u32 s23, v0;
	vm0 =	vgt.f32 v20, v17  }
0x164: {  	v23 =	vld [tilespmem:s28+$0xFFFFFFA0];
	v17 =	vsel vm0, v20, v17;
	v20 =	vsel vm0, v22, v21  }
0x165: {  	v21 =	vor.u32 s24, v0;
	s24 =	sadd.s32 $0x80, s24;
	vm0 =	vgt.f32 v18, v17  }
0x166: {  	s25 =	simm.s32 $0xEF0;
	s23 =	simm.s32 $0xE70;
	s29 =	sadd.s32 $0xFFFFFF90, s24;
	v22 =	vld [tilespmem:s28+$0xFFFFFFB0];
	v17 =	vsel vm0, v18, v17;
	v18 =	vsel vm0, v21, v20  }
0x167: {  	v20 =	vor.u32 s29, v0;
	vm0 =	vgt.f32 v24, v17  }
0x168: {  	s29 =	sadd.s32 $0xFFFFFFA0, s24;
	v17 =	vsel vm0, v24, v17;
	v18 =	vsel vm0, v20, v18;
	v20 =	vld [tilespmem:s28+$0xFFFFFFC0]  }
0x169: {  	v21 =	vor.u32 s29, v0;
	vm0 =	vgt.f32 v23, v17  }
0x16a: {  	s29 =	sadd.s32 $0xFFFFFFB0, s24;
	v17 =	vsel vm0, v23, v17;
	v18 =	vsel vm0, v21, v18;
	v21 =	vld [tilespmem:s28+$0xFFFFFFD0]  }
0x16b: {  	v23 =	vor.u32 s29, v0;
	vm0 =	vgt.f32 v22, v17  }
0x16c: {  	s29 =	sadd.s32 $0xFFFFFFC0, s24;
	v22 =	vsel vm0, v22, v17;
	v18 =	vsel vm0, v23, v18;
	v17 =	vld [tilespmem:s28+$0xFFFFFFE0]  }
.Ltmp7:
0x16d: {  	v23 =	vor.u32 s29, v0;
	vm0 =	vgt.f32 v20, v22;
	(pc) =	sbr.rel @p0 .LBB2_17-.Ltmp7, $4  }
0x16e: {  	s29 =	sadd.s32 $0xFFFFFFD0, s24;
	v22 =	vsel vm0, v20, v22;
	v18 =	vsel vm0, v23, v18;
	v20 =	vld [tilespmem:s28+$0xFFFFFFF0]  }
0x16f: {  	v23 =	vor.u32 s29, v0;
	vm0 =	vgt.f32 v21, v22  }
0x170: {  	s29 =	sadd.s32 $0xFFFFFFE0, s24;
	v21 =	vsel vm0, v21, v22;
	v22 =	vsel vm0, v23, v18;
	v18 =	vld [tilespmem:s28+$0x0]  }
0x171: {  	v23 =	vor.u32 s29, v0;
	s28 =	sadd.s32 $0x80, s28;
	vm0 =	vgt.f32 v17, v21  }
0x172: {  	v24 =	vld [tilespmem:s25+$0xFFFFFF90];
	_ =	sdelay $0x1  }
0x173: {  	v25 =	vld [tilespmem:s25+$0xFFFFFFA0]  }
0x174: {  	v17 =	vsel vm0, v17, v21  }
0x175: {  	v26 =	vld [tilespmem:s25+$0xFFFFFFB0];
	v21 =	vsel vm0, v23, v22;
	s26 =	sadd.s32 $0xFFFFFFF0, s24;
	vm0 =	vgt.f32 v20, v17  }
0x176: {  	v17 =	vsel vm0, v20, v17;
	v20 =	vor.u32 s26, v0;
	vm1 =	vgt.f32 v24, v4  }
0x177: {  	v22 =	vld [tilespmem:s25+$0xFFFFFFC0];
	v20 =	vsel vm0, v20, v21;
	vm0 =	vgt.f32 v18, v17;
	v4 =	vsel vm1, v24, v4  }
0x178: {  	s31 =	simm.s32 $0xE00;
	v18 =	vsel vm0, v18, v17;
	v17 =	vor.u32 s24, v0;
	vm2 =	vgt.f32 v25, v4  }
0x179: {  	v23 =	vld [tilespmem:s25+$0xFFFFFFD0];
	s26 =	simm.s32 $0xE10;
	v21 =	vor.u32 s31, v0;
	v17 =	vsel vm0, v17, v20;
	v4 =	vsel vm2, v25, v4  }
0x17a: {  	s28 =	simm.s32 $0xE20;
	v19 =	vsel vm1, v21, v19;
	v21 =	vor.u32 s26, v0;
	vm8 =	vgt.f32 v26, v4  }
0x17b: {  	s29 =	simm.s32 $0xE30;
	v20 =	vld [tilespmem:s25+$0xFFFFFFE0];
	v19 =	vsel vm2, v21, v19;
	v21 =	vor.u32 s28, v0;
	v4 =	vsel vm8, v26, v4  }
0x17c: {  	v19 =	vsel vm8, v21, v19;
	v21 =	vor.u32 s29, v0;
	vm0 =	vgt.f32 v22, v4  }
0x17d: {  	s30 =	simm.s32 $0xE40;
	v4 =	vsel vm0, v22, v4;
	v19 =	vsel vm0, v21, v19;
	v21 =	vld [tilespmem:s25+$0xFFFFFFF0]  }
0x17e: {  	v22 =	vor.u32 s30, v0;
	vm1 =	vgt.f32 v23, v4  }
0x17f: {  	s31 =	simm.s32 $0xE50;
	v23 =	vsel vm1, v23, v4;
	v4 =	vsel vm1, v22, v19;
	v22 =	vld [tilespmem:s25+$0x0]  }
0x180: {  	s24 =	simm.s32 $0x0;
	v19 =	vor.u32 s31, v0;
	s25 =	simm.s32 $0xF70;
	vm8 =	vgt.f32 v20, v23  }
.LBB2_19:
0x181: {  	v24 =	vld [tilespmem:s25+$0xFFFFFF90];
	s24 =	sadd.s32 $0x8, s24;
	v20 =	vsel vm8, v20, v23;
	v4 =	vsel vm8, v19, v4;
	s26 =	sadd.s32 $0xFFFFFFF0, s23  }
0x182: {  	p0 =	slt.u32 s24, $0x18;
	v19 =	vor.u32 s26, v0;
	vm0 =	vgt.f32 v21, v20  }
0x183: {  	v23 =	vld [tilespmem:s25+$0xFFFFFFA0];
	v20 =	vsel vm0, v21, v20;
	v4 =	vsel vm0, v19, v4  }
0x184: {  	v19 =	vor.u32 s23, v0;
	s23 =	sadd.s32 $0x80, s23;
	vm0 =	vgt.f32 v22, v20  }
0x185: {  	s26 =	sadd.s32 $0xFFFFFF90, s23;
	v21 =	vld [tilespmem:s25+$0xFFFFFFB0];
	v20 =	vsel vm0, v22, v20;
	v4 =	vsel vm0, v19, v4  }
0x186: {  	v19 =	vor.u32 s26, v0;
	vm0 =	vgt.f32 v24, v20  }
0x187: {  	s26 =	sadd.s32 $0xFFFFFFA0, s23;
	v20 =	vsel vm0, v24, v20;
	v4 =	vsel vm0, v19, v4;
	v19 =	vld [tilespmem:s25+$0xFFFFFFC0]  }
0x188: {  	v22 =	vor.u32 s26, v0;
	vm0 =	vgt.f32 v23, v20  }
0x189: {  	s26 =	sadd.s32 $0xFFFFFFB0, s23;
	v20 =	vsel vm0, v23, v20;
	v4 =	vsel vm0, v22, v4;
	v22 =	vld [tilespmem:s25+$0xFFFFFFD0]  }
0x18a: {  	v23 =	vor.u32 s26, v0;
	vm0 =	vgt.f32 v21, v20  }
0x18b: {  	s26 =	sadd.s32 $0xFFFFFFC0, s23;
	v21 =	vsel vm0, v21, v20;
	v4 =	vsel vm0, v23, v4;
	v20 =	vld [tilespmem:s25+$0xFFFFFFE0]  }
.Ltmp8:
0x18c: {  	v23 =	vor.u32 s26, v0;
	vm0 =	vgt.f32 v19, v21;
	(pc) =	sbr.rel @p0 .LBB2_19-.Ltmp8, $4  }
0x18d: {  	s26 =	sadd.s32 $0xFFFFFFD0, s23;
	v19 =	vsel vm0, v19, v21;
	v4 =	vsel vm0, v23, v4;
	v21 =	vld [tilespmem:s25+$0xFFFFFFF0]  }
0x18e: {  	v24 =	vor.u32 s26, v0;
	vm0 =	vgt.f32 v22, v19  }
0x18f: {  	s26 =	sadd.s32 $0xFFFFFFE0, s23;
	v23 =	vsel vm0, v22, v19;
	v4 =	vsel vm0, v24, v4;
	v22 =	vld [tilespmem:s25+$0x0]  }
0x190: {  	v19 =	vor.u32 s26, v0;
	s25 =	sadd.s32 $0x80, s25;
	vm8 =	vgt.f32 v20, v23  }
0x191: {  	v24 =	vmax.f32 v6, v8  }
0x192: {  	v20 =	vsel vm8, v20, v23;
	v23 =	vmax.f32 v24, v10  }
0x193: {  	vm10 =	vgt.f32 v21, v20;
	v23 =	vmax.f32 v23, v12  }
0x194: {  	v20 =	vsel vm10, v21, v20;
	v21 =	vmax.f32 v23, v14  }
0x195: {  	vm9 =	vgt.f32 v22, v20;
	v21 =	vmax.f32 v21, v16  }
0x196: {  	v20 =	vsel vm9, v22, v20;
	v21 =	vmax.f32 v21, v18  }
0x197: {  	v21 =	vmax.f32 v21, v20  }
0x198: {  	(xrf0) =	vmax.scan.msk.f32 $0xffff, v21;
	_ =	sdelay $0x5  }
0x199: {  	v21, _, _ =	vpop (xrf0)  }
0x19a: {  	v22 =	vbroadcast v21, $0xF  }
0x19b: {  	vm0 =	vlt.s32 v5, $0x40000000  }
0x19c: {  	v21 =	vnsel vm0, $0x40000000, v5;
	vm0 =	veq.f32 v6, v22  }
0x19d: {  	v21 =	vnsel vm0, $0x40000000, v21  }
0x19e: {  	vm0 =	vlt.s32 v21, v7  }
0x19f: {  	v23 =	vsel vm0, v21, v7;
	vm0 =	veq.f32 v8, v22  }
0x1a0: {  	v21 =	vsel vm0, v23, v21  }
0x1a1: {  	vm0 =	vlt.s32 v21, v9  }
0x1a2: {  	v23 =	vsel vm0, v21, v9;
	vm0 =	veq.f32 v10, v22  }
0x1a3: {  	v21 =	vsel vm0, v23, v21  }
0x1a4: {  	vm0 =	vlt.s32 v21, v11  }
0x1a5: {  	v23 =	vsel vm0, v21, v11;
	vm0 =	veq.f32 v12, v22  }
0x1a6: {  	v21 =	vsel vm0, v23, v21  }
0x1a7: {  	vm0 =	vlt.s32 v21, v13  }
0x1a8: {  	v23 =	vsel vm0, v21, v13;
	vm0 =	veq.f32 v14, v22  }
0x1a9: {  	v21 =	vsel vm0, v23, v21  }
0x1aa: {  	vm0 =	vlt.s32 v21, v15  }
0x1ab: {  	s24 =	sadd.s32 $0xFFFFFFF0, s23;
	v23 =	vsel vm0, v21, v15;
	vm0 =	veq.f32 v16, v22  }
0x1ac: {  	v4 =	vsel vm8, v19, v4;
	v19 =	vor.u32 s24, v0;
	v23 =	vsel vm0, v23, v21  }
0x1ad: {  	v4 =	vsel vm10, v19, v4;
	vm0 =	vlt.s32 v23, v17  }
0x1ae: {  	v19 =	vor.u32 s23, v0;
	vm1 =	veq.f32 v18, v22;
	v24 =	vsel vm0, v23, v17  }
0x1af: {  	v21 =	vsel vm9, v19, v4;
	v4 =	vsel vm1, v24, v23  }
0x1b0: {  	vm0 =	vlt.s32 v4, v21  }
0x1b1: {  	vm1 =	veq.f32 v20, v22;
	v19 =	vsel vm0, v4, v21  }
0x1b2: {  	v4 =	vsel vm1, v19, v4  }
0x1b3: {  	v4 =	vxor.u32 $0x80000000, v4  }
0x1b4: {  	(xrf0) =	vmin.scan.msk.u32 $0xffff, v4;
	_ =	sdelay $0x5  }
0x1b5: {  	v4, _, _ =	vpop (xrf0)  }
0x1b6: {  	(v2sf) =	vpush v4, $0xF;
	_ =	sdelay $0xe  }
0x1b7: {  	s30 =	spop (v2sf)  }
0x1b8: {  	s31 =	sxor.u32 $0x80000000, s30  }
0x1b9: {  	p1 =	sgt.s32 s30, $0xFFFFFFFF;
	s23 =	sand.u32 $0x1FF, s30;
	p0 =	slt.s32 s31, $0x1  }
0x1ba: {  	s25 =	sshra.s32 s31, $0x1F;
	p6 =	sne.s32 s23, $0x0;
	p0 =	por p1, p0  }
0x1bb: {  	v4 =	vmov s31;
	s26 =	sshrl.u32 s25, $0x17;
	p0 =	por !p6, !p0  }
0x1bc: {  	s24 =	simm.s32 $0x1;
	s23 =	sadd.s32 s26, s31;
	p0 =	por !p0, !p0  }
0x1bd: {  	s23 =	sshra.s32 s23, $0x9;
	s24 =	simm.s32 @!p0 $0x0  }
0x1be: {  	s24 =	ssub.s32 s23, s24  }
0x1bf: {  	v19 =	vimm.f32 $-Inf;
	s30 =	simm.s32 $0x0;
	s25 =	sshll.u32 s24, $0x9  }
0x1c0: {  	[tilespmem:v4+s10+$0x0] =	vst.idx.msk $0x1, v19;
	s23 =	sor.u32 s30, s25  }
0x1c1: {  	v22 =	vld [tilespmem:s23+$0x80];
	_ =	sdelay $0x1  }
0x1c2: {  	v23 =	vld [tilespmem:s23+$0x90];
	_ =	sdelay $0x1  }
0x1c3: {  	v24 =	vld [tilespmem:s23+$0xA0]  }
0x1c4: {  	vm0 =	vgt.f32 v22, v19  }
0x1c5: {  	v19 =	vsel vm0, v22, v19  }
0x1c6: {  	vm1 =	vgt.f32 v23, v19  }
0x1c7: {  	v22 =	vld [tilespmem:s23+$0xB0];
	v19 =	vsel vm1, v23, v19  }
0x1c8: {  	v26 =	vor.u32 s23, v0;
	s26 =	sor.u32 $0x10, s23;
	v23 =	vimm.s32 $0x0;
	vm2 =	vgt.f32 v24, v19  }
0x1c9: {  	v25 =	vld [tilespmem:s23+$0xC0];
	s31 =	sor.u32 $0x20, s23;
	v23 =	vsel vm0, v26, v23;
	v24 =	vsel vm2, v24, v19;
	v19 =	vor.u32 s26, v0  }
0x1ca: {  	v19 =	vsel vm1, v19, v23;
	v23 =	vor.u32 s31, v0  }
0x1cb: {  	s30 =	sor.u32 $0x30, s23;
	v23 =	vsel vm2, v23, v19;
	v19 =	vld [tilespmem:s23+$0xD0]  }
0x1cc: {  	v26 =	vor.u32 s30, v0;
	vm0 =	vgt.f32 v22, v24  }
0x1cd: {  	s31 =	sor.u32 $0x40, s23;
	v22 =	vsel vm0, v22, v24;
	v24 =	vsel vm0, v26, v23;
	v23 =	vld [tilespmem:s23+$0xE0]  }
0x1ce: {  	v26 =	vor.u32 s31, v0;
	vm0 =	vgt.f32 v25, v22  }
0x1cf: {  	s28 =	simm.s32 $0x80;
	s29 =	sor.u32 $0x50, s23;
	s26 =	simm.s32 $0x0;
	v25 =	vsel vm0, v25, v22;
	v22 =	vsel vm0, v26, v24;
	v24 =	vld [tilespmem:s23+$0xF0]  }
.LBB2_21:
0x1d0: {  	s30 =	sor.u32 s28, s25;
	s26 =	sadd.s32 $0x8, s26;
	v26 =	vor.u32 s29, v0;
	vm0 =	vgt.f32 v19, v25  }
0x1d1: {  	s29 =	sor.u32 $0x60, s23;
	v27 =	vld [tilespmem:s30+$0x80];
	p0 =	slt.u32 s26, $0x18;
	v19 =	vsel vm0, v19, v25;
	v22 =	vsel vm0, v26, v22  }
0x1d2: {  	v25 =	vor.u32 s29, v0;
	vm0 =	vgt.f32 v23, v19  }
0x1d3: {  	s29 =	sor.u32 $0x70, s23;
	s23 =	smov.u32 s30;
	v26 =	vld [tilespmem:s30+$0x90];
	v19 =	vsel vm0, v23, v19;
	v22 =	vsel vm0, v25, v22  }
0x1d4: {  	v23 =	vor.u32 s29, v0;
	vm0 =	vgt.f32 v24, v19  }
0x1d5: {  	v25 =	vld [tilespmem:s23+$0xA0];
	v19 =	vsel vm0, v24, v19;
	v22 =	vsel vm0, v23, v22  }
0x1d6: {  	v23 =	vor.u32 s23, v0;
	vm0 =	vgt.f32 v27, v19  }
0x1d7: {  	s29 =	sor.u32 $0x10, s23;
	v19 =	vsel vm0, v27, v19;
	v22 =	vsel vm0, v23, v22;
	v23 =	vld [tilespmem:s23+$0xB0]  }
0x1d8: {  	v24 =	vor.u32 s29, v0;
	vm0 =	vgt.f32 v26, v19  }
0x1d9: {  	s29 =	sor.u32 $0x20, s23;
	v19 =	vsel vm0, v26, v19;
	v22 =	vsel vm0, v24, v22;
	v24 =	vld [tilespmem:s23+$0xC0]  }
0x1da: {  	v26 =	vor.u32 s29, v0;
	vm0 =	vgt.f32 v25, v19  }
.Ltmp9:
0x1db: {  	s29 =	sor.u32 $0x30, s23;
	v25 =	vsel vm0, v25, v19;
	v22 =	vsel vm0, v26, v22;
	v19 =	vld [tilespmem:s23+$0xD0];
	(pc) =	sbr.rel @p0 .LBB2_21-.Ltmp9, $4  }
0x1dc: {  	v26 =	vor.u32 s29, v0;
	vm0 =	vgt.f32 v23, v25  }
0x1dd: {  	s29 =	sor.u32 $0x40, s23;
	v25 =	vsel vm0, v23, v25;
	v22 =	vsel vm0, v26, v22;
	v23 =	vld [tilespmem:s23+$0xE0]  }
0x1de: {  	v26 =	vor.u32 s29, v0;
	vm0 =	vgt.f32 v24, v25  }
0x1df: {  	s28 =	sadd.s32 $0x80, s28;
	s29 =	sor.u32 $0x50, s23;
	v25 =	vsel vm0, v24, v25;
	v22 =	vsel vm0, v26, v22;
	v24 =	vld [tilespmem:s23+$0xF0]  }
0x1e0: {  	vm2 =	vgt.f32 v19, v25  }
0x1e1: {  	v19 =	vsel vm2, v19, v25  }
0x1e2: {  	vm15 =	vgt.f32 v23, v19  }
0x1e3: {  	v19 =	vsel vm15, v23, v19  }
0x1e4: {  	v23 =	vmov s24;
	vm0 =	vgt.f32 v24, v19  }
0x1e5: {  	vm1 =	veq.s32 v23, $0x0;
	vm14 =	veq.s32 v23, $0x1;
	v24 =	vsel vm0, v24, v19  }
0x1e6: {  	vm13 =	veq.s32 v23, $0x2;
	v6 =	vsel vm1, v24, v6;
	v19 =	vsel vm14, v24, v8  }
0x1e7: {  	vm12 =	veq.s32 v23, $0x3;
	v10 =	vsel vm13, v24, v10;
	v8 =	vmax.f32 v6, v19  }
0x1e8: {  	vm11 =	veq.s32 v23, $0x4;
	v12 =	vsel vm12, v24, v12;
	v8 =	vmax.f32 v8, v10  }
0x1e9: {  	vm10 =	veq.s32 v23, $0x5;
	v14 =	vsel vm11, v24, v14;
	v8 =	vmax.f32 v8, v12  }
0x1ea: {  	vm9 =	veq.s32 v23, $0x6;
	v16 =	vsel vm10, v24, v16;
	v8 =	vmax.f32 v8, v14  }
0x1eb: {  	vm8 =	veq.s32 v23, $0x7;
	v18 =	vsel vm9, v24, v18;
	v8 =	vmax.f32 v8, v16  }
0x1ec: {  	v20 =	vsel vm8, v24, v20;
	v8 =	vmax.f32 v8, v18  }
0x1ed: {  	v8 =	vmax.f32 v8, v20  }
0x1ee: {  	(xrf0) =	vmax.scan.msk.f32 $0xffff, v8;
	_ =	sdelay $0x2  }
0x1ef: {  	s25 =	sor.u32 $0x60, s23;
	v8 =	vor.u32 s29, v0  }
0x1f0: {  	s26 =	sor.u32 $0x70, s23;
	v8 =	vsel vm2, v8, v22;
	v22 =	vor.u32 s25, v0  }
0x1f1: {  	v8 =	vsel vm15, v22, v8;
	v22 =	vor.u32 s26, v0  }
0x1f2: {  	v22 =	vsel vm0, v22, v8;
	v23, _, _ =	vpop (xrf0)  }
0x1f3: {  	v8 =	vsel vm1, v22, v5;
	v5 =	vbroadcast v23, $0xF  }
0x1f4: {  	vm0 =	vlt.s32 v8, $0x40000000  }
0x1f5: {  	v23 =	vnsel vm0, $0x40000000, v8;
	vm0 =	veq.f32 v6, v5  }
0x1f6: {  	v7 =	vsel vm14, v22, v7;
	v23 =	vnsel vm0, $0x40000000, v23  }
0x1f7: {  	vm0 =	vlt.s32 v23, v7  }
0x1f8: {  	v24 =	vsel vm0, v23, v7;
	vm0 =	veq.f32 v19, v5  }
0x1f9: {  	v9 =	vsel vm13, v22, v9;
	v23 =	vsel vm0, v24, v23  }
0x1fa: {  	vm0 =	vlt.s32 v23, v9  }
0x1fb: {  	v24 =	vsel vm0, v23, v9;
	vm0 =	veq.f32 v10, v5  }
0x1fc: {  	v11 =	vsel vm12, v22, v11;
	v23 =	vsel vm0, v24, v23  }
0x1fd: {  	vm0 =	vlt.s32 v23, v11  }
0x1fe: {  	v24 =	vsel vm0, v23, v11;
	vm0 =	veq.f32 v12, v5  }
0x1ff: {  	v13 =	vsel vm11, v22, v13;
	v23 =	vsel vm0, v24, v23  }
0x200: {  	vm0 =	vlt.s32 v23, v13  }
0x201: {  	v24 =	vsel vm0, v23, v13;
	vm0 =	veq.f32 v14, v5  }
0x202: {  	v15 =	vsel vm10, v22, v15;
	v23 =	vsel vm0, v24, v23  }
0x203: {  	vm0 =	vlt.s32 v23, v15  }
0x204: {  	v24 =	vsel vm0, v23, v15;
	vm0 =	veq.f32 v16, v5  }
0x205: {  	v17 =	vsel vm9, v22, v17;
	v23 =	vsel vm0, v24, v23  }
0x206: {  	vm0 =	vlt.s32 v23, v17  }
0x207: {  	vm1 =	veq.f32 v18, v5;
	v24 =	vsel vm0, v23, v17  }
0x208: {  	v21 =	vsel vm8, v22, v21;
	v22 =	vsel vm1, v24, v23  }
0x209: {  	vm0 =	vlt.s32 v22, v21  }
0x20a: {  	vm1 =	veq.f32 v20, v5;
	v5 =	vsel vm0, v22, v21  }
0x20b: {  	v5 =	vsel vm1, v5, v22  }
0x20c: {  	v5 =	vxor.u32 $0x80000000, v5  }
0x20d: {  	(xrf0) =	vmin.scan.msk.u32 $0xffff, v5;
	_ =	sdelay $0x5  }
0x20e: {  	v5, _, _ =	vpop (xrf0)  }
0x20f: {  	(v2sf) =	vpush v5, $0xF;
	_ =	sdelay $0xe  }
0x210: {  	s30 =	spop (v2sf)  }
0x211: {  	s31 =	sxor.u32 $0x80000000, s30  }
0x212: {  	p1 =	sgt.s32 s30, $0xFFFFFFFF;
	s23 =	sand.u32 $0x1FF, s30;
	p0 =	slt.s32 s31, $0x1  }
0x213: {  	s25 =	sshra.s32 s31, $0x1F;
	p6 =	sne.s32 s23, $0x0;
	p0 =	por p1, p0  }
0x214: {  	v5 =	vmov s31;
	s26 =	sshrl.u32 s25, $0x17;
	p0 =	por !p6, !p0  }
0x215: {  	s24 =	simm.s32 $0x1;
	s23 =	sadd.s32 s26, s31;
	p0 =	por !p0, !p0  }
0x216: {  	s23 =	sshra.s32 s23, $0x9;
	s24 =	simm.s32 @!p0 $0x0  }
0x217: {  	s24 =	ssub.s32 s23, s24  }
0x218: {  	v22 =	vimm.f32 $-Inf;
	s30 =	simm.s32 $0x0;
	s25 =	sshll.u32 s24, $0x9  }
0x219: {  	[tilespmem:v5+s10+$0x0] =	vst.idx.msk $0x1, v22;
	s23 =	sor.u32 s30, s25  }
0x21a: {  	v23 =	vld [tilespmem:s23+$0x80];
	_ =	sdelay $0x1  }
0x21b: {  	v24 =	vld [tilespmem:s23+$0x90];
	_ =	sdelay $0x1  }
0x21c: {  	v25 =	vld [tilespmem:s23+$0xA0]  }
0x21d: {  	vm0 =	vgt.f32 v23, v22  }
0x21e: {  	v22 =	vsel vm0, v23, v22  }
0x21f: {  	vm1 =	vgt.f32 v24, v22  }
0x220: {  	v23 =	vld [tilespmem:s23+$0xB0];
	v22 =	vsel vm1, v24, v22  }
0x221: {  	v27 =	vor.u32 s23, v0;
	s26 =	sor.u32 $0x10, s23;
	v24 =	vimm.s32 $0x0;
	vm2 =	vgt.f32 v25, v22  }
0x222: {  	v26 =	vld [tilespmem:s23+$0xC0];
	s31 =	sor.u32 $0x20, s23;
	v24 =	vsel vm0, v27, v24;
	v25 =	vsel vm2, v25, v22;
	v22 =	vor.u32 s26, v0  }
0x223: {  	v22 =	vsel vm1, v22, v24;
	v24 =	vor.u32 s31, v0  }
0x224: {  	s30 =	sor.u32 $0x30, s23;
	v24 =	vsel vm2, v24, v22;
	v22 =	vld [tilespmem:s23+$0xD0]  }
0x225: {  	v27 =	vor.u32 s30, v0;
	vm0 =	vgt.f32 v23, v25  }
0x226: {  	s31 =	sor.u32 $0x40, s23;
	v23 =	vsel vm0, v23, v25;
	v25 =	vsel vm0, v27, v24;
	v24 =	vld [tilespmem:s23+$0xE0]  }
0x227: {  	v27 =	vor.u32 s31, v0;
	vm0 =	vgt.f32 v26, v23  }
0x228: {  	s28 =	simm.s32 $0x80;
	s29 =	sor.u32 $0x50, s23;
	s26 =	simm.s32 $0x0;
	v26 =	vsel vm0, v26, v23;
	v23 =	vsel vm0, v27, v25;
	v25 =	vld [tilespmem:s23+$0xF0]  }
.LBB2_23:
0x229: {  	s30 =	sor.u32 s28, s25;
	s26 =	sadd.s32 $0x8, s26;
	v27 =	vor.u32 s29, v0;
	vm0 =	vgt.f32 v22, v26  }
0x22a: {  	s29 =	sor.u32 $0x60, s23;
	v28 =	vld [tilespmem:s30+$0x80];
	p0 =	slt.u32 s26, $0x18;
	v22 =	vsel vm0, v22, v26;
	v23 =	vsel vm0, v27, v23  }
0x22b: {  	v26 =	vor.u32 s29, v0;
	vm0 =	vgt.f32 v24, v22  }
0x22c: {  	s29 =	sor.u32 $0x70, s23;
	s23 =	smov.u32 s30;
	v27 =	vld [tilespmem:s30+$0x90];
	v22 =	vsel vm0, v24, v22;
	v23 =	vsel vm0, v26, v23  }
0x22d: {  	v24 =	vor.u32 s29, v0;
	vm0 =	vgt.f32 v25, v22  }
0x22e: {  	v26 =	vld [tilespmem:s23+$0xA0];
	v22 =	vsel vm0, v25, v22;
	v23 =	vsel vm0, v24, v23  }
0x22f: {  	v24 =	vor.u32 s23, v0;
	vm0 =	vgt.f32 v28, v22  }
0x230: {  	s29 =	sor.u32 $0x10, s23;
	v22 =	vsel vm0, v28, v22;
	v23 =	vsel vm0, v24, v23;
	v24 =	vld [tilespmem:s23+$0xB0]  }
0x231: {  	v25 =	vor.u32 s29, v0;
	vm0 =	vgt.f32 v27, v22  }
0x232: {  	s29 =	sor.u32 $0x20, s23;
	v22 =	vsel vm0, v27, v22;
	v23 =	vsel vm0, v25, v23;
	v25 =	vld [tilespmem:s23+$0xC0]  }
0x233: {  	v27 =	vor.u32 s29, v0;
	vm0 =	vgt.f32 v26, v22  }
.Ltmp10:
0x234: {  	s29 =	sor.u32 $0x30, s23;
	v26 =	vsel vm0, v26, v22;
	v23 =	vsel vm0, v27, v23;
	v22 =	vld [tilespmem:s23+$0xD0];
	(pc) =	sbr.rel @p0 .LBB2_23-.Ltmp10, $4  }
0x235: {  	v27 =	vor.u32 s29, v0;
	vm0 =	vgt.f32 v24, v26  }
0x236: {  	s29 =	sor.u32 $0x40, s23;
	v26 =	vsel vm0, v24, v26;
	v23 =	vsel vm0, v27, v23;
	v24 =	vld [tilespmem:s23+$0xE0]  }
0x237: {  	v27 =	vor.u32 s29, v0;
	vm0 =	vgt.f32 v25, v26  }
0x238: {  	s28 =	sadd.s32 $0x80, s28;
	s29 =	sor.u32 $0x50, s23;
	v26 =	vsel vm0, v25, v26;
	v23 =	vsel vm0, v27, v23;
	v25 =	vld [tilespmem:s23+$0xF0]  }
0x239: {  	vm2 =	vgt.f32 v22, v26  }
0x23a: {  	v22 =	vsel vm2, v22, v26  }
0x23b: {  	vm0 =	vgt.f32 v24, v22  }
0x23c: {  	v22 =	vsel vm0, v24, v22  }
0x23d: {  	v24 =	vmov s24;
	vm15 =	vgt.f32 v25, v22  }
0x23e: {  	vm1 =	veq.s32 v24, $0x0;
	vm14 =	veq.s32 v24, $0x1;
	v25 =	vsel vm15, v25, v22  }
0x23f: {  	vm13 =	veq.s32 v24, $0x2;
	v22 =	vsel vm1, v25, v6;
	v19 =	vsel vm14, v25, v19  }
0x240: {  	vm12 =	veq.s32 v24, $0x3;
	v10 =	vsel vm13, v25, v10;
	v6 =	vmax.f32 v22, v19  }
0x241: {  	vm11 =	veq.s32 v24, $0x4;
	v12 =	vsel vm12, v25, v12;
	v6 =	vmax.f32 v6, v10  }
0x242: {  	vm10 =	veq.s32 v24, $0x5;
	v14 =	vsel vm11, v25, v14;
	v6 =	vmax.f32 v6, v12  }
0x243: {  	vm9 =	veq.s32 v24, $0x6;
	v16 =	vsel vm10, v25, v16;
	v6 =	vmax.f32 v6, v14  }
0x244: {  	vm8 =	veq.s32 v24, $0x7;
	v18 =	vsel vm9, v25, v18;
	v6 =	vmax.f32 v6, v16  }
0x245: {  	v20 =	vsel vm8, v25, v20;
	v6 =	vmax.f32 v6, v18  }
0x246: {  	v6 =	vmax.f32 v6, v20  }
0x247: {  	(xrf0) =	vmax.scan.msk.f32 $0xffff, v6  }
0x248: {  	s25 =	sor.u32 $0x60, s23;
	v6 =	vor.u32 s29, v0  }
0x249: {  	s26 =	sor.u32 $0x70, s23;
	v6 =	vsel vm2, v6, v23;
	v23 =	vor.u32 s25, v0  }
0x24a: {  	v6 =	vsel vm0, v23, v6;
	v23 =	vor.u32 s26, v0;
	_ =	sdelay $0x2  }
0x24b: {  	v6 =	vsel vm15, v23, v6;
	v23, _, _ =	vpop (xrf0)  }
0x24c: {  	v8 =	vsel vm1, v6, v8;
	v23 =	vbroadcast v23, $0xF  }
0x24d: {  	vm0 =	vlt.s32 v8, $0x40000000  }
0x24e: {  	v24 =	vnsel vm0, $0x40000000, v8;
	vm0 =	veq.f32 v22, v23  }
0x24f: {  	v7 =	vsel vm14, v6, v7;
	v24 =	vnsel vm0, $0x40000000, v24  }
0x250: {  	vm0 =	vlt.s32 v24, v7  }
0x251: {  	v25 =	vsel vm0, v24, v7;
	vm0 =	veq.f32 v19, v23  }
0x252: {  	v9 =	vsel vm13, v6, v9;
	v24 =	vsel vm0, v25, v24  }
0x253: {  	vm0 =	vlt.s32 v24, v9  }
0x254: {  	v25 =	vsel vm0, v24, v9;
	vm0 =	veq.f32 v10, v23  }
0x255: {  	v11 =	vsel vm12, v6, v11;
	v24 =	vsel vm0, v25, v24  }
0x256: {  	vm0 =	vlt.s32 v24, v11  }
0x257: {  	v25 =	vsel vm0, v24, v11;
	vm0 =	veq.f32 v12, v23  }
0x258: {  	v13 =	vsel vm11, v6, v13;
	v24 =	vsel vm0, v25, v24  }
0x259: {  	vm0 =	vlt.s32 v24, v13  }
0x25a: {  	v25 =	vsel vm0, v24, v13;
	vm0 =	veq.f32 v14, v23  }
0x25b: {  	v15 =	vsel vm10, v6, v15;
	v24 =	vsel vm0, v25, v24  }
0x25c: {  	vm0 =	vlt.s32 v24, v15  }
0x25d: {  	v25 =	vsel vm0, v24, v15;
	vm0 =	veq.f32 v16, v23  }
0x25e: {  	v17 =	vsel vm9, v6, v17;
	v24 =	vsel vm0, v25, v24  }
0x25f: {  	vm0 =	vlt.s32 v24, v17  }
0x260: {  	vm1 =	veq.f32 v18, v23;
	v25 =	vsel vm0, v24, v17  }
0x261: {  	v21 =	vsel vm8, v6, v21;
	v6 =	vsel vm1, v25, v24  }
0x262: {  	vm0 =	vlt.s32 v6, v21  }
0x263: {  	vm1 =	veq.f32 v20, v23;
	v23 =	vsel vm0, v6, v21  }
0x264: {  	v6 =	vsel vm1, v23, v6  }
0x265: {  	v6 =	vxor.u32 $0x80000000, v6  }
0x266: {  	(xrf0) =	vmin.scan.msk.u32 $0xffff, v6;
	_ =	sdelay $0x5  }
0x267: {  	v6, _, _ =	vpop (xrf0)  }
0x268: {  	(v2sf) =	vpush v6, $0xF;
	_ =	sdelay $0xe  }
0x269: {  	s30 =	spop (v2sf)  }
0x26a: {  	s31 =	sxor.u32 $0x80000000, s30  }
0x26b: {  	p1 =	sgt.s32 s30, $0xFFFFFFFF;
	s23 =	sand.u32 $0x1FF, s30;
	p0 =	slt.s32 s31, $0x1  }
0x26c: {  	s25 =	sshra.s32 s31, $0x1F;
	p6 =	sne.s32 s23, $0x0;
	p0 =	por p1, p0  }
0x26d: {  	v6 =	vmov s31;
	s26 =	sshrl.u32 s25, $0x17;
	p0 =	por !p6, !p0  }
0x26e: {  	s24 =	simm.s32 $0x1;
	s23 =	sadd.s32 s26, s31;
	p0 =	por !p0, !p0  }
0x26f: {  	s23 =	sshra.s32 s23, $0x9;
	s24 =	simm.s32 @!p0 $0x0  }
0x270: {  	s24 =	ssub.s32 s23, s24  }
0x271: {  	v23 =	vimm.f32 $-Inf;
	s30 =	simm.s32 $0x0;
	s25 =	sshll.u32 s24, $0x9  }
0x272: {  	[tilespmem:v6+s10+$0x0] =	vst.idx.msk $0x1, v23;
	s23 =	sor.u32 s30, s25  }
0x273: {  	v24 =	vld [tilespmem:s23+$0x80];
	_ =	sdelay $0x1  }
0x274: {  	v25 =	vld [tilespmem:s23+$0x90];
	_ =	sdelay $0x1  }
0x275: {  	v26 =	vld [tilespmem:s23+$0xA0]  }
0x276: {  	vm0 =	vgt.f32 v24, v23  }
0x277: {  	v23 =	vsel vm0, v24, v23  }
0x278: {  	vm1 =	vgt.f32 v25, v23  }
0x279: {  	v24 =	vld [tilespmem:s23+$0xB0];
	v23 =	vsel vm1, v25, v23  }
0x27a: {  	v28 =	vor.u32 s23, v0;
	s26 =	sor.u32 $0x10, s23;
	v25 =	vimm.s32 $0x0;
	vm2 =	vgt.f32 v26, v23  }
0x27b: {  	v27 =	vld [tilespmem:s23+$0xC0];
	s31 =	sor.u32 $0x20, s23;
	v25 =	vsel vm0, v28, v25;
	v26 =	vsel vm2, v26, v23;
	v23 =	vor.u32 s26, v0  }
0x27c: {  	v23 =	vsel vm1, v23, v25;
	v25 =	vor.u32 s31, v0  }
0x27d: {  	s30 =	sor.u32 $0x30, s23;
	v25 =	vsel vm2, v25, v23;
	v23 =	vld [tilespmem:s23+$0xD0]  }
0x27e: {  	v28 =	vor.u32 s30, v0;
	vm0 =	vgt.f32 v24, v26  }
0x27f: {  	s31 =	sor.u32 $0x40, s23;
	v24 =	vsel vm0, v24, v26;
	v26 =	vsel vm0, v28, v25;
	v25 =	vld [tilespmem:s23+$0xE0]  }
0x280: {  	v28 =	vor.u32 s31, v0;
	vm0 =	vgt.f32 v27, v24  }
0x281: {  	s28 =	simm.s32 $0x80;
	s29 =	sor.u32 $0x50, s23;
	s26 =	simm.s32 $0x0;
	v27 =	vsel vm0, v27, v24;
	v24 =	vsel vm0, v28, v26;
	v26 =	vld [tilespmem:s23+$0xF0]  }
.LBB2_25:
0x282: {  	s30 =	sor.u32 s28, s25;
	s26 =	sadd.s32 $0x8, s26;
	v28 =	vor.u32 s29, v0;
	vm0 =	vgt.f32 v23, v27  }
0x283: {  	s29 =	sor.u32 $0x60, s23;
	v29 =	vld [tilespmem:s30+$0x80];
	p0 =	slt.u32 s26, $0x18;
	v23 =	vsel vm0, v23, v27;
	v24 =	vsel vm0, v28, v24  }
0x284: {  	v27 =	vor.u32 s29, v0;
	vm0 =	vgt.f32 v25, v23  }
0x285: {  	s29 =	sor.u32 $0x70, s23;
	s23 =	smov.u32 s30;
	v28 =	vld [tilespmem:s30+$0x90];
	v23 =	vsel vm0, v25, v23;
	v24 =	vsel vm0, v27, v24  }
0x286: {  	v25 =	vor.u32 s29, v0;
	vm0 =	vgt.f32 v26, v23  }
0x287: {  	v27 =	vld [tilespmem:s23+$0xA0];
	v23 =	vsel vm0, v26, v23;
	v24 =	vsel vm0, v25, v24  }
0x288: {  	v25 =	vor.u32 s23, v0;
	vm0 =	vgt.f32 v29, v23  }
0x289: {  	s29 =	sor.u32 $0x10, s23;
	v23 =	vsel vm0, v29, v23;
	v24 =	vsel vm0, v25, v24;
	v25 =	vld [tilespmem:s23+$0xB0]  }
0x28a: {  	v26 =	vor.u32 s29, v0;
	vm0 =	vgt.f32 v28, v23  }
0x28b: {  	s29 =	sor.u32 $0x20, s23;
	v23 =	vsel vm0, v28, v23;
	v24 =	vsel vm0, v26, v24;
	v26 =	vld [tilespmem:s23+$0xC0]  }
0x28c: {  	v28 =	vor.u32 s29, v0;
	vm0 =	vgt.f32 v27, v23  }
.Ltmp11:
0x28d: {  	s29 =	sor.u32 $0x30, s23;
	v27 =	vsel vm0, v27, v23;
	v24 =	vsel vm0, v28, v24;
	v23 =	vld [tilespmem:s23+$0xD0];
	(pc) =	sbr.rel @p0 .LBB2_25-.Ltmp11, $4  }
0x28e: {  	v28 =	vor.u32 s29, v0;
	vm0 =	vgt.f32 v25, v27  }
0x28f: {  	s29 =	sor.u32 $0x40, s23;
	v27 =	vsel vm0, v25, v27;
	v24 =	vsel vm0, v28, v24;
	v25 =	vld [tilespmem:s23+$0xE0]  }
0x290: {  	v28 =	vor.u32 s29, v0;
	vm0 =	vgt.f32 v26, v27  }
0x291: {  	s28 =	sadd.s32 $0x80, s28;
	s29 =	sor.u32 $0x50, s23;
	v27 =	vsel vm0, v26, v27;
	v24 =	vsel vm0, v28, v24;
	v26 =	vld [tilespmem:s23+$0xF0]  }
0x292: {  	vm2 =	vgt.f32 v23, v27  }
0x293: {  	v23 =	vsel vm2, v23, v27  }
0x294: {  	vm0 =	vgt.f32 v25, v23  }
0x295: {  	v23 =	vsel vm0, v25, v23  }
0x296: {  	v25 =	vmov s24;
	vm15 =	vgt.f32 v26, v23  }
0x297: {  	vm1 =	veq.s32 v25, $0x0;
	vm14 =	veq.s32 v25, $0x1;
	v26 =	vsel vm15, v26, v23  }
0x298: {  	vm13 =	veq.s32 v25, $0x2;
	v22 =	vsel vm1, v26, v22;
	v19 =	vsel vm14, v26, v19  }
0x299: {  	vm12 =	veq.s32 v25, $0x3;
	v23 =	vsel vm13, v26, v10;
	v10 =	vmax.f32 v22, v19  }
0x29a: {  	vm11 =	veq.s32 v25, $0x4;
	v12 =	vsel vm12, v26, v12;
	v10 =	vmax.f32 v10, v23  }
0x29b: {  	vm10 =	veq.s32 v25, $0x5;
	v14 =	vsel vm11, v26, v14;
	v10 =	vmax.f32 v10, v12  }
0x29c: {  	vm9 =	veq.s32 v25, $0x6;
	v16 =	vsel vm10, v26, v16;
	v10 =	vmax.f32 v10, v14  }
0x29d: {  	vm8 =	veq.s32 v25, $0x7;
	v18 =	vsel vm9, v26, v18;
	v10 =	vmax.f32 v10, v16  }
0x29e: {  	v20 =	vsel vm8, v26, v20;
	v10 =	vmax.f32 v10, v18  }
0x29f: {  	v10 =	vmax.f32 v10, v20  }
0x2a0: {  	(xrf0) =	vmax.scan.msk.f32 $0xffff, v10  }
0x2a1: {  	s25 =	sor.u32 $0x60, s23;
	v10 =	vor.u32 s29, v0  }
0x2a2: {  	v10 =	vsel vm2, v10, v24;
	v24 =	vor.u32 s25, v0  }
0x2a3: {  	v10 =	vsel vm0, v24, v10  }
0x2a4: {  	s26 =	sor.u32 $0x70, s23  }
0x2a5: {  	v24 =	vor.u32 s26, v0  }
0x2a6: {  	v24 =	vsel vm15, v24, v10;
	v10, _, _ =	vpop (xrf0)  }
0x2a7: {  	v8 =	vsel vm1, v24, v8;
	v25 =	vbroadcast v10, $0xF  }
0x2a8: {  	vm0 =	vlt.s32 v8, $0x40000000  }
0x2a9: {  	v26 =	vnsel vm0, $0x40000000, v8;
	vm0 =	veq.f32 v22, v25  }
0x2aa: {  	v10 =	vsel vm14, v24, v7;
	v7 =	vnsel vm0, $0x40000000, v26  }
0x2ab: {  	vm0 =	vlt.s32 v7, v10  }
0x2ac: {  	v26 =	vsel vm0, v7, v10;
	vm0 =	veq.f32 v19, v25  }
0x2ad: {  	v9 =	vsel vm13, v24, v9;
	v7 =	vsel vm0, v26, v7  }
0x2ae: {  	vm0 =	vlt.s32 v7, v9  }
0x2af: {  	v26 =	vsel vm0, v7, v9;
	vm0 =	veq.f32 v23, v25  }
0x2b0: {  	v11 =	vsel vm12, v24, v11;
	v7 =	vsel vm0, v26, v7  }
0x2b1: {  	vm0 =	vlt.s32 v7, v11  }
0x2b2: {  	v26 =	vsel vm0, v7, v11;
	vm0 =	veq.f32 v12, v25  }
0x2b3: {  	v13 =	vsel vm11, v24, v13;
	v7 =	vsel vm0, v26, v7  }
0x2b4: {  	vm0 =	vlt.s32 v7, v13  }
0x2b5: {  	v26 =	vsel vm0, v7, v13;
	vm0 =	veq.f32 v14, v25  }
0x2b6: {  	v15 =	vsel vm10, v24, v15;
	v7 =	vsel vm0, v26, v7  }
0x2b7: {  	vm0 =	vlt.s32 v7, v15  }
0x2b8: {  	v26 =	vsel vm0, v7, v15;
	vm0 =	veq.f32 v16, v25  }
0x2b9: {  	v17 =	vsel vm9, v24, v17;
	v7 =	vsel vm0, v26, v7  }
0x2ba: {  	vm0 =	vlt.s32 v7, v17  }
0x2bb: {  	vm1 =	veq.f32 v18, v25;
	v26 =	vsel vm0, v7, v17  }
0x2bc: {  	v21 =	vsel vm8, v24, v21;
	v7 =	vsel vm1, v26, v7  }
0x2bd: {  	vm0 =	vlt.s32 v7, v21  }
0x2be: {  	vm1 =	veq.f32 v20, v25;
	v24 =	vsel vm0, v7, v21  }
0x2bf: {  	v7 =	vsel vm1, v24, v7  }
0x2c0: {  	v7 =	vxor.u32 $0x80000000, v7  }
0x2c1: {  	(xrf0) =	vmin.scan.msk.u32 $0xffff, v7;
	_ =	sdelay $0x5  }
0x2c2: {  	v7, _, _ =	vpop (xrf0)  }
0x2c3: {  	(v2sf) =	vpush v7, $0xF;
	_ =	sdelay $0xe  }
0x2c4: {  	s30 =	spop (v2sf)  }
0x2c5: {  	s31 =	sxor.u32 $0x80000000, s30  }
0x2c6: {  	p1 =	sgt.s32 s30, $0xFFFFFFFF;
	s23 =	sand.u32 $0x1FF, s30;
	p0 =	slt.s32 s31, $0x1  }
0x2c7: {  	s25 =	sshra.s32 s31, $0x1F;
	p6 =	sne.s32 s23, $0x0;
	p0 =	por p1, p0  }
0x2c8: {  	v7 =	vmov s31;
	s26 =	sshrl.u32 s25, $0x17;
	p0 =	por !p6, !p0  }
0x2c9: {  	s24 =	simm.s32 $0x1;
	s23 =	sadd.s32 s26, s31;
	p0 =	por !p0, !p0  }
0x2ca: {  	s23 =	sshra.s32 s23, $0x9;
	s24 =	simm.s32 @!p0 $0x0  }
0x2cb: {  	s24 =	ssub.s32 s23, s24  }
0x2cc: {  	v24 =	vimm.f32 $-Inf;
	s30 =	simm.s32 $0x0;
	s25 =	sshll.u32 s24, $0x9  }
0x2cd: {  	[tilespmem:v7+s10+$0x0] =	vst.idx.msk $0x1, v24;
	s23 =	sor.u32 s30, s25  }
0x2ce: {  	v25 =	vld [tilespmem:s23+$0x80];
	_ =	sdelay $0x1  }
0x2cf: {  	v26 =	vld [tilespmem:s23+$0x90];
	_ =	sdelay $0x1  }
0x2d0: {  	v27 =	vld [tilespmem:s23+$0xA0]  }
0x2d1: {  	vm0 =	vgt.f32 v25, v24  }
0x2d2: {  	v24 =	vsel vm0, v25, v24  }
0x2d3: {  	vm1 =	vgt.f32 v26, v24  }
0x2d4: {  	v25 =	vld [tilespmem:s23+$0xB0];
	v24 =	vsel vm1, v26, v24  }
0x2d5: {  	v29 =	vor.u32 s23, v0;
	s26 =	sor.u32 $0x10, s23;
	v26 =	vimm.s32 $0x0;
	vm2 =	vgt.f32 v27, v24  }
0x2d6: {  	v28 =	vld [tilespmem:s23+$0xC0];
	s31 =	sor.u32 $0x20, s23;
	v26 =	vsel vm0, v29, v26;
	v27 =	vsel vm2, v27, v24;
	v24 =	vor.u32 s26, v0  }
0x2d7: {  	v24 =	vsel vm1, v24, v26;
	v26 =	vor.u32 s31, v0  }
0x2d8: {  	s30 =	sor.u32 $0x30, s23;
	v26 =	vsel vm2, v26, v24;
	v24 =	vld [tilespmem:s23+$0xD0]  }
0x2d9: {  	v29 =	vor.u32 s30, v0;
	vm0 =	vgt.f32 v25, v27  }
0x2da: {  	s31 =	sor.u32 $0x40, s23;
	v25 =	vsel vm0, v25, v27;
	v27 =	vsel vm0, v29, v26;
	v26 =	vld [tilespmem:s23+$0xE0]  }
0x2db: {  	v29 =	vor.u32 s31, v0;
	vm0 =	vgt.f32 v28, v25  }
0x2dc: {  	s28 =	simm.s32 $0x80;
	s29 =	sor.u32 $0x50, s23;
	s26 =	simm.s32 $0x0;
	v28 =	vsel vm0, v28, v25;
	v25 =	vsel vm0, v29, v27;
	v27 =	vld [tilespmem:s23+$0xF0]  }
.LBB2_27:
0x2dd: {  	s30 =	sor.u32 s28, s25;
	s26 =	sadd.s32 $0x8, s26;
	v29 =	vor.u32 s29, v0;
	vm0 =	vgt.f32 v24, v28  }
0x2de: {  	s29 =	sor.u32 $0x60, s23;
	v30 =	vld [tilespmem:s30+$0x80];
	p0 =	slt.u32 s26, $0x18;
	v24 =	vsel vm0, v24, v28;
	v25 =	vsel vm0, v29, v25  }
0x2df: {  	v28 =	vor.u32 s29, v0;
	vm0 =	vgt.f32 v26, v24  }
0x2e0: {  	s29 =	sor.u32 $0x70, s23;
	s23 =	smov.u32 s30;
	v29 =	vld [tilespmem:s30+$0x90];
	v24 =	vsel vm0, v26, v24;
	v25 =	vsel vm0, v28, v25  }
0x2e1: {  	v26 =	vor.u32 s29, v0;
	vm0 =	vgt.f32 v27, v24  }
0x2e2: {  	v28 =	vld [tilespmem:s23+$0xA0];
	v24 =	vsel vm0, v27, v24;
	v25 =	vsel vm0, v26, v25  }
0x2e3: {  	v26 =	vor.u32 s23, v0;
	vm0 =	vgt.f32 v30, v24  }
0x2e4: {  	s29 =	sor.u32 $0x10, s23;
	v24 =	vsel vm0, v30, v24;
	v25 =	vsel vm0, v26, v25;
	v26 =	vld [tilespmem:s23+$0xB0]  }
0x2e5: {  	v27 =	vor.u32 s29, v0;
	vm0 =	vgt.f32 v29, v24  }
0x2e6: {  	s29 =	sor.u32 $0x20, s23;
	v24 =	vsel vm0, v29, v24;
	v25 =	vsel vm0, v27, v25;
	v27 =	vld [tilespmem:s23+$0xC0]  }
0x2e7: {  	v29 =	vor.u32 s29, v0;
	vm0 =	vgt.f32 v28, v24  }
.Ltmp12:
0x2e8: {  	s29 =	sor.u32 $0x30, s23;
	v28 =	vsel vm0, v28, v24;
	v25 =	vsel vm0, v29, v25;
	v24 =	vld [tilespmem:s23+$0xD0];
	(pc) =	sbr.rel @p0 .LBB2_27-.Ltmp12, $4  }
0x2e9: {  	v29 =	vor.u32 s29, v0;
	vm0 =	vgt.f32 v26, v28  }
0x2ea: {  	s29 =	sor.u32 $0x40, s23;
	v28 =	vsel vm0, v26, v28;
	v25 =	vsel vm0, v29, v25;
	v26 =	vld [tilespmem:s23+$0xE0]  }
0x2eb: {  	v29 =	vor.u32 s29, v0;
	vm0 =	vgt.f32 v27, v28  }
0x2ec: {  	s28 =	sadd.s32 $0x80, s28;
	s29 =	sor.u32 $0x50, s23;
	v28 =	vsel vm0, v27, v28;
	v25 =	vsel vm0, v29, v25;
	v27 =	vld [tilespmem:s23+$0xF0]  }
0x2ed: {  	vm2 =	vgt.f32 v24, v28  }
0x2ee: {  	v24 =	vsel vm2, v24, v28  }
0x2ef: {  	vm0 =	vgt.f32 v26, v24  }
0x2f0: {  	v24 =	vsel vm0, v26, v24  }
0x2f1: {  	v26 =	vmov s24;
	vm15 =	vgt.f32 v27, v24  }
0x2f2: {  	vm1 =	veq.s32 v26, $0x0;
	vm14 =	veq.s32 v26, $0x1;
	v27 =	vsel vm15, v27, v24  }
0x2f3: {  	vm13 =	veq.s32 v26, $0x2;
	v22 =	vsel vm1, v27, v22;
	v19 =	vsel vm14, v27, v19  }
0x2f4: {  	vm12 =	veq.s32 v26, $0x3;
	v23 =	vsel vm13, v27, v23;
	v28 =	vmax.f32 v22, v19  }
0x2f5: {  	vm11 =	veq.s32 v26, $0x4;
	v24 =	vsel vm12, v27, v12;
	v12 =	vmax.f32 v28, v23  }
0x2f6: {  	vm10 =	veq.s32 v26, $0x5;
	v14 =	vsel vm11, v27, v14;
	v12 =	vmax.f32 v12, v24  }
0x2f7: {  	vm9 =	veq.s32 v26, $0x6;
	v16 =	vsel vm10, v27, v16;
	v12 =	vmax.f32 v12, v14  }
0x2f8: {  	vm8 =	veq.s32 v26, $0x7;
	v18 =	vsel vm9, v27, v18;
	v12 =	vmax.f32 v12, v16  }
0x2f9: {  	v20 =	vsel vm8, v27, v20;
	v12 =	vmax.f32 v12, v18  }
0x2fa: {  	v12 =	vmax.f32 v12, v20  }
0x2fb: {  	(xrf0) =	vmax.scan.msk.f32 $0xffff, v12;
	_ =	sdelay $0x2  }
0x2fc: {  	s25 =	sor.u32 $0x60, s23;
	v12 =	vor.u32 s29, v0  }
0x2fd: {  	s26 =	sor.u32 $0x70, s23;
	v12 =	vsel vm2, v12, v25;
	v25 =	vor.u32 s25, v0  }
0x2fe: {  	v12 =	vsel vm0, v25, v12;
	v25 =	vor.u32 s26, v0  }
0x2ff: {  	v25 =	vsel vm15, v25, v12;
	v26, _, _ =	vpop (xrf0)  }
0x300: {  	v12 =	vsel vm1, v25, v8;
	v8 =	vbroadcast v26, $0xF  }
0x301: {  	vm0 =	vlt.s32 v12, $0x40000000  }
0x302: {  	v26 =	vnsel vm0, $0x40000000, v12;
	vm0 =	veq.f32 v22, v8  }
0x303: {  	v10 =	vsel vm14, v25, v10;
	v26 =	vnsel vm0, $0x40000000, v26  }
0x304: {  	vm0 =	vlt.s32 v26, v10  }
0x305: {  	v27 =	vsel vm0, v26, v10;
	vm0 =	veq.f32 v19, v8  }
0x306: {  	v9 =	vsel vm13, v25, v9;
	v26 =	vsel vm0, v27, v26  }
0x307: {  	vm0 =	vlt.s32 v26, v9  }
0x308: {  	v27 =	vsel vm0, v26, v9;
	vm0 =	veq.f32 v23, v8  }
0x309: {  	v11 =	vsel vm12, v25, v11;
	v26 =	vsel vm0, v27, v26  }
0x30a: {  	vm0 =	vlt.s32 v26, v11  }
0x30b: {  	v27 =	vsel vm0, v26, v11;
	vm0 =	veq.f32 v24, v8  }
0x30c: {  	v13 =	vsel vm11, v25, v13;
	v26 =	vsel vm0, v27, v26  }
0x30d: {  	vm0 =	vlt.s32 v26, v13  }
0x30e: {  	v27 =	vsel vm0, v26, v13;
	vm0 =	veq.f32 v14, v8  }
0x30f: {  	v15 =	vsel vm10, v25, v15;
	v26 =	vsel vm0, v27, v26  }
0x310: {  	vm0 =	vlt.s32 v26, v15  }
0x311: {  	v27 =	vsel vm0, v26, v15;
	vm0 =	veq.f32 v16, v8  }
0x312: {  	v17 =	vsel vm9, v25, v17;
	v26 =	vsel vm0, v27, v26  }
0x313: {  	vm0 =	vlt.s32 v26, v17  }
0x314: {  	vm1 =	veq.f32 v18, v8;
	v27 =	vsel vm0, v26, v17  }
0x315: {  	v21 =	vsel vm8, v25, v21;
	v25 =	vsel vm1, v27, v26  }
0x316: {  	vm0 =	vlt.s32 v25, v21  }
0x317: {  	vm1 =	veq.f32 v20, v8;
	v8 =	vsel vm0, v25, v21  }
0x318: {  	v8 =	vsel vm1, v8, v25  }
0x319: {  	v8 =	vxor.u32 $0x80000000, v8  }
0x31a: {  	(xrf0) =	vmin.scan.msk.u32 $0xffff, v8;
	_ =	sdelay $0x5  }
0x31b: {  	v8, _, _ =	vpop (xrf0)  }
0x31c: {  	(v2sf) =	vpush v8, $0xF;
	_ =	sdelay $0xe  }
0x31d: {  	s30 =	spop (v2sf)  }
0x31e: {  	s31 =	sxor.u32 $0x80000000, s30  }
0x31f: {  	p1 =	sgt.s32 s30, $0xFFFFFFFF;
	s23 =	sand.u32 $0x1FF, s30;
	p0 =	slt.s32 s31, $0x1  }
0x320: {  	s25 =	sshra.s32 s31, $0x1F;
	p6 =	sne.s32 s23, $0x0;
	p0 =	por p1, p0  }
0x321: {  	v8 =	vmov s31;
	s26 =	sshrl.u32 s25, $0x17;
	p0 =	por !p6, !p0  }
0x322: {  	s24 =	simm.s32 $0x1;
	s23 =	sadd.s32 s26, s31;
	p0 =	por !p0, !p0  }
0x323: {  	s23 =	sshra.s32 s23, $0x9;
	s24 =	simm.s32 @!p0 $0x0  }
0x324: {  	s24 =	ssub.s32 s23, s24  }
0x325: {  	v25 =	vimm.f32 $-Inf;
	s30 =	simm.s32 $0x0;
	s25 =	sshll.u32 s24, $0x9  }
0x326: {  	[tilespmem:v8+s10+$0x0] =	vst.idx.msk $0x1, v25;
	s23 =	sor.u32 s30, s25  }
0x327: {  	v26 =	vld [tilespmem:s23+$0x80];
	_ =	sdelay $0x1  }
0x328: {  	v27 =	vld [tilespmem:s23+$0x90];
	_ =	sdelay $0x1  }
0x329: {  	v28 =	vld [tilespmem:s23+$0xA0]  }
0x32a: {  	vm0 =	vgt.f32 v26, v25  }
0x32b: {  	v25 =	vsel vm0, v26, v25  }
0x32c: {  	vm1 =	vgt.f32 v27, v25  }
0x32d: {  	v26 =	vld [tilespmem:s23+$0xB0];
	v25 =	vsel vm1, v27, v25  }
0x32e: {  	v30 =	vor.u32 s23, v0;
	s26 =	sor.u32 $0x10, s23;
	v27 =	vimm.s32 $0x0;
	vm2 =	vgt.f32 v28, v25  }
0x32f: {  	v29 =	vld [tilespmem:s23+$0xC0];
	s31 =	sor.u32 $0x20, s23;
	v27 =	vsel vm0, v30, v27;
	v28 =	vsel vm2, v28, v25;
	v25 =	vor.u32 s26, v0  }
0x330: {  	v25 =	vsel vm1, v25, v27;
	v27 =	vor.u32 s31, v0  }
0x331: {  	s30 =	sor.u32 $0x30, s23;
	v27 =	vsel vm2, v27, v25;
	v25 =	vld [tilespmem:s23+$0xD0]  }
0x332: {  	v30 =	vor.u32 s30, v0;
	vm0 =	vgt.f32 v26, v28  }
0x333: {  	s31 =	sor.u32 $0x40, s23;
	v26 =	vsel vm0, v26, v28;
	v28 =	vsel vm0, v30, v27;
	v27 =	vld [tilespmem:s23+$0xE0]  }
0x334: {  	v30 =	vor.u32 s31, v0;
	vm0 =	vgt.f32 v29, v26  }
0x335: {  	s28 =	simm.s32 $0x80;
	s29 =	sor.u32 $0x50, s23;
	s26 =	simm.s32 $0x0;
	v29 =	vsel vm0, v29, v26;
	v26 =	vsel vm0, v30, v28;
	v28 =	vld [tilespmem:s23+$0xF0]  }
.LBB2_29:
0x336: {  	s30 =	sor.u32 s28, s25;
	s26 =	sadd.s32 $0x8, s26;
	v30 =	vor.u32 s29, v0;
	vm0 =	vgt.f32 v25, v29  }
0x337: {  	s29 =	sor.u32 $0x60, s23;
	v31 =	vld [tilespmem:s30+$0x80];
	p0 =	slt.u32 s26, $0x18;
	v25 =	vsel vm0, v25, v29;
	v26 =	vsel vm0, v30, v26  }
0x338: {  	v29 =	vor.u32 s29, v0;
	vm0 =	vgt.f32 v27, v25  }
0x339: {  	s29 =	sor.u32 $0x70, s23;
	s23 =	smov.u32 s30;
	v30 =	vld [tilespmem:s30+$0x90];
	v25 =	vsel vm0, v27, v25;
	v26 =	vsel vm0, v29, v26  }
0x33a: {  	v27 =	vor.u32 s29, v0;
	vm0 =	vgt.f32 v28, v25  }
0x33b: {  	v29 =	vld [tilespmem:s23+$0xA0];
	v25 =	vsel vm0, v28, v25;
	v26 =	vsel vm0, v27, v26  }
0x33c: {  	v27 =	vor.u32 s23, v0;
	vm0 =	vgt.f32 v31, v25  }
0x33d: {  	s29 =	sor.u32 $0x10, s23;
	v25 =	vsel vm0, v31, v25;
	v26 =	vsel vm0, v27, v26;
	v27 =	vld [tilespmem:s23+$0xB0]  }
0x33e: {  	v28 =	vor.u32 s29, v0;
	vm0 =	vgt.f32 v30, v25  }
0x33f: {  	s29 =	sor.u32 $0x20, s23;
	v25 =	vsel vm0, v30, v25;
	v26 =	vsel vm0, v28, v26;
	v28 =	vld [tilespmem:s23+$0xC0]  }
0x340: {  	v30 =	vor.u32 s29, v0;
	vm0 =	vgt.f32 v29, v25  }
.Ltmp13:
0x341: {  	s29 =	sor.u32 $0x30, s23;
	v29 =	vsel vm0, v29, v25;
	v26 =	vsel vm0, v30, v26;
	v25 =	vld [tilespmem:s23+$0xD0];
	(pc) =	sbr.rel @p0 .LBB2_29-.Ltmp13, $4  }
0x342: {  	v30 =	vor.u32 s29, v0;
	vm0 =	vgt.f32 v27, v29  }
0x343: {  	s29 =	sor.u32 $0x40, s23;
	v29 =	vsel vm0, v27, v29;
	v26 =	vsel vm0, v30, v26;
	v27 =	vld [tilespmem:s23+$0xE0]  }
0x344: {  	v30 =	vor.u32 s29, v0;
	vm0 =	vgt.f32 v28, v29  }
0x345: {  	s28 =	sadd.s32 $0x80, s28;
	s29 =	sor.u32 $0x50, s23;
	v29 =	vsel vm0, v28, v29;
	v26 =	vsel vm0, v30, v26;
	v28 =	vld [tilespmem:s23+$0xF0]  }
0x346: {  	vm2 =	vgt.f32 v25, v29  }
0x347: {  	v25 =	vsel vm2, v25, v29  }
0x348: {  	vm0 =	vgt.f32 v27, v25  }
0x349: {  	v25 =	vsel vm0, v27, v25  }
0x34a: {  	v27 =	vmov s24;
	vm15 =	vgt.f32 v28, v25  }
0x34b: {  	vm1 =	veq.s32 v27, $0x0;
	vm14 =	veq.s32 v27, $0x1;
	v28 =	vsel vm15, v28, v25  }
0x34c: {  	vm13 =	veq.s32 v27, $0x2;
	v22 =	vsel vm1, v28, v22;
	v19 =	vsel vm14, v28, v19  }
0x34d: {  	vm12 =	veq.s32 v27, $0x3;
	v23 =	vsel vm13, v28, v23;
	v25 =	vmax.f32 v22, v19  }
0x34e: {  	vm11 =	veq.s32 v27, $0x4;
	v24 =	vsel vm12, v28, v24;
	v29 =	vmax.f32 v25, v23  }
0x34f: {  	vm10 =	veq.s32 v27, $0x5;
	v25 =	vsel vm11, v28, v14;
	v14 =	vmax.f32 v29, v24  }
0x350: {  	vm9 =	veq.s32 v27, $0x6;
	v16 =	vsel vm10, v28, v16;
	v14 =	vmax.f32 v14, v25  }
0x351: {  	vm8 =	veq.s32 v27, $0x7;
	v18 =	vsel vm9, v28, v18;
	v14 =	vmax.f32 v14, v16  }
0x352: {  	v20 =	vsel vm8, v28, v20;
	v14 =	vmax.f32 v14, v18  }
0x353: {  	v14 =	vmax.f32 v14, v20  }
0x354: {  	(xrf0) =	vmax.scan.msk.f32 $0xffff, v14  }
0x355: {  	s25 =	sor.u32 $0x60, s23;
	v14 =	vor.u32 s29, v0  }
0x356: {  	v14 =	vsel vm2, v14, v26;
	v26 =	vor.u32 s25, v0  }
0x357: {  	v14 =	vsel vm0, v26, v14  }
0x358: {  	s26 =	sor.u32 $0x70, s23  }
0x359: {  	v26 =	vor.u32 s26, v0  }
0x35a: {  	v26 =	vsel vm15, v26, v14;
	v14, _, _ =	vpop (xrf0)  }
0x35b: {  	v12 =	vsel vm1, v26, v12;
	v27 =	vbroadcast v14, $0xF  }
0x35c: {  	vm0 =	vlt.s32 v12, $0x40000000  }
0x35d: {  	v14 =	vnsel vm0, $0x40000000, v12;
	vm0 =	veq.f32 v22, v27  }
0x35e: {  	v10 =	vsel vm14, v26, v10;
	v28 =	vnsel vm0, $0x40000000, v14  }
0x35f: {  	vm0 =	vlt.s32 v28, v10  }
0x360: {  	v29 =	vsel vm0, v28, v10;
	vm0 =	veq.f32 v19, v27  }
0x361: {  	v14 =	vsel vm13, v26, v9;
	v9 =	vsel vm0, v29, v28  }
0x362: {  	vm0 =	vlt.s32 v9, v14  }
0x363: {  	v28 =	vsel vm0, v9, v14;
	vm0 =	veq.f32 v23, v27  }
0x364: {  	v11 =	vsel vm12, v26, v11;
	v9 =	vsel vm0, v28, v9  }
0x365: {  	vm0 =	vlt.s32 v9, v11  }
0x366: {  	v28 =	vsel vm0, v9, v11;
	vm0 =	veq.f32 v24, v27  }
0x367: {  	v13 =	vsel vm11, v26, v13;
	v9 =	vsel vm0, v28, v9  }
0x368: {  	vm0 =	vlt.s32 v9, v13  }
0x369: {  	v28 =	vsel vm0, v9, v13;
	vm0 =	veq.f32 v25, v27  }
0x36a: {  	v15 =	vsel vm10, v26, v15;
	v9 =	vsel vm0, v28, v9  }
0x36b: {  	vm0 =	vlt.s32 v9, v15  }
0x36c: {  	v28 =	vsel vm0, v9, v15;
	vm0 =	veq.f32 v16, v27  }
0x36d: {  	v17 =	vsel vm9, v26, v17;
	v9 =	vsel vm0, v28, v9  }
0x36e: {  	vm0 =	vlt.s32 v9, v17  }
0x36f: {  	vm1 =	veq.f32 v18, v27;
	v28 =	vsel vm0, v9, v17  }
0x370: {  	v21 =	vsel vm8, v26, v21;
	v9 =	vsel vm1, v28, v9  }
0x371: {  	vm0 =	vlt.s32 v9, v21  }
0x372: {  	vm1 =	veq.f32 v20, v27;
	v26 =	vsel vm0, v9, v21  }
0x373: {  	v9 =	vsel vm1, v26, v9  }
0x374: {  	v9 =	vxor.u32 $0x80000000, v9  }
0x375: {  	(xrf0) =	vmin.scan.msk.u32 $0xffff, v9;
	_ =	sdelay $0x5  }
0x376: {  	v9, _, _ =	vpop (xrf0)  }
0x377: {  	(v2sf) =	vpush v9, $0xF;
	_ =	sdelay $0xe  }
0x378: {  	s30 =	spop (v2sf)  }
0x379: {  	s31 =	sxor.u32 $0x80000000, s30  }
0x37a: {  	p1 =	sgt.s32 s30, $0xFFFFFFFF;
	s23 =	sand.u32 $0x1FF, s30;
	p0 =	slt.s32 s31, $0x1  }
0x37b: {  	s25 =	sshra.s32 s31, $0x1F;
	p6 =	sne.s32 s23, $0x0;
	p0 =	por p1, p0  }
0x37c: {  	v9 =	vmov s31;
	s26 =	sshrl.u32 s25, $0x17;
	p0 =	por !p6, !p0  }
0x37d: {  	s24 =	simm.s32 $0x1;
	s23 =	sadd.s32 s26, s31;
	p0 =	por !p0, !p0  }
0x37e: {  	s23 =	sshra.s32 s23, $0x9;
	s24 =	simm.s32 @!p0 $0x0  }
0x37f: {  	s24 =	ssub.s32 s23, s24  }
0x380: {  	v26 =	vimm.f32 $-Inf;
	s30 =	simm.s32 $0x0;
	s25 =	sshll.u32 s24, $0x9  }
0x381: {  	[tilespmem:v9+s10+$0x0] =	vst.idx.msk $0x1, v26;
	s23 =	sor.u32 s30, s25  }
0x382: {  	v27 =	vld [tilespmem:s23+$0x80];
	_ =	sdelay $0x1  }
0x383: {  	v28 =	vld [tilespmem:s23+$0x90];
	_ =	sdelay $0x2  }
0x384: {  	v29 =	vld [tilespmem:s23+$0xA0];
	vm0 =	vgt.f32 v27, v26  }
0x385: {  	v26 =	vsel vm0, v27, v26  }
0x386: {  	v30 =	vld [tilespmem:s23+$0xB0];
	vm1 =	vgt.f32 v28, v26  }
0x387: {  	s26 =	sor.u32 $0x10, s23;
	v27 =	vimm.s32 $0x0;
	v26 =	vsel vm1, v28, v26;
	v28 =	vor.u32 s23, v0  }
0x388: {  	v31 =	vld [tilespmem:s23+$0xC0];
	s31 =	sor.u32 $0x20, s23;
	v27 =	vsel vm0, v28, v27;
	v28 =	vor.u32 s26, v0  }
0x389: {  	vm2 =	vgt.f32 v29, v26;
	v27 =	vsel vm1, v28, v27;
	v28 =	vor.u32 s31, v0  }
0x38a: {  	s30 =	sor.u32 $0x30, s23;
	v26 =	vsel vm2, v29, v26;
	v28 =	vsel vm2, v28, v27;
	v27 =	vld [tilespmem:s23+$0xD0]  }
0x38b: {  	v29 =	vor.u32 s30, v0;
	vm0 =	vgt.f32 v30, v26  }
0x38c: {  	s31 =	sor.u32 $0x40, s23;
	v26 =	vsel vm0, v30, v26;
	v29 =	vsel vm0, v29, v28;
	v28 =	vld [tilespmem:s23+$0xE0]  }
0x38d: {  	v32 =	vor.u32 s31, v0;
	vm0 =	vgt.f32 v31, v26  }
0x38e: {  	s28 =	simm.s32 $0x80;
	s29 =	sor.u32 $0x50, s23;
	s26 =	simm.s32 $0x0;
	v30 =	vsel vm0, v31, v26;
	v26 =	vsel vm0, v32, v29;
	v29 =	vld [tilespmem:s23+$0xF0]  }
.LBB2_31:
0x38f: {  	s30 =	sor.u32 s28, s25;
	s26 =	sadd.s32 $0x8, s26;
	v31 =	vor.u32 s29, v0;
	vm0 =	vgt.f32 v27, v30  }
0x390: {  	s29 =	sor.u32 $0x60, s23;
	v32 =	vld [tilespmem:s30+$0x80];
	p0 =	slt.u32 s26, $0x18;
	v27 =	vsel vm0, v27, v30;
	v26 =	vsel vm0, v31, v26  }
0x391: {  	v30 =	vor.u32 s29, v0;
	vm0 =	vgt.f32 v28, v27  }
0x392: {  	s29 =	sor.u32 $0x70, s23;
	s23 =	smov.u32 s30;
	v31 =	vld [tilespmem:s30+$0x90];
	v27 =	vsel vm0, v28, v27;
	v26 =	vsel vm0, v30, v26  }
0x393: {  	v28 =	vor.u32 s29, v0;
	vm0 =	vgt.f32 v29, v27  }
0x394: {  	v30 =	vld [tilespmem:s23+$0xA0];
	v27 =	vsel vm0, v29, v27;
	v26 =	vsel vm0, v28, v26  }
0x395: {  	v28 =	vor.u32 s23, v0;
	vm0 =	vgt.f32 v32, v27  }
0x396: {  	s29 =	sor.u32 $0x10, s23;
	v27 =	vsel vm0, v32, v27;
	v26 =	vsel vm0, v28, v26;
	v28 =	vld [tilespmem:s23+$0xB0]  }
0x397: {  	v29 =	vor.u32 s29, v0;
	vm0 =	vgt.f32 v31, v27  }
0x398: {  	s29 =	sor.u32 $0x20, s23;
	v27 =	vsel vm0, v31, v27;
	v26 =	vsel vm0, v29, v26;
	v29 =	vld [tilespmem:s23+$0xC0]  }
0x399: {  	v31 =	vor.u32 s29, v0;
	vm0 =	vgt.f32 v30, v27  }
.Ltmp14:
0x39a: {  	s29 =	sor.u32 $0x30, s23;
	v30 =	vsel vm0, v30, v27;
	v26 =	vsel vm0, v31, v26;
	v27 =	vld [tilespmem:s23+$0xD0];
	(pc) =	sbr.rel @p0 .LBB2_31-.Ltmp14, $4  }
0x39b: {  	v31 =	vor.u32 s29, v0;
	vm0 =	vgt.f32 v28, v30  }
0x39c: {  	s29 =	sor.u32 $0x40, s23;
	v30 =	vsel vm0, v28, v30;
	v26 =	vsel vm0, v31, v26;
	v28 =	vld [tilespmem:s23+$0xE0]  }
0x39d: {  	v31 =	vor.u32 s29, v0;
	vm0 =	vgt.f32 v29, v30  }
0x39e: {  	s28 =	sadd.s32 $0x80, s28;
	s29 =	sor.u32 $0x50, s23;
	v30 =	vsel vm0, v29, v30;
	v26 =	vsel vm0, v31, v26;
	v29 =	vld [tilespmem:s23+$0xF0]  }
0x39f: {  	vm2 =	vgt.f32 v27, v30  }
0x3a0: {  	v27 =	vsel vm2, v27, v30  }
0x3a1: {  	vm0 =	vgt.f32 v28, v27  }
0x3a2: {  	v27 =	vsel vm0, v28, v27  }
0x3a3: {  	v28 =	vmov s24;
	vm15 =	vgt.f32 v29, v27  }
0x3a4: {  	vm1 =	veq.s32 v28, $0x0;
	vm14 =	veq.s32 v28, $0x1;
	v27 =	vsel vm15, v29, v27  }
0x3a5: {  	vm13 =	veq.s32 v28, $0x2;
	v22 =	vsel vm1, v27, v22;
	v19 =	vsel vm14, v27, v19  }
0x3a6: {  	vm12 =	veq.s32 v28, $0x3;
	v23 =	vsel vm13, v27, v23;
	v29 =	vmax.f32 v22, v19  }
0x3a7: {  	vm11 =	veq.s32 v28, $0x4;
	v24 =	vsel vm12, v27, v24;
	v29 =	vmax.f32 v29, v23  }
0x3a8: {  	vm10 =	veq.s32 v28, $0x5;
	v25 =	vsel vm11, v27, v25;
	v29 =	vmax.f32 v29, v24  }
0x3a9: {  	vm9 =	veq.s32 v28, $0x6;
	v16 =	vsel vm10, v27, v16;
	v29 =	vmax.f32 v29, v25  }
0x3aa: {  	vm8 =	veq.s32 v28, $0x7;
	v18 =	vsel vm9, v27, v18;
	v28 =	vmax.f32 v29, v16  }
0x3ab: {  	v20 =	vsel vm8, v27, v20;
	v27 =	vmax.f32 v28, v18  }
0x3ac: {  	v27 =	vmax.f32 v27, v20  }
0x3ad: {  	(xrf0) =	vmax.scan.msk.f32 $0xffff, v27  }
0x3ae: {  	s25 =	sor.u32 $0x60, s23;
	v27 =	vor.u32 s29, v0  }
0x3af: {  	s26 =	sor.u32 $0x70, s23;
	v26 =	vsel vm2, v27, v26;
	v27 =	vor.u32 s25, v0  }
0x3b0: {  	v26 =	vsel vm0, v27, v26;
	v27 =	vor.u32 s26, v0;
	_ =	sdelay $0x2  }
0x3b1: {  	v26 =	vsel vm15, v27, v26;
	v27, _, _ =	vpop (xrf0)  }
0x3b2: {  	v12 =	vsel vm1, v26, v12;
	v27 =	vbroadcast v27, $0xF  }
0x3b3: {  	vm0 =	vlt.s32 v12, $0x40000000  }
0x3b4: {  	v28 =	vnsel vm0, $0x40000000, v12;
	vm0 =	veq.f32 v22, v27  }
0x3b5: {  	v10 =	vsel vm14, v26, v10;
	v28 =	vnsel vm0, $0x40000000, v28  }
0x3b6: {  	vm0 =	vlt.s32 v28, v10  }
0x3b7: {  	v29 =	vsel vm0, v28, v10;
	vm0 =	veq.f32 v19, v27  }
0x3b8: {  	v14 =	vsel vm13, v26, v14;
	v28 =	vsel vm0, v29, v28  }
0x3b9: {  	vm0 =	vlt.s32 v28, v14  }
0x3ba: {  	v29 =	vsel vm0, v28, v14;
	vm0 =	veq.f32 v23, v27  }
0x3bb: {  	v11 =	vsel vm12, v26, v11;
	v28 =	vsel vm0, v29, v28  }
0x3bc: {  	vm0 =	vlt.s32 v28, v11  }
0x3bd: {  	v29 =	vsel vm0, v28, v11;
	vm0 =	veq.f32 v24, v27  }
0x3be: {  	v13 =	vsel vm11, v26, v13;
	v28 =	vsel vm0, v29, v28  }
0x3bf: {  	vm0 =	vlt.s32 v28, v13  }
0x3c0: {  	v29 =	vsel vm0, v28, v13;
	vm0 =	veq.f32 v25, v27  }
0x3c1: {  	v15 =	vsel vm10, v26, v15;
	v28 =	vsel vm0, v29, v28  }
0x3c2: {  	vm0 =	vlt.s32 v28, v15  }
0x3c3: {  	v29 =	vsel vm0, v28, v15;
	vm0 =	veq.f32 v16, v27  }
0x3c4: {  	v17 =	vsel vm9, v26, v17;
	v28 =	vsel vm0, v29, v28  }
0x3c5: {  	vm0 =	vlt.s32 v28, v17  }
0x3c6: {  	vm1 =	veq.f32 v18, v27;
	v29 =	vsel vm0, v28, v17  }
0x3c7: {  	v21 =	vsel vm8, v26, v21;
	v26 =	vsel vm1, v29, v28  }
0x3c8: {  	vm0 =	vlt.s32 v26, v21  }
0x3c9: {  	vm1 =	veq.f32 v20, v27;
	v27 =	vsel vm0, v26, v21  }
0x3ca: {  	v26 =	vsel vm1, v27, v26  }
0x3cb: {  	v26 =	vxor.u32 $0x80000000, v26  }
0x3cc: {  	(xrf0) =	vmin.scan.msk.u32 $0xffff, v26;
	_ =	sdelay $0x5  }
0x3cd: {  	v26, _, _ =	vpop (xrf0)  }
0x3ce: {  	(v2sf) =	vpush v26, $0xF;
	_ =	sdelay $0xe  }
0x3cf: {  	s30 =	spop (v2sf)  }
0x3d0: {  	s31 =	sxor.u32 $0x80000000, s30  }
0x3d1: {  	p1 =	sgt.s32 s30, $0xFFFFFFFF;
	s23 =	sand.u32 $0x1FF, s30;
	p0 =	slt.s32 s31, $0x1  }
0x3d2: {  	s25 =	sshra.s32 s31, $0x1F;
	p6 =	sne.s32 s23, $0x0;
	p0 =	por p1, p0  }
0x3d3: {  	v26 =	vmov s31;
	s26 =	sshrl.u32 s25, $0x17;
	p0 =	por !p6, !p0  }
0x3d4: {  	s24 =	simm.s32 $0x1;
	s23 =	sadd.s32 s26, s31;
	p0 =	por !p0, !p0  }
0x3d5: {  	s23 =	sshra.s32 s23, $0x9;
	s24 =	simm.s32 @!p0 $0x0  }
0x3d6: {  	s24 =	ssub.s32 s23, s24  }
0x3d7: {  	v27 =	vimm.f32 $-Inf;
	s30 =	simm.s32 $0x0;
	s25 =	sshll.u32 s24, $0x9  }
0x3d8: {  	[tilespmem:v26+s10+$0x0] =	vst.idx.msk $0x1, v27;
	s23 =	sor.u32 s30, s25  }
0x3d9: {  	v28 =	vld [tilespmem:s23+$0x80];
	_ =	sdelay $0x1  }
0x3da: {  	v29 =	vld [tilespmem:s23+$0x90];
	_ =	sdelay $0x2  }
0x3db: {  	v30 =	vld [tilespmem:s23+$0xA0];
	vm0 =	vgt.f32 v28, v27  }
0x3dc: {  	v27 =	vsel vm0, v28, v27  }
0x3dd: {  	v31 =	vld [tilespmem:s23+$0xB0];
	vm1 =	vgt.f32 v29, v27  }
0x3de: {  	s26 =	sor.u32 $0x10, s23;
	v28 =	vimm.s32 $0x0;
	v27 =	vsel vm1, v29, v27;
	v29 =	vor.u32 s23, v0  }
0x3df: {  	v32 =	vld [tilespmem:s23+$0xC0];
	s31 =	sor.u32 $0x20, s23;
	v28 =	vsel vm0, v29, v28;
	v29 =	vor.u32 s26, v0  }
0x3e0: {  	vm2 =	vgt.f32 v30, v27;
	v28 =	vsel vm1, v29, v28;
	v29 =	vor.u32 s31, v0  }
0x3e1: {  	s30 =	sor.u32 $0x30, s23;
	v27 =	vsel vm2, v30, v27;
	v29 =	vsel vm2, v29, v28;
	v28 =	vld [tilespmem:s23+$0xD0]  }
0x3e2: {  	v30 =	vor.u32 s30, v0;
	vm0 =	vgt.f32 v31, v27  }
0x3e3: {  	s31 =	sor.u32 $0x40, s23;
	v27 =	vsel vm0, v31, v27;
	v30 =	vsel vm0, v30, v29;
	v29 =	vld [tilespmem:s23+$0xE0]  }
0x3e4: {  	v33 =	vor.u32 s31, v0;
	vm0 =	vgt.f32 v32, v27  }
0x3e5: {  	s28 =	simm.s32 $0x80;
	s29 =	sor.u32 $0x50, s23;
	s26 =	simm.s32 $0x0;
	v31 =	vsel vm0, v32, v27;
	v27 =	vsel vm0, v33, v30;
	v30 =	vld [tilespmem:s23+$0xF0]  }
.LBB2_33:
0x3e6: {  	s30 =	sor.u32 s28, s25;
	s26 =	sadd.s32 $0x8, s26;
	v32 =	vor.u32 s29, v0;
	vm0 =	vgt.f32 v28, v31  }
0x3e7: {  	s29 =	sor.u32 $0x60, s23;
	v33 =	vld [tilespmem:s30+$0x80];
	p0 =	slt.u32 s26, $0x18;
	v28 =	vsel vm0, v28, v31;
	v27 =	vsel vm0, v32, v27  }
0x3e8: {  	v31 =	vor.u32 s29, v0;
	vm0 =	vgt.f32 v29, v28  }
0x3e9: {  	s29 =	sor.u32 $0x70, s23;
	s23 =	smov.u32 s30;
	v32 =	vld [tilespmem:s30+$0x90];
	v28 =	vsel vm0, v29, v28;
	v27 =	vsel vm0, v31, v27  }
0x3ea: {  	v29 =	vor.u32 s29, v0;
	vm0 =	vgt.f32 v30, v28  }
0x3eb: {  	v31 =	vld [tilespmem:s23+$0xA0];
	v28 =	vsel vm0, v30, v28;
	v27 =	vsel vm0, v29, v27  }
0x3ec: {  	v29 =	vor.u32 s23, v0;
	vm0 =	vgt.f32 v33, v28  }
0x3ed: {  	s29 =	sor.u32 $0x10, s23;
	v28 =	vsel vm0, v33, v28;
	v27 =	vsel vm0, v29, v27;
	v29 =	vld [tilespmem:s23+$0xB0]  }
0x3ee: {  	v30 =	vor.u32 s29, v0;
	vm0 =	vgt.f32 v32, v28  }
0x3ef: {  	s29 =	sor.u32 $0x20, s23;
	v28 =	vsel vm0, v32, v28;
	v27 =	vsel vm0, v30, v27;
	v30 =	vld [tilespmem:s23+$0xC0]  }
0x3f0: {  	v32 =	vor.u32 s29, v0;
	vm0 =	vgt.f32 v31, v28  }
.Ltmp15:
0x3f1: {  	s29 =	sor.u32 $0x30, s23;
	v31 =	vsel vm0, v31, v28;
	v27 =	vsel vm0, v32, v27;
	v28 =	vld [tilespmem:s23+$0xD0];
	(pc) =	sbr.rel @p0 .LBB2_33-.Ltmp15, $4  }
0x3f2: {  	v32 =	vor.u32 s29, v0;
	vm0 =	vgt.f32 v29, v31  }
0x3f3: {  	s29 =	sor.u32 $0x40, s23;
	v31 =	vsel vm0, v29, v31;
	v27 =	vsel vm0, v32, v27;
	v29 =	vld [tilespmem:s23+$0xE0]  }
0x3f4: {  	v32 =	vor.u32 s29, v0;
	vm0 =	vgt.f32 v30, v31  }
0x3f5: {  	s28 =	sadd.s32 $0x80, s28;
	s29 =	sor.u32 $0x50, s23;
	v31 =	vsel vm0, v30, v31;
	v27 =	vsel vm0, v32, v27;
	v30 =	vld [tilespmem:s23+$0xF0]  }
0x3f6: {  	vm2 =	vgt.f32 v28, v31  }
0x3f7: {  	v28 =	vsel vm2, v28, v31  }
0x3f8: {  	vm0 =	vgt.f32 v29, v28  }
0x3f9: {  	v28 =	vsel vm0, v29, v28  }
0x3fa: {  	v49 =	vmov s24;
	vm15 =	vgt.f32 v30, v28  }
0x3fb: {  	vm1 =	veq.s32 v49, $0x0;
	vm14 =	veq.s32 v49, $0x1;
	v28 =	vsel vm15, v30, v28  }
0x3fc: {  	vm13 =	veq.s32 v49, $0x2;
	v22 =	vsel vm1, v28, v22;
	v19 =	vsel vm14, v28, v19  }
0x3fd: {  	vm12 =	veq.s32 v49, $0x3;
	v23 =	vsel vm13, v28, v23;
	v50 =	vmax.f32 v22, v19  }
0x3fe: {  	vm11 =	veq.s32 v49, $0x4;
	v24 =	vsel vm12, v28, v24;
	v30 =	vmax.f32 v50, v23  }
0x3ff: {  	vm10 =	veq.s32 v49, $0x5;
	v25 =	vsel vm11, v28, v25;
	v30 =	vmax.f32 v30, v24  }
0x400: {  	vm9 =	veq.s32 v49, $0x6;
	v16 =	vsel vm10, v28, v16;
	v30 =	vmax.f32 v30, v25  }
0x401: {  	vm8 =	veq.s32 v49, $0x7;
	v18 =	vsel vm9, v28, v18;
	v51 =	vmax.f32 v30, v16  }
0x402: {  	v20 =	vsel vm8, v28, v20;
	v52 =	vmax.f32 v51, v18  }
0x403: {  	v28 =	vmax.f32 v52, v20  }
0x404: {  	(xrf0) =	vmax.scan.msk.f32 $0xffff, v28;
	_ =	sdelay $0x2  }
0x405: {  	v53 =	vor.u32 s29, v0;
	s29 =	sor.u32 $0x60, s23  }
0x406: {  	s30 =	sor.u32 $0x70, s23;
	v27 =	vsel vm2, v53, v27;
	v54 =	vor.u32 s29, v0  }
0x407: {  	v55 =	vor.u32 s30, v0;
	v27 =	vsel vm0, v54, v27  }
0x408: {  	v27 =	vsel vm15, v55, v27;
	v56, _, _ =	vpop (xrf0)  }
0x409: {  	v12 =	vsel vm1, v27, v12;
	v28 =	vbroadcast v56, $0xF  }
0x40a: {  	vm0 =	vlt.s32 v12, $0x40000000  }
0x40b: {  	v12 =	vnsel vm0, $0x40000000, v12;
	vm0 =	veq.f32 v22, v28  }
0x40c: {  	v10 =	vsel vm14, v27, v10;
	v12 =	vnsel vm0, $0x40000000, v12  }
0x40d: {  	vm0 =	vlt.s32 v12, v10  }
0x40e: {  	v10 =	vsel vm0, v12, v10;
	vm0 =	veq.f32 v19, v28  }
0x40f: {  	v14 =	vsel vm13, v27, v14;
	v10 =	vsel vm0, v10, v12  }
0x410: {  	vm0 =	vlt.s32 v10, v14  }
0x411: {  	v12 =	vsel vm0, v10, v14;
	vm0 =	veq.f32 v23, v28  }
0x412: {  	v11 =	vsel vm12, v27, v11;
	v10 =	vsel vm0, v12, v10  }
0x413: {  	vm0 =	vlt.s32 v10, v11  }
0x414: {  	v11 =	vsel vm0, v10, v11;
	vm0 =	veq.f32 v24, v28  }
0x415: {  	v57 =	vsel vm11, v27, v13;
	v10 =	vsel vm0, v11, v10  }
0x416: {  	vm0 =	vlt.s32 v10, v57  }
0x417: {  	v11 =	vsel vm0, v10, v57;
	vm0 =	veq.f32 v25, v28  }
0x418: {  	v58 =	vsel vm10, v27, v15;
	v10 =	vsel vm0, v11, v10  }
0x419: {  	vm0 =	vlt.s32 v10, v58  }
0x41a: {  	v11 =	vsel vm0, v10, v58;
	vm0 =	veq.f32 v16, v28  }
0x41b: {  	v59 =	vsel vm9, v27, v17;
	v10 =	vsel vm0, v11, v10  }
0x41c: {  	vm0 =	vlt.s32 v10, v59  }
0x41d: {  	v11 =	vsel vm0, v10, v59;
	vm0 =	veq.f32 v18, v28  }
0x41e: {  	v60 =	vsel vm8, v27, v21;
	v10 =	vsel vm0, v11, v10  }
0x41f: {  	vm0 =	vlt.s32 v10, v60  }
0x420: {  	vm1 =	veq.f32 v20, v28;
	v11 =	vsel vm0, v10, v60  }
0x421: {  	v10 =	vsel vm1, v11, v10  }
0x422: {  	v10 =	vxor.u32 $0x80000000, v10  }
0x423: {  	(xrf0) =	vmin.scan.msk.u32 $0xffff, v10;
	_ =	sdelay $0x5  }
0x424: {  	v10, _, _ =	vpop (xrf0)  }
0x425: {  	(v2sf) =	vpush v10, $0xF;
	_ =	sdelay $0x8  }
0x426: {  	vm0 =	vcmask $0x300  }
0x427: {  	v4 =	vnsel vm0, $0x0, v4;
	vm0 =	vcmask $0x320  }
0x428: {  	v4 =	vsel vm0, v4, v5;
	vm0 =	vcmask $0x720  }
0x429: {  	v4 =	vsel vm0, v4, v6  }
0x42a: {  	v4 =	vsel vm3, v4, v7  }
0x42b: {  	v4 =	vsel vm4, v4, v8  }
0x42c: {  	v4 =	vsel vm5, v4, v9;
	s31 =	spop (v2sf)  }
0x42d: {  	v4 =	vsel vm6, v4, v26;
	s23 =	sxor.u32 $0x80000000, s31  }
0x42e: {  	v4 =	vnsel vm7, s23, v4  }
0x42f: {  	v5 =	vshra.s32 v4, $0x1F;
	v61 =	vand.u32 $0x1FF, v4  }
0x430: {  	vm0 =	vlt.s32 v4, $0x1;
	v5 =	vshrl.u32 v5, $0x17;
	vm1 =	vne.s32 v61, $0x0  }
0x431: {  	v5 =	vadd.s32 v5, v4;
	vm0 =	vmand vm0, vm1  }
0x432: {  	v62 =	vmov s23;
	v5 =	vshra.s32 v5, $0x9;
	v63 =	vsel vm0, $0xFFFFFFFF, v3  }
0x433: {  	v5 =	vadd.s32 v63, v5;
	_ =	sdelay $0x3  }
0x434: {  	[tilespmem:v62+s10+$0x0] =	vst.idx.msk $0x1, v2  }
0x435: {  	v6 =	vld.idx.msk [tilespmem:v5+s2+$0x0], $0xffff;
	_ =	sdelay $0x3  }
0x436: {  	v5 =	vshll.u32 v5, $0x9  }
0x437: {  	s21 =	sadd.s32 $0x1, s21;
	v4 =	vsub.s32 v4, v5;
	v6 =	vshll.u32 v6, $0x9  }
0x438: {  	p0 =	sne.s32 s21, $0x20;
	v4 =	vadd.s32 v6, v4  }
.Ltmp16:
0x439: {  	s22 =	sadd.s32 s5, s22;
	[tilespmem:$0x1080] =	vst v4;
	(pc) =	sbr.rel @p0 .LBB2_2-.Ltmp16, $4  }
0x43a: {  	[hbm4b:s22+s2] =	stream.linear.scatter [tilespmem:s19], [sflag:$0x2], $0x8, $0x38;
	[tilespmem:$0x1100] =	vst v63  }
0x43b: {  	_ =	swait.ge [sflag:s8], $0x8  }
0x43c: {  	[sflag:s8] =	ssyncset.done $0x0  }
0x43d: {  	[sflag:s8] =	ssyncadd.s32 $0xFFFFFFF8  }
0x43e: {  	s20 =	sadd.s32 $0x1, s20  }
0x43f: {  	p0 =	sne.s32 s20, s7  }
.Ltmp17:
0x440: {  	_ = 	snop;
	(pc) =	sbr.rel @p0 .LBB2_1-.Ltmp17, $1  }
0x441: {  	_ =	sdelay $0x3  }
0x442: {  	_ =	sfence.sel $0x180000  }
0x443: {  	[bflag:$0x0] =	sbarrier.arrive $0xFFFF  }
0x444: {  	p0 =	sne.s32 s3, $0x0;
	_ =	strace $0x90000047  }
0x445: {  	s0 =	sadd.s32 @!p0 $0x100000, s0;
	[bflag:$0x2] =	sbarrier.arrive $0xFFFF  }
0x446: {  	[sflag:s0] =	ssyncadd.tile.s32 @!p0 $0x1;
	_ =	shalt  }
.Lfunc_end2:
_tile_overlayer_lowered:
.L_overlay_start_2:
0x447: {  	(tag) =	ssettag $0x2  }
0x448: {  	s0 =	rddreg [dreg:$0x0];
	s2 =	stileid.u32  }
0x449: {  	s1 =	rddreg [dreg:$0x1];
	p0 =	sne.s32 s2, $0x0  }
0x44a: {  	s3 =	rddreg [dreg:$0x2];
	[bflag:$0x3] =	sbarrier.arrive $0xFFFF;
	s2 =	simm.s32 @!p0 $0x1C02  }
0x44b: {  	[timem:s3], [sflag:s2] =	dma.local @!p0 [hbm:s0], s1  }
0x44c: {  	s0 =	simm.s32 @!p0 $0x2  }
0x44d: {  	_ =	swait.ge @!p0 [sflag:s0], s1  }
0x44e: {  	s1 =	ssub.s32 @!p0 $0x0, s1;
	[sflag:s0] =	ssyncset.done @!p0 $0x0  }
0x44f: {  	[sflag:s0] =	ssyncadd.s32 @!p0 s1  }
0x450: {  	[bflag:$0x3] =	sbarrier.arrive $0xFFFF  }
0x451: {  	_ =	shalt  }

</sc_bundles>
